<compile_context>
chip_gen: v7x
topology: tpu7x:2x2x1
jax: 0.10.2.dev20260603
libtpu: 0.0.44.dev20260713+nightly
codegen_flags: <defaults>
</compile_context>

<pallas_src>
import functools

import jax
import jax.numpy as jnp
from jax import lax
from jax.experimental import pallas as pl
from jax.experimental.pallas import tpu as pltpu
from jax.experimental.pallas import tpu_sc as plsc

N = 10000
NP = 10240
E = 160000
D_IN = 256
D_OUT = 256
D_EDGE = 16
HALF = 128
NEG_SLOPE = 0.2

NSUB = 16
EPT = E // NSUB
CHUNK = 80
SUPER = 5
SCC = 25
ROWS_PT = NP // NSUB

_f32 = jnp.float32


_BN = 1000


def _proj_body(h_ref, fcw_ref, w12_ref, zl_ref, zr_ref, st_ref):
    z = lax.dot_general(h_ref[...], fcw_ref[...], (((1,), (1,)), ((), ())),
                        preferred_element_type=_f32)
    zl_ref[...] = z[:, :HALF].astype(jnp.bfloat16)
    zr_ref[...] = z[:, HALF:].astype(jnp.bfloat16)
    st_ref[...] = lax.dot_general(z, w12_ref[...], (((1,), (0,)), ((), ())),
                                  preferred_element_type=_f32)


_proj = pl.pallas_call(
    _proj_body,
    grid=(N // _BN,),
    in_specs=[pl.BlockSpec((_BN, D_IN), lambda i: (i, 0)),
              pl.BlockSpec((D_OUT, D_IN), lambda i: (0, 0)),
              pl.BlockSpec((D_OUT, 8), lambda i: (0, 0))],
    out_specs=[pl.BlockSpec((_BN, HALF), lambda i: (i, 0)),
               pl.BlockSpec((_BN, HALF), lambda i: (i, 0)),
               pl.BlockSpec((_BN, 8), lambda i: (i, 0))],
    out_shape=[jax.ShapeDtypeStruct((N, HALF), jnp.bfloat16),
               jax.ShapeDtypeStruct((N, HALF), jnp.bfloat16),
               jax.ShapeDtypeStruct((N, 8), _f32)],
)


_BE = 16000


def _edge_body(eat_ref, w3_ref, g_ref):
    g_ref[...] = jnp.sum(eat_ref[...] * w3_ref[...], axis=0)


_edge = pl.pallas_call(
    _edge_body,
    grid=(1,),
    in_specs=[pl.BlockSpec((D_EDGE, E), lambda i: (0, 0)),
              pl.BlockSpec((D_EDGE, 1), lambda i: (0, 0))],
    out_specs=pl.BlockSpec((E,), lambda i: (0,)),
    out_shape=jax.ShapeDtypeStruct((E,), _f32),
)


_sc_mesh = plsc.VectorSubcoreMesh(core_axis_name="c", subcore_axis_name="s")


@functools.partial(
    pl.kernel,
    out_type=jax.ShapeDtypeStruct((N, D_OUT), _f32),
    mesh=_sc_mesh,
    compiler_params=pltpu.CompilerParams(needs_layout_passes=False,
                                         use_tc_tiling_on_sc=False),
    scratch_types=[
        pltpu.VMEM((N,), _f32),
        pltpu.VMEM((N,), _f32),
        pltpu.VMEM((SCC, CHUNK), jnp.int32),
        pltpu.VMEM((SCC, CHUNK), jnp.int32),
        pltpu.VMEM((SCC, CHUNK), _f32),
        pltpu.VMEM((CHUNK, HALF), jnp.bfloat16),
        pltpu.VMEM((CHUNK, HALF), jnp.bfloat16),
        pltpu.VMEM((CHUNK // 2, HALF), _f32),
        pltpu.VMEM((CHUNK // 2, HALF), _f32),
        pltpu.VMEM((2, CHUNK // 2), jnp.int32),
        pltpu.VMEM((2, CHUNK // 2), jnp.int32),
        pltpu.VMEM((CHUNK,), _f32),
        pltpu.VMEM((CHUNK,), _f32),
        pltpu.VMEM((ROWS_PT,), _f32),
        pltpu.VMEM_SHARED((NP, HALF), _f32),
        pltpu.VMEM_SHARED((NP,), _f32),
        pltpu.SemaphoreType.DMA,
        pltpu.SemaphoreType.DMA,
        pltpu.SemaphoreType.DMA,
    ],
)
def _sc_gat(zl, zr, s1, t1, g4, src4, dst4, out,
            s_v, t_v, src_sb, dst_sb, g_sb, gbuf0, gbuf1, sb0, sb1,
            dsth0, dsth1, exb0, exb1,
            denb, u_sh, den_f, gsem, ssem, dsem):
    cid = lax.axis_index("c")
    sid = lax.axis_index("s")
    rbase = pl.multiple_of(sid * ROWS_PT, ROWS_PT)
    zeros16f = jnp.zeros((16,), _f32)

    pltpu.sync_copy(s1, s_v)
    pltpu.sync_copy(t1, t_v)

    def _zg(r, carry):
        for k in range(HALF // 16):
            sb0[r, pl.ds(k * 16, 16)] = zeros16f
        return carry
    lax.fori_loop(0, CHUNK // 2, _zg, None)
    for j in range(CHUNK // 16):
        exb0[pl.ds(j * 16, 16)] = zeros16f

    HC = CHUNK // 2
    def _zu(i, carry):
        pltpu.sync_copy(sb0, u_sh.at[pl.ds(rbase + i * HC, HC)])
        return carry
    lax.fori_loop(0, ROWS_PT // HC, _zu, None)
    def _zd(i, carry):
        pltpu.sync_copy(exb0, den_f.at[pl.ds(rbase + i * CHUNK, CHUNK)])
        return carry
    lax.fori_loop(0, ROWS_PT // CHUNK, _zd, None)

    plsc.subcore_barrier()

    def _issue_gather(c, buf):
        @pl.when(cid == 0)
        def _():
            pltpu.async_copy(zl.at[src_sb.at[c]], buf, gsem)
        @pl.when(cid == 1)
        def _():
            pltpu.async_copy(zr.at[src_sb.at[c]], buf, gsem)

    iota16 = lax.broadcasted_iota(jnp.int32, (16,), 0)
    _dl = []
    for j in range(CHUNK // 16):
        flat = iota16 + j * 16
        _dl.append((flat // HC, flat % HC))
    _cols = [(iota16 * 2 + kk * 32, iota16 * 2 + kk * 32 + 1)
             for kk in range(HALF // 32)]

    def _chunk(gcur, gnxt, exq, dsth, c, prefetch):
        pltpu.make_async_copy(zl.at[src_sb.at[c]], gcur, gsem).wait()
        if prefetch:
            _issue_gather(c + 1, gnxt)
        @pl.when(c >= 2)
        def _():
            pltpu.make_async_copy(exq, den_f.at[dst_sb.at[c - 2]],
                                  dsem).wait()
        for j in range(CHUNK // 16):
            sl = pl.ds(j * 16, 16)
            dv = dst_sb[c, sl]
            s_ = plsc.load_gather(s_v, [src_sb[c, sl]])
            t_ = plsc.load_gather(t_v, [dv])
            a = s_ + t_ + g_sb[c, sl]
            e = jnp.where(a >= 0.0, a, a * NEG_SLOPE)
            exq[sl] = jnp.exp(e)
            plsc.store_scatter(dsth, [_dl[j][0], _dl[j][1]], dv)
        pltpu.async_copy(exq, den_f.at[dst_sb.at[c]], dsem, add=True)

        for hh, sb in ((0, sb0), (1, sb1)):
            @pl.when(c >= 1)
            def _(hh=hh, sb=sb):
                pltpu.make_async_copy(sb, u_sh.at[dsth.at[hh]], ssem).wait()

            @plsc.parallel_loop(0, HC, unroll=4)
            def _srow(rr, hh=hh, sb=sb):
                exs = plsc.load_gather(
                    exq, [jnp.full((16,), hh * HC + rr, jnp.int32)])
                rsp = jnp.full((16,), rr, jnp.int32)
                for kk in range(HALF // 32):
                    x = gcur[hh * HC + rr, pl.ds(kk * 32, 32)]
                    av, bv = plsc.unpack(x, format=plsc.PackFormat.INTERLEAVED)
                    plsc.store_scatter(sb, [rsp, _cols[kk][0]], av * exs)
                    plsc.store_scatter(sb, [rsp, _cols[kk][1]], bv * exs)
            pltpu.async_copy(sb, u_sh.at[dsth.at[hh]], ssem, add=True)

    def _p2(s, carry):
        pltpu.sync_copy(src4.at[sid, s], src_sb)
        pltpu.sync_copy(dst4.at[sid, s], dst_sb)
        pltpu.sync_copy(g4.at[sid, s], g_sb)

        _issue_gather(0, gbuf0)

        def _pair(p, carry2):
            _chunk(gbuf0, gbuf1, exb0, dsth0, 2 * p, True)
            _chunk(gbuf1, gbuf0, exb1, dsth1, 2 * p + 1, True)
            return carry2
        lax.fori_loop(0, SCC // 2, _pair, None)
        _chunk(gbuf0, gbuf1, exb0, dsth0, SCC - 1, False)
        pltpu.make_async_copy(sb0, u_sh.at[dsth0.at[0]], ssem).wait()
        pltpu.make_async_copy(sb1, u_sh.at[dsth0.at[1]], ssem).wait()
        pltpu.make_async_copy(exb1, den_f.at[dst_sb.at[SCC - 2]], dsem).wait()
        pltpu.make_async_copy(exb0, den_f.at[dst_sb.at[SCC - 1]], dsem).wait()
        return carry
    lax.fori_loop(0, SUPER, _p2, None)

    plsc.subcore_barrier()

    pltpu.sync_copy(den_f.at[pl.ds(rbase, ROWS_PT)], denb)
    magic = jnp.full((16,), 0x7EF311C3, jnp.int32)
    two = jnp.full((16,), 2.0, _f32)
    one = jnp.full((16,), 1.0, _f32)
    def _rc(gi, carry):
        sl = pl.ds(gi * 16, 16)
        d = denb[sl]
        d = jnp.where(d == 0.0, one, d)
        r = plsc.bitcast(magic - plsc.bitcast(d, jnp.int32), _f32)
        r = r * (two - d * r)
        r = r * (two - d * r)
        r = r * (two - d * r)
        denb[sl] = r
        return carry
    lax.fori_loop(0, ROWS_PT // 16, _rc, None)

    cb = pl.multiple_of(cid * HALF, HALF)
    nwo = jnp.where(sid == NSUB - 1, (N - ROWS_PT * (NSUB - 1)) // HC,
                    ROWS_PT // HC)
    def _wo(i, carry):
        @pl.when(i < nwo)
        def _():
            for par, b in ((0, sb0), (1, sb1)):
                @pl.when(i % 2 == par)
                def _(b=b):
                    @pl.when(i >= 2)
                    def _():
                        pltpu.make_async_copy(
                            b, out.at[pl.ds(rbase, HC), pl.ds(cb, HALF)],
                            ssem).wait()
                    pltpu.sync_copy(
                        u_sh.at[pl.ds(rbase + i * HC, HC)], b)

                    @plsc.parallel_loop(0, HC, unroll=4)
                    def _nrow(rr, b=b):
                        rs = plsc.load_gather(
                            denb, [jnp.full((16,), rr, jnp.int32) + i * HC])
                        for k in range(HALF // 16):
                            slk = pl.ds(k * 16, 16)
                            b[rr, slk] = b[rr, slk] * rs
                    pltpu.async_copy(
                        b, out.at[pl.ds(rbase + i * HC, HC),
                                  pl.ds(cb, HALF)], ssem)
        return carry
    lax.fori_loop(0, ROWS_PT // HC, _wo, None)
    pltpu.make_async_copy(
        sb0, out.at[pl.ds(rbase, HC), pl.ds(cb, HALF)], ssem).wait()
    pltpu.make_async_copy(
        sb0, out.at[pl.ds(rbase, HC), pl.ds(cb, HALF)], ssem).wait()


def kernel(h, edge_index, edge_attr, fc_w, attn_w):
    w = attn_w[0]
    w12 = jnp.zeros((D_OUT, 8), _f32)
    w12 = w12.at[:, 0].set(w[:D_OUT]).at[:, 1].set(w[D_OUT:2 * D_OUT])
    zl, zr, st8 = _proj(h, fc_w, w12)
    g1 = _edge(edge_attr.T, w[2 * D_OUT:][:, None])

    g4 = g1.reshape(NSUB, SUPER, SCC, CHUNK)
    src4 = edge_index[0].reshape(NSUB, SUPER, SCC, CHUNK)
    dst4 = edge_index[1].reshape(NSUB, SUPER, SCC, CHUNK)

    return _sc_gat(zl, zr, st8[:, 0], st8[:, 1], g4, src4, dst4)

# --- scband reference (transcript-rebuilt; emitter-appended) ---
"""Pipeline reference for scband-gatlayer-1151051235751 (READ-ONLY COPY).

The authoritative reference and input builder live on the scoring server;
editing this copy changes nothing except your own understanding.
"""

import jax, jax.numpy as jnp
import numpy as np

N = 10000
E = 160000
D_IN = 256
D_OUT = 256
D_EDGE = 16
ALPHA = 0.2


def setup_inputs(seed: int = 0) -> dict:
    key = jax.random.key(seed)
    k1, k2, k3, k4, k5 = jax.random.split(key, 5)
    h = jax.random.normal(k1, (N, D_IN), dtype=jnp.float32)
    edge_index = jax.random.randint(k2, (2, E), 0, N, dtype=jnp.int32)
    edge_attr = jax.random.normal(k3, (E, D_EDGE), dtype=jnp.float32)
    # nn.Linear(in_features, out_features, bias=False) -> weight [out, in]
    fc_w = jax.random.normal(k4, (D_OUT, D_IN), dtype=jnp.float32) * (1.0 / np.sqrt(D_IN))
    # nn.Linear(2*out_features + edge_dim, 1, bias=False) -> weight [1, 2*out+edge_dim]
    attn_w = jax.random.normal(k5, (1, 2 * D_OUT + D_EDGE), dtype=jnp.float32) * (1.0 / np.sqrt(2 * D_OUT + D_EDGE))
    return {"h": h, "edge_index": edge_index, "edge_attr": edge_attr, "fc_w": fc_w, "attn_w": attn_w}


def reference(h, edge_index, edge_attr, fc_w, attn_w):
    # equation (1): z = fc(h)
    z = h @ fc_w.T  # [N, D_OUT]
    src = edge_index[0]
    dst = edge_index[1]
    z_src = jnp.take(z, src, axis=0)  # [E, D_OUT]
    z_dst = jnp.take(z, dst, axis=0)  # [E, D_OUT]
    # equation (2): edge attention
    z2 = jnp.concatenate([z_src, z_dst, edge_attr], axis=1)  # [E, 2*D_OUT+D_EDGE]
    a = z2 @ attn_w.T  # [E, 1]
    e = jax.nn.leaky_relu(a, ALPHA)[:, 0]  # [E]
    # equations (3)&(4): per-dst softmax over incoming edges, then weighted sum
    e_max = jax.ops.segment_max(e, dst, num_segments=N)
    e_max = jnp.where(jnp.isneginf(e_max), 0.0, e_max)
    ex = jnp.exp(e - jnp.take(e_max, dst))
    denom = jax.ops.segment_sum(ex, dst, num_segments=N)
    denom_safe = jnp.where(denom == 0.0, 1.0, denom)
    alpha = ex / jnp.take(denom_safe, dst)
    h_out = jax.ops.segment_sum(alpha[:, None] * z_src, dst, num_segments=N)  # [N, D_OUT]
    return h_out

if __name__ == "__main__":
    import jax
    _d = setup_inputs()
    print(jax.jit(kernel)(*tuple(_d.values())))

</pallas_src>

<mosaic_0001>
#map = affine_map<(d0, d1) -> (0, 0)>
#map1 = affine_map<(d0, d1) -> (0)>
#map2 = affine_map<(d0, d1) -> (0, 0, 0, 0)>
module attributes {stable_mosaic.version = 14 : i64} {
  func.func @_sc_gat(%arg0: i32, %arg1: i32, %arg2: memref<10000x128xbf16, #tpu.memory_space<hbm>>, %arg3: memref<10000x128xbf16, #tpu.memory_space<hbm>>, %arg4: memref<10000xf32, #tpu.memory_space<hbm>>, %arg5: memref<10000xf32, #tpu.memory_space<hbm>>, %arg6: memref<16x5x25x80xf32, #tpu.memory_space<hbm>>, %arg7: memref<16x5x25x80xi32, #tpu.memory_space<hbm>>, %arg8: memref<16x5x25x80xi32, #tpu.memory_space<hbm>>, %arg9: memref<10000x256xf32, #tpu.memory_space<hbm>>, %arg10: memref<10000xf32, #tpu.memory_space<vmem>>, %arg11: memref<10000xf32, #tpu.memory_space<vmem>>, %arg12: memref<25x80xi32, #tpu.memory_space<vmem>>, %arg13: memref<25x80xi32, #tpu.memory_space<vmem>>, %arg14: memref<25x80xf32, #tpu.memory_space<vmem>>, %arg15: memref<80x128xbf16, #tpu.memory_space<vmem>>, %arg16: memref<80x128xbf16, #tpu.memory_space<vmem>>, %arg17: memref<40x128xf32, #tpu.memory_space<vmem>>, %arg18: memref<40x128xf32, #tpu.memory_space<vmem>>, %arg19: memref<2x40xi32, #tpu.memory_space<vmem>>, %arg20: memref<2x40xi32, #tpu.memory_space<vmem>>, %arg21: memref<80xf32, #tpu.memory_space<vmem>>, %arg22: memref<80xf32, #tpu.memory_space<vmem>>, %arg23: memref<640xf32, #tpu.memory_space<vmem>>, %arg24: memref<10240x128xf32, #tpu.memory_space<vmem_shared>>, %arg25: memref<10240xf32, #tpu.memory_space<vmem_shared>>, %arg26: memref<!tpu.dma_semaphore, #tpu.memory_space<semaphore_mem>>, %arg27: memref<!tpu.dma_semaphore, #tpu.memory_space<semaphore_mem>>, %arg28: memref<!tpu.dma_semaphore, #tpu.memory_space<semaphore_mem>>) attributes {dimension_semantics = [#tpu.dimension_semantics<core_parallel>, #tpu.dimension_semantics<subcore_parallel>], iteration_bounds = array<i64: 2, 16>, scalar_prefetch = 0 : i64, scratch_operands = 19 : i64, tpu.core_type = #tpu.core_type<sc_vector_subcore>, window_params = [{transform_indices = #map}, {transform_indices = #map}, {transform_indices = #map1}, {transform_indices = #map1}, {transform_indices = #map2}, {transform_indices = #map2}, {transform_indices = #map2}, {transform_indices = #map}]} {
    %mul3A = arith.constant 640 : i32
    %mul3A_0 = arith.muli %arg1, %mul3A : i32
    %multiple_of3A = tpu.assume_multiple %mul3A_0, 640 : i32
    %broadcast_in_dim3A = arith.constant 0.000000e+00 : f32
    %broadcast_in_dim3A_1 = vector.broadcast %broadcast_in_dim3A : f32 to vector<16xf32>
    "tpu.region"() ({
      %run_scoped3A = tpu.sem_alloc : memref<!tpu.dma_semaphore, #tpu.memory_space<semaphore_mem>>
      tpu.enqueue_dma source(%arg4 : memref<10000xf32, #tpu.memory_space<hbm>>) target(%arg10 : memref<10000xf32, #tpu.memory_space<vmem>>) target_semaphore(%run_scoped3A : memref<!tpu.dma_semaphore, #tpu.memory_space<semaphore_mem>>)
      tpu.wait_dma2 semaphore(%run_scoped3A : memref<!tpu.dma_semaphore, #tpu.memory_space<semaphore_mem>>) src(%arg4 : memref<10000xf32, #tpu.memory_space<hbm>>) dst(%arg10 : memref<10000xf32, #tpu.memory_space<vmem>>)
      tpu.yield
    }) : () -> ()
    "tpu.region"() ({
      %run_scoped3A = tpu.sem_alloc : memref<!tpu.dma_semaphore, #tpu.memory_space<semaphore_mem>>
      tpu.enqueue_dma source(%arg5 : memref<10000xf32, #tpu.memory_space<hbm>>) target(%arg11 : memref<10000xf32, #tpu.memory_space<vmem>>) target_semaphore(%run_scoped3A : memref<!tpu.dma_semaphore, #tpu.memory_space<semaphore_mem>>)
      tpu.wait_dma2 semaphore(%run_scoped3A : memref<!tpu.dma_semaphore, #tpu.memory_space<semaphore_mem>>) src(%arg5 : memref<10000xf32, #tpu.memory_space<hbm>>) dst(%arg11 : memref<10000xf32, #tpu.memory_space<vmem>>)
      tpu.yield
    }) : () -> ()
    %scan3A = arith.constant 0 : i32
    %scan3A_2 = arith.constant 40 : i32
    %scan3A_3 = arith.addi %scan3A, %scan3A_2 : i32
    %scan3A_4 = arith.constant 1 : i32
    scf.for %scan3A_387 = %scan3A to %scan3A_3 step %scan3A_4  : i32 {
      %swap3A_388 = arith.index_cast %scan3A_387 : i32 to index
      %swap3A_389 = arith.constant 0 : index
      %swap3A_390 = tpu.vector_load %arg17[%swap3A_388, %swap3A_389] {strides = array<i32>} : memref<40x128xf32, #tpu.memory_space<vmem>>, vector<16xf32>,
      tpu.vector_store %arg17[%swap3A_388, %swap3A_389], %broadcast_in_dim3A_1 {strides = array<i32>} : memref<40x128xf32, #tpu.memory_space<vmem>>, vector<16xf32>,
      %swap3A_391 = arith.index_cast %scan3A_387 : i32 to index
      %swap3A_392 = arith.constant 16 : index
      %swap3A_393 = tpu.vector_load %arg17[%swap3A_391, %swap3A_392] {strides = array<i32>} : memref<40x128xf32, #tpu.memory_space<vmem>>, vector<16xf32>,
      tpu.vector_store %arg17[%swap3A_391, %swap3A_392], %broadcast_in_dim3A_1 {strides = array<i32>} : memref<40x128xf32, #tpu.memory_space<vmem>>, vector<16xf32>,
      %swap3A_394 = arith.index_cast %scan3A_387 : i32 to index
      %swap3A_395 = arith.constant 32 : index
      %swap3A_396 = tpu.vector_load %arg17[%swap3A_394, %swap3A_395] {strides = array<i32>} : memref<40x128xf32, #tpu.memory_space<vmem>>, vector<16xf32>,
      tpu.vector_store %arg17[%swap3A_394, %swap3A_395], %broadcast_in_dim3A_1 {strides = array<i32>} : memref<40x128xf32, #tpu.memory_space<vmem>>, vector<16xf32>,
      %swap3A_397 = arith.index_cast %scan3A_387 : i32 to index
      %swap3A_398 = arith.constant 48 : index
      %swap3A_399 = tpu.vector_load %arg17[%swap3A_397, %swap3A_398] {strides = array<i32>} : memref<40x128xf32, #tpu.memory_space<vmem>>, vector<16xf32>,
      tpu.vector_store %arg17[%swap3A_397, %swap3A_398], %broadcast_in_dim3A_1 {strides = array<i32>} : memref<40x128xf32, #tpu.memory_space<vmem>>, vector<16xf32>,
      %swap3A_400 = arith.index_cast %scan3A_387 : i32 to index
      %swap3A_401 = arith.constant 64 : index
      %swap3A_402 = tpu.vector_load %arg17[%swap3A_400, %swap3A_401] {strides = array<i32>} : memref<40x128xf32, #tpu.memory_space<vmem>>, vector<16xf32>,
      tpu.vector_store %arg17[%swap3A_400, %swap3A_401], %broadcast_in_dim3A_1 {strides = array<i32>} : memref<40x128xf32, #tpu.memory_space<vmem>>, vector<16xf32>,
      %swap3A_403 = arith.index_cast %scan3A_387 : i32 to index
      %swap3A_404 = arith.constant 80 : index
      %swap3A_405 = tpu.vector_load %arg17[%swap3A_403, %swap3A_404] {strides = array<i32>} : memref<40x128xf32, #tpu.memory_space<vmem>>, vector<16xf32>,
      tpu.vector_store %arg17[%swap3A_403, %swap3A_404], %broadcast_in_dim3A_1 {strides = array<i32>} : memref<40x128xf32, #tpu.memory_space<vmem>>, vector<16xf32>,
      %swap3A_406 = arith.index_cast %scan3A_387 : i32 to index
      %swap3A_407 = arith.constant 96 : index
      %swap3A_408 = tpu.vector_load %arg17[%swap3A_406, %swap3A_407] {strides = array<i32>} : memref<40x128xf32, #tpu.memory_space<vmem>>, vector<16xf32>,
      tpu.vector_store %arg17[%swap3A_406, %swap3A_407], %broadcast_in_dim3A_1 {strides = array<i32>} : memref<40x128xf32, #tpu.memory_space<vmem>>, vector<16xf32>,
      %swap3A_409 = arith.index_cast %scan3A_387 : i32 to index
      %swap3A_410 = arith.constant 112 : index
      %swap3A_411 = tpu.vector_load %arg17[%swap3A_409, %swap3A_410] {strides = array<i32>} : memref<40x128xf32, #tpu.memory_space<vmem>>, vector<16xf32>,
      tpu.vector_store %arg17[%swap3A_409, %swap3A_410], %broadcast_in_dim3A_1 {strides = array<i32>} : memref<40x128xf32, #tpu.memory_space<vmem>>, vector<16xf32>,
    }
    %scan3A_5 = arith.constant 40 : i32
    %swap3A = arith.constant 0 : index
    %swap3A_6 = tpu.vector_load %arg21[%swap3A] {strides = array<i32>} : memref<80xf32, #tpu.memory_space<vmem>>, vector<16xf32>,
    tpu.vector_store %arg21[%swap3A], %broadcast_in_dim3A_1 {strides = array<i32>} : memref<80xf32, #tpu.memory_space<vmem>>, vector<16xf32>,
    %swap3A_7 = arith.constant 16 : index
    %swap3A_8 = tpu.vector_load %arg21[%swap3A_7] {strides = array<i32>} : memref<80xf32, #tpu.memory_space<vmem>>, vector<16xf32>,
    tpu.vector_store %arg21[%swap3A_7], %broadcast_in_dim3A_1 {strides = array<i32>} : memref<80xf32, #tpu.memory_space<vmem>>, vector<16xf32>,
    %swap3A_9 = arith.constant 32 : index
    %swap3A_10 = tpu.vector_load %arg21[%swap3A_9] {strides = array<i32>} : memref<80xf32, #tpu.memory_space<vmem>>, vector<16xf32>,
    tpu.vector_store %arg21[%swap3A_9], %broadcast_in_dim3A_1 {strides = array<i32>} : memref<80xf32, #tpu.memory_space<vmem>>, vector<16xf32>,
    %swap3A_11 = arith.constant 48 : index
    %swap3A_12 = tpu.vector_load %arg21[%swap3A_11] {strides = array<i32>} : memref<80xf32, #tpu.memory_space<vmem>>, vector<16xf32>,
    tpu.vector_store %arg21[%swap3A_11], %broadcast_in_dim3A_1 {strides = array<i32>} : memref<80xf32, #tpu.memory_space<vmem>>, vector<16xf32>,
    %swap3A_13 = arith.constant 64 : index
    %swap3A_14 = tpu.vector_load %arg21[%swap3A_13] {strides = array<i32>} : memref<80xf32, #tpu.memory_space<vmem>>, vector<16xf32>,
    tpu.vector_store %arg21[%swap3A_13], %broadcast_in_dim3A_1 {strides = array<i32>} : memref<80xf32, #tpu.memory_space<vmem>>, vector<16xf32>,
    %scan3A_15 = arith.constant 0 : i32
    %scan3A_16 = arith.constant 16 : i32
    %scan3A_17 = arith.addi %scan3A_15, %scan3A_16 : i32
    %scan3A_18 = arith.constant 1 : i32
    scf.for %scan3A_387 = %scan3A_15 to %scan3A_17 step %scan3A_18  : i32 {
      %mul3A_388 = arith.constant 40 : i32
      %mul3A_389 = arith.muli %scan3A_387, %mul3A_388 : i32
      %add3A_390 = arith.addi %multiple_of3A, %mul3A_389 : i32
      "tpu.region"() ({
        %run_scoped3A = tpu.sem_alloc : memref<!tpu.dma_semaphore, #tpu.memory_space<semaphore_mem>>
        %dma_start3A = arith.constant 0 : i32
        %dma_start3A_391 = tpu.memref_slice %arg24[%add3A_390, %dma_start3A] : memref<10240x128xf32, #tpu.memory_space<vmem_shared>> -> memref<40x128xf32, #tpu.memory_space<vmem_shared>>
        %dma_start3A_392 = arith.constant 0 : i32
        %dma_start3A_393 = tpu.memref_slice %arg24[%add3A_390, %dma_start3A_392] : memref<10240x128xf32, #tpu.memory_space<vmem_shared>> -> memref<40x128xf32, #tpu.memory_space<vmem_shared>>
        tpu.enqueue_dma source(%arg17 : memref<40x128xf32, #tpu.memory_space<vmem>>) target(%dma_start3A_393 : memref<40x128xf32, #tpu.memory_space<vmem_shared>>) target_semaphore(%run_scoped3A : memref<!tpu.dma_semaphore, #tpu.memory_space<semaphore_mem>>)
        %dma_wait3A_394 = arith.constant 0 : i32
        %dma_wait3A_395 = tpu.memref_slice %arg24[%add3A_390, %dma_wait3A_394] : memref<10240x128xf32, #tpu.memory_space<vmem_shared>> -> memref<40x128xf32, #tpu.memory_space<vmem_shared>>
        %dma_wait3A_396 = arith.constant 0 : i32
        %dma_wait3A_397 = tpu.memref_slice %arg24[%add3A_390, %dma_wait3A_396] : memref<10240x128xf32, #tpu.memory_space<vmem_shared>> -> memref<40x128xf32, #tpu.memory_space<vmem_shared>>
        tpu.wait_dma2 semaphore(%run_scoped3A : memref<!tpu.dma_semaphore, #tpu.memory_space<semaphore_mem>>) src(%arg17 : memref<40x128xf32, #tpu.memory_space<vmem>>) dst(%dma_wait3A_397 : memref<40x128xf32, #tpu.memory_space<vmem_shared>>)
        tpu.yield
      }) : () -> ()
    }
    %scan3A_19 = arith.constant 16 : i32
    %scan3A_20 = arith.constant 0 : i32
    %scan3A_21 = arith.constant 8 : i32
    %scan3A_22 = arith.addi %scan3A_20, %scan3A_21 : i32
    %scan3A_23 = arith.constant 1 : i32
    scf.for %scan3A_387 = %scan3A_20 to %scan3A_22 step %scan3A_23  : i32 {
      %mul3A_388 = arith.constant 80 : i32
      %mul3A_389 = arith.muli %scan3A_387, %mul3A_388 : i32
      %add3A_390 = arith.addi %multiple_of3A, %mul3A_389 : i32
      "tpu.region"() ({
        %run_scoped3A = tpu.sem_alloc : memref<!tpu.dma_semaphore, #tpu.memory_space<semaphore_mem>>
        %dma_start3A = tpu.memref_slice %arg25[%add3A_390] : memref<10240xf32, #tpu.memory_space<vmem_shared>> -> memref<80xf32, #tpu.memory_space<vmem_shared>>
        %dma_start3A_391 = tpu.memref_slice %arg25[%add3A_390] : memref<10240xf32, #tpu.memory_space<vmem_shared>> -> memref<80xf32, #tpu.memory_space<vmem_shared>>
        tpu.enqueue_dma source(%arg21 : memref<80xf32, #tpu.memory_space<vmem>>) target(%dma_start3A_391 : memref<80xf32, #tpu.memory_space<vmem_shared>>) target_semaphore(%run_scoped3A : memref<!tpu.dma_semaphore, #tpu.memory_space<semaphore_mem>>)
        %dma_wait3A_392 = tpu.memref_slice %arg25[%add3A_390] : memref<10240xf32, #tpu.memory_space<vmem_shared>> -> memref<80xf32, #tpu.memory_space<vmem_shared>>
        %dma_wait3A_393 = tpu.memref_slice %arg25[%add3A_390] : memref<10240xf32, #tpu.memory_space<vmem_shared>> -> memref<80xf32, #tpu.memory_space<vmem_shared>>
        tpu.wait_dma2 semaphore(%run_scoped3A : memref<!tpu.dma_semaphore, #tpu.memory_space<semaphore_mem>>) src(%arg21 : memref<80xf32, #tpu.memory_space<vmem>>) dst(%dma_wait3A_393 : memref<80xf32, #tpu.memory_space<vmem_shared>>)
        tpu.yield
      }) : () -> ()
    }
    %scan3A_24 = arith.constant 8 : i32
    %barrier3A = arith.constant 0 : index
    tpu.barrier barrier_id(%barrier3A)
    %iota3A = tpu.iota {dimensions = array<i32: 0>} : vector<16xi32>
    %add3A = arith.constant 0 : i32
    %add3A_25 = vector.broadcast %add3A : i32 to vector<16xi32>
    %add3A_26 = arith.addi %iota3A, %add3A_25 : vector<16xi32>
    %jit3A = arith.constant 40 : i32
    %div3A = vector.broadcast %jit3A : i32 to vector<16xi32>
    %div3A_27 = arith.divsi %add3A_26, %div3A : vector<16xi32>
    %sign3A = arith.constant 0 : i32
    %sign3A_28 = vector.broadcast %sign3A : i32 to vector<16xi32>
    %sign3A_29 = arith.cmpi sgt, %add3A_26, %sign3A_28 : vector<16xi32>
    %sign3A_30 = arith.extui %sign3A_29 : vector<16xi1> to vector<16xi32>
    %sign3A_31 = arith.constant 0 : i32
    %sign3A_32 = vector.broadcast %sign3A_31 : i32 to vector<16xi32>
    %sign3A_33 = arith.cmpi slt, %add3A_26, %sign3A_32 : vector<16xi32>
    %sign3A_34 = arith.extui %sign3A_33 : vector<16xi1> to vector<16xi32>
    %sign3A_35 = arith.subi %sign3A_30, %sign3A_34 : vector<16xi32>
    %sign3A_36 = arith.constant 0 : i32
    %sign3A_37 = arith.cmpi sgt, %jit3A, %sign3A_36 : i32
    %sign3A_38 = arith.extui %sign3A_37 : i1 to i32
    %sign3A_39 = arith.constant 0 : i32
    %sign3A_40 = arith.cmpi slt, %jit3A, %sign3A_39 : i32
    %sign3A_41 = arith.extui %sign3A_40 : i1 to i32
    %sign3A_42 = arith.subi %sign3A_38, %sign3A_41 : i32
    %ne3A = vector.broadcast %sign3A_42 : i32 to vector<16xi32>
    %ne3A_43 = arith.cmpi ne, %sign3A_35, %ne3A : vector<16xi32>
    %rem3A = vector.broadcast %jit3A : i32 to vector<16xi32>
    %rem3A_44 = arith.remsi %add3A_26, %rem3A : vector<16xi32>
    %ne3A_45 = arith.constant 0 : i32
    %ne3A_46 = vector.broadcast %ne3A_45 : i32 to vector<16xi32>
    %ne3A_47 = arith.cmpi ne, %rem3A_44, %ne3A_46 : vector<16xi32>
    %and3A = arith.andi %ne3A_43, %ne3A_47 : vector<16xi1>
    %sub3A = arith.constant 1 : i32
    %sub3A_48 = vector.broadcast %sub3A : i32 to vector<16xi32>
    %sub3A_49 = arith.subi %div3A_27, %sub3A_48 : vector<16xi32>
    %select_n3A = arith.select %and3A, %sub3A_49, %div3A_27 : vector<16xi1>, vector<16xi32>
    %jit3A_50 = arith.constant 40 : i32
    %eq3A = arith.constant 0 : i32
    %eq3A_51 = arith.cmpi eq, %jit3A_50, %eq3A : i32
    %jit3A_52 = arith.constant 1 : i32
    %select_n3A_53 = arith.select %eq3A_51, %jit3A_52, %jit3A_50 : i32
    %rem3A_54 = vector.broadcast %select_n3A_53 : i32 to vector<16xi32>
    %rem3A_55 = arith.remsi %add3A_26, %rem3A_54 : vector<16xi32>
    %ne3A_56 = arith.constant 0 : i32
    %ne3A_57 = vector.broadcast %ne3A_56 : i32 to vector<16xi32>
    %ne3A_58 = arith.cmpi ne, %rem3A_55, %ne3A_57 : vector<16xi32>
    %lt3A = arith.constant 0 : i32
    %lt3A_59 = vector.broadcast %lt3A : i32 to vector<16xi32>
    %lt3A_60 = arith.cmpi slt, %rem3A_55, %lt3A_59 : vector<16xi32>
    %lt3A_61 = arith.constant 0 : i32
    %lt3A_62 = arith.cmpi slt, %select_n3A_53, %lt3A_61 : i32
    %ne3A_63 = vector.broadcast %lt3A_62 : i1 to vector<16xi1>
    %ne3A_64 = vector.broadcast %ne3A_63 : vector<16xi1> to vector<16xi1>
    %ne3A_65 = arith.xori %lt3A_60, %ne3A_64 : vector<16xi1>
    %and3A_66 = arith.andi %ne3A_65, %ne3A_58 : vector<16xi1>
    %add3A_67 = vector.broadcast %select_n3A_53 : i32 to vector<16xi32>
    %add3A_68 = arith.addi %rem3A_55, %add3A_67 : vector<16xi32>
    %select_n3A_69 = arith.select %and3A_66, %add3A_68, %rem3A_55 : vector<16xi1>, vector<16xi32>
    %add3A_70 = arith.constant 16 : i32
    %add3A_71 = vector.broadcast %add3A_70 : i32 to vector<16xi32>
    %add3A_72 = arith.addi %iota3A, %add3A_71 : vector<16xi32>
    %jit3A_73 = arith.constant 40 : i32
    %div3A_74 = vector.broadcast %jit3A_73 : i32 to vector<16xi32>
    %div3A_75 = arith.divsi %add3A_72, %div3A_74 : vector<16xi32>
    %sign3A_76 = arith.constant 0 : i32
    %sign3A_77 = vector.broadcast %sign3A_76 : i32 to vector<16xi32>
    %sign3A_78 = arith.cmpi sgt, %add3A_72, %sign3A_77 : vector<16xi32>
    %sign3A_79 = arith.extui %sign3A_78 : vector<16xi1> to vector<16xi32>
    %sign3A_80 = arith.constant 0 : i32
    %sign3A_81 = vector.broadcast %sign3A_80 : i32 to vector<16xi32>
    %sign3A_82 = arith.cmpi slt, %add3A_72, %sign3A_81 : vector<16xi32>
    %sign3A_83 = arith.extui %sign3A_82 : vector<16xi1> to vector<16xi32>
    %sign3A_84 = arith.subi %sign3A_79, %sign3A_83 : vector<16xi32>
    %sign3A_85 = arith.constant 0 : i32
    %sign3A_86 = arith.cmpi sgt, %jit3A_73, %sign3A_85 : i32
    %sign3A_87 = arith.extui %sign3A_86 : i1 to i32
    %sign3A_88 = arith.constant 0 : i32
    %sign3A_89 = arith.cmpi slt, %jit3A_73, %sign3A_88 : i32
    %sign3A_90 = arith.extui %sign3A_89 : i1 to i32
    %sign3A_91 = arith.subi %sign3A_87, %sign3A_90 : i32
    %ne3A_92 = vector.broadcast %sign3A_91 : i32 to vector<16xi32>
    %ne3A_93 = arith.cmpi ne, %sign3A_84, %ne3A_92 : vector<16xi32>
    %rem3A_94 = vector.broadcast %jit3A_73 : i32 to vector<16xi32>
    %rem3A_95 = arith.remsi %add3A_72, %rem3A_94 : vector<16xi32>
    %ne3A_96 = arith.constant 0 : i32
    %ne3A_97 = vector.broadcast %ne3A_96 : i32 to vector<16xi32>
    %ne3A_98 = arith.cmpi ne, %rem3A_95, %ne3A_97 : vector<16xi32>
    %and3A_99 = arith.andi %ne3A_93, %ne3A_98 : vector<16xi1>
    %sub3A_100 = arith.constant 1 : i32
    %sub3A_101 = vector.broadcast %sub3A_100 : i32 to vector<16xi32>
    %sub3A_102 = arith.subi %div3A_75, %sub3A_101 : vector<16xi32>
    %select_n3A_103 = arith.select %and3A_99, %sub3A_102, %div3A_75 : vector<16xi1>, vector<16xi32>
    %jit3A_104 = arith.constant 40 : i32
    %eq3A_105 = arith.constant 0 : i32
    %eq3A_106 = arith.cmpi eq, %jit3A_104, %eq3A_105 : i32
    %jit3A_107 = arith.constant 1 : i32
    %select_n3A_108 = arith.select %eq3A_106, %jit3A_107, %jit3A_104 : i32
    %rem3A_109 = vector.broadcast %select_n3A_108 : i32 to vector<16xi32>
    %rem3A_110 = arith.remsi %add3A_72, %rem3A_109 : vector<16xi32>
    %ne3A_111 = arith.constant 0 : i32
    %ne3A_112 = vector.broadcast %ne3A_111 : i32 to vector<16xi32>
    %ne3A_113 = arith.cmpi ne, %rem3A_110, %ne3A_112 : vector<16xi32>
    %lt3A_114 = arith.constant 0 : i32
    %lt3A_115 = vector.broadcast %lt3A_114 : i32 to vector<16xi32>
    %lt3A_116 = arith.cmpi slt, %rem3A_110, %lt3A_115 : vector<16xi32>
    %lt3A_117 = arith.constant 0 : i32
    %lt3A_118 = arith.cmpi slt, %select_n3A_108, %lt3A_117 : i32
    %ne3A_119 = vector.broadcast %lt3A_118 : i1 to vector<16xi1>
    %ne3A_120 = vector.broadcast %ne3A_119 : vector<16xi1> to vector<16xi1>
    %ne3A_121 = arith.xori %lt3A_116, %ne3A_120 : vector<16xi1>
    %and3A_122 = arith.andi %ne3A_121, %ne3A_113 : vector<16xi1>
    %add3A_123 = vector.broadcast %select_n3A_108 : i32 to vector<16xi32>
    %add3A_124 = arith.addi %rem3A_110, %add3A_123 : vector<16xi32>
    %select_n3A_125 = arith.select %and3A_122, %add3A_124, %rem3A_110 : vector<16xi1>, vector<16xi32>
    %add3A_126 = arith.constant 32 : i32
    %add3A_127 = vector.broadcast %add3A_126 : i32 to vector<16xi32>
    %add3A_128 = arith.addi %iota3A, %add3A_127 : vector<16xi32>
    %jit3A_129 = arith.constant 40 : i32
    %div3A_130 = vector.broadcast %jit3A_129 : i32 to vector<16xi32>
    %div3A_131 = arith.divsi %add3A_128, %div3A_130 : vector<16xi32>
    %sign3A_132 = arith.constant 0 : i32
    %sign3A_133 = vector.broadcast %sign3A_132 : i32 to vector<16xi32>
    %sign3A_134 = arith.cmpi sgt, %add3A_128, %sign3A_133 : vector<16xi32>
    %sign3A_135 = arith.extui %sign3A_134 : vector<16xi1> to vector<16xi32>
    %sign3A_136 = arith.constant 0 : i32
    %sign3A_137 = vector.broadcast %sign3A_136 : i32 to vector<16xi32>
    %sign3A_138 = arith.cmpi slt, %add3A_128, %sign3A_137 : vector<16xi32>
    %sign3A_139 = arith.extui %sign3A_138 : vector<16xi1> to vector<16xi32>
    %sign3A_140 = arith.subi %sign3A_135, %sign3A_139 : vector<16xi32>
    %sign3A_141 = arith.constant 0 : i32
    %sign3A_142 = arith.cmpi sgt, %jit3A_129, %sign3A_141 : i32
    %sign3A_143 = arith.extui %sign3A_142 : i1 to i32
    %sign3A_144 = arith.constant 0 : i32
    %sign3A_145 = arith.cmpi slt, %jit3A_129, %sign3A_144 : i32
    %sign3A_146 = arith.extui %sign3A_145 : i1 to i32
    %sign3A_147 = arith.subi %sign3A_143, %sign3A_146 : i32
    %ne3A_148 = vector.broadcast %sign3A_147 : i32 to vector<16xi32>
    %ne3A_149 = arith.cmpi ne, %sign3A_140, %ne3A_148 : vector<16xi32>
    %rem3A_150 = vector.broadcast %jit3A_129 : i32 to vector<16xi32>
    %rem3A_151 = arith.remsi %add3A_128, %rem3A_150 : vector<16xi32>
    %ne3A_152 = arith.constant 0 : i32
    %ne3A_153 = vector.broadcast %ne3A_152 : i32 to vector<16xi32>
    %ne3A_154 = arith.cmpi ne, %rem3A_151, %ne3A_153 : vector<16xi32>
    %and3A_155 = arith.andi %ne3A_149, %ne3A_154 : vector<16xi1>
    %sub3A_156 = arith.constant 1 : i32
    %sub3A_157 = vector.broadcast %sub3A_156 : i32 to vector<16xi32>
    %sub3A_158 = arith.subi %div3A_131, %sub3A_157 : vector<16xi32>
    %select_n3A_159 = arith.select %and3A_155, %sub3A_158, %div3A_131 : vector<16xi1>, vector<16xi32>
    %jit3A_160 = arith.constant 40 : i32
    %eq3A_161 = arith.constant 0 : i32
    %eq3A_162 = arith.cmpi eq, %jit3A_160, %eq3A_161 : i32
    %jit3A_163 = arith.constant 1 : i32
    %select_n3A_164 = arith.select %eq3A_162, %jit3A_163, %jit3A_160 : i32
    %rem3A_165 = vector.broadcast %select_n3A_164 : i32 to vector<16xi32>
    %rem3A_166 = arith.remsi %add3A_128, %rem3A_165 : vector<16xi32>
    %ne3A_167 = arith.constant 0 : i32
    %ne3A_168 = vector.broadcast %ne3A_167 : i32 to vector<16xi32>
    %ne3A_169 = arith.cmpi ne, %rem3A_166, %ne3A_168 : vector<16xi32>
    %lt3A_170 = arith.constant 0 : i32
    %lt3A_171 = vector.broadcast %lt3A_170 : i32 to vector<16xi32>
    %lt3A_172 = arith.cmpi slt, %rem3A_166, %lt3A_171 : vector<16xi32>
    %lt3A_173 = arith.constant 0 : i32
    %lt3A_174 = arith.cmpi slt, %select_n3A_164, %lt3A_173 : i32
    %ne3A_175 = vector.broadcast %lt3A_174 : i1 to vector<16xi1>
    %ne3A_176 = vector.broadcast %ne3A_175 : vector<16xi1> to vector<16xi1>
    %ne3A_177 = arith.xori %lt3A_172, %ne3A_176 : vector<16xi1>
    %and3A_178 = arith.andi %ne3A_177, %ne3A_169 : vector<16xi1>
    %add3A_179 = vector.broadcast %select_n3A_164 : i32 to vector<16xi32>
    %add3A_180 = arith.addi %rem3A_166, %add3A_179 : vector<16xi32>
    %select_n3A_181 = arith.select %and3A_178, %add3A_180, %rem3A_166 : vector<16xi1>, vector<16xi32>
    %add3A_182 = arith.constant 48 : i32
    %add3A_183 = vector.broadcast %add3A_182 : i32 to vector<16xi32>
    %add3A_184 = arith.addi %iota3A, %add3A_183 : vector<16xi32>
    %jit3A_185 = arith.constant 40 : i32
    %div3A_186 = vector.broadcast %jit3A_185 : i32 to vector<16xi32>
    %div3A_187 = arith.divsi %add3A_184, %div3A_186 : vector<16xi32>
    %sign3A_188 = arith.constant 0 : i32
    %sign3A_189 = vector.broadcast %sign3A_188 : i32 to vector<16xi32>
    %sign3A_190 = arith.cmpi sgt, %add3A_184, %sign3A_189 : vector<16xi32>
    %sign3A_191 = arith.extui %sign3A_190 : vector<16xi1> to vector<16xi32>
    %sign3A_192 = arith.constant 0 : i32
    %sign3A_193 = vector.broadcast %sign3A_192 : i32 to vector<16xi32>
    %sign3A_194 = arith.cmpi slt, %add3A_184, %sign3A_193 : vector<16xi32>
    %sign3A_195 = arith.extui %sign3A_194 : vector<16xi1> to vector<16xi32>
    %sign3A_196 = arith.subi %sign3A_191, %sign3A_195 : vector<16xi32>
    %sign3A_197 = arith.constant 0 : i32
    %sign3A_198 = arith.cmpi sgt, %jit3A_185, %sign3A_197 : i32
    %sign3A_199 = arith.extui %sign3A_198 : i1 to i32
    %sign3A_200 = arith.constant 0 : i32
    %sign3A_201 = arith.cmpi slt, %jit3A_185, %sign3A_200 : i32
    %sign3A_202 = arith.extui %sign3A_201 : i1 to i32
    %sign3A_203 = arith.subi %sign3A_199, %sign3A_202 : i32
    %ne3A_204 = vector.broadcast %sign3A_203 : i32 to vector<16xi32>
    %ne3A_205 = arith.cmpi ne, %sign3A_196, %ne3A_204 : vector<16xi32>
    %rem3A_206 = vector.broadcast %jit3A_185 : i32 to vector<16xi32>
    %rem3A_207 = arith.remsi %add3A_184, %rem3A_206 : vector<16xi32>
    %ne3A_208 = arith.constant 0 : i32
    %ne3A_209 = vector.broadcast %ne3A_208 : i32 to vector<16xi32>
    %ne3A_210 = arith.cmpi ne, %rem3A_207, %ne3A_209 : vector<16xi32>
    %and3A_211 = arith.andi %ne3A_205, %ne3A_210 : vector<16xi1>
    %sub3A_212 = arith.constant 1 : i32
    %sub3A_213 = vector.broadcast %sub3A_212 : i32 to vector<16xi32>
    %sub3A_214 = arith.subi %div3A_187, %sub3A_213 : vector<16xi32>
    %select_n3A_215 = arith.select %and3A_211, %sub3A_214, %div3A_187 : vector<16xi1>, vector<16xi32>
    %jit3A_216 = arith.constant 40 : i32
    %eq3A_217 = arith.constant 0 : i32
    %eq3A_218 = arith.cmpi eq, %jit3A_216, %eq3A_217 : i32
    %jit3A_219 = arith.constant 1 : i32
    %select_n3A_220 = arith.select %eq3A_218, %jit3A_219, %jit3A_216 : i32
    %rem3A_221 = vector.broadcast %select_n3A_220 : i32 to vector<16xi32>
    %rem3A_222 = arith.remsi %add3A_184, %rem3A_221 : vector<16xi32>
    %ne3A_223 = arith.constant 0 : i32
    %ne3A_224 = vector.broadcast %ne3A_223 : i32 to vector<16xi32>
    %ne3A_225 = arith.cmpi ne, %rem3A_222, %ne3A_224 : vector<16xi32>
    %lt3A_226 = arith.constant 0 : i32
    %lt3A_227 = vector.broadcast %lt3A_226 : i32 to vector<16xi32>
    %lt3A_228 = arith.cmpi slt, %rem3A_222, %lt3A_227 : vector<16xi32>
    %lt3A_229 = arith.constant 0 : i32
    %lt3A_230 = arith.cmpi slt, %select_n3A_220, %lt3A_229 : i32
    %ne3A_231 = vector.broadcast %lt3A_230 : i1 to vector<16xi1>
    %ne3A_232 = vector.broadcast %ne3A_231 : vector<16xi1> to vector<16xi1>
    %ne3A_233 = arith.xori %lt3A_228, %ne3A_232 : vector<16xi1>
    %and3A_234 = arith.andi %ne3A_233, %ne3A_225 : vector<16xi1>
    %add3A_235 = vector.broadcast %select_n3A_220 : i32 to vector<16xi32>
    %add3A_236 = arith.addi %rem3A_222, %add3A_235 : vector<16xi32>
    %select_n3A_237 = arith.select %and3A_234, %add3A_236, %rem3A_222 : vector<16xi1>, vector<16xi32>
    %add3A_238 = arith.constant 64 : i32
    %add3A_239 = vector.broadcast %add3A_238 : i32 to vector<16xi32>
    %add3A_240 = arith.addi %iota3A, %add3A_239 : vector<16xi32>
    %jit3A_241 = arith.constant 40 : i32
    %div3A_242 = vector.broadcast %jit3A_241 : i32 to vector<16xi32>
    %div3A_243 = arith.divsi %add3A_240, %div3A_242 : vector<16xi32>
    %sign3A_244 = arith.constant 0 : i32
    %sign3A_245 = vector.broadcast %sign3A_244 : i32 to vector<16xi32>
    %sign3A_246 = arith.cmpi sgt, %add3A_240, %sign3A_245 : vector<16xi32>
    %sign3A_247 = arith.extui %sign3A_246 : vector<16xi1> to vector<16xi32>
    %sign3A_248 = arith.constant 0 : i32
    %sign3A_249 = vector.broadcast %sign3A_248 : i32 to vector<16xi32>
    %sign3A_250 = arith.cmpi slt, %add3A_240, %sign3A_249 : vector<16xi32>
    %sign3A_251 = arith.extui %sign3A_250 : vector<16xi1> to vector<16xi32>
    %sign3A_252 = arith.subi %sign3A_247, %sign3A_251 : vector<16xi32>
    %sign3A_253 = arith.constant 0 : i32
    %sign3A_254 = arith.cmpi sgt, %jit3A_241, %sign3A_253 : i32
    %sign3A_255 = arith.extui %sign3A_254 : i1 to i32
    %sign3A_256 = arith.constant 0 : i32
    %sign3A_257 = arith.cmpi slt, %jit3A_241, %sign3A_256 : i32
    %sign3A_258 = arith.extui %sign3A_257 : i1 to i32
    %sign3A_259 = arith.subi %sign3A_255, %sign3A_258 : i32
    %ne3A_260 = vector.broadcast %sign3A_259 : i32 to vector<16xi32>
    %ne3A_261 = arith.cmpi ne, %sign3A_252, %ne3A_260 : vector<16xi32>
    %rem3A_262 = vector.broadcast %jit3A_241 : i32 to vector<16xi32>
    %rem3A_263 = arith.remsi %add3A_240, %rem3A_262 : vector<16xi32>
    %ne3A_264 = arith.constant 0 : i32
    %ne3A_265 = vector.broadcast %ne3A_264 : i32 to vector<16xi32>
    %ne3A_266 = arith.cmpi ne, %rem3A_263, %ne3A_265 : vector<16xi32>
    %and3A_267 = arith.andi %ne3A_261, %ne3A_266 : vector<16xi1>
    %sub3A_268 = arith.constant 1 : i32
    %sub3A_269 = vector.broadcast %sub3A_268 : i32 to vector<16xi32>
    %sub3A_270 = arith.subi %div3A_243, %sub3A_269 : vector<16xi32>
    %select_n3A_271 = arith.select %and3A_267, %sub3A_270, %div3A_243 : vector<16xi1>, vector<16xi32>
    %jit3A_272 = arith.constant 40 : i32
    %eq3A_273 = arith.constant 0 : i32
    %eq3A_274 = arith.cmpi eq, %jit3A_272, %eq3A_273 : i32
    %jit3A_275 = arith.constant 1 : i32
    %select_n3A_276 = arith.select %eq3A_274, %jit3A_275, %jit3A_272 : i32
    %rem3A_277 = vector.broadcast %select_n3A_276 : i32 to vector<16xi32>
    %rem3A_278 = arith.remsi %add3A_240, %rem3A_277 : vector<16xi32>
    %ne3A_279 = arith.constant 0 : i32
    %ne3A_280 = vector.broadcast %ne3A_279 : i32 to vector<16xi32>
    %ne3A_281 = arith.cmpi ne, %rem3A_278, %ne3A_280 : vector<16xi32>
    %lt3A_282 = arith.constant 0 : i32
    %lt3A_283 = vector.broadcast %lt3A_282 : i32 to vector<16xi32>
    %lt3A_284 = arith.cmpi slt, %rem3A_278, %lt3A_283 : vector<16xi32>
    %lt3A_285 = arith.constant 0 : i32
    %lt3A_286 = arith.cmpi slt, %select_n3A_276, %lt3A_285 : i32
    %ne3A_287 = vector.broadcast %lt3A_286 : i1 to vector<16xi1>
    %ne3A_288 = vector.broadcast %ne3A_287 : vector<16xi1> to vector<16xi1>
    %ne3A_289 = arith.xori %lt3A_284, %ne3A_288 : vector<16xi1>
    %and3A_290 = arith.andi %ne3A_289, %ne3A_281 : vector<16xi1>
    %add3A_291 = vector.broadcast %select_n3A_276 : i32 to vector<16xi32>
    %add3A_292 = arith.addi %rem3A_278, %add3A_291 : vector<16xi32>
    %select_n3A_293 = arith.select %and3A_290, %add3A_292, %rem3A_278 : vector<16xi1>, vector<16xi32>
    %mul3A_294 = arith.constant 2 : i32
    %mul3A_295 = vector.broadcast %mul3A_294 : i32 to vector<16xi32>
    %mul3A_296 = arith.muli %iota3A, %mul3A_295 : vector<16xi32>
    %add3A_297 = arith.constant 0 : i32
    %add3A_298 = vector.broadcast %add3A_297 : i32 to vector<16xi32>
    %add3A_299 = arith.addi %mul3A_296, %add3A_298 : vector<16xi32>
    %mul3A_300 = arith.constant 2 : i32
    %mul3A_301 = vector.broadcast %mul3A_300 : i32 to vector<16xi32>
    %mul3A_302 = arith.muli %iota3A, %mul3A_301 : vector<16xi32>
    %add3A_303 = arith.constant 0 : i32
    %add3A_304 = vector.broadcast %add3A_303 : i32 to vector<16xi32>
    %add3A_305 = arith.addi %mul3A_302, %add3A_304 : vector<16xi32>
    %add3A_306 = arith.constant 1 : i32
    %add3A_307 = vector.broadcast %add3A_306 : i32 to vector<16xi32>
    %add3A_308 = arith.addi %add3A_305, %add3A_307 : vector<16xi32>
    %mul3A_309 = arith.constant 2 : i32
    %mul3A_310 = vector.broadcast %mul3A_309 : i32 to vector<16xi32>
    %mul3A_311 = arith.muli %iota3A, %mul3A_310 : vector<16xi32>
    %add3A_312 = arith.constant 32 : i32
    %add3A_313 = vector.broadcast %add3A_312 : i32 to vector<16xi32>
    %add3A_314 = arith.addi %mul3A_311, %add3A_313 : vector<16xi32>
    %mul3A_315 = arith.constant 2 : i32
    %mul3A_316 = vector.broadcast %mul3A_315 : i32 to vector<16xi32>
    %mul3A_317 = arith.muli %iota3A, %mul3A_316 : vector<16xi32>
    %add3A_318 = arith.constant 32 : i32
    %add3A_319 = vector.broadcast %add3A_318 : i32 to vector<16xi32>
    %add3A_320 = arith.addi %mul3A_317, %add3A_319 : vector<16xi32>
    %add3A_321 = arith.constant 1 : i32
    %add3A_322 = vector.broadcast %add3A_321 : i32 to vector<16xi32>
    %add3A_323 = arith.addi %add3A_320, %add3A_322 : vector<16xi32>
    %mul3A_324 = arith.constant 2 : i32
    %mul3A_325 = vector.broadcast %mul3A_324 : i32 to vector<16xi32>
    %mul3A_326 = arith.muli %iota3A, %mul3A_325 : vector<16xi32>
    %add3A_327 = arith.constant 64 : i32
    %add3A_328 = vector.broadcast %add3A_327 : i32 to vector<16xi32>
    %add3A_329 = arith.addi %mul3A_326, %add3A_328 : vector<16xi32>
    %mul3A_330 = arith.constant 2 : i32
    %mul3A_331 = vector.broadcast %mul3A_330 : i32 to vector<16xi32>
    %mul3A_332 = arith.muli %iota3A, %mul3A_331 : vector<16xi32>
    %add3A_333 = arith.constant 64 : i32
    %add3A_334 = vector.broadcast %add3A_333 : i32 to vector<16xi32>
    %add3A_335 = arith.addi %mul3A_332, %add3A_334 : vector<16xi32>
    %add3A_336 = arith.constant 1 : i32
    %add3A_337 = vector.broadcast %add3A_336 : i32 to vector<16xi32>
    %add3A_338 = arith.addi %add3A_335, %add3A_337 : vector<16xi32>
    %mul3A_339 = arith.constant 2 : i32
    %mul3A_340 = vector.broadcast %mul3A_339 : i32 to vector<16xi32>
    %mul3A_341 = arith.muli %iota3A, %mul3A_340 : vector<16xi32>
    %add3A_342 = arith.constant 96 : i32
    %add3A_343 = vector.broadcast %add3A_342 : i32 to vector<16xi32>
    %add3A_344 = arith.addi %mul3A_341, %add3A_343 : vector<16xi32>
    %mul3A_345 = arith.constant 2 : i32
    %mul3A_346 = vector.broadcast %mul3A_345 : i32 to vector<16xi32>
    %mul3A_347 = arith.muli %iota3A, %mul3A_346 : vector<16xi32>
    %add3A_348 = arith.constant 96 : i32
    %add3A_349 = vector.broadcast %add3A_348 : i32 to vector<16xi32>
    %add3A_350 = arith.addi %mul3A_347, %add3A_349 : vector<16xi32>
    %add3A_351 = arith.constant 1 : i32
    %add3A_352 = vector.broadcast %add3A_351 : i32 to vector<16xi32>
    %add3A_353 = arith.addi %add3A_350, %add3A_352 : vector<16xi32>
    %scan3A_354 = arith.constant 0 : i32
    %scan3A_355 = arith.constant 5 : i32
    %scan3A_356 = arith.addi %scan3A_354, %scan3A_355 : i32
    %scan3A_357 = arith.constant 1 : i32
    scf.for %scan3A_387 = %scan3A_354 to %scan3A_356 step %scan3A_357  : i32 {
      "tpu.region"() ({
        %run_scoped3A = tpu.sem_alloc : memref<!tpu.dma_semaphore, #tpu.memory_space<semaphore_mem>>
        %dma_start3A_604 = arith.constant 0 : i32
        %dma_start3A_605 = arith.constant 0 : i32
        %dma_start3A_606 = tpu.memref_slice %arg7[%arg1, %scan3A_387, %dma_start3A_604, %dma_start3A_605] : memref<16x5x25x80xi32, #tpu.memory_space<hbm>> -> memref<1x1x25x80xi32, #tpu.memory_space<hbm>>
        %dma_start3A_607 = tpu.memref_squeeze %dma_start3A_606 : memref<1x1x25x80xi32, #tpu.memory_space<hbm>> -> memref<25x80xi32, #tpu.memory_space<hbm>>
        %dma_start3A_608 = arith.constant 0 : i32
        %dma_start3A_609 = arith.constant 0 : i32
        %dma_start3A_610 = tpu.memref_slice %arg7[%arg1, %scan3A_387, %dma_start3A_608, %dma_start3A_609] : memref<16x5x25x80xi32, #tpu.memory_space<hbm>> -> memref<1x1x25x80xi32, #tpu.memory_space<hbm>>
        %dma_start3A_611 = tpu.memref_squeeze %dma_start3A_610 : memref<1x1x25x80xi32, #tpu.memory_space<hbm>> -> memref<25x80xi32, #tpu.memory_space<hbm>>
        tpu.enqueue_dma source(%dma_start3A_611 : memref<25x80xi32, #tpu.memory_space<hbm>>) target(%arg12 : memref<25x80xi32, #tpu.memory_space<vmem>>) target_semaphore(%run_scoped3A : memref<!tpu.dma_semaphore, #tpu.memory_space<semaphore_mem>>)
        %dma_wait3A_612 = arith.constant 0 : i32
        %dma_wait3A_613 = arith.constant 0 : i32
        %dma_wait3A_614 = tpu.memref_slice %arg7[%arg1, %scan3A_387, %dma_wait3A_612, %dma_wait3A_613] : memref<16x5x25x80xi32, #tpu.memory_space<hbm>> -> memref<1x1x25x80xi32, #tpu.memory_space<hbm>>
        %dma_wait3A_615 = tpu.memref_squeeze %dma_wait3A_614 : memref<1x1x25x80xi32, #tpu.memory_space<hbm>> -> memref<25x80xi32, #tpu.memory_space<hbm>>
        %dma_wait3A_616 = arith.constant 0 : i32
        %dma_wait3A_617 = arith.constant 0 : i32
        %dma_wait3A_618 = tpu.memref_slice %arg7[%arg1, %scan3A_387, %dma_wait3A_616, %dma_wait3A_617] : memref<16x5x25x80xi32, #tpu.memory_space<hbm>> -> memref<1x1x25x80xi32, #tpu.memory_space<hbm>>
        %dma_wait3A_619 = tpu.memref_squeeze %dma_wait3A_618 : memref<1x1x25x80xi32, #tpu.memory_space<hbm>> -> memref<25x80xi32, #tpu.memory_space<hbm>>
        tpu.wait_dma2 semaphore(%run_scoped3A : memref<!tpu.dma_semaphore, #tpu.memory_space<semaphore_mem>>) src(%dma_wait3A_619 : memref<25x80xi32, #tpu.memory_space<hbm>>) dst(%arg12 : memref<25x80xi32, #tpu.memory_space<vmem>>)
        tpu.yield
      }) : () -> ()
      "tpu.region"() ({
        %run_scoped3A = tpu.sem_alloc : memref<!tpu.dma_semaphore, #tpu.memory_space<semaphore_mem>>
        %dma_start3A_604 = arith.constant 0 : i32
        %dma_start3A_605 = arith.constant 0 : i32
        %dma_start3A_606 = tpu.memref_slice %arg8[%arg1, %scan3A_387, %dma_start3A_604, %dma_start3A_605] : memref<16x5x25x80xi32, #tpu.memory_space<hbm>> -> memref<1x1x25x80xi32, #tpu.memory_space<hbm>>
        %dma_start3A_607 = tpu.memref_squeeze %dma_start3A_606 : memref<1x1x25x80xi32, #tpu.memory_space<hbm>> -> memref<25x80xi32, #tpu.memory_space<hbm>>
        %dma_start3A_608 = arith.constant 0 : i32
        %dma_start3A_609 = arith.constant 0 : i32
        %dma_start3A_610 = tpu.memref_slice %arg8[%arg1, %scan3A_387, %dma_start3A_608, %dma_start3A_609] : memref<16x5x25x80xi32, #tpu.memory_space<hbm>> -> memref<1x1x25x80xi32, #tpu.memory_space<hbm>>
        %dma_start3A_611 = tpu.memref_squeeze %dma_start3A_610 : memref<1x1x25x80xi32, #tpu.memory_space<hbm>> -> memref<25x80xi32, #tpu.memory_space<hbm>>
        tpu.enqueue_dma source(%dma_start3A_611 : memref<25x80xi32, #tpu.memory_space<hbm>>) target(%arg13 : memref<25x80xi32, #tpu.memory_space<vmem>>) target_semaphore(%run_scoped3A : memref<!tpu.dma_semaphore, #tpu.memory_space<semaphore_mem>>)
        %dma_wait3A_612 = arith.constant 0 : i32
        %dma_wait3A_613 = arith.constant 0 : i32
        %dma_wait3A_614 = tpu.memref_slice %arg8[%arg1, %scan3A_387, %dma_wait3A_612, %dma_wait3A_613] : memref<16x5x25x80xi32, #tpu.memory_space<hbm>> -> memref<1x1x25x80xi32, #tpu.memory_space<hbm>>
        %dma_wait3A_615 = tpu.memref_squeeze %dma_wait3A_614 : memref<1x1x25x80xi32, #tpu.memory_space<hbm>> -> memref<25x80xi32, #tpu.memory_space<hbm>>
        %dma_wait3A_616 = arith.constant 0 : i32
        %dma_wait3A_617 = arith.constant 0 : i32
        %dma_wait3A_618 = tpu.memref_slice %arg8[%arg1, %scan3A_387, %dma_wait3A_616, %dma_wait3A_617] : memref<16x5x25x80xi32, #tpu.memory_space<hbm>> -> memref<1x1x25x80xi32, #tpu.memory_space<hbm>>
        %dma_wait3A_619 = tpu.memref_squeeze %dma_wait3A_618 : memref<1x1x25x80xi32, #tpu.memory_space<hbm>> -> memref<25x80xi32, #tpu.memory_space<hbm>>
        tpu.wait_dma2 semaphore(%run_scoped3A : memref<!tpu.dma_semaphore, #tpu.memory_space<semaphore_mem>>) src(%dma_wait3A_619 : memref<25x80xi32, #tpu.memory_space<hbm>>) dst(%arg13 : memref<25x80xi32, #tpu.memory_space<vmem>>)
        tpu.yield
      }) : () -> ()
      "tpu.region"() ({
        %run_scoped3A = tpu.sem_alloc : memref<!tpu.dma_semaphore, #tpu.memory_space<semaphore_mem>>
        %dma_start3A_604 = arith.constant 0 : i32
        %dma_start3A_605 = arith.constant 0 : i32
        %dma_start3A_606 = tpu.memref_slice %arg6[%arg1, %scan3A_387, %dma_start3A_604, %dma_start3A_605] : memref<16x5x25x80xf32, #tpu.memory_space<hbm>> -> memref<1x1x25x80xf32, #tpu.memory_space<hbm>>
        %dma_start3A_607 = tpu.memref_squeeze %dma_start3A_606 : memref<1x1x25x80xf32, #tpu.memory_space<hbm>> -> memref<25x80xf32, #tpu.memory_space<hbm>>
        %dma_start3A_608 = arith.constant 0 : i32
        %dma_start3A_609 = arith.constant 0 : i32
        %dma_start3A_610 = tpu.memref_slice %arg6[%arg1, %scan3A_387, %dma_start3A_608, %dma_start3A_609] : memref<16x5x25x80xf32, #tpu.memory_space<hbm>> -> memref<1x1x25x80xf32, #tpu.memory_space<hbm>>
        %dma_start3A_611 = tpu.memref_squeeze %dma_start3A_610 : memref<1x1x25x80xf32, #tpu.memory_space<hbm>> -> memref<25x80xf32, #tpu.memory_space<hbm>>
        tpu.enqueue_dma source(%dma_start3A_611 : memref<25x80xf32, #tpu.memory_space<hbm>>) target(%arg14 : memref<25x80xf32, #tpu.memory_space<vmem>>) target_semaphore(%run_scoped3A : memref<!tpu.dma_semaphore, #tpu.memory_space<semaphore_mem>>)
        %dma_wait3A_612 = arith.constant 0 : i32
        %dma_wait3A_613 = arith.constant 0 : i32
        %dma_wait3A_614 = tpu.memref_slice %arg6[%arg1, %scan3A_387, %dma_wait3A_612, %dma_wait3A_613] : memref<16x5x25x80xf32, #tpu.memory_space<hbm>> -> memref<1x1x25x80xf32, #tpu.memory_space<hbm>>
        %dma_wait3A_615 = tpu.memref_squeeze %dma_wait3A_614 : memref<1x1x25x80xf32, #tpu.memory_space<hbm>> -> memref<25x80xf32, #tpu.memory_space<hbm>>
        %dma_wait3A_616 = arith.constant 0 : i32
        %dma_wait3A_617 = arith.constant 0 : i32
        %dma_wait3A_618 = tpu.memref_slice %arg6[%arg1, %scan3A_387, %dma_wait3A_616, %dma_wait3A_617] : memref<16x5x25x80xf32, #tpu.memory_space<hbm>> -> memref<1x1x25x80xf32, #tpu.memory_space<hbm>>
        %dma_wait3A_619 = tpu.memref_squeeze %dma_wait3A_618 : memref<1x1x25x80xf32, #tpu.memory_space<hbm>> -> memref<25x80xf32, #tpu.memory_space<hbm>>
        tpu.wait_dma2 semaphore(%run_scoped3A : memref<!tpu.dma_semaphore, #tpu.memory_space<semaphore_mem>>) src(%dma_wait3A_619 : memref<25x80xf32, #tpu.memory_space<hbm>>) dst(%arg14 : memref<25x80xf32, #tpu.memory_space<vmem>>)
        tpu.yield
      }) : () -> ()
      %eq3A_388 = arith.constant 0 : i32
      %eq3A_389 = arith.cmpi eq, %arg0, %eq3A_388 : i32
      %convert_element_type3A = arith.extui %eq3A_389 : i1 to i32
      %cond3A = arith.constant 0 : i32
      %cond3A_390 = arith.cmpi ne, %convert_element_type3A, %cond3A : i32
      scf.if %cond3A_390 {
        %dma_start3A_604 = arith.constant 0 : i32
        %dma_start3A_605 = arith.constant 0 : i32
        %dma_start3A_606 = tpu.memref_slice %arg12[%dma_start3A_604, %dma_start3A_605] : memref<25x80xi32, #tpu.memory_space<vmem>> -> memref<1x80xi32, #tpu.memory_space<vmem>>
        %dma_start3A_607 = tpu.memref_squeeze %dma_start3A_606 : memref<1x80xi32, #tpu.memory_space<vmem>> -> memref<80xi32, #tpu.memory_space<vmem>>
        %dma_start3A_608 = arith.constant 0 : i32
        %dma_start3A_609 = arith.constant 0 : i32
        %dma_start3A_610 = tpu.memref_slice %arg2[%dma_start3A_608, %dma_start3A_609] : memref<10000x128xbf16, #tpu.memory_space<hbm>> -> memref<10000x128xbf16, #tpu.memory_space<hbm>>
        tpu.enqueue_indirect_dma source(%dma_start3A_610 : memref<10000x128xbf16, #tpu.memory_space<hbm>>) target(%arg15 : memref<80x128xbf16, #tpu.memory_space<vmem>>) offsets(%dma_start3A_607 : memref<80xi32, #tpu.memory_space<vmem>>) semaphore(%arg26 : memref<!tpu.dma_semaphore, #tpu.memory_space<semaphore_mem>>)
      } else {
      }
      %eq3A_391 = arith.constant 1 : i32
      %eq3A_392 = arith.cmpi eq, %arg0, %eq3A_391 : i32
      %convert_element_type3A_393 = arith.extui %eq3A_392 : i1 to i32
      %cond3A_394 = arith.constant 0 : i32
      %cond3A_395 = arith.cmpi ne, %convert_element_type3A_393, %cond3A_394 : i32
      scf.if %cond3A_395 {
        %dma_start3A_604 = arith.constant 0 : i32
        %dma_start3A_605 = arith.constant 0 : i32
        %dma_start3A_606 = tpu.memref_slice %arg12[%dma_start3A_604, %dma_start3A_605] : memref<25x80xi32, #tpu.memory_space<vmem>> -> memref<1x80xi32, #tpu.memory_space<vmem>>
        %dma_start3A_607 = tpu.memref_squeeze %dma_start3A_606 : memref<1x80xi32, #tpu.memory_space<vmem>> -> memref<80xi32, #tpu.memory_space<vmem>>
        %dma_start3A_608 = arith.constant 0 : i32
        %dma_start3A_609 = arith.constant 0 : i32
        %dma_start3A_610 = tpu.memref_slice %arg3[%dma_start3A_608, %dma_start3A_609] : memref<10000x128xbf16, #tpu.memory_space<hbm>> -> memref<10000x128xbf16, #tpu.memory_space<hbm>>
        tpu.enqueue_indirect_dma source(%dma_start3A_610 : memref<10000x128xbf16, #tpu.memory_space<hbm>>) target(%arg15 : memref<80x128xbf16, #tpu.memory_space<vmem>>) offsets(%dma_start3A_607 : memref<80xi32, #tpu.memory_space<vmem>>) semaphore(%arg26 : memref<!tpu.dma_semaphore, #tpu.memory_space<semaphore_mem>>)
      } else {
      }
      %scan3A_396 = arith.constant 0 : i32
      %scan3A_397 = arith.constant 12 : i32
      %scan3A_398 = arith.addi %scan3A_396, %scan3A_397 : i32
      %scan3A_399 = arith.constant 1 : i32
      scf.for %scan3A_604 = %scan3A_396 to %scan3A_398 step %scan3A_399  : i32 {
        %mul3A_605 = arith.constant 2 : i32
        %mul3A_606 = arith.muli %mul3A_605, %scan3A_604 : i32
        %dma_wait3A_607 = arith.constant 0 : i32
        %dma_wait3A_608 = tpu.memref_slice %arg12[%mul3A_606, %dma_wait3A_607] : memref<25x80xi32, #tpu.memory_space<vmem>> -> memref<1x80xi32, #tpu.memory_space<vmem>>
        %dma_wait3A_609 = tpu.memref_squeeze %dma_wait3A_608 : memref<1x80xi32, #tpu.memory_space<vmem>> -> memref<80xi32, #tpu.memory_space<vmem>>
        %dma_wait3A_610 = arith.constant 0 : i32
        %dma_wait3A_611 = arith.constant 0 : i32
        %dma_wait3A_612 = tpu.memref_slice %arg2[%dma_wait3A_610, %dma_wait3A_611] : memref<10000x128xbf16, #tpu.memory_space<hbm>> -> memref<10000x128xbf16, #tpu.memory_space<hbm>>
        tpu.wait_indirect_dma semaphore(%arg26 : memref<!tpu.dma_semaphore, #tpu.memory_space<semaphore_mem>>) src(%dma_wait3A_612 : memref<10000x128xbf16, #tpu.memory_space<hbm>>) dst(%arg15 : memref<80x128xbf16, #tpu.memory_space<vmem>>)
        %add3A_613 = arith.constant 1 : i32
        %add3A_614 = arith.addi %mul3A_606, %add3A_613 : i32
        %eq3A_615 = arith.constant 0 : i32
        %eq3A_616 = arith.cmpi eq, %arg0, %eq3A_615 : i32
        %convert_element_type3A_617 = arith.extui %eq3A_616 : i1 to i32
        %cond3A_618 = arith.constant 0 : i32
        %cond3A_619 = arith.cmpi ne, %convert_element_type3A_617, %cond3A_618 : i32
        scf.if %cond3A_619 {
          %dma_start3A_957 = arith.constant 0 : i32
          %dma_start3A_958 = tpu.memref_slice %arg12[%add3A_614, %dma_start3A_957] : memref<25x80xi32, #tpu.memory_space<vmem>> -> memref<1x80xi32, #tpu.memory_space<vmem>>
          %dma_start3A_959 = tpu.memref_squeeze %dma_start3A_958 : memref<1x80xi32, #tpu.memory_space<vmem>> -> memref<80xi32, #tpu.memory_space<vmem>>
          %dma_start3A_960 = arith.constant 0 : i32
          %dma_start3A_961 = arith.constant 0 : i32
          %dma_start3A_962 = tpu.memref_slice %arg2[%dma_start3A_960, %dma_start3A_961] : memref<10000x128xbf16, #tpu.memory_space<hbm>> -> memref<10000x128xbf16, #tpu.memory_space<hbm>>
          tpu.enqueue_indirect_dma source(%dma_start3A_962 : memref<10000x128xbf16, #tpu.memory_space<hbm>>) target(%arg16 : memref<80x128xbf16, #tpu.memory_space<vmem>>) offsets(%dma_start3A_959 : memref<80xi32, #tpu.memory_space<vmem>>) semaphore(%arg26 : memref<!tpu.dma_semaphore, #tpu.memory_space<semaphore_mem>>)
        } else {
        }
        %eq3A_620 = arith.constant 1 : i32
        %eq3A_621 = arith.cmpi eq, %arg0, %eq3A_620 : i32
        %convert_element_type3A_622 = arith.extui %eq3A_621 : i1 to i32
        %cond3A_623 = arith.constant 0 : i32
        %cond3A_624 = arith.cmpi ne, %convert_element_type3A_622, %cond3A_623 : i32
        scf.if %cond3A_624 {
          %dma_start3A_957 = arith.constant 0 : i32
          %dma_start3A_958 = tpu.memref_slice %arg12[%add3A_614, %dma_start3A_957] : memref<25x80xi32, #tpu.memory_space<vmem>> -> memref<1x80xi32, #tpu.memory_space<vmem>>
          %dma_start3A_959 = tpu.memref_squeeze %dma_start3A_958 : memref<1x80xi32, #tpu.memory_space<vmem>> -> memref<80xi32, #tpu.memory_space<vmem>>
          %dma_start3A_960 = arith.constant 0 : i32
          %dma_start3A_961 = arith.constant 0 : i32
          %dma_start3A_962 = tpu.memref_slice %arg3[%dma_start3A_960, %dma_start3A_961] : memref<10000x128xbf16, #tpu.memory_space<hbm>> -> memref<10000x128xbf16, #tpu.memory_space<hbm>>
          tpu.enqueue_indirect_dma source(%dma_start3A_962 : memref<10000x128xbf16, #tpu.memory_space<hbm>>) target(%arg16 : memref<80x128xbf16, #tpu.memory_space<vmem>>) offsets(%dma_start3A_959 : memref<80xi32, #tpu.memory_space<vmem>>) semaphore(%arg26 : memref<!tpu.dma_semaphore, #tpu.memory_space<semaphore_mem>>)
        } else {
        }
        %ge3A_625 = arith.constant 2 : i32
        %ge3A_626 = arith.cmpi sge, %mul3A_606, %ge3A_625 : i32
        %convert_element_type3A_627 = arith.extui %ge3A_626 : i1 to i32
        %cond3A_628 = arith.constant 0 : i32
        %cond3A_629 = arith.cmpi ne, %convert_element_type3A_627, %cond3A_628 : i32
        scf.if %cond3A_629 {
          %sub3A_957 = arith.constant 2 : i32
          %sub3A_958 = arith.subi %mul3A_606, %sub3A_957 : i32
          %dma_wait3A_959 = arith.constant 0 : i32
          %dma_wait3A_960 = tpu.memref_slice %arg13[%sub3A_958, %dma_wait3A_959] : memref<25x80xi32, #tpu.memory_space<vmem>> -> memref<1x80xi32, #tpu.memory_space<vmem>>
          %dma_wait3A_961 = tpu.memref_squeeze %dma_wait3A_960 : memref<1x80xi32, #tpu.memory_space<vmem>> -> memref<80xi32, #tpu.memory_space<vmem>>
          %dma_wait3A_962 = arith.constant 0 : i32
          %dma_wait3A_963 = tpu.memref_slice %arg25[%dma_wait3A_962] : memref<10240xf32, #tpu.memory_space<vmem_shared>> -> memref<10240xf32, #tpu.memory_space<vmem_shared>>
          tpu.wait_indirect_dma semaphore(%arg28 : memref<!tpu.dma_semaphore, #tpu.memory_space<semaphore_mem>>) src(%arg21 : memref<80xf32, #tpu.memory_space<vmem>>) dst(%dma_wait3A_963 : memref<10240xf32, #tpu.memory_space<vmem_shared>>)
        } else {
        }
        %get3A_630 = arith.index_cast %mul3A_606 : i32 to index
        %get3A_631 = arith.constant 0 : index
        %get3A_632 = tpu.vector_load %arg13[%get3A_630, %get3A_631] {strides = array<i32>} : memref<25x80xi32, #tpu.memory_space<vmem>>, vector<16xi32>,
        %get3A_633 = arith.index_cast %mul3A_606 : i32 to index
        %get3A_634 = arith.constant 0 : index
        %get3A_635 = tpu.vector_load %arg12[%get3A_633, %get3A_634] {strides = array<i32>} : memref<25x80xi32, #tpu.memory_space<vmem>>, vector<16xi32>,
        %gather3A_636 = tpu.vector_load_idx %arg10[%get3A_635] : memref<10000xf32, #tpu.memory_space<vmem>>[vector<16xi32>], vector<16xf32>,
        %gather3A_637 = tpu.vector_load_idx %arg11[%get3A_632] : memref<10000xf32, #tpu.memory_space<vmem>>[vector<16xi32>], vector<16xf32>,
        %add3A_638 = arith.addf %gather3A_636, %gather3A_637 : vector<16xf32>
        %get3A_639 = arith.index_cast %mul3A_606 : i32 to index
        %get3A_640 = arith.constant 0 : index
        %get3A_641 = tpu.vector_load %arg14[%get3A_639, %get3A_640] {strides = array<i32>} : memref<25x80xf32, #tpu.memory_space<vmem>>, vector<16xf32>,
        %add3A_642 = arith.addf %add3A_638, %get3A_641 : vector<16xf32>
        %ge3A_643 = arith.constant 0.000000e+00 : f32
        %ge3A_644 = vector.broadcast %ge3A_643 : f32 to vector<16xf32>
        %ge3A_645 = arith.cmpf oge, %add3A_642, %ge3A_644 : vector<16xf32>
        %mul3A_646 = arith.constant 2.000000e-01 : f32
        %mul3A_647 = vector.broadcast %mul3A_646 : f32 to vector<16xf32>
        %mul3A_648 = arith.mulf %add3A_642, %mul3A_647 : vector<16xf32>
        %select_n3A_649 = arith.select %ge3A_645, %add3A_642, %mul3A_648 : vector<16xi1>, vector<16xf32>
        %exp3A_650 = math.exp %select_n3A_649 : vector<16xf32>
        %swap3A_651 = arith.constant 0 : index
        %swap3A_652 = tpu.vector_load %arg21[%swap3A_651] {strides = array<i32>} : memref<80xf32, #tpu.memory_space<vmem>>, vector<16xf32>,
        tpu.vector_store %arg21[%swap3A_651], %exp3A_650 {strides = array<i32>} : memref<80xf32, #tpu.memory_space<vmem>>, vector<16xf32>,
        tpu.vector_store_idx %arg19[%select_n3A, %select_n3A_69], %get3A_632 : memref<2x40xi32, #tpu.memory_space<vmem>>[vector<16xi32>, vector<16xi32>], vector<16xi32>,
        %get3A_653 = arith.index_cast %mul3A_606 : i32 to index
        %get3A_654 = arith.constant 16 : index
        %get3A_655 = tpu.vector_load %arg13[%get3A_653, %get3A_654] {strides = array<i32>} : memref<25x80xi32, #tpu.memory_space<vmem>>, vector<16xi32>,
        %get3A_656 = arith.index_cast %mul3A_606 : i32 to index
        %get3A_657 = arith.constant 16 : index
        %get3A_658 = tpu.vector_load %arg12[%get3A_656, %get3A_657] {strides = array<i32>} : memref<25x80xi32, #tpu.memory_space<vmem>>, vector<16xi32>,
        %gather3A_659 = tpu.vector_load_idx %arg10[%get3A_658] : memref<10000xf32, #tpu.memory_space<vmem>>[vector<16xi32>], vector<16xf32>,
        %gather3A_660 = tpu.vector_load_idx %arg11[%get3A_655] : memref<10000xf32, #tpu.memory_space<vmem>>[vector<16xi32>], vector<16xf32>,
        %add3A_661 = arith.addf %gather3A_659, %gather3A_660 : vector<16xf32>
        %get3A_662 = arith.index_cast %mul3A_606 : i32 to index
        %get3A_663 = arith.constant 16 : index
        %get3A_664 = tpu.vector_load %arg14[%get3A_662, %get3A_663] {strides = array<i32>} : memref<25x80xf32, #tpu.memory_space<vmem>>, vector<16xf32>,
        %add3A_665 = arith.addf %add3A_661, %get3A_664 : vector<16xf32>
        %ge3A_666 = arith.constant 0.000000e+00 : f32
        %ge3A_667 = vector.broadcast %ge3A_666 : f32 to vector<16xf32>
        %ge3A_668 = arith.cmpf oge, %add3A_665, %ge3A_667 : vector<16xf32>
        %mul3A_669 = arith.constant 2.000000e-01 : f32
        %mul3A_670 = vector.broadcast %mul3A_669 : f32 to vector<16xf32>
        %mul3A_671 = arith.mulf %add3A_665, %mul3A_670 : vector<16xf32>
        %select_n3A_672 = arith.select %ge3A_668, %add3A_665, %mul3A_671 : vector<16xi1>, vector<16xf32>
        %exp3A_673 = math.exp %select_n3A_672 : vector<16xf32>
        %swap3A_674 = arith.constant 16 : index
        %swap3A_675 = tpu.vector_load %arg21[%swap3A_674] {strides = array<i32>} : memref<80xf32, #tpu.memory_space<vmem>>, vector<16xf32>,
        tpu.vector_store %arg21[%swap3A_674], %exp3A_673 {strides = array<i32>} : memref<80xf32, #tpu.memory_space<vmem>>, vector<16xf32>,
        tpu.vector_store_idx %arg19[%select_n3A_103, %select_n3A_125], %get3A_655 : memref<2x40xi32, #tpu.memory_space<vmem>>[vector<16xi32>, vector<16xi32>], vector<16xi32>,
        %get3A_676 = arith.index_cast %mul3A_606 : i32 to index
        %get3A_677 = arith.constant 32 : index
        %get3A_678 = tpu.vector_load %arg13[%get3A_676, %get3A_677] {strides = array<i32>} : memref<25x80xi32, #tpu.memory_space<vmem>>, vector<16xi32>,
        %get3A_679 = arith.index_cast %mul3A_606 : i32 to index
        %get3A_680 = arith.constant 32 : index
        %get3A_681 = tpu.vector_load %arg12[%get3A_679, %get3A_680] {strides = array<i32>} : memref<25x80xi32, #tpu.memory_space<vmem>>, vector<16xi32>,
        %gather3A_682 = tpu.vector_load_idx %arg10[%get3A_681] : memref<10000xf32, #tpu.memory_space<vmem>>[vector<16xi32>], vector<16xf32>,
        %gather3A_683 = tpu.vector_load_idx %arg11[%get3A_678] : memref<10000xf32, #tpu.memory_space<vmem>>[vector<16xi32>], vector<16xf32>,
        %add3A_684 = arith.addf %gather3A_682, %gather3A_683 : vector<16xf32>
        %get3A_685 = arith.index_cast %mul3A_606 : i32 to index
        %get3A_686 = arith.constant 32 : index
        %get3A_687 = tpu.vector_load %arg14[%get3A_685, %get3A_686] {strides = array<i32>} : memref<25x80xf32, #tpu.memory_space<vmem>>, vector<16xf32>,
        %add3A_688 = arith.addf %add3A_684, %get3A_687 : vector<16xf32>
        %ge3A_689 = arith.constant 0.000000e+00 : f32
        %ge3A_690 = vector.broadcast %ge3A_689 : f32 to vector<16xf32>
        %ge3A_691 = arith.cmpf oge, %add3A_688, %ge3A_690 : vector<16xf32>
        %mul3A_692 = arith.constant 2.000000e-01 : f32
        %mul3A_693 = vector.broadcast %mul3A_692 : f32 to vector<16xf32>
        %mul3A_694 = arith.mulf %add3A_688, %mul3A_693 : vector<16xf32>
        %select_n3A_695 = arith.select %ge3A_691, %add3A_688, %mul3A_694 : vector<16xi1>, vector<16xf32>
        %exp3A_696 = math.exp %select_n3A_695 : vector<16xf32>
        %swap3A_697 = arith.constant 32 : index
        %swap3A_698 = tpu.vector_load %arg21[%swap3A_697] {strides = array<i32>} : memref<80xf32, #tpu.memory_space<vmem>>, vector<16xf32>,
        tpu.vector_store %arg21[%swap3A_697], %exp3A_696 {strides = array<i32>} : memref<80xf32, #tpu.memory_space<vmem>>, vector<16xf32>,
        tpu.vector_store_idx %arg19[%select_n3A_159, %select_n3A_181], %get3A_678 : memref<2x40xi32, #tpu.memory_space<vmem>>[vector<16xi32>, vector<16xi32>], vector<16xi32>,
        %get3A_699 = arith.index_cast %mul3A_606 : i32 to index
        %get3A_700 = arith.constant 48 : index
        %get3A_701 = tpu.vector_load %arg13[%get3A_699, %get3A_700] {strides = array<i32>} : memref<25x80xi32, #tpu.memory_space<vmem>>, vector<16xi32>,
        %get3A_702 = arith.index_cast %mul3A_606 : i32 to index
        %get3A_703 = arith.constant 48 : index
        %get3A_704 = tpu.vector_load %arg12[%get3A_702, %get3A_703] {strides = array<i32>} : memref<25x80xi32, #tpu.memory_space<vmem>>, vector<16xi32>,
        %gather3A_705 = tpu.vector_load_idx %arg10[%get3A_704] : memref<10000xf32, #tpu.memory_space<vmem>>[vector<16xi32>], vector<16xf32>,
        %gather3A_706 = tpu.vector_load_idx %arg11[%get3A_701] : memref<10000xf32, #tpu.memory_space<vmem>>[vector<16xi32>], vector<16xf32>,
        %add3A_707 = arith.addf %gather3A_705, %gather3A_706 : vector<16xf32>
        %get3A_708 = arith.index_cast %mul3A_606 : i32 to index
        %get3A_709 = arith.constant 48 : index
        %get3A_710 = tpu.vector_load %arg14[%get3A_708, %get3A_709] {strides = array<i32>} : memref<25x80xf32, #tpu.memory_space<vmem>>, vector<16xf32>,
        %add3A_711 = arith.addf %add3A_707, %get3A_710 : vector<16xf32>
        %ge3A_712 = arith.constant 0.000000e+00 : f32
        %ge3A_713 = vector.broadcast %ge3A_712 : f32 to vector<16xf32>
        %ge3A_714 = arith.cmpf oge, %add3A_711, %ge3A_713 : vector<16xf32>
        %mul3A_715 = arith.constant 2.000000e-01 : f32
        %mul3A_716 = vector.broadcast %mul3A_715 : f32 to vector<16xf32>
        %mul3A_717 = arith.mulf %add3A_711, %mul3A_716 : vector<16xf32>
        %select_n3A_718 = arith.select %ge3A_714, %add3A_711, %mul3A_717 : vector<16xi1>, vector<16xf32>
        %exp3A_719 = math.exp %select_n3A_718 : vector<16xf32>
        %swap3A_720 = arith.constant 48 : index
        %swap3A_721 = tpu.vector_load %arg21[%swap3A_720] {strides = array<i32>} : memref<80xf32, #tpu.memory_space<vmem>>, vector<16xf32>,
        tpu.vector_store %arg21[%swap3A_720], %exp3A_719 {strides = array<i32>} : memref<80xf32, #tpu.memory_space<vmem>>, vector<16xf32>,
        tpu.vector_store_idx %arg19[%select_n3A_215, %select_n3A_237], %get3A_701 : memref<2x40xi32, #tpu.memory_space<vmem>>[vector<16xi32>, vector<16xi32>], vector<16xi32>,
        %get3A_722 = arith.index_cast %mul3A_606 : i32 to index
        %get3A_723 = arith.constant 64 : index
        %get3A_724 = tpu.vector_load %arg13[%get3A_722, %get3A_723] {strides = array<i32>} : memref<25x80xi32, #tpu.memory_space<vmem>>, vector<16xi32>,
        %get3A_725 = arith.index_cast %mul3A_606 : i32 to index
        %get3A_726 = arith.constant 64 : index
        %get3A_727 = tpu.vector_load %arg12[%get3A_725, %get3A_726] {strides = array<i32>} : memref<25x80xi32, #tpu.memory_space<vmem>>, vector<16xi32>,
        %gather3A_728 = tpu.vector_load_idx %arg10[%get3A_727] : memref<10000xf32, #tpu.memory_space<vmem>>[vector<16xi32>], vector<16xf32>,
        %gather3A_729 = tpu.vector_load_idx %arg11[%get3A_724] : memref<10000xf32, #tpu.memory_space<vmem>>[vector<16xi32>], vector<16xf32>,
        %add3A_730 = arith.addf %gather3A_728, %gather3A_729 : vector<16xf32>
        %get3A_731 = arith.index_cast %mul3A_606 : i32 to index
        %get3A_732 = arith.constant 64 : index
        %get3A_733 = tpu.vector_load %arg14[%get3A_731, %get3A_732] {strides = array<i32>} : memref<25x80xf32, #tpu.memory_space<vmem>>, vector<16xf32>,
        %add3A_734 = arith.addf %add3A_730, %get3A_733 : vector<16xf32>
        %ge3A_735 = arith.constant 0.000000e+00 : f32
        %ge3A_736 = vector.broadcast %ge3A_735 : f32 to vector<16xf32>
        %ge3A_737 = arith.cmpf oge, %add3A_734, %ge3A_736 : vector<16xf32>
        %mul3A_738 = arith.constant 2.000000e-01 : f32
        %mul3A_739 = vector.broadcast %mul3A_738 : f32 to vector<16xf32>
        %mul3A_740 = arith.mulf %add3A_734, %mul3A_739 : vector<16xf32>
        %select_n3A_741 = arith.select %ge3A_737, %add3A_734, %mul3A_740 : vector<16xi1>, vector<16xf32>
        %exp3A_742 = math.exp %select_n3A_741 : vector<16xf32>
        %swap3A_743 = arith.constant 64 : index
        %swap3A_744 = tpu.vector_load %arg21[%swap3A_743] {strides = array<i32>} : memref<80xf32, #tpu.memory_space<vmem>>, vector<16xf32>,
        tpu.vector_store %arg21[%swap3A_743], %exp3A_742 {strides = array<i32>} : memref<80xf32, #tpu.memory_space<vmem>>, vector<16xf32>,
        tpu.vector_store_idx %arg19[%select_n3A_271, %select_n3A_293], %get3A_724 : memref<2x40xi32, #tpu.memory_space<vmem>>[vector<16xi32>, vector<16xi32>], vector<16xi32>,
        %dma_start3A_745 = arith.constant 0 : i32
        %dma_start3A_746 = tpu.memref_slice %arg13[%mul3A_606, %dma_start3A_745] : memref<25x80xi32, #tpu.memory_space<vmem>> -> memref<1x80xi32, #tpu.memory_space<vmem>>
        %dma_start3A_747 = tpu.memref_squeeze %dma_start3A_746 : memref<1x80xi32, #tpu.memory_space<vmem>> -> memref<80xi32, #tpu.memory_space<vmem>>
        %dma_start3A_748 = arith.constant 0 : i32
        %dma_start3A_749 = tpu.memref_slice %arg25[%dma_start3A_748] : memref<10240xf32, #tpu.memory_space<vmem_shared>> -> memref<10240xf32, #tpu.memory_space<vmem_shared>>
        tpu.enqueue_indirect_dma source(%arg21 : memref<80xf32, #tpu.memory_space<vmem>>) target(%dma_start3A_749 : memref<10240xf32, #tpu.memory_space<vmem_shared>>) offsets(%dma_start3A_747 : memref<80xi32, #tpu.memory_space<vmem>>) semaphore(%arg28 : memref<!tpu.dma_semaphore, #tpu.memory_space<semaphore_mem>>) {add = true}
        %ge3A_750 = arith.constant 1 : i32
        %ge3A_751 = arith.cmpi sge, %mul3A_606, %ge3A_750 : i32
        %convert_element_type3A_752 = arith.extui %ge3A_751 : i1 to i32
        %cond3A_753 = arith.constant 0 : i32
        %cond3A_754 = arith.cmpi ne, %convert_element_type3A_752, %cond3A_753 : i32
        scf.if %cond3A_754 {
          %dma_wait3A_957 = arith.constant 0 : i32
          %dma_wait3A_958 = arith.constant 0 : i32
          %dma_wait3A_959 = tpu.memref_slice %arg19[%dma_wait3A_957, %dma_wait3A_958] : memref<2x40xi32, #tpu.memory_space<vmem>> -> memref<1x40xi32, #tpu.memory_space<vmem>>
          %dma_wait3A_960 = tpu.memref_squeeze %dma_wait3A_959 : memref<1x40xi32, #tpu.memory_space<vmem>> -> memref<40xi32, #tpu.memory_space<vmem>>
          %dma_wait3A_961 = arith.constant 0 : i32
          %dma_wait3A_962 = arith.constant 0 : i32
          %dma_wait3A_963 = tpu.memref_slice %arg24[%dma_wait3A_961, %dma_wait3A_962] : memref<10240x128xf32, #tpu.memory_space<vmem_shared>> -> memref<10240x128xf32, #tpu.memory_space<vmem_shared>>
          tpu.wait_indirect_dma semaphore(%arg27 : memref<!tpu.dma_semaphore, #tpu.memory_space<semaphore_mem>>) src(%arg17 : memref<40x128xf32, #tpu.memory_space<vmem>>) dst(%dma_wait3A_963 : memref<10240x128xf32, #tpu.memory_space<vmem_shared>>)
        } else {
        }
        %parallel_loop3A_755 = arith.constant 0 : i32
        %parallel_loop3A_756 = arith.constant 40 : i32
        %parallel_loop3A_757 = arith.constant 1 : i32
        scf.for %parallel_loop3A_957 = %parallel_loop3A_755 to %parallel_loop3A_756 step %parallel_loop3A_757  : i32 {
          %parallel_loop3A_958 = arith.constant 0 : i32
          %parallel_loop3A_959 = arith.addi %parallel_loop3A_958, %parallel_loop3A_957 : i32
          %parallel_loop3A_960 = vector.broadcast %parallel_loop3A_959 : i32 to vector<16xi32>
          %parallel_loop3A_961 = tpu.vector_load_idx %arg21[%parallel_loop3A_960] : memref<80xf32, #tpu.memory_space<vmem>>[vector<16xi32>], vector<16xf32>,
          %parallel_loop3A_962 = vector.broadcast %parallel_loop3A_957 : i32 to vector<16xi32>
          %parallel_loop3A_963 = arith.constant 0 : i32
          %parallel_loop3A_964 = arith.addi %parallel_loop3A_963, %parallel_loop3A_957 : i32
          %parallel_loop3A_965 = arith.index_cast %parallel_loop3A_964 : i32 to index
          %parallel_loop3A_966 = arith.constant 0 : index
          %parallel_loop3A_967 = tpu.vector_load %arg15[%parallel_loop3A_965, %parallel_loop3A_966] {strides = array<i32>} : memref<80x128xbf16, #tpu.memory_space<vmem>>, vector<32xbf16>,
          %parallel_loop3A_968 = tpu.unpack_subelements %parallel_loop3A_967, 0 {pack_format = #tpu.pack_format<interleaved>} : vector<32xbf16> -> vector<16xf32>
          %parallel_loop3A_969 = tpu.unpack_subelements %parallel_loop3A_967, 1 {pack_format = #tpu.pack_format<interleaved>} : vector<32xbf16> -> vector<16xf32>
          %parallel_loop3A_970 = arith.mulf %parallel_loop3A_968, %parallel_loop3A_961 : vector<16xf32>
          tpu.vector_store_idx %arg17[%parallel_loop3A_962, %add3A_299], %parallel_loop3A_970 : memref<40x128xf32, #tpu.memory_space<vmem>>[vector<16xi32>, vector<16xi32>], vector<16xf32>,
          %parallel_loop3A_971 = arith.mulf %parallel_loop3A_969, %parallel_loop3A_961 : vector<16xf32>
          tpu.vector_store_idx %arg17[%parallel_loop3A_962, %add3A_308], %parallel_loop3A_971 : memref<40x128xf32, #tpu.memory_space<vmem>>[vector<16xi32>, vector<16xi32>], vector<16xf32>,
          %parallel_loop3A_972 = arith.constant 0 : i32
          %parallel_loop3A_973 = arith.addi %parallel_loop3A_972, %parallel_loop3A_957 : i32
          %parallel_loop3A_974 = arith.index_cast %parallel_loop3A_973 : i32 to index
          %parallel_loop3A_975 = arith.constant 32 : index
          %parallel_loop3A_976 = tpu.vector_load %arg15[%parallel_loop3A_974, %parallel_loop3A_975] {strides = array<i32>} : memref<80x128xbf16, #tpu.memory_space<vmem>>, vector<32xbf16>,
          %parallel_loop3A_977 = tpu.unpack_subelements %parallel_loop3A_976, 0 {pack_format = #tpu.pack_format<interleaved>} : vector<32xbf16> -> vector<16xf32>
          %parallel_loop3A_978 = tpu.unpack_subelements %parallel_loop3A_976, 1 {pack_format = #tpu.pack_format<interleaved>} : vector<32xbf16> -> vector<16xf32>
          %parallel_loop3A_979 = arith.mulf %parallel_loop3A_977, %parallel_loop3A_961 : vector<16xf32>
          tpu.vector_store_idx %arg17[%parallel_loop3A_962, %add3A_314], %parallel_loop3A_979 : memref<40x128xf32, #tpu.memory_space<vmem>>[vector<16xi32>, vector<16xi32>], vector<16xf32>,
          %parallel_loop3A_980 = arith.mulf %parallel_loop3A_978, %parallel_loop3A_961 : vector<16xf32>
          tpu.vector_store_idx %arg17[%parallel_loop3A_962, %add3A_323], %parallel_loop3A_980 : memref<40x128xf32, #tpu.memory_space<vmem>>[vector<16xi32>, vector<16xi32>], vector<16xf32>,
          %parallel_loop3A_981 = arith.constant 0 : i32
          %parallel_loop3A_982 = arith.addi %parallel_loop3A_981, %parallel_loop3A_957 : i32
          %parallel_loop3A_983 = arith.index_cast %parallel_loop3A_982 : i32 to index
          %parallel_loop3A_984 = arith.constant 64 : index
          %parallel_loop3A_985 = tpu.vector_load %arg15[%parallel_loop3A_983, %parallel_loop3A_984] {strides = array<i32>} : memref<80x128xbf16, #tpu.memory_space<vmem>>, vector<32xbf16>,
          %parallel_loop3A_986 = tpu.unpack_subelements %parallel_loop3A_985, 0 {pack_format = #tpu.pack_format<interleaved>} : vector<32xbf16> -> vector<16xf32>
          %parallel_loop3A_987 = tpu.unpack_subelements %parallel_loop3A_985, 1 {pack_format = #tpu.pack_format<interleaved>} : vector<32xbf16> -> vector<16xf32>
          %parallel_loop3A_988 = arith.mulf %parallel_loop3A_986, %parallel_loop3A_961 : vector<16xf32>
          tpu.vector_store_idx %arg17[%parallel_loop3A_962, %add3A_329], %parallel_loop3A_988 : memref<40x128xf32, #tpu.memory_space<vmem>>[vector<16xi32>, vector<16xi32>], vector<16xf32>,
          %parallel_loop3A_989 = arith.mulf %parallel_loop3A_987, %parallel_loop3A_961 : vector<16xf32>
          tpu.vector_store_idx %arg17[%parallel_loop3A_962, %add3A_338], %parallel_loop3A_989 : memref<40x128xf32, #tpu.memory_space<vmem>>[vector<16xi32>, vector<16xi32>], vector<16xf32>,
          %parallel_loop3A_990 = arith.constant 0 : i32
          %parallel_loop3A_991 = arith.addi %parallel_loop3A_990, %parallel_loop3A_957 : i32
          %parallel_loop3A_992 = arith.index_cast %parallel_loop3A_991 : i32 to index
          %parallel_loop3A_993 = arith.constant 96 : index
          %parallel_loop3A_994 = tpu.vector_load %arg15[%parallel_loop3A_992, %parallel_loop3A_993] {strides = array<i32>} : memref<80x128xbf16, #tpu.memory_space<vmem>>, vector<32xbf16>,
          %parallel_loop3A_995 = tpu.unpack_subelements %parallel_loop3A_994, 0 {pack_format = #tpu.pack_format<interleaved>} : vector<32xbf16> -> vector<16xf32>
          %parallel_loop3A_996 = tpu.unpack_subelements %parallel_loop3A_994, 1 {pack_format = #tpu.pack_format<interleaved>} : vector<32xbf16> -> vector<16xf32>
          %parallel_loop3A_997 = arith.mulf %parallel_loop3A_995, %parallel_loop3A_961 : vector<16xf32>
          tpu.vector_store_idx %arg17[%parallel_loop3A_962, %add3A_344], %parallel_loop3A_997 : memref<40x128xf32, #tpu.memory_space<vmem>>[vector<16xi32>, vector<16xi32>], vector<16xf32>,
          %parallel_loop3A_998 = arith.mulf %parallel_loop3A_996, %parallel_loop3A_961 : vector<16xf32>
          tpu.vector_store_idx %arg17[%parallel_loop3A_962, %add3A_353], %parallel_loop3A_998 : memref<40x128xf32, #tpu.memory_space<vmem>>[vector<16xi32>, vector<16xi32>], vector<16xf32>,
        } {sc.loop_unroll_factor = 4 : i64, sc.parallel_access}
        %dma_start3A_758 = arith.constant 0 : i32
        %dma_start3A_759 = arith.constant 0 : i32
        %dma_start3A_760 = tpu.memref_slice %arg19[%dma_start3A_758, %dma_start3A_759] : memref<2x40xi32, #tpu.memory_space<vmem>> -> memref<1x40xi32, #tpu.memory_space<vmem>>
        %dma_start3A_761 = tpu.memref_squeeze %dma_start3A_760 : memref<1x40xi32, #tpu.memory_space<vmem>> -> memref<40xi32, #tpu.memory_space<vmem>>
        %dma_start3A_762 = arith.constant 0 : i32
        %dma_start3A_763 = arith.constant 0 : i32
        %dma_start3A_764 = tpu.memref_slice %arg24[%dma_start3A_762, %dma_start3A_763] : memref<10240x128xf32, #tpu.memory_space<vmem_shared>> -> memref<10240x128xf32, #tpu.memory_space<vmem_shared>>
        tpu.enqueue_indirect_dma source(%arg17 : memref<40x128xf32, #tpu.memory_space<vmem>>) target(%dma_start3A_764 : memref<10240x128xf32, #tpu.memory_space<vmem_shared>>) offsets(%dma_start3A_761 : memref<40xi32, #tpu.memory_space<vmem>>) semaphore(%arg27 : memref<!tpu.dma_semaphore, #tpu.memory_space<semaphore_mem>>) {add = true}
        %ge3A_765 = arith.constant 1 : i32
        %ge3A_766 = arith.cmpi sge, %mul3A_606, %ge3A_765 : i32
        %convert_element_type3A_767 = arith.extui %ge3A_766 : i1 to i32
        %cond3A_768 = arith.constant 0 : i32
        %cond3A_769 = arith.cmpi ne, %convert_element_type3A_767, %cond3A_768 : i32
        scf.if %cond3A_769 {
          %dma_wait3A_957 = arith.constant 1 : i32
          %dma_wait3A_958 = arith.constant 0 : i32
          %dma_wait3A_959 = tpu.memref_slice %arg19[%dma_wait3A_957, %dma_wait3A_958] : memref<2x40xi32, #tpu.memory_space<vmem>> -> memref<1x40xi32, #tpu.memory_space<vmem>>
          %dma_wait3A_960 = tpu.memref_squeeze %dma_wait3A_959 : memref<1x40xi32, #tpu.memory_space<vmem>> -> memref<40xi32, #tpu.memory_space<vmem>>
          %dma_wait3A_961 = arith.constant 0 : i32
          %dma_wait3A_962 = arith.constant 0 : i32
          %dma_wait3A_963 = tpu.memref_slice %arg24[%dma_wait3A_961, %dma_wait3A_962] : memref<10240x128xf32, #tpu.memory_space<vmem_shared>> -> memref<10240x128xf32, #tpu.memory_space<vmem_shared>>
          tpu.wait_indirect_dma semaphore(%arg27 : memref<!tpu.dma_semaphore, #tpu.memory_space<semaphore_mem>>) src(%arg18 : memref<40x128xf32, #tpu.memory_space<vmem>>) dst(%dma_wait3A_963 : memref<10240x128xf32, #tpu.memory_space<vmem_shared>>)
        } else {
        }
        %parallel_loop3A_770 = arith.constant 0 : i32
        %parallel_loop3A_771 = arith.constant 40 : i32
        %parallel_loop3A_772 = arith.constant 1 : i32
        scf.for %parallel_loop3A_957 = %parallel_loop3A_770 to %parallel_loop3A_771 step %parallel_loop3A_772  : i32 {
          %parallel_loop3A_958 = arith.constant 40 : i32
          %parallel_loop3A_959 = arith.addi %parallel_loop3A_958, %parallel_loop3A_957 : i32
          %parallel_loop3A_960 = vector.broadcast %parallel_loop3A_959 : i32 to vector<16xi32>
          %parallel_loop3A_961 = tpu.vector_load_idx %arg21[%parallel_loop3A_960] : memref<80xf32, #tpu.memory_space<vmem>>[vector<16xi32>], vector<16xf32>,
          %parallel_loop3A_962 = vector.broadcast %parallel_loop3A_957 : i32 to vector<16xi32>
          %parallel_loop3A_963 = arith.constant 40 : i32
          %parallel_loop3A_964 = arith.addi %parallel_loop3A_963, %parallel_loop3A_957 : i32
          %parallel_loop3A_965 = arith.index_cast %parallel_loop3A_964 : i32 to index
          %parallel_loop3A_966 = arith.constant 0 : index
          %parallel_loop3A_967 = tpu.vector_load %arg15[%parallel_loop3A_965, %parallel_loop3A_966] {strides = array<i32>} : memref<80x128xbf16, #tpu.memory_space<vmem>>, vector<32xbf16>,
          %parallel_loop3A_968 = tpu.unpack_subelements %parallel_loop3A_967, 0 {pack_format = #tpu.pack_format<interleaved>} : vector<32xbf16> -> vector<16xf32>
          %parallel_loop3A_969 = tpu.unpack_subelements %parallel_loop3A_967, 1 {pack_format = #tpu.pack_format<interleaved>} : vector<32xbf16> -> vector<16xf32>
          %parallel_loop3A_970 = arith.mulf %parallel_loop3A_968, %parallel_loop3A_961 : vector<16xf32>
          tpu.vector_store_idx %arg18[%parallel_loop3A_962, %add3A_299], %parallel_loop3A_970 : memref<40x128xf32, #tpu.memory_space<vmem>>[vector<16xi32>, vector<16xi32>], vector<16xf32>,
          %parallel_loop3A_971 = arith.mulf %parallel_loop3A_969, %parallel_loop3A_961 : vector<16xf32>
          tpu.vector_store_idx %arg18[%parallel_loop3A_962, %add3A_308], %parallel_loop3A_971 : memref<40x128xf32, #tpu.memory_space<vmem>>[vector<16xi32>, vector<16xi32>], vector<16xf32>,
          %parallel_loop3A_972 = arith.constant 40 : i32
          %parallel_loop3A_973 = arith.addi %parallel_loop3A_972, %parallel_loop3A_957 : i32
          %parallel_loop3A_974 = arith.index_cast %parallel_loop3A_973 : i32 to index
          %parallel_loop3A_975 = arith.constant 32 : index
          %parallel_loop3A_976 = tpu.vector_load %arg15[%parallel_loop3A_974, %parallel_loop3A_975] {strides = array<i32>} : memref<80x128xbf16, #tpu.memory_space<vmem>>, vector<32xbf16>,
          %parallel_loop3A_977 = tpu.unpack_subelements %parallel_loop3A_976, 0 {pack_format = #tpu.pack_format<interleaved>} : vector<32xbf16> -> vector<16xf32>
          %parallel_loop3A_978 = tpu.unpack_subelements %parallel_loop3A_976, 1 {pack_format = #tpu.pack_format<interleaved>} : vector<32xbf16> -> vector<16xf32>
          %parallel_loop3A_979 = arith.mulf %parallel_loop3A_977, %parallel_loop3A_961 : vector<16xf32>
          tpu.vector_store_idx %arg18[%parallel_loop3A_962, %add3A_314], %parallel_loop3A_979 : memref<40x128xf32, #tpu.memory_space<vmem>>[vector<16xi32>, vector<16xi32>], vector<16xf32>,
          %parallel_loop3A_980 = arith.mulf %parallel_loop3A_978, %parallel_loop3A_961 : vector<16xf32>
          tpu.vector_store_idx %arg18[%parallel_loop3A_962, %add3A_323], %parallel_loop3A_980 : memref<40x128xf32, #tpu.memory_space<vmem>>[vector<16xi32>, vector<16xi32>], vector<16xf32>,
          %parallel_loop3A_981 = arith.constant 40 : i32
          %parallel_loop3A_982 = arith.addi %parallel_loop3A_981, %parallel_loop3A_957 : i32
          %parallel_loop3A_983 = arith.index_cast %parallel_loop3A_982 : i32 to index
          %parallel_loop3A_984 = arith.constant 64 : index
          %parallel_loop3A_985 = tpu.vector_load %arg15[%parallel_loop3A_983, %parallel_loop3A_984] {strides = array<i32>} : memref<80x128xbf16, #tpu.memory_space<vmem>>, vector<32xbf16>,
          %parallel_loop3A_986 = tpu.unpack_subelements %parallel_loop3A_985, 0 {pack_format = #tpu.pack_format<interleaved>} : vector<32xbf16> -> vector<16xf32>
          %parallel_loop3A_987 = tpu.unpack_subelements %parallel_loop3A_985, 1 {pack_format = #tpu.pack_format<interleaved>} : vector<32xbf16> -> vector<16xf32>
          %parallel_loop3A_988 = arith.mulf %parallel_loop3A_986, %parallel_loop3A_961 : vector<16xf32>
          tpu.vector_store_idx %arg18[%parallel_loop3A_962, %add3A_329], %parallel_loop3A_988 : memref<40x128xf32, #tpu.memory_space<vmem>>[vector<16xi32>, vector<16xi32>], vector<16xf32>,
          %parallel_loop3A_989 = arith.mulf %parallel_loop3A_987, %parallel_loop3A_961 : vector<16xf32>
          tpu.vector_store_idx %arg18[%parallel_loop3A_962, %add3A_338], %parallel_loop3A_989 : memref<40x128xf32, #tpu.memory_space<vmem>>[vector<16xi32>, vector<16xi32>], vector<16xf32>,
          %parallel_loop3A_990 = arith.constant 40 : i32
          %parallel_loop3A_991 = arith.addi %parallel_loop3A_990, %parallel_loop3A_957 : i32
          %parallel_loop3A_992 = arith.index_cast %parallel_loop3A_991 : i32 to index
          %parallel_loop3A_993 = arith.constant 96 : index
          %parallel_loop3A_994 = tpu.vector_load %arg15[%parallel_loop3A_992, %parallel_loop3A_993] {strides = array<i32>} : memref<80x128xbf16, #tpu.memory_space<vmem>>, vector<32xbf16>,
          %parallel_loop3A_995 = tpu.unpack_subelements %parallel_loop3A_994, 0 {pack_format = #tpu.pack_format<interleaved>} : vector<32xbf16> -> vector<16xf32>
          %parallel_loop3A_996 = tpu.unpack_subelements %parallel_loop3A_994, 1 {pack_format = #tpu.pack_format<interleaved>} : vector<32xbf16> -> vector<16xf32>
          %parallel_loop3A_997 = arith.mulf %parallel_loop3A_995, %parallel_loop3A_961 : vector<16xf32>
          tpu.vector_store_idx %arg18[%parallel_loop3A_962, %add3A_344], %parallel_loop3A_997 : memref<40x128xf32, #tpu.memory_space<vmem>>[vector<16xi32>, vector<16xi32>], vector<16xf32>,
          %parallel_loop3A_998 = arith.mulf %parallel_loop3A_996, %parallel_loop3A_961 : vector<16xf32>
          tpu.vector_store_idx %arg18[%parallel_loop3A_962, %add3A_353], %parallel_loop3A_998 : memref<40x128xf32, #tpu.memory_space<vmem>>[vector<16xi32>, vector<16xi32>], vector<16xf32>,
        } {sc.loop_unroll_factor = 4 : i64, sc.parallel_access}
        %dma_start3A_773 = arith.constant 1 : i32
        %dma_start3A_774 = arith.constant 0 : i32
        %dma_start3A_775 = tpu.memref_slice %arg19[%dma_start3A_773, %dma_start3A_774] : memref<2x40xi32, #tpu.memory_space<vmem>> -> memref<1x40xi32, #tpu.memory_space<vmem>>
        %dma_start3A_776 = tpu.memref_squeeze %dma_start3A_775 : memref<1x40xi32, #tpu.memory_space<vmem>> -> memref<40xi32, #tpu.memory_space<vmem>>
        %dma_start3A_777 = arith.constant 0 : i32
        %dma_start3A_778 = arith.constant 0 : i32
        %dma_start3A_779 = tpu.memref_slice %arg24[%dma_start3A_777, %dma_start3A_778] : memref<10240x128xf32, #tpu.memory_space<vmem_shared>> -> memref<10240x128xf32, #tpu.memory_space<vmem_shared>>
        tpu.enqueue_indirect_dma source(%arg18 : memref<40x128xf32, #tpu.memory_space<vmem>>) target(%dma_start3A_779 : memref<10240x128xf32, #tpu.memory_space<vmem_shared>>) offsets(%dma_start3A_776 : memref<40xi32, #tpu.memory_space<vmem>>) semaphore(%arg27 : memref<!tpu.dma_semaphore, #tpu.memory_space<semaphore_mem>>) {add = true}
        %mul3A_780 = arith.constant 2 : i32
        %mul3A_781 = arith.muli %mul3A_780, %scan3A_604 : i32
        %add3A_782 = arith.constant 1 : i32
        %add3A_783 = arith.addi %mul3A_781, %add3A_782 : i32
        %dma_wait3A_784 = arith.constant 0 : i32
        %dma_wait3A_785 = tpu.memref_slice %arg12[%add3A_783, %dma_wait3A_784] : memref<25x80xi32, #tpu.memory_space<vmem>> -> memref<1x80xi32, #tpu.memory_space<vmem>>
        %dma_wait3A_786 = tpu.memref_squeeze %dma_wait3A_785 : memref<1x80xi32, #tpu.memory_space<vmem>> -> memref<80xi32, #tpu.memory_space<vmem>>
        %dma_wait3A_787 = arith.constant 0 : i32
        %dma_wait3A_788 = arith.constant 0 : i32
        %dma_wait3A_789 = tpu.memref_slice %arg2[%dma_wait3A_787, %dma_wait3A_788] : memref<10000x128xbf16, #tpu.memory_space<hbm>> -> memref<10000x128xbf16, #tpu.memory_space<hbm>>
        tpu.wait_indirect_dma semaphore(%arg26 : memref<!tpu.dma_semaphore, #tpu.memory_space<semaphore_mem>>) src(%dma_wait3A_789 : memref<10000x128xbf16, #tpu.memory_space<hbm>>) dst(%arg16 : memref<80x128xbf16, #tpu.memory_space<vmem>>)
        %add3A_790 = arith.constant 1 : i32
        %add3A_791 = arith.addi %add3A_783, %add3A_790 : i32
        %eq3A_792 = arith.constant 0 : i32
        %eq3A_793 = arith.cmpi eq, %arg0, %eq3A_792 : i32
        %convert_element_type3A_794 = arith.extui %eq3A_793 : i1 to i32
        %cond3A_795 = arith.constant 0 : i32
        %cond3A_796 = arith.cmpi ne, %convert_element_type3A_794, %cond3A_795 : i32
        scf.if %cond3A_796 {
          %dma_start3A_957 = arith.constant 0 : i32
          %dma_start3A_958 = tpu.memref_slice %arg12[%add3A_791, %dma_start3A_957] : memref<25x80xi32, #tpu.memory_space<vmem>> -> memref<1x80xi32, #tpu.memory_space<vmem>>
          %dma_start3A_959 = tpu.memref_squeeze %dma_start3A_958 : memref<1x80xi32, #tpu.memory_space<vmem>> -> memref<80xi32, #tpu.memory_space<vmem>>
          %dma_start3A_960 = arith.constant 0 : i32
          %dma_start3A_961 = arith.constant 0 : i32
          %dma_start3A_962 = tpu.memref_slice %arg2[%dma_start3A_960, %dma_start3A_961] : memref<10000x128xbf16, #tpu.memory_space<hbm>> -> memref<10000x128xbf16, #tpu.memory_space<hbm>>
          tpu.enqueue_indirect_dma source(%dma_start3A_962 : memref<10000x128xbf16, #tpu.memory_space<hbm>>) target(%arg15 : memref<80x128xbf16, #tpu.memory_space<vmem>>) offsets(%dma_start3A_959 : memref<80xi32, #tpu.memory_space<vmem>>) semaphore(%arg26 : memref<!tpu.dma_semaphore, #tpu.memory_space<semaphore_mem>>)
        } else {
        }
        %eq3A_797 = arith.constant 1 : i32
        %eq3A_798 = arith.cmpi eq, %arg0, %eq3A_797 : i32
        %convert_element_type3A_799 = arith.extui %eq3A_798 : i1 to i32
        %cond3A_800 = arith.constant 0 : i32
        %cond3A_801 = arith.cmpi ne, %convert_element_type3A_799, %cond3A_800 : i32
        scf.if %cond3A_801 {
          %dma_start3A_957 = arith.constant 0 : i32
          %dma_start3A_958 = tpu.memref_slice %arg12[%add3A_791, %dma_start3A_957] : memref<25x80xi32, #tpu.memory_space<vmem>> -> memref<1x80xi32, #tpu.memory_space<vmem>>
          %dma_start3A_959 = tpu.memref_squeeze %dma_start3A_958 : memref<1x80xi32, #tpu.memory_space<vmem>> -> memref<80xi32, #tpu.memory_space<vmem>>
          %dma_start3A_960 = arith.constant 0 : i32
          %dma_start3A_961 = arith.constant 0 : i32
          %dma_start3A_962 = tpu.memref_slice %arg3[%dma_start3A_960, %dma_start3A_961] : memref<10000x128xbf16, #tpu.memory_space<hbm>> -> memref<10000x128xbf16, #tpu.memory_space<hbm>>
          tpu.enqueue_indirect_dma source(%dma_start3A_962 : memref<10000x128xbf16, #tpu.memory_space<hbm>>) target(%arg15 : memref<80x128xbf16, #tpu.memory_space<vmem>>) offsets(%dma_start3A_959 : memref<80xi32, #tpu.memory_space<vmem>>) semaphore(%arg26 : memref<!tpu.dma_semaphore, #tpu.memory_space<semaphore_mem>>)
        } else {
        }
        %ge3A_802 = arith.constant 2 : i32
        %ge3A_803 = arith.cmpi sge, %add3A_783, %ge3A_802 : i32
        %convert_element_type3A_804 = arith.extui %ge3A_803 : i1 to i32
        %cond3A_805 = arith.constant 0 : i32
        %cond3A_806 = arith.cmpi ne, %convert_element_type3A_804, %cond3A_805 : i32
        scf.if %cond3A_806 {
          %sub3A_957 = arith.constant 2 : i32
          %sub3A_958 = arith.subi %add3A_783, %sub3A_957 : i32
          %dma_wait3A_959 = arith.constant 0 : i32
          %dma_wait3A_960 = tpu.memref_slice %arg13[%sub3A_958, %dma_wait3A_959] : memref<25x80xi32, #tpu.memory_space<vmem>> -> memref<1x80xi32, #tpu.memory_space<vmem>>
          %dma_wait3A_961 = tpu.memref_squeeze %dma_wait3A_960 : memref<1x80xi32, #tpu.memory_space<vmem>> -> memref<80xi32, #tpu.memory_space<vmem>>
          %dma_wait3A_962 = arith.constant 0 : i32
          %dma_wait3A_963 = tpu.memref_slice %arg25[%dma_wait3A_962] : memref<10240xf32, #tpu.memory_space<vmem_shared>> -> memref<10240xf32, #tpu.memory_space<vmem_shared>>
          tpu.wait_indirect_dma semaphore(%arg28 : memref<!tpu.dma_semaphore, #tpu.memory_space<semaphore_mem>>) src(%arg22 : memref<80xf32, #tpu.memory_space<vmem>>) dst(%dma_wait3A_963 : memref<10240xf32, #tpu.memory_space<vmem_shared>>)
        } else {
        }
        %get3A_807 = arith.index_cast %add3A_783 : i32 to index
        %get3A_808 = arith.constant 0 : index
        %get3A_809 = tpu.vector_load %arg13[%get3A_807, %get3A_808] {strides = array<i32>} : memref<25x80xi32, #tpu.memory_space<vmem>>, vector<16xi32>,
        %get3A_810 = arith.index_cast %add3A_783 : i32 to index
        %get3A_811 = arith.constant 0 : index
        %get3A_812 = tpu.vector_load %arg12[%get3A_810, %get3A_811] {strides = array<i32>} : memref<25x80xi32, #tpu.memory_space<vmem>>, vector<16xi32>,
        %gather3A_813 = tpu.vector_load_idx %arg10[%get3A_812] : memref<10000xf32, #tpu.memory_space<vmem>>[vector<16xi32>], vector<16xf32>,
        %gather3A_814 = tpu.vector_load_idx %arg11[%get3A_809] : memref<10000xf32, #tpu.memory_space<vmem>>[vector<16xi32>], vector<16xf32>,
        %add3A_815 = arith.addf %gather3A_813, %gather3A_814 : vector<16xf32>
        %get3A_816 = arith.index_cast %add3A_783 : i32 to index
        %get3A_817 = arith.constant 0 : index
        %get3A_818 = tpu.vector_load %arg14[%get3A_816, %get3A_817] {strides = array<i32>} : memref<25x80xf32, #tpu.memory_space<vmem>>, vector<16xf32>,
        %add3A_819 = arith.addf %add3A_815, %get3A_818 : vector<16xf32>
        %ge3A_820 = arith.constant 0.000000e+00 : f32
        %ge3A_821 = vector.broadcast %ge3A_820 : f32 to vector<16xf32>
        %ge3A_822 = arith.cmpf oge, %add3A_819, %ge3A_821 : vector<16xf32>
        %mul3A_823 = arith.constant 2.000000e-01 : f32
        %mul3A_824 = vector.broadcast %mul3A_823 : f32 to vector<16xf32>
        %mul3A_825 = arith.mulf %add3A_819, %mul3A_824 : vector<16xf32>
        %select_n3A_826 = arith.select %ge3A_822, %add3A_819, %mul3A_825 : vector<16xi1>, vector<16xf32>
        %exp3A_827 = math.exp %select_n3A_826 : vector<16xf32>
        %swap3A_828 = arith.constant 0 : index
        %swap3A_829 = tpu.vector_load %arg22[%swap3A_828] {strides = array<i32>} : memref<80xf32, #tpu.memory_space<vmem>>, vector<16xf32>,
        tpu.vector_store %arg22[%swap3A_828], %exp3A_827 {strides = array<i32>} : memref<80xf32, #tpu.memory_space<vmem>>, vector<16xf32>,
        tpu.vector_store_idx %arg20[%select_n3A, %select_n3A_69], %get3A_809 : memref<2x40xi32, #tpu.memory_space<vmem>>[vector<16xi32>, vector<16xi32>], vector<16xi32>,
        %get3A_830 = arith.index_cast %add3A_783 : i32 to index
        %get3A_831 = arith.constant 16 : index
        %get3A_832 = tpu.vector_load %arg13[%get3A_830, %get3A_831] {strides = array<i32>} : memref<25x80xi32, #tpu.memory_space<vmem>>, vector<16xi32>,
        %get3A_833 = arith.index_cast %add3A_783 : i32 to index
        %get3A_834 = arith.constant 16 : index
        %get3A_835 = tpu.vector_load %arg12[%get3A_833, %get3A_834] {strides = array<i32>} : memref<25x80xi32, #tpu.memory_space<vmem>>, vector<16xi32>,
        %gather3A_836 = tpu.vector_load_idx %arg10[%get3A_835] : memref<10000xf32, #tpu.memory_space<vmem>>[vector<16xi32>], vector<16xf32>,
        %gather3A_837 = tpu.vector_load_idx %arg11[%get3A_832] : memref<10000xf32, #tpu.memory_space<vmem>>[vector<16xi32>], vector<16xf32>,
        %add3A_838 = arith.addf %gather3A_836, %gather3A_837 : vector<16xf32>
        %get3A_839 = arith.index_cast %add3A_783 : i32 to index
        %get3A_840 = arith.constant 16 : index
        %get3A_841 = tpu.vector_load %arg14[%get3A_839, %get3A_840] {strides = array<i32>} : memref<25x80xf32, #tpu.memory_space<vmem>>, vector<16xf32>,
        %add3A_842 = arith.addf %add3A_838, %get3A_841 : vector<16xf32>
        %ge3A_843 = arith.constant 0.000000e+00 : f32
        %ge3A_844 = vector.broadcast %ge3A_843 : f32 to vector<16xf32>
        %ge3A_845 = arith.cmpf oge, %add3A_842, %ge3A_844 : vector<16xf32>
        %mul3A_846 = arith.constant 2.000000e-01 : f32
        %mul3A_847 = vector.broadcast %mul3A_846 : f32 to vector<16xf32>
        %mul3A_848 = arith.mulf %add3A_842, %mul3A_847 : vector<16xf32>
        %select_n3A_849 = arith.select %ge3A_845, %add3A_842, %mul3A_848 : vector<16xi1>, vector<16xf32>
        %exp3A_850 = math.exp %select_n3A_849 : vector<16xf32>
        %swap3A_851 = arith.constant 16 : index
        %swap3A_852 = tpu.vector_load %arg22[%swap3A_851] {strides = array<i32>} : memref<80xf32, #tpu.memory_space<vmem>>, vector<16xf32>,
        tpu.vector_store %arg22[%swap3A_851], %exp3A_850 {strides = array<i32>} : memref<80xf32, #tpu.memory_space<vmem>>, vector<16xf32>,
        tpu.vector_store_idx %arg20[%select_n3A_103, %select_n3A_125], %get3A_832 : memref<2x40xi32, #tpu.memory_space<vmem>>[vector<16xi32>, vector<16xi32>], vector<16xi32>,
        %get3A_853 = arith.index_cast %add3A_783 : i32 to index
        %get3A_854 = arith.constant 32 : index
        %get3A_855 = tpu.vector_load %arg13[%get3A_853, %get3A_854] {strides = array<i32>} : memref<25x80xi32, #tpu.memory_space<vmem>>, vector<16xi32>,
        %get3A_856 = arith.index_cast %add3A_783 : i32 to index
        %get3A_857 = arith.constant 32 : index
        %get3A_858 = tpu.vector_load %arg12[%get3A_856, %get3A_857] {strides = array<i32>} : memref<25x80xi32, #tpu.memory_space<vmem>>, vector<16xi32>,
        %gather3A_859 = tpu.vector_load_idx %arg10[%get3A_858] : memref<10000xf32, #tpu.memory_space<vmem>>[vector<16xi32>], vector<16xf32>,
        %gather3A_860 = tpu.vector_load_idx %arg11[%get3A_855] : memref<10000xf32, #tpu.memory_space<vmem>>[vector<16xi32>], vector<16xf32>,
        %add3A_861 = arith.addf %gather3A_859, %gather3A_860 : vector<16xf32>
        %get3A_862 = arith.index_cast %add3A_783 : i32 to index
        %get3A_863 = arith.constant 32 : index
        %get3A_864 = tpu.vector_load %arg14[%get3A_862, %get3A_863] {strides = array<i32>} : memref<25x80xf32, #tpu.memory_space<vmem>>, vector<16xf32>,
        %add3A_865 = arith.addf %add3A_861, %get3A_864 : vector<16xf32>
        %ge3A_866 = arith.constant 0.000000e+00 : f32
        %ge3A_867 = vector.broadcast %ge3A_866 : f32 to vector<16xf32>
        %ge3A_868 = arith.cmpf oge, %add3A_865, %ge3A_867 : vector<16xf32>
        %mul3A_869 = arith.constant 2.000000e-01 : f32
        %mul3A_870 = vector.broadcast %mul3A_869 : f32 to vector<16xf32>
        %mul3A_871 = arith.mulf %add3A_865, %mul3A_870 : vector<16xf32>
        %select_n3A_872 = arith.select %ge3A_868, %add3A_865, %mul3A_871 : vector<16xi1>, vector<16xf32>
        %exp3A_873 = math.exp %select_n3A_872 : vector<16xf32>
        %swap3A_874 = arith.constant 32 : index
        %swap3A_875 = tpu.vector_load %arg22[%swap3A_874] {strides = array<i32>} : memref<80xf32, #tpu.memory_space<vmem>>, vector<16xf32>,
        tpu.vector_store %arg22[%swap3A_874], %exp3A_873 {strides = array<i32>} : memref<80xf32, #tpu.memory_space<vmem>>, vector<16xf32>,
        tpu.vector_store_idx %arg20[%select_n3A_159, %select_n3A_181], %get3A_855 : memref<2x40xi32, #tpu.memory_space<vmem>>[vector<16xi32>, vector<16xi32>], vector<16xi32>,
        %get3A_876 = arith.index_cast %add3A_783 : i32 to index
        %get3A_877 = arith.constant 48 : index
        %get3A_878 = tpu.vector_load %arg13[%get3A_876, %get3A_877] {strides = array<i32>} : memref<25x80xi32, #tpu.memory_space<vmem>>, vector<16xi32>,
        %get3A_879 = arith.index_cast %add3A_783 : i32 to index
        %get3A_880 = arith.constant 48 : index
        %get3A_881 = tpu.vector_load %arg12[%get3A_879, %get3A_880] {strides = array<i32>} : memref<25x80xi32, #tpu.memory_space<vmem>>, vector<16xi32>,
        %gather3A_882 = tpu.vector_load_idx %arg10[%get3A_881] : memref<10000xf32, #tpu.memory_space<vmem>>[vector<16xi32>], vector<16xf32>,
        %gather3A_883 = tpu.vector_load_idx %arg11[%get3A_878] : memref<10000xf32, #tpu.memory_space<vmem>>[vector<16xi32>], vector<16xf32>,
        %add3A_884 = arith.addf %gather3A_882, %gather3A_883 : vector<16xf32>
        %get3A_885 = arith.index_cast %add3A_783 : i32 to index
        %get3A_886 = arith.constant 48 : index
        %get3A_887 = tpu.vector_load %arg14[%get3A_885, %get3A_886] {strides = array<i32>} : memref<25x80xf32, #tpu.memory_space<vmem>>, vector<16xf32>,
        %add3A_888 = arith.addf %add3A_884, %get3A_887 : vector<16xf32>
        %ge3A_889 = arith.constant 0.000000e+00 : f32
        %ge3A_890 = vector.broadcast %ge3A_889 : f32 to vector<16xf32>
        %ge3A_891 = arith.cmpf oge, %add3A_888, %ge3A_890 : vector<16xf32>
        %mul3A_892 = arith.constant 2.000000e-01 : f32
        %mul3A_893 = vector.broadcast %mul3A_892 : f32 to vector<16xf32>
        %mul3A_894 = arith.mulf %add3A_888, %mul3A_893 : vector<16xf32>
        %select_n3A_895 = arith.select %ge3A_891, %add3A_888, %mul3A_894 : vector<16xi1>, vector<16xf32>
        %exp3A_896 = math.exp %select_n3A_895 : vector<16xf32>
        %swap3A_897 = arith.constant 48 : index
        %swap3A_898 = tpu.vector_load %arg22[%swap3A_897] {strides = array<i32>} : memref<80xf32, #tpu.memory_space<vmem>>, vector<16xf32>,
        tpu.vector_store %arg22[%swap3A_897], %exp3A_896 {strides = array<i32>} : memref<80xf32, #tpu.memory_space<vmem>>, vector<16xf32>,
        tpu.vector_store_idx %arg20[%select_n3A_215, %select_n3A_237], %get3A_878 : memref<2x40xi32, #tpu.memory_space<vmem>>[vector<16xi32>, vector<16xi32>], vector<16xi32>,
        %get3A_899 = arith.index_cast %add3A_783 : i32 to index
        %get3A_900 = arith.constant 64 : index
        %get3A_901 = tpu.vector_load %arg13[%get3A_899, %get3A_900] {strides = array<i32>} : memref<25x80xi32, #tpu.memory_space<vmem>>, vector<16xi32>,
        %get3A_902 = arith.index_cast %add3A_783 : i32 to index
        %get3A_903 = arith.constant 64 : index
        %get3A_904 = tpu.vector_load %arg12[%get3A_902, %get3A_903] {strides = array<i32>} : memref<25x80xi32, #tpu.memory_space<vmem>>, vector<16xi32>,
        %gather3A_905 = tpu.vector_load_idx %arg10[%get3A_904] : memref<10000xf32, #tpu.memory_space<vmem>>[vector<16xi32>], vector<16xf32>,
        %gather3A_906 = tpu.vector_load_idx %arg11[%get3A_901] : memref<10000xf32, #tpu.memory_space<vmem>>[vector<16xi32>], vector<16xf32>,
        %add3A_907 = arith.addf %gather3A_905, %gather3A_906 : vector<16xf32>
        %get3A_908 = arith.index_cast %add3A_783 : i32 to index
        %get3A_909 = arith.constant 64 : index
        %get3A_910 = tpu.vector_load %arg14[%get3A_908, %get3A_909] {strides = array<i32>} : memref<25x80xf32, #tpu.memory_space<vmem>>, vector<16xf32>,
        %add3A_911 = arith.addf %add3A_907, %get3A_910 : vector<16xf32>
        %ge3A_912 = arith.constant 0.000000e+00 : f32
        %ge3A_913 = vector.broadcast %ge3A_912 : f32 to vector<16xf32>
        %ge3A_914 = arith.cmpf oge, %add3A_911, %ge3A_913 : vector<16xf32>
        %mul3A_915 = arith.constant 2.000000e-01 : f32
        %mul3A_916 = vector.broadcast %mul3A_915 : f32 to vector<16xf32>
        %mul3A_917 = arith.mulf %add3A_911, %mul3A_916 : vector<16xf32>
        %select_n3A_918 = arith.select %ge3A_914, %add3A_911, %mul3A_917 : vector<16xi1>, vector<16xf32>
        %exp3A_919 = math.exp %select_n3A_918 : vector<16xf32>
        %swap3A_920 = arith.constant 64 : index
        %swap3A_921 = tpu.vector_load %arg22[%swap3A_920] {strides = array<i32>} : memref<80xf32, #tpu.memory_space<vmem>>, vector<16xf32>,
        tpu.vector_store %arg22[%swap3A_920], %exp3A_919 {strides = array<i32>} : memref<80xf32, #tpu.memory_space<vmem>>, vector<16xf32>,
        tpu.vector_store_idx %arg20[%select_n3A_271, %select_n3A_293], %get3A_901 : memref<2x40xi32, #tpu.memory_space<vmem>>[vector<16xi32>, vector<16xi32>], vector<16xi32>,
        %dma_start3A_922 = arith.constant 0 : i32
        %dma_start3A_923 = tpu.memref_slice %arg13[%add3A_783, %dma_start3A_922] : memref<25x80xi32, #tpu.memory_space<vmem>> -> memref<1x80xi32, #tpu.memory_space<vmem>>
        %dma_start3A_924 = tpu.memref_squeeze %dma_start3A_923 : memref<1x80xi32, #tpu.memory_space<vmem>> -> memref<80xi32, #tpu.memory_space<vmem>>
        %dma_start3A_925 = arith.constant 0 : i32
        %dma_start3A_926 = tpu.memref_slice %arg25[%dma_start3A_925] : memref<10240xf32, #tpu.memory_space<vmem_shared>> -> memref<10240xf32, #tpu.memory_space<vmem_shared>>
        tpu.enqueue_indirect_dma source(%arg22 : memref<80xf32, #tpu.memory_space<vmem>>) target(%dma_start3A_926 : memref<10240xf32, #tpu.memory_space<vmem_shared>>) offsets(%dma_start3A_924 : memref<80xi32, #tpu.memory_space<vmem>>) semaphore(%arg28 : memref<!tpu.dma_semaphore, #tpu.memory_space<semaphore_mem>>) {add = true}
        %ge3A_927 = arith.constant 1 : i32
        %ge3A_928 = arith.cmpi sge, %add3A_783, %ge3A_927 : i32
        %convert_element_type3A_929 = arith.extui %ge3A_928 : i1 to i32
        %cond3A_930 = arith.constant 0 : i32
        %cond3A_931 = arith.cmpi ne, %convert_element_type3A_929, %cond3A_930 : i32
        scf.if %cond3A_931 {
          %dma_wait3A_957 = arith.constant 0 : i32
          %dma_wait3A_958 = arith.constant 0 : i32
          %dma_wait3A_959 = tpu.memref_slice %arg20[%dma_wait3A_957, %dma_wait3A_958] : memref<2x40xi32, #tpu.memory_space<vmem>> -> memref<1x40xi32, #tpu.memory_space<vmem>>
          %dma_wait3A_960 = tpu.memref_squeeze %dma_wait3A_959 : memref<1x40xi32, #tpu.memory_space<vmem>> -> memref<40xi32, #tpu.memory_space<vmem>>
          %dma_wait3A_961 = arith.constant 0 : i32
          %dma_wait3A_962 = arith.constant 0 : i32
          %dma_wait3A_963 = tpu.memref_slice %arg24[%dma_wait3A_961, %dma_wait3A_962] : memref<10240x128xf32, #tpu.memory_space<vmem_shared>> -> memref<10240x128xf32, #tpu.memory_space<vmem_shared>>
          tpu.wait_indirect_dma semaphore(%arg27 : memref<!tpu.dma_semaphore, #tpu.memory_space<semaphore_mem>>) src(%arg17 : memref<40x128xf32, #tpu.memory_space<vmem>>) dst(%dma_wait3A_963 : memref<10240x128xf32, #tpu.memory_space<vmem_shared>>)
        } else {
        }
        %parallel_loop3A_932 = arith.constant 0 : i32
        %parallel_loop3A_933 = arith.constant 40 : i32
        %parallel_loop3A_934 = arith.constant 1 : i32
        scf.for %parallel_loop3A_957 = %parallel_loop3A_932 to %parallel_loop3A_933 step %parallel_loop3A_934  : i32 {
          %parallel_loop3A_958 = arith.constant 0 : i32
          %parallel_loop3A_959 = arith.addi %parallel_loop3A_958, %parallel_loop3A_957 : i32
          %parallel_loop3A_960 = vector.broadcast %parallel_loop3A_959 : i32 to vector<16xi32>
          %parallel_loop3A_961 = tpu.vector_load_idx %arg22[%parallel_loop3A_960] : memref<80xf32, #tpu.memory_space<vmem>>[vector<16xi32>], vector<16xf32>,
          %parallel_loop3A_962 = vector.broadcast %parallel_loop3A_957 : i32 to vector<16xi32>
          %parallel_loop3A_963 = arith.constant 0 : i32
          %parallel_loop3A_964 = arith.addi %parallel_loop3A_963, %parallel_loop3A_957 : i32
          %parallel_loop3A_965 = arith.index_cast %parallel_loop3A_964 : i32 to index
          %parallel_loop3A_966 = arith.constant 0 : index
          %parallel_loop3A_967 = tpu.vector_load %arg16[%parallel_loop3A_965, %parallel_loop3A_966] {strides = array<i32>} : memref<80x128xbf16, #tpu.memory_space<vmem>>, vector<32xbf16>,
          %parallel_loop3A_968 = tpu.unpack_subelements %parallel_loop3A_967, 0 {pack_format = #tpu.pack_format<interleaved>} : vector<32xbf16> -> vector<16xf32>
          %parallel_loop3A_969 = tpu.unpack_subelements %parallel_loop3A_967, 1 {pack_format = #tpu.pack_format<interleaved>} : vector<32xbf16> -> vector<16xf32>
          %parallel_loop3A_970 = arith.mulf %parallel_loop3A_968, %parallel_loop3A_961 : vector<16xf32>
          tpu.vector_store_idx %arg17[%parallel_loop3A_962, %add3A_299], %parallel_loop3A_970 : memref<40x128xf32, #tpu.memory_space<vmem>>[vector<16xi32>, vector<16xi32>], vector<16xf32>,
          %parallel_loop3A_971 = arith.mulf %parallel_loop3A_969, %parallel_loop3A_961 : vector<16xf32>
          tpu.vector_store_idx %arg17[%parallel_loop3A_962, %add3A_308], %parallel_loop3A_971 : memref<40x128xf32, #tpu.memory_space<vmem>>[vector<16xi32>, vector<16xi32>], vector<16xf32>,
          %parallel_loop3A_972 = arith.constant 0 : i32
          %parallel_loop3A_973 = arith.addi %parallel_loop3A_972, %parallel_loop3A_957 : i32
          %parallel_loop3A_974 = arith.index_cast %parallel_loop3A_973 : i32 to index
          %parallel_loop3A_975 = arith.constant 32 : index
          %parallel_loop3A_976 = tpu.vector_load %arg16[%parallel_loop3A_974, %parallel_loop3A_975] {strides = array<i32>} : memref<80x128xbf16, #tpu.memory_space<vmem>>, vector<32xbf16>,
          %parallel_loop3A_977 = tpu.unpack_subelements %parallel_loop3A_976, 0 {pack_format = #tpu.pack_format<interleaved>} : vector<32xbf16> -> vector<16xf32>
          %parallel_loop3A_978 = tpu.unpack_subelements %parallel_loop3A_976, 1 {pack_format = #tpu.pack_format<interleaved>} : vector<32xbf16> -> vector<16xf32>
          %parallel_loop3A_979 = arith.mulf %parallel_loop3A_977, %parallel_loop3A_961 : vector<16xf32>
          tpu.vector_store_idx %arg17[%parallel_loop3A_962, %add3A_314], %parallel_loop3A_979 : memref<40x128xf32, #tpu.memory_space<vmem>>[vector<16xi32>, vector<16xi32>], vector<16xf32>,
          %parallel_loop3A_980 = arith.mulf %parallel_loop3A_978, %parallel_loop3A_961 : vector<16xf32>
          tpu.vector_store_idx %arg17[%parallel_loop3A_962, %add3A_323], %parallel_loop3A_980 : memref<40x128xf32, #tpu.memory_space<vmem>>[vector<16xi32>, vector<16xi32>], vector<16xf32>,
          %parallel_loop3A_981 = arith.constant 0 : i32
          %parallel_loop3A_982 = arith.addi %parallel_loop3A_981, %parallel_loop3A_957 : i32
          %parallel_loop3A_983 = arith.index_cast %parallel_loop3A_982 : i32 to index
          %parallel_loop3A_984 = arith.constant 64 : index
          %parallel_loop3A_985 = tpu.vector_load %arg16[%parallel_loop3A_983, %parallel_loop3A_984] {strides = array<i32>} : memref<80x128xbf16, #tpu.memory_space<vmem>>, vector<32xbf16>,
          %parallel_loop3A_986 = tpu.unpack_subelements %parallel_loop3A_985, 0 {pack_format = #tpu.pack_format<interleaved>} : vector<32xbf16> -> vector<16xf32>
          %parallel_loop3A_987 = tpu.unpack_subelements %parallel_loop3A_985, 1 {pack_format = #tpu.pack_format<interleaved>} : vector<32xbf16> -> vector<16xf32>
          %parallel_loop3A_988 = arith.mulf %parallel_loop3A_986, %parallel_loop3A_961 : vector<16xf32>
          tpu.vector_store_idx %arg17[%parallel_loop3A_962, %add3A_329], %parallel_loop3A_988 : memref<40x128xf32, #tpu.memory_space<vmem>>[vector<16xi32>, vector<16xi32>], vector<16xf32>,
          %parallel_loop3A_989 = arith.mulf %parallel_loop3A_987, %parallel_loop3A_961 : vector<16xf32>
          tpu.vector_store_idx %arg17[%parallel_loop3A_962, %add3A_338], %parallel_loop3A_989 : memref<40x128xf32, #tpu.memory_space<vmem>>[vector<16xi32>, vector<16xi32>], vector<16xf32>,
          %parallel_loop3A_990 = arith.constant 0 : i32
          %parallel_loop3A_991 = arith.addi %parallel_loop3A_990, %parallel_loop3A_957 : i32
          %parallel_loop3A_992 = arith.index_cast %parallel_loop3A_991 : i32 to index
          %parallel_loop3A_993 = arith.constant 96 : index
          %parallel_loop3A_994 = tpu.vector_load %arg16[%parallel_loop3A_992, %parallel_loop3A_993] {strides = array<i32>} : memref<80x128xbf16, #tpu.memory_space<vmem>>, vector<32xbf16>,
          %parallel_loop3A_995 = tpu.unpack_subelements %parallel_loop3A_994, 0 {pack_format = #tpu.pack_format<interleaved>} : vector<32xbf16> -> vector<16xf32>
          %parallel_loop3A_996 = tpu.unpack_subelements %parallel_loop3A_994, 1 {pack_format = #tpu.pack_format<interleaved>} : vector<32xbf16> -> vector<16xf32>
          %parallel_loop3A_997 = arith.mulf %parallel_loop3A_995, %parallel_loop3A_961 : vector<16xf32>
          tpu.vector_store_idx %arg17[%parallel_loop3A_962, %add3A_344], %parallel_loop3A_997 : memref<40x128xf32, #tpu.memory_space<vmem>>[vector<16xi32>, vector<16xi32>], vector<16xf32>,
          %parallel_loop3A_998 = arith.mulf %parallel_loop3A_996, %parallel_loop3A_961 : vector<16xf32>
          tpu.vector_store_idx %arg17[%parallel_loop3A_962, %add3A_353], %parallel_loop3A_998 : memref<40x128xf32, #tpu.memory_space<vmem>>[vector<16xi32>, vector<16xi32>], vector<16xf32>,
        } {sc.loop_unroll_factor = 4 : i64, sc.parallel_access}
        %dma_start3A_935 = arith.constant 0 : i32
        %dma_start3A_936 = arith.constant 0 : i32
        %dma_start3A_937 = tpu.memref_slice %arg20[%dma_start3A_935, %dma_start3A_936] : memref<2x40xi32, #tpu.memory_space<vmem>> -> memref<1x40xi32, #tpu.memory_space<vmem>>
        %dma_start3A_938 = tpu.memref_squeeze %dma_start3A_937 : memref<1x40xi32, #tpu.memory_space<vmem>> -> memref<40xi32, #tpu.memory_space<vmem>>
        %dma_start3A_939 = arith.constant 0 : i32
        %dma_start3A_940 = arith.constant 0 : i32
        %dma_start3A_941 = tpu.memref_slice %arg24[%dma_start3A_939, %dma_start3A_940] : memref<10240x128xf32, #tpu.memory_space<vmem_shared>> -> memref<10240x128xf32, #tpu.memory_space<vmem_shared>>
        tpu.enqueue_indirect_dma source(%arg17 : memref<40x128xf32, #tpu.memory_space<vmem>>) target(%dma_start3A_941 : memref<10240x128xf32, #tpu.memory_space<vmem_shared>>) offsets(%dma_start3A_938 : memref<40xi32, #tpu.memory_space<vmem>>) semaphore(%arg27 : memref<!tpu.dma_semaphore, #tpu.memory_space<semaphore_mem>>) {add = true}
        %ge3A_942 = arith.constant 1 : i32
        %ge3A_943 = arith.cmpi sge, %add3A_783, %ge3A_942 : i32
        %convert_element_type3A_944 = arith.extui %ge3A_943 : i1 to i32
        %cond3A_945 = arith.constant 0 : i32
        %cond3A_946 = arith.cmpi ne, %convert_element_type3A_944, %cond3A_945 : i32
        scf.if %cond3A_946 {
          %dma_wait3A_957 = arith.constant 1 : i32
          %dma_wait3A_958 = arith.constant 0 : i32
          %dma_wait3A_959 = tpu.memref_slice %arg20[%dma_wait3A_957, %dma_wait3A_958] : memref<2x40xi32, #tpu.memory_space<vmem>> -> memref<1x40xi32, #tpu.memory_space<vmem>>
          %dma_wait3A_960 = tpu.memref_squeeze %dma_wait3A_959 : memref<1x40xi32, #tpu.memory_space<vmem>> -> memref<40xi32, #tpu.memory_space<vmem>>
          %dma_wait3A_961 = arith.constant 0 : i32
          %dma_wait3A_962 = arith.constant 0 : i32
          %dma_wait3A_963 = tpu.memref_slice %arg24[%dma_wait3A_961, %dma_wait3A_962] : memref<10240x128xf32, #tpu.memory_space<vmem_shared>> -> memref<10240x128xf32, #tpu.memory_space<vmem_shared>>
          tpu.wait_indirect_dma semaphore(%arg27 : memref<!tpu.dma_semaphore, #tpu.memory_space<semaphore_mem>>) src(%arg18 : memref<40x128xf32, #tpu.memory_space<vmem>>) dst(%dma_wait3A_963 : memref<10240x128xf32, #tpu.memory_space<vmem_shared>>)
        } else {
        }
        %parallel_loop3A_947 = arith.constant 0 : i32
        %parallel_loop3A_948 = arith.constant 40 : i32
        %parallel_loop3A_949 = arith.constant 1 : i32
        scf.for %parallel_loop3A_957 = %parallel_loop3A_947 to %parallel_loop3A_948 step %parallel_loop3A_949  : i32 {
          %parallel_loop3A_958 = arith.constant 40 : i32
          %parallel_loop3A_959 = arith.addi %parallel_loop3A_958, %parallel_loop3A_957 : i32
          %parallel_loop3A_960 = vector.broadcast %parallel_loop3A_959 : i32 to vector<16xi32>
          %parallel_loop3A_961 = tpu.vector_load_idx %arg22[%parallel_loop3A_960] : memref<80xf32, #tpu.memory_space<vmem>>[vector<16xi32>], vector<16xf32>,
          %parallel_loop3A_962 = vector.broadcast %parallel_loop3A_957 : i32 to vector<16xi32>
          %parallel_loop3A_963 = arith.constant 40 : i32
          %parallel_loop3A_964 = arith.addi %parallel_loop3A_963, %parallel_loop3A_957 : i32
          %parallel_loop3A_965 = arith.index_cast %parallel_loop3A_964 : i32 to index
          %parallel_loop3A_966 = arith.constant 0 : index
          %parallel_loop3A_967 = tpu.vector_load %arg16[%parallel_loop3A_965, %parallel_loop3A_966] {strides = array<i32>} : memref<80x128xbf16, #tpu.memory_space<vmem>>, vector<32xbf16>,
          %parallel_loop3A_968 = tpu.unpack_subelements %parallel_loop3A_967, 0 {pack_format = #tpu.pack_format<interleaved>} : vector<32xbf16> -> vector<16xf32>
          %parallel_loop3A_969 = tpu.unpack_subelements %parallel_loop3A_967, 1 {pack_format = #tpu.pack_format<interleaved>} : vector<32xbf16> -> vector<16xf32>
          %parallel_loop3A_970 = arith.mulf %parallel_loop3A_968, %parallel_loop3A_961 : vector<16xf32>
          tpu.vector_store_idx %arg18[%parallel_loop3A_962, %add3A_299], %parallel_loop3A_970 : memref<40x128xf32, #tpu.memory_space<vmem>>[vector<16xi32>, vector<16xi32>], vector<16xf32>,
          %parallel_loop3A_971 = arith.mulf %parallel_loop3A_969, %parallel_loop3A_961 : vector<16xf32>
          tpu.vector_store_idx %arg18[%parallel_loop3A_962, %add3A_308], %parallel_loop3A_971 : memref<40x128xf32, #tpu.memory_space<vmem>>[vector<16xi32>, vector<16xi32>], vector<16xf32>,
          %parallel_loop3A_972 = arith.constant 40 : i32
          %parallel_loop3A_973 = arith.addi %parallel_loop3A_972, %parallel_loop3A_957 : i32
          %parallel_loop3A_974 = arith.index_cast %parallel_loop3A_973 : i32 to index
          %parallel_loop3A_975 = arith.constant 32 : index
          %parallel_loop3A_976 = tpu.vector_load %arg16[%parallel_loop3A_974, %parallel_loop3A_975] {strides = array<i32>} : memref<80x128xbf16, #tpu.memory_space<vmem>>, vector<32xbf16>,
          %parallel_loop3A_977 = tpu.unpack_subelements %parallel_loop3A_976, 0 {pack_format = #tpu.pack_format<interleaved>} : vector<32xbf16> -> vector<16xf32>
          %parallel_loop3A_978 = tpu.unpack_subelements %parallel_loop3A_976, 1 {pack_format = #tpu.pack_format<interleaved>} : vector<32xbf16> -> vector<16xf32>
          %parallel_loop3A_979 = arith.mulf %parallel_loop3A_977, %parallel_loop3A_961 : vector<16xf32>
          tpu.vector_store_idx %arg18[%parallel_loop3A_962, %add3A_314], %parallel_loop3A_979 : memref<40x128xf32, #tpu.memory_space<vmem>>[vector<16xi32>, vector<16xi32>], vector<16xf32>,
          %parallel_loop3A_980 = arith.mulf %parallel_loop3A_978, %parallel_loop3A_961 : vector<16xf32>
          tpu.vector_store_idx %arg18[%parallel_loop3A_962, %add3A_323], %parallel_loop3A_980 : memref<40x128xf32, #tpu.memory_space<vmem>>[vector<16xi32>, vector<16xi32>], vector<16xf32>,
          %parallel_loop3A_981 = arith.constant 40 : i32
          %parallel_loop3A_982 = arith.addi %parallel_loop3A_981, %parallel_loop3A_957 : i32
          %parallel_loop3A_983 = arith.index_cast %parallel_loop3A_982 : i32 to index
          %parallel_loop3A_984 = arith.constant 64 : index
          %parallel_loop3A_985 = tpu.vector_load %arg16[%parallel_loop3A_983, %parallel_loop3A_984] {strides = array<i32>} : memref<80x128xbf16, #tpu.memory_space<vmem>>, vector<32xbf16>,
          %parallel_loop3A_986 = tpu.unpack_subelements %parallel_loop3A_985, 0 {pack_format = #tpu.pack_format<interleaved>} : vector<32xbf16> -> vector<16xf32>
          %parallel_loop3A_987 = tpu.unpack_subelements %parallel_loop3A_985, 1 {pack_format = #tpu.pack_format<interleaved>} : vector<32xbf16> -> vector<16xf32>
          %parallel_loop3A_988 = arith.mulf %parallel_loop3A_986, %parallel_loop3A_961 : vector<16xf32>
          tpu.vector_store_idx %arg18[%parallel_loop3A_962, %add3A_329], %parallel_loop3A_988 : memref<40x128xf32, #tpu.memory_space<vmem>>[vector<16xi32>, vector<16xi32>], vector<16xf32>,
          %parallel_loop3A_989 = arith.mulf %parallel_loop3A_987, %parallel_loop3A_961 : vector<16xf32>
          tpu.vector_store_idx %arg18[%parallel_loop3A_962, %add3A_338], %parallel_loop3A_989 : memref<40x128xf32, #tpu.memory_space<vmem>>[vector<16xi32>, vector<16xi32>], vector<16xf32>,
          %parallel_loop3A_990 = arith.constant 40 : i32
          %parallel_loop3A_991 = arith.addi %parallel_loop3A_990, %parallel_loop3A_957 : i32
          %parallel_loop3A_992 = arith.index_cast %parallel_loop3A_991 : i32 to index
          %parallel_loop3A_993 = arith.constant 96 : index
          %parallel_loop3A_994 = tpu.vector_load %arg16[%parallel_loop3A_992, %parallel_loop3A_993] {strides = array<i32>} : memref<80x128xbf16, #tpu.memory_space<vmem>>, vector<32xbf16>,
          %parallel_loop3A_995 = tpu.unpack_subelements %parallel_loop3A_994, 0 {pack_format = #tpu.pack_format<interleaved>} : vector<32xbf16> -> vector<16xf32>
          %parallel_loop3A_996 = tpu.unpack_subelements %parallel_loop3A_994, 1 {pack_format = #tpu.pack_format<interleaved>} : vector<32xbf16> -> vector<16xf32>
          %parallel_loop3A_997 = arith.mulf %parallel_loop3A_995, %parallel_loop3A_961 : vector<16xf32>
          tpu.vector_store_idx %arg18[%parallel_loop3A_962, %add3A_344], %parallel_loop3A_997 : memref<40x128xf32, #tpu.memory_space<vmem>>[vector<16xi32>, vector<16xi32>], vector<16xf32>,
          %parallel_loop3A_998 = arith.mulf %parallel_loop3A_996, %parallel_loop3A_961 : vector<16xf32>
          tpu.vector_store_idx %arg18[%parallel_loop3A_962, %add3A_353], %parallel_loop3A_998 : memref<40x128xf32, #tpu.memory_space<vmem>>[vector<16xi32>, vector<16xi32>], vector<16xf32>,
        } {sc.loop_unroll_factor = 4 : i64, sc.parallel_access}
        %dma_start3A_950 = arith.constant 1 : i32
        %dma_start3A_951 = arith.constant 0 : i32
        %dma_start3A_952 = tpu.memref_slice %arg20[%dma_start3A_950, %dma_start3A_951] : memref<2x40xi32, #tpu.memory_space<vmem>> -> memref<1x40xi32, #tpu.memory_space<vmem>>
        %dma_start3A_953 = tpu.memref_squeeze %dma_start3A_952 : memref<1x40xi32, #tpu.memory_space<vmem>> -> memref<40xi32, #tpu.memory_space<vmem>>
        %dma_start3A_954 = arith.constant 0 : i32
        %dma_start3A_955 = arith.constant 0 : i32
        %dma_start3A_956 = tpu.memref_slice %arg24[%dma_start3A_954, %dma_start3A_955] : memref<10240x128xf32, #tpu.memory_space<vmem_shared>> -> memref<10240x128xf32, #tpu.memory_space<vmem_shared>>
        tpu.enqueue_indirect_dma source(%arg18 : memref<40x128xf32, #tpu.memory_space<vmem>>) target(%dma_start3A_956 : memref<10240x128xf32, #tpu.memory_space<vmem_shared>>) offsets(%dma_start3A_953 : memref<40xi32, #tpu.memory_space<vmem>>) semaphore(%arg27 : memref<!tpu.dma_semaphore, #tpu.memory_space<semaphore_mem>>) {add = true}
      }
      %scan3A_400 = arith.constant 12 : i32
      %dma_wait3A_401 = arith.constant 24 : i32
      %dma_wait3A_402 = arith.constant 0 : i32
      %dma_wait3A_403 = tpu.memref_slice %arg12[%dma_wait3A_401, %dma_wait3A_402] : memref<25x80xi32, #tpu.memory_space<vmem>> -> memref<1x80xi32, #tpu.memory_space<vmem>>
      %dma_wait3A_404 = tpu.memref_squeeze %dma_wait3A_403 : memref<1x80xi32, #tpu.memory_space<vmem>> -> memref<80xi32, #tpu.memory_space<vmem>>
      %dma_wait3A_405 = arith.constant 0 : i32
      %dma_wait3A_406 = arith.constant 0 : i32
      %dma_wait3A_407 = tpu.memref_slice %arg2[%dma_wait3A_405, %dma_wait3A_406] : memref<10000x128xbf16, #tpu.memory_space<hbm>> -> memref<10000x128xbf16, #tpu.memory_space<hbm>>
      tpu.wait_indirect_dma semaphore(%arg26 : memref<!tpu.dma_semaphore, #tpu.memory_space<semaphore_mem>>) src(%dma_wait3A_407 : memref<10000x128xbf16, #tpu.memory_space<hbm>>) dst(%arg15 : memref<80x128xbf16, #tpu.memory_space<vmem>>)
      %dma_wait3A_408 = arith.constant 22 : i32
      %dma_wait3A_409 = arith.constant 0 : i32
      %dma_wait3A_410 = tpu.memref_slice %arg13[%dma_wait3A_408, %dma_wait3A_409] : memref<25x80xi32, #tpu.memory_space<vmem>> -> memref<1x80xi32, #tpu.memory_space<vmem>>
      %dma_wait3A_411 = tpu.memref_squeeze %dma_wait3A_410 : memref<1x80xi32, #tpu.memory_space<vmem>> -> memref<80xi32, #tpu.memory_space<vmem>>
      %dma_wait3A_412 = arith.constant 0 : i32
      %dma_wait3A_413 = tpu.memref_slice %arg25[%dma_wait3A_412] : memref<10240xf32, #tpu.memory_space<vmem_shared>> -> memref<10240xf32, #tpu.memory_space<vmem_shared>>
      tpu.wait_indirect_dma semaphore(%arg28 : memref<!tpu.dma_semaphore, #tpu.memory_space<semaphore_mem>>) src(%arg21 : memref<80xf32, #tpu.memory_space<vmem>>) dst(%dma_wait3A_413 : memref<10240xf32, #tpu.memory_space<vmem_shared>>)
      %get3A = arith.constant 24 : i32
      %get3A_414 = arith.index_cast %get3A : i32 to index
      %get3A_415 = arith.constant 0 : index
      %get3A_416 = tpu.vector_load %arg13[%get3A_414, %get3A_415] {strides = array<i32>} : memref<25x80xi32, #tpu.memory_space<vmem>>, vector<16xi32>,
      %get3A_417 = arith.constant 24 : i32
      %get3A_418 = arith.index_cast %get3A_417 : i32 to index
      %get3A_419 = arith.constant 0 : index
      %get3A_420 = tpu.vector_load %arg12[%get3A_418, %get3A_419] {strides = array<i32>} : memref<25x80xi32, #tpu.memory_space<vmem>>, vector<16xi32>,
      %gather3A = tpu.vector_load_idx %arg10[%get3A_420] : memref<10000xf32, #tpu.memory_space<vmem>>[vector<16xi32>], vector<16xf32>,
      %gather3A_421 = tpu.vector_load_idx %arg11[%get3A_416] : memref<10000xf32, #tpu.memory_space<vmem>>[vector<16xi32>], vector<16xf32>,
      %add3A_422 = arith.addf %gather3A, %gather3A_421 : vector<16xf32>
      %get3A_423 = arith.constant 24 : i32
      %get3A_424 = arith.index_cast %get3A_423 : i32 to index
      %get3A_425 = arith.constant 0 : index
      %get3A_426 = tpu.vector_load %arg14[%get3A_424, %get3A_425] {strides = array<i32>} : memref<25x80xf32, #tpu.memory_space<vmem>>, vector<16xf32>,
      %add3A_427 = arith.addf %add3A_422, %get3A_426 : vector<16xf32>
      %ge3A = arith.constant 0.000000e+00 : f32
      %ge3A_428 = vector.broadcast %ge3A : f32 to vector<16xf32>
      %ge3A_429 = arith.cmpf oge, %add3A_427, %ge3A_428 : vector<16xf32>
      %mul3A_430 = arith.constant 2.000000e-01 : f32
      %mul3A_431 = vector.broadcast %mul3A_430 : f32 to vector<16xf32>
      %mul3A_432 = arith.mulf %add3A_427, %mul3A_431 : vector<16xf32>
      %select_n3A_433 = arith.select %ge3A_429, %add3A_427, %mul3A_432 : vector<16xi1>, vector<16xf32>
      %exp3A = math.exp %select_n3A_433 : vector<16xf32>
      %swap3A_434 = arith.constant 0 : index
      %swap3A_435 = tpu.vector_load %arg21[%swap3A_434] {strides = array<i32>} : memref<80xf32, #tpu.memory_space<vmem>>, vector<16xf32>,
      tpu.vector_store %arg21[%swap3A_434], %exp3A {strides = array<i32>} : memref<80xf32, #tpu.memory_space<vmem>>, vector<16xf32>,
      tpu.vector_store_idx %arg19[%select_n3A, %select_n3A_69], %get3A_416 : memref<2x40xi32, #tpu.memory_space<vmem>>[vector<16xi32>, vector<16xi32>], vector<16xi32>,
      %get3A_436 = arith.constant 24 : i32
      %get3A_437 = arith.index_cast %get3A_436 : i32 to index
      %get3A_438 = arith.constant 16 : index
      %get3A_439 = tpu.vector_load %arg13[%get3A_437, %get3A_438] {strides = array<i32>} : memref<25x80xi32, #tpu.memory_space<vmem>>, vector<16xi32>,
      %get3A_440 = arith.constant 24 : i32
      %get3A_441 = arith.index_cast %get3A_440 : i32 to index
      %get3A_442 = arith.constant 16 : index
      %get3A_443 = tpu.vector_load %arg12[%get3A_441, %get3A_442] {strides = array<i32>} : memref<25x80xi32, #tpu.memory_space<vmem>>, vector<16xi32>,
      %gather3A_444 = tpu.vector_load_idx %arg10[%get3A_443] : memref<10000xf32, #tpu.memory_space<vmem>>[vector<16xi32>], vector<16xf32>,
      %gather3A_445 = tpu.vector_load_idx %arg11[%get3A_439] : memref<10000xf32, #tpu.memory_space<vmem>>[vector<16xi32>], vector<16xf32>,
      %add3A_446 = arith.addf %gather3A_444, %gather3A_445 : vector<16xf32>
      %get3A_447 = arith.constant 24 : i32
      %get3A_448 = arith.index_cast %get3A_447 : i32 to index
      %get3A_449 = arith.constant 16 : index
      %get3A_450 = tpu.vector_load %arg14[%get3A_448, %get3A_449] {strides = array<i32>} : memref<25x80xf32, #tpu.memory_space<vmem>>, vector<16xf32>,
      %add3A_451 = arith.addf %add3A_446, %get3A_450 : vector<16xf32>
      %ge3A_452 = arith.constant 0.000000e+00 : f32
      %ge3A_453 = vector.broadcast %ge3A_452 : f32 to vector<16xf32>
      %ge3A_454 = arith.cmpf oge, %add3A_451, %ge3A_453 : vector<16xf32>
      %mul3A_455 = arith.constant 2.000000e-01 : f32
      %mul3A_456 = vector.broadcast %mul3A_455 : f32 to vector<16xf32>
      %mul3A_457 = arith.mulf %add3A_451, %mul3A_456 : vector<16xf32>
      %select_n3A_458 = arith.select %ge3A_454, %add3A_451, %mul3A_457 : vector<16xi1>, vector<16xf32>
      %exp3A_459 = math.exp %select_n3A_458 : vector<16xf32>
      %swap3A_460 = arith.constant 16 : index
      %swap3A_461 = tpu.vector_load %arg21[%swap3A_460] {strides = array<i32>} : memref<80xf32, #tpu.memory_space<vmem>>, vector<16xf32>,
      tpu.vector_store %arg21[%swap3A_460], %exp3A_459 {strides = array<i32>} : memref<80xf32, #tpu.memory_space<vmem>>, vector<16xf32>,
      tpu.vector_store_idx %arg19[%select_n3A_103, %select_n3A_125], %get3A_439 : memref<2x40xi32, #tpu.memory_space<vmem>>[vector<16xi32>, vector<16xi32>], vector<16xi32>,
      %get3A_462 = arith.constant 24 : i32
      %get3A_463 = arith.index_cast %get3A_462 : i32 to index
      %get3A_464 = arith.constant 32 : index
      %get3A_465 = tpu.vector_load %arg13[%get3A_463, %get3A_464] {strides = array<i32>} : memref<25x80xi32, #tpu.memory_space<vmem>>, vector<16xi32>,
      %get3A_466 = arith.constant 24 : i32
      %get3A_467 = arith.index_cast %get3A_466 : i32 to index
      %get3A_468 = arith.constant 32 : index
      %get3A_469 = tpu.vector_load %arg12[%get3A_467, %get3A_468] {strides = array<i32>} : memref<25x80xi32, #tpu.memory_space<vmem>>, vector<16xi32>,
      %gather3A_470 = tpu.vector_load_idx %arg10[%get3A_469] : memref<10000xf32, #tpu.memory_space<vmem>>[vector<16xi32>], vector<16xf32>,
      %gather3A_471 = tpu.vector_load_idx %arg11[%get3A_465] : memref<10000xf32, #tpu.memory_space<vmem>>[vector<16xi32>], vector<16xf32>,
      %add3A_472 = arith.addf %gather3A_470, %gather3A_471 : vector<16xf32>
      %get3A_473 = arith.constant 24 : i32
      %get3A_474 = arith.index_cast %get3A_473 : i32 to index
      %get3A_475 = arith.constant 32 : index
      %get3A_476 = tpu.vector_load %arg14[%get3A_474, %get3A_475] {strides = array<i32>} : memref<25x80xf32, #tpu.memory_space<vmem>>, vector<16xf32>,
      %add3A_477 = arith.addf %add3A_472, %get3A_476 : vector<16xf32>
      %ge3A_478 = arith.constant 0.000000e+00 : f32
      %ge3A_479 = vector.broadcast %ge3A_478 : f32 to vector<16xf32>
      %ge3A_480 = arith.cmpf oge, %add3A_477, %ge3A_479 : vector<16xf32>
      %mul3A_481 = arith.constant 2.000000e-01 : f32
      %mul3A_482 = vector.broadcast %mul3A_481 : f32 to vector<16xf32>
      %mul3A_483 = arith.mulf %add3A_477, %mul3A_482 : vector<16xf32>
      %select_n3A_484 = arith.select %ge3A_480, %add3A_477, %mul3A_483 : vector<16xi1>, vector<16xf32>
      %exp3A_485 = math.exp %select_n3A_484 : vector<16xf32>
      %swap3A_486 = arith.constant 32 : index
      %swap3A_487 = tpu.vector_load %arg21[%swap3A_486] {strides = array<i32>} : memref<80xf32, #tpu.memory_space<vmem>>, vector<16xf32>,
      tpu.vector_store %arg21[%swap3A_486], %exp3A_485 {strides = array<i32>} : memref<80xf32, #tpu.memory_space<vmem>>, vector<16xf32>,
      tpu.vector_store_idx %arg19[%select_n3A_159, %select_n3A_181], %get3A_465 : memref<2x40xi32, #tpu.memory_space<vmem>>[vector<16xi32>, vector<16xi32>], vector<16xi32>,
      %get3A_488 = arith.constant 24 : i32
      %get3A_489 = arith.index_cast %get3A_488 : i32 to index
      %get3A_490 = arith.constant 48 : index
      %get3A_491 = tpu.vector_load %arg13[%get3A_489, %get3A_490] {strides = array<i32>} : memref<25x80xi32, #tpu.memory_space<vmem>>, vector<16xi32>,
      %get3A_492 = arith.constant 24 : i32
      %get3A_493 = arith.index_cast %get3A_492 : i32 to index
      %get3A_494 = arith.constant 48 : index
      %get3A_495 = tpu.vector_load %arg12[%get3A_493, %get3A_494] {strides = array<i32>} : memref<25x80xi32, #tpu.memory_space<vmem>>, vector<16xi32>,
      %gather3A_496 = tpu.vector_load_idx %arg10[%get3A_495] : memref<10000xf32, #tpu.memory_space<vmem>>[vector<16xi32>], vector<16xf32>,
      %gather3A_497 = tpu.vector_load_idx %arg11[%get3A_491] : memref<10000xf32, #tpu.memory_space<vmem>>[vector<16xi32>], vector<16xf32>,
      %add3A_498 = arith.addf %gather3A_496, %gather3A_497 : vector<16xf32>
      %get3A_499 = arith.constant 24 : i32
      %get3A_500 = arith.index_cast %get3A_499 : i32 to index
      %get3A_501 = arith.constant 48 : index
      %get3A_502 = tpu.vector_load %arg14[%get3A_500, %get3A_501] {strides = array<i32>} : memref<25x80xf32, #tpu.memory_space<vmem>>, vector<16xf32>,
      %add3A_503 = arith.addf %add3A_498, %get3A_502 : vector<16xf32>
      %ge3A_504 = arith.constant 0.000000e+00 : f32
      %ge3A_505 = vector.broadcast %ge3A_504 : f32 to vector<16xf32>
      %ge3A_506 = arith.cmpf oge, %add3A_503, %ge3A_505 : vector<16xf32>
      %mul3A_507 = arith.constant 2.000000e-01 : f32
      %mul3A_508 = vector.broadcast %mul3A_507 : f32 to vector<16xf32>
      %mul3A_509 = arith.mulf %add3A_503, %mul3A_508 : vector<16xf32>
      %select_n3A_510 = arith.select %ge3A_506, %add3A_503, %mul3A_509 : vector<16xi1>, vector<16xf32>
      %exp3A_511 = math.exp %select_n3A_510 : vector<16xf32>
      %swap3A_512 = arith.constant 48 : index
      %swap3A_513 = tpu.vector_load %arg21[%swap3A_512] {strides = array<i32>} : memref<80xf32, #tpu.memory_space<vmem>>, vector<16xf32>,
      tpu.vector_store %arg21[%swap3A_512], %exp3A_511 {strides = array<i32>} : memref<80xf32, #tpu.memory_space<vmem>>, vector<16xf32>,
      tpu.vector_store_idx %arg19[%select_n3A_215, %select_n3A_237], %get3A_491 : memref<2x40xi32, #tpu.memory_space<vmem>>[vector<16xi32>, vector<16xi32>], vector<16xi32>,
      %get3A_514 = arith.constant 24 : i32
      %get3A_515 = arith.index_cast %get3A_514 : i32 to index
      %get3A_516 = arith.constant 64 : index
      %get3A_517 = tpu.vector_load %arg13[%get3A_515, %get3A_516] {strides = array<i32>} : memref<25x80xi32, #tpu.memory_space<vmem>>, vector<16xi32>,
      %get3A_518 = arith.constant 24 : i32
      %get3A_519 = arith.index_cast %get3A_518 : i32 to index
      %get3A_520 = arith.constant 64 : index
      %get3A_521 = tpu.vector_load %arg12[%get3A_519, %get3A_520] {strides = array<i32>} : memref<25x80xi32, #tpu.memory_space<vmem>>, vector<16xi32>,
      %gather3A_522 = tpu.vector_load_idx %arg10[%get3A_521] : memref<10000xf32, #tpu.memory_space<vmem>>[vector<16xi32>], vector<16xf32>,
      %gather3A_523 = tpu.vector_load_idx %arg11[%get3A_517] : memref<10000xf32, #tpu.memory_space<vmem>>[vector<16xi32>], vector<16xf32>,
      %add3A_524 = arith.addf %gather3A_522, %gather3A_523 : vector<16xf32>
      %get3A_525 = arith.constant 24 : i32
      %get3A_526 = arith.index_cast %get3A_525 : i32 to index
      %get3A_527 = arith.constant 64 : index
      %get3A_528 = tpu.vector_load %arg14[%get3A_526, %get3A_527] {strides = array<i32>} : memref<25x80xf32, #tpu.memory_space<vmem>>, vector<16xf32>,
      %add3A_529 = arith.addf %add3A_524, %get3A_528 : vector<16xf32>
      %ge3A_530 = arith.constant 0.000000e+00 : f32
      %ge3A_531 = vector.broadcast %ge3A_530 : f32 to vector<16xf32>
      %ge3A_532 = arith.cmpf oge, %add3A_529, %ge3A_531 : vector<16xf32>
      %mul3A_533 = arith.constant 2.000000e-01 : f32
      %mul3A_534 = vector.broadcast %mul3A_533 : f32 to vector<16xf32>
      %mul3A_535 = arith.mulf %add3A_529, %mul3A_534 : vector<16xf32>
      %select_n3A_536 = arith.select %ge3A_532, %add3A_529, %mul3A_535 : vector<16xi1>, vector<16xf32>
      %exp3A_537 = math.exp %select_n3A_536 : vector<16xf32>
      %swap3A_538 = arith.constant 64 : index
      %swap3A_539 = tpu.vector_load %arg21[%swap3A_538] {strides = array<i32>} : memref<80xf32, #tpu.memory_space<vmem>>, vector<16xf32>,
      tpu.vector_store %arg21[%swap3A_538], %exp3A_537 {strides = array<i32>} : memref<80xf32, #tpu.memory_space<vmem>>, vector<16xf32>,
      tpu.vector_store_idx %arg19[%select_n3A_271, %select_n3A_293], %get3A_517 : memref<2x40xi32, #tpu.memory_space<vmem>>[vector<16xi32>, vector<16xi32>], vector<16xi32>,
      %dma_start3A = arith.constant 24 : i32
      %dma_start3A_540 = arith.constant 0 : i32
      %dma_start3A_541 = tpu.memref_slice %arg13[%dma_start3A, %dma_start3A_540] : memref<25x80xi32, #tpu.memory_space<vmem>> -> memref<1x80xi32, #tpu.memory_space<vmem>>
      %dma_start3A_542 = tpu.memref_squeeze %dma_start3A_541 : memref<1x80xi32, #tpu.memory_space<vmem>> -> memref<80xi32, #tpu.memory_space<vmem>>
      %dma_start3A_543 = arith.constant 0 : i32
      %dma_start3A_544 = tpu.memref_slice %arg25[%dma_start3A_543] : memref<10240xf32, #tpu.memory_space<vmem_shared>> -> memref<10240xf32, #tpu.memory_space<vmem_shared>>
      tpu.enqueue_indirect_dma source(%arg21 : memref<80xf32, #tpu.memory_space<vmem>>) target(%dma_start3A_544 : memref<10240xf32, #tpu.memory_space<vmem_shared>>) offsets(%dma_start3A_542 : memref<80xi32, #tpu.memory_space<vmem>>) semaphore(%arg28 : memref<!tpu.dma_semaphore, #tpu.memory_space<semaphore_mem>>) {add = true}
      %dma_wait3A_545 = arith.constant 0 : i32
      %dma_wait3A_546 = arith.constant 0 : i32
      %dma_wait3A_547 = tpu.memref_slice %arg19[%dma_wait3A_545, %dma_wait3A_546] : memref<2x40xi32, #tpu.memory_space<vmem>> -> memref<1x40xi32, #tpu.memory_space<vmem>>
      %dma_wait3A_548 = tpu.memref_squeeze %dma_wait3A_547 : memref<1x40xi32, #tpu.memory_space<vmem>> -> memref<40xi32, #tpu.memory_space<vmem>>
      %dma_wait3A_549 = arith.constant 0 : i32
      %dma_wait3A_550 = arith.constant 0 : i32
      %dma_wait3A_551 = tpu.memref_slice %arg24[%dma_wait3A_549, %dma_wait3A_550] : memref<10240x128xf32, #tpu.memory_space<vmem_shared>> -> memref<10240x128xf32, #tpu.memory_space<vmem_shared>>
      tpu.wait_indirect_dma semaphore(%arg27 : memref<!tpu.dma_semaphore, #tpu.memory_space<semaphore_mem>>) src(%arg17 : memref<40x128xf32, #tpu.memory_space<vmem>>) dst(%dma_wait3A_551 : memref<10240x128xf32, #tpu.memory_space<vmem_shared>>)
      %parallel_loop3A = arith.constant 0 : i32
      %parallel_loop3A_552 = arith.constant 40 : i32
      %parallel_loop3A_553 = arith.constant 1 : i32
      scf.for %parallel_loop3A_604 = %parallel_loop3A to %parallel_loop3A_552 step %parallel_loop3A_553  : i32 {
        %parallel_loop3A_605 = arith.constant 0 : i32
        %parallel_loop3A_606 = arith.addi %parallel_loop3A_605, %parallel_loop3A_604 : i32
        %parallel_loop3A_607 = vector.broadcast %parallel_loop3A_606 : i32 to vector<16xi32>
        %parallel_loop3A_608 = tpu.vector_load_idx %arg21[%parallel_loop3A_607] : memref<80xf32, #tpu.memory_space<vmem>>[vector<16xi32>], vector<16xf32>,
        %parallel_loop3A_609 = vector.broadcast %parallel_loop3A_604 : i32 to vector<16xi32>
        %parallel_loop3A_610 = arith.constant 0 : i32
        %parallel_loop3A_611 = arith.addi %parallel_loop3A_610, %parallel_loop3A_604 : i32
        %parallel_loop3A_612 = arith.index_cast %parallel_loop3A_611 : i32 to index
        %parallel_loop3A_613 = arith.constant 0 : index
        %parallel_loop3A_614 = tpu.vector_load %arg15[%parallel_loop3A_612, %parallel_loop3A_613] {strides = array<i32>} : memref<80x128xbf16, #tpu.memory_space<vmem>>, vector<32xbf16>,
        %parallel_loop3A_615 = tpu.unpack_subelements %parallel_loop3A_614, 0 {pack_format = #tpu.pack_format<interleaved>} : vector<32xbf16> -> vector<16xf32>
        %parallel_loop3A_616 = tpu.unpack_subelements %parallel_loop3A_614, 1 {pack_format = #tpu.pack_format<interleaved>} : vector<32xbf16> -> vector<16xf32>
        %parallel_loop3A_617 = arith.mulf %parallel_loop3A_615, %parallel_loop3A_608 : vector<16xf32>
        tpu.vector_store_idx %arg17[%parallel_loop3A_609, %add3A_299], %parallel_loop3A_617 : memref<40x128xf32, #tpu.memory_space<vmem>>[vector<16xi32>, vector<16xi32>], vector<16xf32>,
        %parallel_loop3A_618 = arith.mulf %parallel_loop3A_616, %parallel_loop3A_608 : vector<16xf32>
        tpu.vector_store_idx %arg17[%parallel_loop3A_609, %add3A_308], %parallel_loop3A_618 : memref<40x128xf32, #tpu.memory_space<vmem>>[vector<16xi32>, vector<16xi32>], vector<16xf32>,
        %parallel_loop3A_619 = arith.constant 0 : i32
        %parallel_loop3A_620 = arith.addi %parallel_loop3A_619, %parallel_loop3A_604 : i32
        %parallel_loop3A_621 = arith.index_cast %parallel_loop3A_620 : i32 to index
        %parallel_loop3A_622 = arith.constant 32 : index
        %parallel_loop3A_623 = tpu.vector_load %arg15[%parallel_loop3A_621, %parallel_loop3A_622] {strides = array<i32>} : memref<80x128xbf16, #tpu.memory_space<vmem>>, vector<32xbf16>,
        %parallel_loop3A_624 = tpu.unpack_subelements %parallel_loop3A_623, 0 {pack_format = #tpu.pack_format<interleaved>} : vector<32xbf16> -> vector<16xf32>
        %parallel_loop3A_625 = tpu.unpack_subelements %parallel_loop3A_623, 1 {pack_format = #tpu.pack_format<interleaved>} : vector<32xbf16> -> vector<16xf32>
        %parallel_loop3A_626 = arith.mulf %parallel_loop3A_624, %parallel_loop3A_608 : vector<16xf32>
        tpu.vector_store_idx %arg17[%parallel_loop3A_609, %add3A_314], %parallel_loop3A_626 : memref<40x128xf32, #tpu.memory_space<vmem>>[vector<16xi32>, vector<16xi32>], vector<16xf32>,
        %parallel_loop3A_627 = arith.mulf %parallel_loop3A_625, %parallel_loop3A_608 : vector<16xf32>
        tpu.vector_store_idx %arg17[%parallel_loop3A_609, %add3A_323], %parallel_loop3A_627 : memref<40x128xf32, #tpu.memory_space<vmem>>[vector<16xi32>, vector<16xi32>], vector<16xf32>,
        %parallel_loop3A_628 = arith.constant 0 : i32
        %parallel_loop3A_629 = arith.addi %parallel_loop3A_628, %parallel_loop3A_604 : i32
        %parallel_loop3A_630 = arith.index_cast %parallel_loop3A_629 : i32 to index
        %parallel_loop3A_631 = arith.constant 64 : index
        %parallel_loop3A_632 = tpu.vector_load %arg15[%parallel_loop3A_630, %parallel_loop3A_631] {strides = array<i32>} : memref<80x128xbf16, #tpu.memory_space<vmem>>, vector<32xbf16>,
        %parallel_loop3A_633 = tpu.unpack_subelements %parallel_loop3A_632, 0 {pack_format = #tpu.pack_format<interleaved>} : vector<32xbf16> -> vector<16xf32>
        %parallel_loop3A_634 = tpu.unpack_subelements %parallel_loop3A_632, 1 {pack_format = #tpu.pack_format<interleaved>} : vector<32xbf16> -> vector<16xf32>
        %parallel_loop3A_635 = arith.mulf %parallel_loop3A_633, %parallel_loop3A_608 : vector<16xf32>
        tpu.vector_store_idx %arg17[%parallel_loop3A_609, %add3A_329], %parallel_loop3A_635 : memref<40x128xf32, #tpu.memory_space<vmem>>[vector<16xi32>, vector<16xi32>], vector<16xf32>,
        %parallel_loop3A_636 = arith.mulf %parallel_loop3A_634, %parallel_loop3A_608 : vector<16xf32>
        tpu.vector_store_idx %arg17[%parallel_loop3A_609, %add3A_338], %parallel_loop3A_636 : memref<40x128xf32, #tpu.memory_space<vmem>>[vector<16xi32>, vector<16xi32>], vector<16xf32>,
        %parallel_loop3A_637 = arith.constant 0 : i32
        %parallel_loop3A_638 = arith.addi %parallel_loop3A_637, %parallel_loop3A_604 : i32
        %parallel_loop3A_639 = arith.index_cast %parallel_loop3A_638 : i32 to index
        %parallel_loop3A_640 = arith.constant 96 : index
        %parallel_loop3A_641 = tpu.vector_load %arg15[%parallel_loop3A_639, %parallel_loop3A_640] {strides = array<i32>} : memref<80x128xbf16, #tpu.memory_space<vmem>>, vector<32xbf16>,
        %parallel_loop3A_642 = tpu.unpack_subelements %parallel_loop3A_641, 0 {pack_format = #tpu.pack_format<interleaved>} : vector<32xbf16> -> vector<16xf32>
        %parallel_loop3A_643 = tpu.unpack_subelements %parallel_loop3A_641, 1 {pack_format = #tpu.pack_format<interleaved>} : vector<32xbf16> -> vector<16xf32>
        %parallel_loop3A_644 = arith.mulf %parallel_loop3A_642, %parallel_loop3A_608 : vector<16xf32>
        tpu.vector_store_idx %arg17[%parallel_loop3A_609, %add3A_344], %parallel_loop3A_644 : memref<40x128xf32, #tpu.memory_space<vmem>>[vector<16xi32>, vector<16xi32>], vector<16xf32>,
        %parallel_loop3A_645 = arith.mulf %parallel_loop3A_643, %parallel_loop3A_608 : vector<16xf32>
        tpu.vector_store_idx %arg17[%parallel_loop3A_609, %add3A_353], %parallel_loop3A_645 : memref<40x128xf32, #tpu.memory_space<vmem>>[vector<16xi32>, vector<16xi32>], vector<16xf32>,
      } {sc.loop_unroll_factor = 4 : i64, sc.parallel_access}
      %dma_start3A_554 = arith.constant 0 : i32
      %dma_start3A_555 = arith.constant 0 : i32
      %dma_start3A_556 = tpu.memref_slice %arg19[%dma_start3A_554, %dma_start3A_555] : memref<2x40xi32, #tpu.memory_space<vmem>> -> memref<1x40xi32, #tpu.memory_space<vmem>>
      %dma_start3A_557 = tpu.memref_squeeze %dma_start3A_556 : memref<1x40xi32, #tpu.memory_space<vmem>> -> memref<40xi32, #tpu.memory_space<vmem>>
      %dma_start3A_558 = arith.constant 0 : i32
      %dma_start3A_559 = arith.constant 0 : i32
      %dma_start3A_560 = tpu.memref_slice %arg24[%dma_start3A_558, %dma_start3A_559] : memref<10240x128xf32, #tpu.memory_space<vmem_shared>> -> memref<10240x128xf32, #tpu.memory_space<vmem_shared>>
      tpu.enqueue_indirect_dma source(%arg17 : memref<40x128xf32, #tpu.memory_space<vmem>>) target(%dma_start3A_560 : memref<10240x128xf32, #tpu.memory_space<vmem_shared>>) offsets(%dma_start3A_557 : memref<40xi32, #tpu.memory_space<vmem>>) semaphore(%arg27 : memref<!tpu.dma_semaphore, #tpu.memory_space<semaphore_mem>>) {add = true}
      %dma_wait3A_561 = arith.constant 1 : i32
      %dma_wait3A_562 = arith.constant 0 : i32
      %dma_wait3A_563 = tpu.memref_slice %arg19[%dma_wait3A_561, %dma_wait3A_562] : memref<2x40xi32, #tpu.memory_space<vmem>> -> memref<1x40xi32, #tpu.memory_space<vmem>>
      %dma_wait3A_564 = tpu.memref_squeeze %dma_wait3A_563 : memref<1x40xi32, #tpu.memory_space<vmem>> -> memref<40xi32, #tpu.memory_space<vmem>>
      %dma_wait3A_565 = arith.constant 0 : i32
      %dma_wait3A_566 = arith.constant 0 : i32
      %dma_wait3A_567 = tpu.memref_slice %arg24[%dma_wait3A_565, %dma_wait3A_566] : memref<10240x128xf32, #tpu.memory_space<vmem_shared>> -> memref<10240x128xf32, #tpu.memory_space<vmem_shared>>
      tpu.wait_indirect_dma semaphore(%arg27 : memref<!tpu.dma_semaphore, #tpu.memory_space<semaphore_mem>>) src(%arg18 : memref<40x128xf32, #tpu.memory_space<vmem>>) dst(%dma_wait3A_567 : memref<10240x128xf32, #tpu.memory_space<vmem_shared>>)
      %parallel_loop3A_568 = arith.constant 0 : i32
      %parallel_loop3A_569 = arith.constant 40 : i32
      %parallel_loop3A_570 = arith.constant 1 : i32
      scf.for %parallel_loop3A_604 = %parallel_loop3A_568 to %parallel_loop3A_569 step %parallel_loop3A_570  : i32 {
        %parallel_loop3A_605 = arith.constant 40 : i32
        %parallel_loop3A_606 = arith.addi %parallel_loop3A_605, %parallel_loop3A_604 : i32
        %parallel_loop3A_607 = vector.broadcast %parallel_loop3A_606 : i32 to vector<16xi32>
        %parallel_loop3A_608 = tpu.vector_load_idx %arg21[%parallel_loop3A_607] : memref<80xf32, #tpu.memory_space<vmem>>[vector<16xi32>], vector<16xf32>,
        %parallel_loop3A_609 = vector.broadcast %parallel_loop3A_604 : i32 to vector<16xi32>
        %parallel_loop3A_610 = arith.constant 40 : i32
        %parallel_loop3A_611 = arith.addi %parallel_loop3A_610, %parallel_loop3A_604 : i32
        %parallel_loop3A_612 = arith.index_cast %parallel_loop3A_611 : i32 to index
        %parallel_loop3A_613 = arith.constant 0 : index
        %parallel_loop3A_614 = tpu.vector_load %arg15[%parallel_loop3A_612, %parallel_loop3A_613] {strides = array<i32>} : memref<80x128xbf16, #tpu.memory_space<vmem>>, vector<32xbf16>,
        %parallel_loop3A_615 = tpu.unpack_subelements %parallel_loop3A_614, 0 {pack_format = #tpu.pack_format<interleaved>} : vector<32xbf16> -> vector<16xf32>
        %parallel_loop3A_616 = tpu.unpack_subelements %parallel_loop3A_614, 1 {pack_format = #tpu.pack_format<interleaved>} : vector<32xbf16> -> vector<16xf32>
        %parallel_loop3A_617 = arith.mulf %parallel_loop3A_615, %parallel_loop3A_608 : vector<16xf32>
        tpu.vector_store_idx %arg18[%parallel_loop3A_609, %add3A_299], %parallel_loop3A_617 : memref<40x128xf32, #tpu.memory_space<vmem>>[vector<16xi32>, vector<16xi32>], vector<16xf32>,
        %parallel_loop3A_618 = arith.mulf %parallel_loop3A_616, %parallel_loop3A_608 : vector<16xf32>
        tpu.vector_store_idx %arg18[%parallel_loop3A_609, %add3A_308], %parallel_loop3A_618 : memref<40x128xf32, #tpu.memory_space<vmem>>[vector<16xi32>, vector<16xi32>], vector<16xf32>,
        %parallel_loop3A_619 = arith.constant 40 : i32
        %parallel_loop3A_620 = arith.addi %parallel_loop3A_619, %parallel_loop3A_604 : i32
        %parallel_loop3A_621 = arith.index_cast %parallel_loop3A_620 : i32 to index
        %parallel_loop3A_622 = arith.constant 32 : index
        %parallel_loop3A_623 = tpu.vector_load %arg15[%parallel_loop3A_621, %parallel_loop3A_622] {strides = array<i32>} : memref<80x128xbf16, #tpu.memory_space<vmem>>, vector<32xbf16>,
        %parallel_loop3A_624 = tpu.unpack_subelements %parallel_loop3A_623, 0 {pack_format = #tpu.pack_format<interleaved>} : vector<32xbf16> -> vector<16xf32>
        %parallel_loop3A_625 = tpu.unpack_subelements %parallel_loop3A_623, 1 {pack_format = #tpu.pack_format<interleaved>} : vector<32xbf16> -> vector<16xf32>
        %parallel_loop3A_626 = arith.mulf %parallel_loop3A_624, %parallel_loop3A_608 : vector<16xf32>
        tpu.vector_store_idx %arg18[%parallel_loop3A_609, %add3A_314], %parallel_loop3A_626 : memref<40x128xf32, #tpu.memory_space<vmem>>[vector<16xi32>, vector<16xi32>], vector<16xf32>,
        %parallel_loop3A_627 = arith.mulf %parallel_loop3A_625, %parallel_loop3A_608 : vector<16xf32>
        tpu.vector_store_idx %arg18[%parallel_loop3A_609, %add3A_323], %parallel_loop3A_627 : memref<40x128xf32, #tpu.memory_space<vmem>>[vector<16xi32>, vector<16xi32>], vector<16xf32>,
        %parallel_loop3A_628 = arith.constant 40 : i32
        %parallel_loop3A_629 = arith.addi %parallel_loop3A_628, %parallel_loop3A_604 : i32
        %parallel_loop3A_630 = arith.index_cast %parallel_loop3A_629 : i32 to index
        %parallel_loop3A_631 = arith.constant 64 : index
        %parallel_loop3A_632 = tpu.vector_load %arg15[%parallel_loop3A_630, %parallel_loop3A_631] {strides = array<i32>} : memref<80x128xbf16, #tpu.memory_space<vmem>>, vector<32xbf16>,
        %parallel_loop3A_633 = tpu.unpack_subelements %parallel_loop3A_632, 0 {pack_format = #tpu.pack_format<interleaved>} : vector<32xbf16> -> vector<16xf32>
        %parallel_loop3A_634 = tpu.unpack_subelements %parallel_loop3A_632, 1 {pack_format = #tpu.pack_format<interleaved>} : vector<32xbf16> -> vector<16xf32>
        %parallel_loop3A_635 = arith.mulf %parallel_loop3A_633, %parallel_loop3A_608 : vector<16xf32>
        tpu.vector_store_idx %arg18[%parallel_loop3A_609, %add3A_329], %parallel_loop3A_635 : memref<40x128xf32, #tpu.memory_space<vmem>>[vector<16xi32>, vector<16xi32>], vector<16xf32>,
        %parallel_loop3A_636 = arith.mulf %parallel_loop3A_634, %parallel_loop3A_608 : vector<16xf32>
        tpu.vector_store_idx %arg18[%parallel_loop3A_609, %add3A_338], %parallel_loop3A_636 : memref<40x128xf32, #tpu.memory_space<vmem>>[vector<16xi32>, vector<16xi32>], vector<16xf32>,
        %parallel_loop3A_637 = arith.constant 40 : i32
        %parallel_loop3A_638 = arith.addi %parallel_loop3A_637, %parallel_loop3A_604 : i32
        %parallel_loop3A_639 = arith.index_cast %parallel_loop3A_638 : i32 to index
        %parallel_loop3A_640 = arith.constant 96 : index
        %parallel_loop3A_641 = tpu.vector_load %arg15[%parallel_loop3A_639, %parallel_loop3A_640] {strides = array<i32>} : memref<80x128xbf16, #tpu.memory_space<vmem>>, vector<32xbf16>,
        %parallel_loop3A_642 = tpu.unpack_subelements %parallel_loop3A_641, 0 {pack_format = #tpu.pack_format<interleaved>} : vector<32xbf16> -> vector<16xf32>
        %parallel_loop3A_643 = tpu.unpack_subelements %parallel_loop3A_641, 1 {pack_format = #tpu.pack_format<interleaved>} : vector<32xbf16> -> vector<16xf32>
        %parallel_loop3A_644 = arith.mulf %parallel_loop3A_642, %parallel_loop3A_608 : vector<16xf32>
        tpu.vector_store_idx %arg18[%parallel_loop3A_609, %add3A_344], %parallel_loop3A_644 : memref<40x128xf32, #tpu.memory_space<vmem>>[vector<16xi32>, vector<16xi32>], vector<16xf32>,
        %parallel_loop3A_645 = arith.mulf %parallel_loop3A_643, %parallel_loop3A_608 : vector<16xf32>
        tpu.vector_store_idx %arg18[%parallel_loop3A_609, %add3A_353], %parallel_loop3A_645 : memref<40x128xf32, #tpu.memory_space<vmem>>[vector<16xi32>, vector<16xi32>], vector<16xf32>,
      } {sc.loop_unroll_factor = 4 : i64, sc.parallel_access}
      %dma_start3A_571 = arith.constant 1 : i32
      %dma_start3A_572 = arith.constant 0 : i32
      %dma_start3A_573 = tpu.memref_slice %arg19[%dma_start3A_571, %dma_start3A_572] : memref<2x40xi32, #tpu.memory_space<vmem>> -> memref<1x40xi32, #tpu.memory_space<vmem>>
      %dma_start3A_574 = tpu.memref_squeeze %dma_start3A_573 : memref<1x40xi32, #tpu.memory_space<vmem>> -> memref<40xi32, #tpu.memory_space<vmem>>
      %dma_start3A_575 = arith.constant 0 : i32
      %dma_start3A_576 = arith.constant 0 : i32
      %dma_start3A_577 = tpu.memref_slice %arg24[%dma_start3A_575, %dma_start3A_576] : memref<10240x128xf32, #tpu.memory_space<vmem_shared>> -> memref<10240x128xf32, #tpu.memory_space<vmem_shared>>
      tpu.enqueue_indirect_dma source(%arg18 : memref<40x128xf32, #tpu.memory_space<vmem>>) target(%dma_start3A_577 : memref<10240x128xf32, #tpu.memory_space<vmem_shared>>) offsets(%dma_start3A_574 : memref<40xi32, #tpu.memory_space<vmem>>) semaphore(%arg27 : memref<!tpu.dma_semaphore, #tpu.memory_space<semaphore_mem>>) {add = true}
      %dma_wait3A_578 = arith.constant 0 : i32
      %dma_wait3A_579 = arith.constant 0 : i32
      %dma_wait3A_580 = tpu.memref_slice %arg19[%dma_wait3A_578, %dma_wait3A_579] : memref<2x40xi32, #tpu.memory_space<vmem>> -> memref<1x40xi32, #tpu.memory_space<vmem>>
      %dma_wait3A_581 = tpu.memref_squeeze %dma_wait3A_580 : memref<1x40xi32, #tpu.memory_space<vmem>> -> memref<40xi32, #tpu.memory_space<vmem>>
      %dma_wait3A_582 = arith.constant 0 : i32
      %dma_wait3A_583 = arith.constant 0 : i32
      %dma_wait3A_584 = tpu.memref_slice %arg24[%dma_wait3A_582, %dma_wait3A_583] : memref<10240x128xf32, #tpu.memory_space<vmem_shared>> -> memref<10240x128xf32, #tpu.memory_space<vmem_shared>>
      tpu.wait_indirect_dma semaphore(%arg27 : memref<!tpu.dma_semaphore, #tpu.memory_space<semaphore_mem>>) src(%arg17 : memref<40x128xf32, #tpu.memory_space<vmem>>) dst(%dma_wait3A_584 : memref<10240x128xf32, #tpu.memory_space<vmem_shared>>)
      %dma_wait3A_585 = arith.constant 1 : i32
      %dma_wait3A_586 = arith.constant 0 : i32
      %dma_wait3A_587 = tpu.memref_slice %arg19[%dma_wait3A_585, %dma_wait3A_586] : memref<2x40xi32, #tpu.memory_space<vmem>> -> memref<1x40xi32, #tpu.memory_space<vmem>>
      %dma_wait3A_588 = tpu.memref_squeeze %dma_wait3A_587 : memref<1x40xi32, #tpu.memory_space<vmem>> -> memref<40xi32, #tpu.memory_space<vmem>>
      %dma_wait3A_589 = arith.constant 0 : i32
      %dma_wait3A_590 = arith.constant 0 : i32
      %dma_wait3A_591 = tpu.memref_slice %arg24[%dma_wait3A_589, %dma_wait3A_590] : memref<10240x128xf32, #tpu.memory_space<vmem_shared>> -> memref<10240x128xf32, #tpu.memory_space<vmem_shared>>
      tpu.wait_indirect_dma semaphore(%arg27 : memref<!tpu.dma_semaphore, #tpu.memory_space<semaphore_mem>>) src(%arg18 : memref<40x128xf32, #tpu.memory_space<vmem>>) dst(%dma_wait3A_591 : memref<10240x128xf32, #tpu.memory_space<vmem_shared>>)
      %dma_wait3A_592 = arith.constant 23 : i32
      %dma_wait3A_593 = arith.constant 0 : i32
      %dma_wait3A_594 = tpu.memref_slice %arg13[%dma_wait3A_592, %dma_wait3A_593] : memref<25x80xi32, #tpu.memory_space<vmem>> -> memref<1x80xi32, #tpu.memory_space<vmem>>
      %dma_wait3A_595 = tpu.memref_squeeze %dma_wait3A_594 : memref<1x80xi32, #tpu.memory_space<vmem>> -> memref<80xi32, #tpu.memory_space<vmem>>
      %dma_wait3A_596 = arith.constant 0 : i32
      %dma_wait3A_597 = tpu.memref_slice %arg25[%dma_wait3A_596] : memref<10240xf32, #tpu.memory_space<vmem_shared>> -> memref<10240xf32, #tpu.memory_space<vmem_shared>>
      tpu.wait_indirect_dma semaphore(%arg28 : memref<!tpu.dma_semaphore, #tpu.memory_space<semaphore_mem>>) src(%arg22 : memref<80xf32, #tpu.memory_space<vmem>>) dst(%dma_wait3A_597 : memref<10240xf32, #tpu.memory_space<vmem_shared>>)
      %dma_wait3A_598 = arith.constant 24 : i32
      %dma_wait3A_599 = arith.constant 0 : i32
      %dma_wait3A_600 = tpu.memref_slice %arg13[%dma_wait3A_598, %dma_wait3A_599] : memref<25x80xi32, #tpu.memory_space<vmem>> -> memref<1x80xi32, #tpu.memory_space<vmem>>
      %dma_wait3A_601 = tpu.memref_squeeze %dma_wait3A_600 : memref<1x80xi32, #tpu.memory_space<vmem>> -> memref<80xi32, #tpu.memory_space<vmem>>
      %dma_wait3A_602 = arith.constant 0 : i32
      %dma_wait3A_603 = tpu.memref_slice %arg25[%dma_wait3A_602] : memref<10240xf32, #tpu.memory_space<vmem_shared>> -> memref<10240xf32, #tpu.memory_space<vmem_shared>>
      tpu.wait_indirect_dma semaphore(%arg28 : memref<!tpu.dma_semaphore, #tpu.memory_space<semaphore_mem>>) src(%arg21 : memref<80xf32, #tpu.memory_space<vmem>>) dst(%dma_wait3A_603 : memref<10240xf32, #tpu.memory_space<vmem_shared>>)
    }
    %scan3A_358 = arith.constant 5 : i32
    %barrier3A_359 = arith.constant 0 : index
    tpu.barrier barrier_id(%barrier3A_359)
    "tpu.region"() ({
      %run_scoped3A = tpu.sem_alloc : memref<!tpu.dma_semaphore, #tpu.memory_space<semaphore_mem>>
      %dma_start3A = tpu.memref_slice %arg25[%multiple_of3A] : memref<10240xf32, #tpu.memory_space<vmem_shared>> -> memref<640xf32, #tpu.memory_space<vmem_shared>>
      %dma_start3A_387 = tpu.memref_slice %arg25[%multiple_of3A] : memref<10240xf32, #tpu.memory_space<vmem_shared>> -> memref<640xf32, #tpu.memory_space<vmem_shared>>
      tpu.enqueue_dma source(%dma_start3A_387 : memref<640xf32, #tpu.memory_space<vmem_shared>>) target(%arg23 : memref<640xf32, #tpu.memory_space<vmem>>) target_semaphore(%run_scoped3A : memref<!tpu.dma_semaphore, #tpu.memory_space<semaphore_mem>>)
      %dma_wait3A_388 = tpu.memref_slice %arg25[%multiple_of3A] : memref<10240xf32, #tpu.memory_space<vmem_shared>> -> memref<640xf32, #tpu.memory_space<vmem_shared>>
      %dma_wait3A_389 = tpu.memref_slice %arg25[%multiple_of3A] : memref<10240xf32, #tpu.memory_space<vmem_shared>> -> memref<640xf32, #tpu.memory_space<vmem_shared>>
      tpu.wait_dma2 semaphore(%run_scoped3A : memref<!tpu.dma_semaphore, #tpu.memory_space<semaphore_mem>>) src(%dma_wait3A_389 : memref<640xf32, #tpu.memory_space<vmem_shared>>) dst(%arg23 : memref<640xf32, #tpu.memory_space<vmem>>)
      tpu.yield
    }) : () -> ()
    %broadcast_in_dim3A_360 = arith.constant 2129859011 : i32
    %broadcast_in_dim3A_361 = vector.broadcast %broadcast_in_dim3A_360 : i32 to vector<16xi32>
    %broadcast_in_dim3A_362 = arith.constant 2.000000e+00 : f32
    %broadcast_in_dim3A_363 = vector.broadcast %broadcast_in_dim3A_362 : f32 to vector<16xf32>
    %broadcast_in_dim3A_364 = arith.constant 1.000000e+00 : f32
    %broadcast_in_dim3A_365 = vector.broadcast %broadcast_in_dim3A_364 : f32 to vector<16xf32>
    %scan3A_366 = arith.constant 0 : i32
    %scan3A_367 = arith.constant 40 : i32
    %scan3A_368 = arith.addi %scan3A_366, %scan3A_367 : i32
    %scan3A_369 = arith.constant 1 : i32
    scf.for %scan3A_387 = %scan3A_366 to %scan3A_368 step %scan3A_369  : i32 {
      %mul3A_388 = arith.constant 16 : i32
      %mul3A_389 = arith.muli %scan3A_387, %mul3A_388 : i32
      %get3A = arith.index_cast %mul3A_389 : i32 to index
      %get3A_390 = tpu.vector_load %arg23[%get3A] {strides = array<i32>} : memref<640xf32, #tpu.memory_space<vmem>>, vector<16xf32>,
      %eq3A_391 = arith.constant 0.000000e+00 : f32
      %eq3A_392 = vector.broadcast %eq3A_391 : f32 to vector<16xf32>
      %eq3A_393 = arith.cmpf oeq, %get3A_390, %eq3A_392 : vector<16xf32>
      %select_n3A_394 = arith.select %eq3A_393, %broadcast_in_dim3A_365, %get3A_390 : vector<16xi1>, vector<16xf32>
      %bitcast3A = vector.bitcast %select_n3A_394 : vector<16xf32> to vector<16xi32>
      %sub3A_395 = arith.subi %broadcast_in_dim3A_361, %bitcast3A : vector<16xi32>
      %bitcast3A_396 = vector.bitcast %sub3A_395 : vector<16xi32> to vector<16xf32>
      %mul3A_397 = arith.mulf %select_n3A_394, %bitcast3A_396 : vector<16xf32>
      %sub3A_398 = arith.subf %broadcast_in_dim3A_363, %mul3A_397 : vector<16xf32>
      %mul3A_399 = arith.mulf %bitcast3A_396, %sub3A_398 : vector<16xf32>
      %mul3A_400 = arith.mulf %select_n3A_394, %mul3A_399 : vector<16xf32>
      %sub3A_401 = arith.subf %broadcast_in_dim3A_363, %mul3A_400 : vector<16xf32>
      %mul3A_402 = arith.mulf %mul3A_399, %sub3A_401 : vector<16xf32>
      %mul3A_403 = arith.mulf %select_n3A_394, %mul3A_402 : vector<16xf32>
      %sub3A_404 = arith.subf %broadcast_in_dim3A_363, %mul3A_403 : vector<16xf32>
      %mul3A_405 = arith.mulf %mul3A_402, %sub3A_404 : vector<16xf32>
      %swap3A_406 = arith.index_cast %mul3A_389 : i32 to index
      %swap3A_407 = tpu.vector_load %arg23[%swap3A_406] {strides = array<i32>} : memref<640xf32, #tpu.memory_space<vmem>>, vector<16xf32>,
      tpu.vector_store %arg23[%swap3A_406], %mul3A_405 {strides = array<i32>} : memref<640xf32, #tpu.memory_space<vmem>>, vector<16xf32>,
    }
    %scan3A_370 = arith.constant 40 : i32
    %mul3A_371 = arith.constant 128 : i32
    %mul3A_372 = arith.muli %arg0, %mul3A_371 : i32
    %multiple_of3A_373 = tpu.assume_multiple %mul3A_372, 128 : i32
    %eq3A_374 = arith.constant 15 : i32
    %eq3A_375 = arith.cmpi eq, %arg1, %eq3A_374 : i32
    %jit3A_376 = arith.constant 10 : i32
    %jit3A_377 = arith.constant 16 : i32
    %select_n3A_378 = arith.select %eq3A_375, %jit3A_376, %jit3A_377 : i32
    %scan3A_379 = arith.constant 0 : i32
    %scan3A_380 = arith.constant 16 : i32
    %scan3A_381 = arith.addi %scan3A_379, %scan3A_380 : i32
    %scan3A_382 = arith.constant 1 : i32
    scf.for %scan3A_387 = %scan3A_379 to %scan3A_381 step %scan3A_382  : i32 {
      %lt3A_388 = arith.cmpi slt, %scan3A_387, %select_n3A_378 : i32
      %convert_element_type3A = arith.extui %lt3A_388 : i1 to i32
      %cond3A = arith.constant 0 : i32
      %cond3A_389 = arith.cmpi ne, %convert_element_type3A, %cond3A : i32
      scf.if %cond3A_389 {
        %jit3A_390 = arith.constant 2 : i32
        %eq3A_391 = arith.constant 0 : i32
        %eq3A_392 = arith.cmpi eq, %jit3A_390, %eq3A_391 : i32
        %jit3A_393 = arith.constant 1 : i32
        %select_n3A_394 = arith.select %eq3A_392, %jit3A_393, %jit3A_390 : i32
        %rem3A_395 = arith.remsi %scan3A_387, %select_n3A_394 : i32
        %ne3A_396 = arith.constant 0 : i32
        %ne3A_397 = arith.cmpi ne, %rem3A_395, %ne3A_396 : i32
        %lt3A_398 = arith.constant 0 : i32
        %lt3A_399 = arith.cmpi slt, %rem3A_395, %lt3A_398 : i32
        %lt3A_400 = arith.constant 0 : i32
        %lt3A_401 = arith.cmpi slt, %select_n3A_394, %lt3A_400 : i32
        %ne3A_402 = arith.xori %lt3A_399, %lt3A_401 : i1
        %and3A_403 = arith.andi %ne3A_402, %ne3A_397 : i1
        %add3A_404 = arith.addi %rem3A_395, %select_n3A_394 : i32
        %select_n3A_405 = arith.select %and3A_403, %add3A_404, %rem3A_395 : i32
        %eq3A_406 = arith.constant 0 : i32
        %eq3A_407 = arith.cmpi eq, %select_n3A_405, %eq3A_406 : i32
        %convert_element_type3A_408 = arith.extui %eq3A_407 : i1 to i32
        %cond3A_409 = arith.constant 0 : i32
        %cond3A_410 = arith.cmpi ne, %convert_element_type3A_408, %cond3A_409 : i32
        scf.if %cond3A_410 {
          %ge3A = arith.constant 2 : i32
          %ge3A_432 = arith.cmpi sge, %scan3A_387, %ge3A : i32
          %convert_element_type3A_433 = arith.extui %ge3A_432 : i1 to i32
          %cond3A_434 = arith.constant 0 : i32
          %cond3A_435 = arith.cmpi ne, %convert_element_type3A_433, %cond3A_434 : i32
          scf.if %cond3A_435 {
            %dma_wait3A_445 = tpu.memref_slice %arg9[%multiple_of3A, %multiple_of3A_373] : memref<10000x256xf32, #tpu.memory_space<hbm>> -> memref<40x128xf32, #tpu.memory_space<hbm>>
            %dma_wait3A_446 = tpu.memref_slice %arg9[%multiple_of3A, %multiple_of3A_373] : memref<10000x256xf32, #tpu.memory_space<hbm>> -> memref<40x128xf32, #tpu.memory_space<hbm>>
            tpu.wait_dma2 semaphore(%arg27 : memref<!tpu.dma_semaphore, #tpu.memory_space<semaphore_mem>>) src(%arg17 : memref<40x128xf32, #tpu.memory_space<vmem>>) dst(%dma_wait3A_446 : memref<40x128xf32, #tpu.memory_space<hbm>>)
          } else {
          }
          %mul3A_436 = arith.constant 40 : i32
          %mul3A_437 = arith.muli %scan3A_387, %mul3A_436 : i32
          %add3A_438 = arith.addi %multiple_of3A, %mul3A_437 : i32
          "tpu.region"() ({
            %run_scoped3A = tpu.sem_alloc : memref<!tpu.dma_semaphore, #tpu.memory_space<semaphore_mem>>
            %dma_start3A_445 = arith.constant 0 : i32
            %dma_start3A_446 = tpu.memref_slice %arg24[%add3A_438, %dma_start3A_445] : memref<10240x128xf32, #tpu.memory_space<vmem_shared>> -> memref<40x128xf32, #tpu.memory_space<vmem_shared>>
            %dma_start3A_447 = arith.constant 0 : i32
            %dma_start3A_448 = tpu.memref_slice %arg24[%add3A_438, %dma_start3A_447] : memref<10240x128xf32, #tpu.memory_space<vmem_shared>> -> memref<40x128xf32, #tpu.memory_space<vmem_shared>>
            tpu.enqueue_dma source(%dma_start3A_448 : memref<40x128xf32, #tpu.memory_space<vmem_shared>>) target(%arg17 : memref<40x128xf32, #tpu.memory_space<vmem>>) target_semaphore(%run_scoped3A : memref<!tpu.dma_semaphore, #tpu.memory_space<semaphore_mem>>)
            %dma_wait3A_449 = arith.constant 0 : i32
            %dma_wait3A_450 = tpu.memref_slice %arg24[%add3A_438, %dma_wait3A_449] : memref<10240x128xf32, #tpu.memory_space<vmem_shared>> -> memref<40x128xf32, #tpu.memory_space<vmem_shared>>
            %dma_wait3A_451 = arith.constant 0 : i32
            %dma_wait3A_452 = tpu.memref_slice %arg24[%add3A_438, %dma_wait3A_451] : memref<10240x128xf32, #tpu.memory_space<vmem_shared>> -> memref<40x128xf32, #tpu.memory_space<vmem_shared>>
            tpu.wait_dma2 semaphore(%run_scoped3A : memref<!tpu.dma_semaphore, #tpu.memory_space<semaphore_mem>>) src(%dma_wait3A_452 : memref<40x128xf32, #tpu.memory_space<vmem_shared>>) dst(%arg17 : memref<40x128xf32, #tpu.memory_space<vmem>>)
            tpu.yield
          }) : () -> ()
          %parallel_loop3A = arith.constant 0 : i32
          %parallel_loop3A_439 = arith.constant 40 : i32
          %parallel_loop3A_440 = arith.constant 1 : i32
          scf.for %parallel_loop3A_445 = %parallel_loop3A to %parallel_loop3A_439 step %parallel_loop3A_440  : i32 {
            %parallel_loop3A_446 = vector.broadcast %parallel_loop3A_445 : i32 to vector<16xi32>
            %parallel_loop3A_447 = arith.constant 40 : i32
            %parallel_loop3A_448 = arith.muli %scan3A_387, %parallel_loop3A_447 : i32
            %parallel_loop3A_449 = vector.broadcast %parallel_loop3A_448 : i32 to vector<16xi32>
            %parallel_loop3A_450 = arith.addi %parallel_loop3A_446, %parallel_loop3A_449 : vector<16xi32>
            %parallel_loop3A_451 = tpu.vector_load_idx %arg23[%parallel_loop3A_450] : memref<640xf32, #tpu.memory_space<vmem>>[vector<16xi32>], vector<16xf32>,
            %parallel_loop3A_452 = arith.index_cast %parallel_loop3A_445 : i32 to index
            %parallel_loop3A_453 = arith.constant 0 : index
            %parallel_loop3A_454 = tpu.vector_load %arg17[%parallel_loop3A_452, %parallel_loop3A_453] {strides = array<i32>} : memref<40x128xf32, #tpu.memory_space<vmem>>, vector<16xf32>,
            %parallel_loop3A_455 = arith.mulf %parallel_loop3A_454, %parallel_loop3A_451 : vector<16xf32>
            %parallel_loop3A_456 = arith.index_cast %parallel_loop3A_445 : i32 to index
            %parallel_loop3A_457 = arith.constant 0 : index
            %parallel_loop3A_458 = tpu.vector_load %arg17[%parallel_loop3A_456, %parallel_loop3A_457] {strides = array<i32>} : memref<40x128xf32, #tpu.memory_space<vmem>>, vector<16xf32>,
            tpu.vector_store %arg17[%parallel_loop3A_456, %parallel_loop3A_457], %parallel_loop3A_455 {strides = array<i32>} : memref<40x128xf32, #tpu.memory_space<vmem>>, vector<16xf32>,
            %parallel_loop3A_459 = arith.index_cast %parallel_loop3A_445 : i32 to index
            %parallel_loop3A_460 = arith.constant 16 : index
            %parallel_loop3A_461 = tpu.vector_load %arg17[%parallel_loop3A_459, %parallel_loop3A_460] {strides = array<i32>} : memref<40x128xf32, #tpu.memory_space<vmem>>, vector<16xf32>,
            %parallel_loop3A_462 = arith.mulf %parallel_loop3A_461, %parallel_loop3A_451 : vector<16xf32>
            %parallel_loop3A_463 = arith.index_cast %parallel_loop3A_445 : i32 to index
            %parallel_loop3A_464 = arith.constant 16 : index
            %parallel_loop3A_465 = tpu.vector_load %arg17[%parallel_loop3A_463, %parallel_loop3A_464] {strides = array<i32>} : memref<40x128xf32, #tpu.memory_space<vmem>>, vector<16xf32>,
            tpu.vector_store %arg17[%parallel_loop3A_463, %parallel_loop3A_464], %parallel_loop3A_462 {strides = array<i32>} : memref<40x128xf32, #tpu.memory_space<vmem>>, vector<16xf32>,
            %parallel_loop3A_466 = arith.index_cast %parallel_loop3A_445 : i32 to index
            %parallel_loop3A_467 = arith.constant 32 : index
            %parallel_loop3A_468 = tpu.vector_load %arg17[%parallel_loop3A_466, %parallel_loop3A_467] {strides = array<i32>} : memref<40x128xf32, #tpu.memory_space<vmem>>, vector<16xf32>,
            %parallel_loop3A_469 = arith.mulf %parallel_loop3A_468, %parallel_loop3A_451 : vector<16xf32>
            %parallel_loop3A_470 = arith.index_cast %parallel_loop3A_445 : i32 to index
            %parallel_loop3A_471 = arith.constant 32 : index
            %parallel_loop3A_472 = tpu.vector_load %arg17[%parallel_loop3A_470, %parallel_loop3A_471] {strides = array<i32>} : memref<40x128xf32, #tpu.memory_space<vmem>>, vector<16xf32>,
            tpu.vector_store %arg17[%parallel_loop3A_470, %parallel_loop3A_471], %parallel_loop3A_469 {strides = array<i32>} : memref<40x128xf32, #tpu.memory_space<vmem>>, vector<16xf32>,
            %parallel_loop3A_473 = arith.index_cast %parallel_loop3A_445 : i32 to index
            %parallel_loop3A_474 = arith.constant 48 : index
            %parallel_loop3A_475 = tpu.vector_load %arg17[%parallel_loop3A_473, %parallel_loop3A_474] {strides = array<i32>} : memref<40x128xf32, #tpu.memory_space<vmem>>, vector<16xf32>,
            %parallel_loop3A_476 = arith.mulf %parallel_loop3A_475, %parallel_loop3A_451 : vector<16xf32>
            %parallel_loop3A_477 = arith.index_cast %parallel_loop3A_445 : i32 to index
            %parallel_loop3A_478 = arith.constant 48 : index
            %parallel_loop3A_479 = tpu.vector_load %arg17[%parallel_loop3A_477, %parallel_loop3A_478] {strides = array<i32>} : memref<40x128xf32, #tpu.memory_space<vmem>>, vector<16xf32>,
            tpu.vector_store %arg17[%parallel_loop3A_477, %parallel_loop3A_478], %parallel_loop3A_476 {strides = array<i32>} : memref<40x128xf32, #tpu.memory_space<vmem>>, vector<16xf32>,
            %parallel_loop3A_480 = arith.index_cast %parallel_loop3A_445 : i32 to index
            %parallel_loop3A_481 = arith.constant 64 : index
            %parallel_loop3A_482 = tpu.vector_load %arg17[%parallel_loop3A_480, %parallel_loop3A_481] {strides = array<i32>} : memref<40x128xf32, #tpu.memory_space<vmem>>, vector<16xf32>,
            %parallel_loop3A_483 = arith.mulf %parallel_loop3A_482, %parallel_loop3A_451 : vector<16xf32>
            %parallel_loop3A_484 = arith.index_cast %parallel_loop3A_445 : i32 to index
            %parallel_loop3A_485 = arith.constant 64 : index
            %parallel_loop3A_486 = tpu.vector_load %arg17[%parallel_loop3A_484, %parallel_loop3A_485] {strides = array<i32>} : memref<40x128xf32, #tpu.memory_space<vmem>>, vector<16xf32>,
            tpu.vector_store %arg17[%parallel_loop3A_484, %parallel_loop3A_485], %parallel_loop3A_483 {strides = array<i32>} : memref<40x128xf32, #tpu.memory_space<vmem>>, vector<16xf32>,
            %parallel_loop3A_487 = arith.index_cast %parallel_loop3A_445 : i32 to index
            %parallel_loop3A_488 = arith.constant 80 : index
            %parallel_loop3A_489 = tpu.vector_load %arg17[%parallel_loop3A_487, %parallel_loop3A_488] {strides = array<i32>} : memref<40x128xf32, #tpu.memory_space<vmem>>, vector<16xf32>,
            %parallel_loop3A_490 = arith.mulf %parallel_loop3A_489, %parallel_loop3A_451 : vector<16xf32>
            %parallel_loop3A_491 = arith.index_cast %parallel_loop3A_445 : i32 to index
            %parallel_loop3A_492 = arith.constant 80 : index
            %parallel_loop3A_493 = tpu.vector_load %arg17[%parallel_loop3A_491, %parallel_loop3A_492] {strides = array<i32>} : memref<40x128xf32, #tpu.memory_space<vmem>>, vector<16xf32>,
            tpu.vector_store %arg17[%parallel_loop3A_491, %parallel_loop3A_492], %parallel_loop3A_490 {strides = array<i32>} : memref<40x128xf32, #tpu.memory_space<vmem>>, vector<16xf32>,
            %parallel_loop3A_494 = arith.index_cast %parallel_loop3A_445 : i32 to index
            %parallel_loop3A_495 = arith.constant 96 : index
            %parallel_loop3A_496 = tpu.vector_load %arg17[%parallel_loop3A_494, %parallel_loop3A_495] {strides = array<i32>} : memref<40x128xf32, #tpu.memory_space<vmem>>, vector<16xf32>,
            %parallel_loop3A_497 = arith.mulf %parallel_loop3A_496, %parallel_loop3A_451 : vector<16xf32>
            %parallel_loop3A_498 = arith.index_cast %parallel_loop3A_445 : i32 to index
            %parallel_loop3A_499 = arith.constant 96 : index
            %parallel_loop3A_500 = tpu.vector_load %arg17[%parallel_loop3A_498, %parallel_loop3A_499] {strides = array<i32>} : memref<40x128xf32, #tpu.memory_space<vmem>>, vector<16xf32>,
            tpu.vector_store %arg17[%parallel_loop3A_498, %parallel_loop3A_499], %parallel_loop3A_497 {strides = array<i32>} : memref<40x128xf32, #tpu.memory_space<vmem>>, vector<16xf32>,
            %parallel_loop3A_501 = arith.index_cast %parallel_loop3A_445 : i32 to index
            %parallel_loop3A_502 = arith.constant 112 : index
            %parallel_loop3A_503 = tpu.vector_load %arg17[%parallel_loop3A_501, %parallel_loop3A_502] {strides = array<i32>} : memref<40x128xf32, #tpu.memory_space<vmem>>, vector<16xf32>,
            %parallel_loop3A_504 = arith.mulf %parallel_loop3A_503, %parallel_loop3A_451 : vector<16xf32>
            %parallel_loop3A_505 = arith.index_cast %parallel_loop3A_445 : i32 to index
            %parallel_loop3A_506 = arith.constant 112 : index
            %parallel_loop3A_507 = tpu.vector_load %arg17[%parallel_loop3A_505, %parallel_loop3A_506] {strides = array<i32>} : memref<40x128xf32, #tpu.memory_space<vmem>>, vector<16xf32>,
            tpu.vector_store %arg17[%parallel_loop3A_505, %parallel_loop3A_506], %parallel_loop3A_504 {strides = array<i32>} : memref<40x128xf32, #tpu.memory_space<vmem>>, vector<16xf32>,
          } {sc.loop_unroll_factor = 4 : i64, sc.parallel_access}
          %mul3A_441 = arith.constant 40 : i32
          %mul3A_442 = arith.muli %scan3A_387, %mul3A_441 : i32
          %add3A_443 = arith.addi %multiple_of3A, %mul3A_442 : i32
          %dma_start3A = tpu.memref_slice %arg9[%add3A_443, %multiple_of3A_373] : memref<10000x256xf32, #tpu.memory_space<hbm>> -> memref<40x128xf32, #tpu.memory_space<hbm>>
          %dma_start3A_444 = tpu.memref_slice %arg9[%add3A_443, %multiple_of3A_373] : memref<10000x256xf32, #tpu.memory_space<hbm>> -> memref<40x128xf32, #tpu.memory_space<hbm>>
          tpu.enqueue_dma source(%arg17 : memref<40x128xf32, #tpu.memory_space<vmem>>) target(%dma_start3A_444 : memref<40x128xf32, #tpu.memory_space<hbm>>) target_semaphore(%arg27 : memref<!tpu.dma_semaphore, #tpu.memory_space<semaphore_mem>>)
        } else {
        }
        %jit3A_411 = arith.constant 2 : i32
        %eq3A_412 = arith.constant 0 : i32
        %eq3A_413 = arith.cmpi eq, %jit3A_411, %eq3A_412 : i32
        %jit3A_414 = arith.constant 1 : i32
        %select_n3A_415 = arith.select %eq3A_413, %jit3A_414, %jit3A_411 : i32
        %rem3A_416 = arith.remsi %scan3A_387, %select_n3A_415 : i32
        %ne3A_417 = arith.constant 0 : i32
        %ne3A_418 = arith.cmpi ne, %rem3A_416, %ne3A_417 : i32
        %lt3A_419 = arith.constant 0 : i32
        %lt3A_420 = arith.cmpi slt, %rem3A_416, %lt3A_419 : i32
        %lt3A_421 = arith.constant 0 : i32
        %lt3A_422 = arith.cmpi slt, %select_n3A_415, %lt3A_421 : i32
        %ne3A_423 = arith.xori %lt3A_420, %lt3A_422 : i1
        %and3A_424 = arith.andi %ne3A_423, %ne3A_418 : i1
        %add3A_425 = arith.addi %rem3A_416, %select_n3A_415 : i32
        %select_n3A_426 = arith.select %and3A_424, %add3A_425, %rem3A_416 : i32
        %eq3A_427 = arith.constant 1 : i32
        %eq3A_428 = arith.cmpi eq, %select_n3A_426, %eq3A_427 : i32
        %convert_element_type3A_429 = arith.extui %eq3A_428 : i1 to i32
        %cond3A_430 = arith.constant 0 : i32
        %cond3A_431 = arith.cmpi ne, %convert_element_type3A_429, %cond3A_430 : i32
        scf.if %cond3A_431 {
          %ge3A = arith.constant 2 : i32
          %ge3A_432 = arith.cmpi sge, %scan3A_387, %ge3A : i32
          %convert_element_type3A_433 = arith.extui %ge3A_432 : i1 to i32
          %cond3A_434 = arith.constant 0 : i32
          %cond3A_435 = arith.cmpi ne, %convert_element_type3A_433, %cond3A_434 : i32
          scf.if %cond3A_435 {
            %dma_wait3A_445 = tpu.memref_slice %arg9[%multiple_of3A, %multiple_of3A_373] : memref<10000x256xf32, #tpu.memory_space<hbm>> -> memref<40x128xf32, #tpu.memory_space<hbm>>
            %dma_wait3A_446 = tpu.memref_slice %arg9[%multiple_of3A, %multiple_of3A_373] : memref<10000x256xf32, #tpu.memory_space<hbm>> -> memref<40x128xf32, #tpu.memory_space<hbm>>
            tpu.wait_dma2 semaphore(%arg27 : memref<!tpu.dma_semaphore, #tpu.memory_space<semaphore_mem>>) src(%arg18 : memref<40x128xf32, #tpu.memory_space<vmem>>) dst(%dma_wait3A_446 : memref<40x128xf32, #tpu.memory_space<hbm>>)
          } else {
          }
          %mul3A_436 = arith.constant 40 : i32
          %mul3A_437 = arith.muli %scan3A_387, %mul3A_436 : i32
          %add3A_438 = arith.addi %multiple_of3A, %mul3A_437 : i32
          "tpu.region"() ({
            %run_scoped3A = tpu.sem_alloc : memref<!tpu.dma_semaphore, #tpu.memory_space<semaphore_mem>>
            %dma_start3A_445 = arith.constant 0 : i32
            %dma_start3A_446 = tpu.memref_slice %arg24[%add3A_438, %dma_start3A_445] : memref<10240x128xf32, #tpu.memory_space<vmem_shared>> -> memref<40x128xf32, #tpu.memory_space<vmem_shared>>
            %dma_start3A_447 = arith.constant 0 : i32
            %dma_start3A_448 = tpu.memref_slice %arg24[%add3A_438, %dma_start3A_447] : memref<10240x128xf32, #tpu.memory_space<vmem_shared>> -> memref<40x128xf32, #tpu.memory_space<vmem_shared>>
            tpu.enqueue_dma source(%dma_start3A_448 : memref<40x128xf32, #tpu.memory_space<vmem_shared>>) target(%arg18 : memref<40x128xf32, #tpu.memory_space<vmem>>) target_semaphore(%run_scoped3A : memref<!tpu.dma_semaphore, #tpu.memory_space<semaphore_mem>>)
            %dma_wait3A_449 = arith.constant 0 : i32
            %dma_wait3A_450 = tpu.memref_slice %arg24[%add3A_438, %dma_wait3A_449] : memref<10240x128xf32, #tpu.memory_space<vmem_shared>> -> memref<40x128xf32, #tpu.memory_space<vmem_shared>>
            %dma_wait3A_451 = arith.constant 0 : i32
            %dma_wait3A_452 = tpu.memref_slice %arg24[%add3A_438, %dma_wait3A_451] : memref<10240x128xf32, #tpu.memory_space<vmem_shared>> -> memref<40x128xf32, #tpu.memory_space<vmem_shared>>
            tpu.wait_dma2 semaphore(%run_scoped3A : memref<!tpu.dma_semaphore, #tpu.memory_space<semaphore_mem>>) src(%dma_wait3A_452 : memref<40x128xf32, #tpu.memory_space<vmem_shared>>) dst(%arg18 : memref<40x128xf32, #tpu.memory_space<vmem>>)
            tpu.yield
          }) : () -> ()
          %parallel_loop3A = arith.constant 0 : i32
          %parallel_loop3A_439 = arith.constant 40 : i32
          %parallel_loop3A_440 = arith.constant 1 : i32
          scf.for %parallel_loop3A_445 = %parallel_loop3A to %parallel_loop3A_439 step %parallel_loop3A_440  : i32 {
            %parallel_loop3A_446 = vector.broadcast %parallel_loop3A_445 : i32 to vector<16xi32>
            %parallel_loop3A_447 = arith.constant 40 : i32
            %parallel_loop3A_448 = arith.muli %scan3A_387, %parallel_loop3A_447 : i32
            %parallel_loop3A_449 = vector.broadcast %parallel_loop3A_448 : i32 to vector<16xi32>
            %parallel_loop3A_450 = arith.addi %parallel_loop3A_446, %parallel_loop3A_449 : vector<16xi32>
            %parallel_loop3A_451 = tpu.vector_load_idx %arg23[%parallel_loop3A_450] : memref<640xf32, #tpu.memory_space<vmem>>[vector<16xi32>], vector<16xf32>,
            %parallel_loop3A_452 = arith.index_cast %parallel_loop3A_445 : i32 to index
            %parallel_loop3A_453 = arith.constant 0 : index
            %parallel_loop3A_454 = tpu.vector_load %arg18[%parallel_loop3A_452, %parallel_loop3A_453] {strides = array<i32>} : memref<40x128xf32, #tpu.memory_space<vmem>>, vector<16xf32>,
            %parallel_loop3A_455 = arith.mulf %parallel_loop3A_454, %parallel_loop3A_451 : vector<16xf32>
            %parallel_loop3A_456 = arith.index_cast %parallel_loop3A_445 : i32 to index
            %parallel_loop3A_457 = arith.constant 0 : index
            %parallel_loop3A_458 = tpu.vector_load %arg18[%parallel_loop3A_456, %parallel_loop3A_457] {strides = array<i32>} : memref<40x128xf32, #tpu.memory_space<vmem>>, vector<16xf32>,
            tpu.vector_store %arg18[%parallel_loop3A_456, %parallel_loop3A_457], %parallel_loop3A_455 {strides = array<i32>} : memref<40x128xf32, #tpu.memory_space<vmem>>, vector<16xf32>,
            %parallel_loop3A_459 = arith.index_cast %parallel_loop3A_445 : i32 to index
            %parallel_loop3A_460 = arith.constant 16 : index
            %parallel_loop3A_461 = tpu.vector_load %arg18[%parallel_loop3A_459, %parallel_loop3A_460] {strides = array<i32>} : memref<40x128xf32, #tpu.memory_space<vmem>>, vector<16xf32>,
            %parallel_loop3A_462 = arith.mulf %parallel_loop3A_461, %parallel_loop3A_451 : vector<16xf32>
            %parallel_loop3A_463 = arith.index_cast %parallel_loop3A_445 : i32 to index
            %parallel_loop3A_464 = arith.constant 16 : index
            %parallel_loop3A_465 = tpu.vector_load %arg18[%parallel_loop3A_463, %parallel_loop3A_464] {strides = array<i32>} : memref<40x128xf32, #tpu.memory_space<vmem>>, vector<16xf32>,
            tpu.vector_store %arg18[%parallel_loop3A_463, %parallel_loop3A_464], %parallel_loop3A_462 {strides = array<i32>} : memref<40x128xf32, #tpu.memory_space<vmem>>, vector<16xf32>,
            %parallel_loop3A_466 = arith.index_cast %parallel_loop3A_445 : i32 to index
            %parallel_loop3A_467 = arith.constant 32 : index
            %parallel_loop3A_468 = tpu.vector_load %arg18[%parallel_loop3A_466, %parallel_loop3A_467] {strides = array<i32>} : memref<40x128xf32, #tpu.memory_space<vmem>>, vector<16xf32>,
            %parallel_loop3A_469 = arith.mulf %parallel_loop3A_468, %parallel_loop3A_451 : vector<16xf32>
            %parallel_loop3A_470 = arith.index_cast %parallel_loop3A_445 : i32 to index
            %parallel_loop3A_471 = arith.constant 32 : index
            %parallel_loop3A_472 = tpu.vector_load %arg18[%parallel_loop3A_470, %parallel_loop3A_471] {strides = array<i32>} : memref<40x128xf32, #tpu.memory_space<vmem>>, vector<16xf32>,
            tpu.vector_store %arg18[%parallel_loop3A_470, %parallel_loop3A_471], %parallel_loop3A_469 {strides = array<i32>} : memref<40x128xf32, #tpu.memory_space<vmem>>, vector<16xf32>,
            %parallel_loop3A_473 = arith.index_cast %parallel_loop3A_445 : i32 to index
            %parallel_loop3A_474 = arith.constant 48 : index
            %parallel_loop3A_475 = tpu.vector_load %arg18[%parallel_loop3A_473, %parallel_loop3A_474] {strides = array<i32>} : memref<40x128xf32, #tpu.memory_space<vmem>>, vector<16xf32>,
            %parallel_loop3A_476 = arith.mulf %parallel_loop3A_475, %parallel_loop3A_451 : vector<16xf32>
            %parallel_loop3A_477 = arith.index_cast %parallel_loop3A_445 : i32 to index
            %parallel_loop3A_478 = arith.constant 48 : index
            %parallel_loop3A_479 = tpu.vector_load %arg18[%parallel_loop3A_477, %parallel_loop3A_478] {strides = array<i32>} : memref<40x128xf32, #tpu.memory_space<vmem>>, vector<16xf32>,
            tpu.vector_store %arg18[%parallel_loop3A_477, %parallel_loop3A_478], %parallel_loop3A_476 {strides = array<i32>} : memref<40x128xf32, #tpu.memory_space<vmem>>, vector<16xf32>,
            %parallel_loop3A_480 = arith.index_cast %parallel_loop3A_445 : i32 to index
            %parallel_loop3A_481 = arith.constant 64 : index
            %parallel_loop3A_482 = tpu.vector_load %arg18[%parallel_loop3A_480, %parallel_loop3A_481] {strides = array<i32>} : memref<40x128xf32, #tpu.memory_space<vmem>>, vector<16xf32>,
            %parallel_loop3A_483 = arith.mulf %parallel_loop3A_482, %parallel_loop3A_451 : vector<16xf32>
            %parallel_loop3A_484 = arith.index_cast %parallel_loop3A_445 : i32 to index
            %parallel_loop3A_485 = arith.constant 64 : index
            %parallel_loop3A_486 = tpu.vector_load %arg18[%parallel_loop3A_484, %parallel_loop3A_485] {strides = array<i32>} : memref<40x128xf32, #tpu.memory_space<vmem>>, vector<16xf32>,
            tpu.vector_store %arg18[%parallel_loop3A_484, %parallel_loop3A_485], %parallel_loop3A_483 {strides = array<i32>} : memref<40x128xf32, #tpu.memory_space<vmem>>, vector<16xf32>,
            %parallel_loop3A_487 = arith.index_cast %parallel_loop3A_445 : i32 to index
            %parallel_loop3A_488 = arith.constant 80 : index
            %parallel_loop3A_489 = tpu.vector_load %arg18[%parallel_loop3A_487, %parallel_loop3A_488] {strides = array<i32>} : memref<40x128xf32, #tpu.memory_space<vmem>>, vector<16xf32>,
            %parallel_loop3A_490 = arith.mulf %parallel_loop3A_489, %parallel_loop3A_451 : vector<16xf32>
            %parallel_loop3A_491 = arith.index_cast %parallel_loop3A_445 : i32 to index
            %parallel_loop3A_492 = arith.constant 80 : index
            %parallel_loop3A_493 = tpu.vector_load %arg18[%parallel_loop3A_491, %parallel_loop3A_492] {strides = array<i32>} : memref<40x128xf32, #tpu.memory_space<vmem>>, vector<16xf32>,
            tpu.vector_store %arg18[%parallel_loop3A_491, %parallel_loop3A_492], %parallel_loop3A_490 {strides = array<i32>} : memref<40x128xf32, #tpu.memory_space<vmem>>, vector<16xf32>,
            %parallel_loop3A_494 = arith.index_cast %parallel_loop3A_445 : i32 to index
            %parallel_loop3A_495 = arith.constant 96 : index
            %parallel_loop3A_496 = tpu.vector_load %arg18[%parallel_loop3A_494, %parallel_loop3A_495] {strides = array<i32>} : memref<40x128xf32, #tpu.memory_space<vmem>>, vector<16xf32>,
            %parallel_loop3A_497 = arith.mulf %parallel_loop3A_496, %parallel_loop3A_451 : vector<16xf32>
            %parallel_loop3A_498 = arith.index_cast %parallel_loop3A_445 : i32 to index
            %parallel_loop3A_499 = arith.constant 96 : index
            %parallel_loop3A_500 = tpu.vector_load %arg18[%parallel_loop3A_498, %parallel_loop3A_499] {strides = array<i32>} : memref<40x128xf32, #tpu.memory_space<vmem>>, vector<16xf32>,
            tpu.vector_store %arg18[%parallel_loop3A_498, %parallel_loop3A_499], %parallel_loop3A_497 {strides = array<i32>} : memref<40x128xf32, #tpu.memory_space<vmem>>, vector<16xf32>,
            %parallel_loop3A_501 = arith.index_cast %parallel_loop3A_445 : i32 to index
            %parallel_loop3A_502 = arith.constant 112 : index
            %parallel_loop3A_503 = tpu.vector_load %arg18[%parallel_loop3A_501, %parallel_loop3A_502] {strides = array<i32>} : memref<40x128xf32, #tpu.memory_space<vmem>>, vector<16xf32>,
            %parallel_loop3A_504 = arith.mulf %parallel_loop3A_503, %parallel_loop3A_451 : vector<16xf32>
            %parallel_loop3A_505 = arith.index_cast %parallel_loop3A_445 : i32 to index
            %parallel_loop3A_506 = arith.constant 112 : index
            %parallel_loop3A_507 = tpu.vector_load %arg18[%parallel_loop3A_505, %parallel_loop3A_506] {strides = array<i32>} : memref<40x128xf32, #tpu.memory_space<vmem>>, vector<16xf32>,
            tpu.vector_store %arg18[%parallel_loop3A_505, %parallel_loop3A_506], %parallel_loop3A_504 {strides = array<i32>} : memref<40x128xf32, #tpu.memory_space<vmem>>, vector<16xf32>,
          } {sc.loop_unroll_factor = 4 : i64, sc.parallel_access}
          %mul3A_441 = arith.constant 40 : i32
          %mul3A_442 = arith.muli %scan3A_387, %mul3A_441 : i32
          %add3A_443 = arith.addi %multiple_of3A, %mul3A_442 : i32
          %dma_start3A = tpu.memref_slice %arg9[%add3A_443, %multiple_of3A_373] : memref<10000x256xf32, #tpu.memory_space<hbm>> -> memref<40x128xf32, #tpu.memory_space<hbm>>
          %dma_start3A_444 = tpu.memref_slice %arg9[%add3A_443, %multiple_of3A_373] : memref<10000x256xf32, #tpu.memory_space<hbm>> -> memref<40x128xf32, #tpu.memory_space<hbm>>
          tpu.enqueue_dma source(%arg18 : memref<40x128xf32, #tpu.memory_space<vmem>>) target(%dma_start3A_444 : memref<40x128xf32, #tpu.memory_space<hbm>>) target_semaphore(%arg27 : memref<!tpu.dma_semaphore, #tpu.memory_space<semaphore_mem>>)
        } else {
        }
      } else {
      }
    }
    %scan3A_383 = arith.constant 16 : i32
    %dma_wait3A = tpu.memref_slice %arg9[%multiple_of3A, %multiple_of3A_373] : memref<10000x256xf32, #tpu.memory_space<hbm>> -> memref<40x128xf32, #tpu.memory_space<hbm>>
    %dma_wait3A_384 = tpu.memref_slice %arg9[%multiple_of3A, %multiple_of3A_373] : memref<10000x256xf32, #tpu.memory_space<hbm>> -> memref<40x128xf32, #tpu.memory_space<hbm>>
    tpu.wait_dma2 semaphore(%arg27 : memref<!tpu.dma_semaphore, #tpu.memory_space<semaphore_mem>>) src(%arg17 : memref<40x128xf32, #tpu.memory_space<vmem>>) dst(%dma_wait3A_384 : memref<40x128xf32, #tpu.memory_space<hbm>>)
    %dma_wait3A_385 = tpu.memref_slice %arg9[%multiple_of3A, %multiple_of3A_373] : memref<10000x256xf32, #tpu.memory_space<hbm>> -> memref<40x128xf32, #tpu.memory_space<hbm>>
    %dma_wait3A_386 = tpu.memref_slice %arg9[%multiple_of3A, %multiple_of3A_373] : memref<10000x256xf32, #tpu.memory_space<hbm>> -> memref<40x128xf32, #tpu.memory_space<hbm>>
    tpu.wait_dma2 semaphore(%arg27 : memref<!tpu.dma_semaphore, #tpu.memory_space<semaphore_mem>>) src(%arg17 : memref<40x128xf32, #tpu.memory_space<vmem>>) dst(%dma_wait3A_386 : memref<40x128xf32, #tpu.memory_space<hbm>>)
    return
  }
}

module attributes {stable_mosaic.version = 14 : i64} {
  func.func @_proj_body(%arg0: i32, %arg1: memref<1000x256xf32, #tpu.memory_space<vmem>>, %arg2: memref<256x256xf32, #tpu.memory_space<vmem>>, %arg3: memref<256x8xf32, #tpu.memory_space<vmem>>, %arg4: memref<1000x128xbf16, #tpu.memory_space<vmem>>, %arg5: memref<1000x128xbf16, #tpu.memory_space<vmem>>, %arg6: memref<1000x8xf32, #tpu.memory_space<vmem>>) attributes {dimension_semantics = [#tpu.dimension_semantics<arbitrary>], iteration_bounds = array<i64: 10>, scalar_prefetch = 0 : i64, scratch_operands = 0 : i64, tpu.core_type = #tpu.core_type<tc>, window_params = [{transform_indices = @transform_0, window_bounds = array<i64: 1000, 256>}, {pipeline_mode = #tpu.pipeline_mode<synchronous>, transform_indices = @transform_1, window_bounds = array<i64: 256, 256>}, {pipeline_mode = #tpu.pipeline_mode<synchronous>, transform_indices = @transform_2, window_bounds = array<i64: 256, 8>}, {transform_indices = @transform_3, window_bounds = array<i64: 1000, 128>}, {transform_indices = @transform_4, window_bounds = array<i64: 1000, 128>}, {transform_indices = @transform_5, window_bounds = array<i64: 1000, 8>}]} {
    %get3A = arith.constant 0 : index
    %get3A_0 = arith.constant 0 : index
    %get3A_1 = vector.load %arg1[%get3A, %get3A_0] : memref<1000x256xf32, #tpu.memory_space<vmem>>, vector<1000x256xf32>
    %get3A_2 = arith.constant 0 : index
    %get3A_3 = arith.constant 0 : index
    %get3A_4 = vector.load %arg2[%get3A_2, %get3A_3] : memref<256x256xf32, #tpu.memory_space<vmem>>, vector<256x256xf32>
    %dot_general3A = arith.constant dense<0.000000e+00> : vector<1000x256xf32>
    %dot_general3A_5 = tpu.matmul %get3A_1, %get3A_4, %dot_general3A {dimension_numbers = #tpu.dot_dimension_numbers<[1], [1], [0], [0], [0, 0, 1, 0], [], []>, transpose_lhs_hint = false} : vector<1000x256xf32>, vector<256x256xf32>, vector<1000x256xf32> -> vector<1000x256xf32>
    %slice3A = vector.extract_strided_slice %dot_general3A_5 {offsets = [0, 0], sizes = [1000, 128], strides = [1, 1]} : vector<1000x256xf32> to vector<1000x128xf32>
    %convert_element_type3A = arith.truncf %slice3A : vector<1000x128xf32> to vector<1000x128xbf16>
    %swap3A = arith.constant 0 : index
    %swap3A_6 = arith.constant 0 : index
    %swap3A_7 = vector.load %arg4[%swap3A, %swap3A_6] : memref<1000x128xbf16, #tpu.memory_space<vmem>>, vector<1000x128xbf16>
    tpu.vector_store %arg4[%swap3A, %swap3A_6], %convert_element_type3A {strides = array<i32>} : memref<1000x128xbf16, #tpu.memory_space<vmem>>, vector<1000x128xbf16>,
    %slice3A_8 = vector.extract_strided_slice %dot_general3A_5 {offsets = [0, 128], sizes = [1000, 128], strides = [1, 1]} : vector<1000x256xf32> to vector<1000x128xf32>
    %convert_element_type3A_9 = arith.truncf %slice3A_8 : vector<1000x128xf32> to vector<1000x128xbf16>
    %swap3A_10 = arith.constant 0 : index
    %swap3A_11 = arith.constant 0 : index
    %swap3A_12 = vector.load %arg5[%swap3A_10, %swap3A_11] : memref<1000x128xbf16, #tpu.memory_space<vmem>>, vector<1000x128xbf16>
    tpu.vector_store %arg5[%swap3A_10, %swap3A_11], %convert_element_type3A_9 {strides = array<i32>} : memref<1000x128xbf16, #tpu.memory_space<vmem>>, vector<1000x128xbf16>,
    %get3A_13 = arith.constant 0 : index
    %get3A_14 = arith.constant 0 : index
    %get3A_15 = vector.load %arg3[%get3A_13, %get3A_14] : memref<256x8xf32, #tpu.memory_space<vmem>>, vector<256x8xf32>
    %dot_general3A_16 = arith.constant dense<0.000000e+00> : vector<1000x8xf32>
    %dot_general3A_17 = tpu.matmul %dot_general3A_5, %get3A_15, %dot_general3A_16 {dimension_numbers = #tpu.dot_dimension_numbers<[1], [0], [0], [1], [0, 0, 1, 1], [], []>, transpose_lhs_hint = false} : vector<1000x256xf32>, vector<256x8xf32>, vector<1000x8xf32> -> vector<1000x8xf32>
    %swap3A_18 = arith.constant 0 : index
    %swap3A_19 = arith.constant 0 : index
    %swap3A_20 = vector.load %arg6[%swap3A_18, %swap3A_19] : memref<1000x8xf32, #tpu.memory_space<vmem>>, vector<1000x8xf32>
    tpu.vector_store %arg6[%swap3A_18, %swap3A_19], %dot_general3A_17 {strides = array<i32>} : memref<1000x8xf32, #tpu.memory_space<vmem>>, vector<1000x8xf32>,
    return
  }
  func.func @transform_0(%arg0: i32) -> (i32, i32) {
    %c0_i32 = arith.constant 0 : i32
    %c0_i32_0 = arith.constant 0 : i32
    return %arg0, %c0_i32 : i32, i32
  }
  func.func @transform_1(%arg0: i32) -> (i32, i32) {
    %c0_i32 = arith.constant 0 : i32
    %c0_i32_0 = arith.constant 0 : i32
    %c0_i32_1 = arith.constant 0 : i32
    return %c0_i32, %c0_i32_0 : i32, i32
  }
  func.func @transform_2(%arg0: i32) -> (i32, i32) {
    %c0_i32 = arith.constant 0 : i32
    %c0_i32_0 = arith.constant 0 : i32
    %c0_i32_1 = arith.constant 0 : i32
    return %c0_i32, %c0_i32_0 : i32, i32
  }
  func.func @transform_3(%arg0: i32) -> (i32, i32) {
    %c0_i32 = arith.constant 0 : i32
    %c0_i32_0 = arith.constant 0 : i32
    return %arg0, %c0_i32 : i32, i32
  }
  func.func @transform_4(%arg0: i32) -> (i32, i32) {
    %c0_i32 = arith.constant 0 : i32
    %c0_i32_0 = arith.constant 0 : i32
    return %arg0, %c0_i32 : i32, i32
  }
  func.func @transform_5(%arg0: i32) -> (i32, i32) {
    %c0_i32 = arith.constant 0 : i32
    %c0_i32_0 = arith.constant 0 : i32
    return %arg0, %c0_i32 : i32, i32
  }
}

module attributes {stable_mosaic.version = 14 : i64} {
  func.func @_edge_body(%arg0: i32, %arg1: memref<16x160000xf32, #tpu.memory_space<vmem>>, %arg2: memref<16x1xf32, #tpu.memory_space<vmem>>, %arg3: memref<160000xf32, #tpu.memory_space<vmem>>) attributes {dimension_semantics = [#tpu.dimension_semantics<arbitrary>], iteration_bounds = array<i64: 1>, scalar_prefetch = 0 : i64, scratch_operands = 0 : i64, tpu.core_type = #tpu.core_type<tc>, window_params = [{pipeline_mode = #tpu.pipeline_mode<synchronous>, transform_indices = @transform_0, window_bounds = array<i64: 16, 160000>}, {pipeline_mode = #tpu.pipeline_mode<synchronous>, transform_indices = @transform_1, window_bounds = array<i64: 16, 1>}, {pipeline_mode = #tpu.pipeline_mode<synchronous>, transform_indices = @transform_2, window_bounds = array<i64: 160000>}]} {
    %get3A = arith.constant 0 : index
    %get3A_0 = arith.constant 0 : index
    %get3A_1 = vector.load %arg1[%get3A, %get3A_0] : memref<16x160000xf32, #tpu.memory_space<vmem>>, vector<16x160000xf32>
    %get3A_2 = arith.constant 0 : index
    %get3A_3 = arith.constant 0 : index
    %get3A_4 = vector.load %arg2[%get3A_2, %get3A_3] : memref<16x1xf32, #tpu.memory_space<vmem>>, vector<16x1xf32>
    %mul3A = vector.broadcast %get3A_4 : vector<16x1xf32> to vector<16x160000xf32>
    %mul3A_5 = arith.mulf %get3A_1, %mul3A : vector<16x160000xf32>
    %reduce_sum3A = arith.constant dense<0.000000e+00> : vector<160000xf32>
    %reduce_sum3A_6 = vector.multi_reduction <add>, %mul3A_5, %reduce_sum3A [0] : vector<16x160000xf32> to vector<160000xf32>
    %swap3A = arith.constant 0 : index
    %swap3A_7 = vector.load %arg3[%swap3A] : memref<160000xf32, #tpu.memory_space<vmem>>, vector<160000xf32>
    tpu.vector_store %arg3[%swap3A], %reduce_sum3A_6 {strides = array<i32>} : memref<160000xf32, #tpu.memory_space<vmem>>, vector<160000xf32>,
    return
  }
  func.func @transform_0(%arg0: i32) -> (i32, i32) {
    %c0_i32 = arith.constant 0 : i32
    %c0_i32_0 = arith.constant 0 : i32
    %c0_i32_1 = arith.constant 0 : i32
    return %c0_i32, %c0_i32_0 : i32, i32
  }
  func.func @transform_1(%arg0: i32) -> (i32, i32) {
    %c0_i32 = arith.constant 0 : i32
    %c0_i32_0 = arith.constant 0 : i32
    %c0_i32_1 = arith.constant 0 : i32
    return %c0_i32, %c0_i32_0 : i32, i32
  }
  func.func @transform_2(%arg0: i32) -> i32 {
    %c0_i32 = arith.constant 0 : i32
    %c0_i32_0 = arith.constant 0 : i32
    return %c0_i32 : i32
  }
}

</mosaic_0001>

<sc_bundles>
// kernel: kernel.5.cloned.1.call-start
scs
__scs_entry_jumppad:
0x0: {  	(pc) =	sbr.rel $0x88, $3  }
0x1: {  	(tag) =	ssettag $0x0;
	lr =	simm.s32 $0x1  }
0x2: {  	[smem:$0x3F9C] =	sst lr;
	_ =	strace $0xD0000000  }
0x3: {  	_ = 	snop  }
0x4: {  	_ = 	snop  }
0x5: {  	_ = 	snop  }
0x6: {  	_ = 	snop  }
0x7: {  	_ = 	snop  }
__scs_overlays_trampoline_lowered:
0x8: {  	[smem:$0x3FAB] =	sst s0  }
0x9: {  	[smem:$0x3FAC] =	sst s1  }
0xa: {  	[smem:$0x3FAD] =	sst s2  }
0xb: {  	[smem:$0x3FAE] =	sst s3  }
0xc: {  	[smem:$0x3FAF] =	sst s4  }
0xd: {  	[smem:$0x3FB0] =	sst s5  }
0xe: {  	[smem:$0x3FB1] =	sst s6  }
0xf: {  	[smem:$0x3FB2] =	sst s7  }
0x10: {  	[smem:$0x3FB3] =	sst s8  }
0x11: {  	[smem:$0x3FB4] =	sst s9;
	s0 =	simm.s32 @!p0 $0x0  }
0x12: {  	s1 =	sld [smem:$0x3F9A];
	s0 =	simm.s32 @p0 $0x1  }
0x13: {  	[smem:$0x3FB5] =	sst s0;
	s0 =	simm.s32 @!p1 $0x0  }
0x14: {  	s2 =	sld [smem:$0x3F99];
	s0 =	simm.s32 @p1 $0x1  }
0x15: {  	[smem:$0x3FB6] =	sst s0;
	s0 =	simm.s32 @!p2 $0x0  }
0x16: {  	s3 =	sld [smem:$0x3FDB];
	s0 =	simm.s32 @p2 $0x1  }
0x17: {  	s4 =	simm.s32 $0x1BF5;
	[smem:$0x3FB8] =	sst s0  }
0x18: {  	s0 =	sld [smem:$0x3F9B];
	_ =	swait.ge [sflag:s4], $0x0  }
0x19: {  	s7 =	sld [smem:$0x3F9C]  }
0x1a: {  	s8 =	sadd.s32 $0xFFFFE003, lr  }
0x1b: {  	s9 =	sadd.s32 $0xFFFFFEF7, lr;
	s5 =	simm.s32 $0xFFFFFFFF;
	p2 =	slt.u32 s8, $0xFFFFF086  }
0x1c: {  	p1 =	slt.u32 s9, $0xF7A;
	s5 =	simm.s32 @!p2 $0x0  }
0x1d: {  	s5 =	simm.s32 @p1 $0x1;
	p0 =	seq.s32 s7, s2  }
0x1e: {  	s7 =	smul.u32 @!p0 $0xF7A, s2;
	p2 =	seq.s32 @!p0 s5, $0x0  }
0x1f: {  	s9 =	smul.u32 $0xF7A, s1;
	s8 =	simm.s32 @!p0 $0x1BF5;
	p2 =	por !p2, p0  }
0x20: {  	[sflag:s8] =	ssyncset.s32 @!p0 $0xFFFFF086;
	s6 =	sadd.s32 @!p0 s3, s7;
	s7 =	simm.s32 @!p0 $0x108  }
0x21: {  	s3 =	sadd.s32 s3, s9;
	s6 =	sadd.s32 @!p0 $0x88, s6;
	s7 =	simm.s32 @p2 $0x1082  }
0x22: {  	[simem:s7], [sflag:s8] =	dma.local @!p0 [hbm:s6], $0xF7A  }
0x23: {  	s9 =	sor.u32 $0xD0000000, s2;
	s6 =	simm.s32 $0x108;
	_ =	swait.ge @!p0 [sflag:s8], $0x0  }
0x24: {  	s3 =	sadd.s32 $0x88, s3;
	s6 =	simm.s32 @!p1 $0x1082;
	[sflag:s4] =	ssyncset.s32 $0xFFFFF086  }
0x25: {  	[simem:s6], [sflag:s4] =	dma.local [hbm:s3], $0xF7A  }
0x26: {  	[smem:$0x3F9C] =	sst s1;
	(tag) =	ssettag s2;
	_ =	strace s9  }
0x27: {  	s1 =	sld [smem:$0x3FAC]  }
0x28: {  	s2 =	sld [smem:$0x3FAD]  }
0x29: {  	s4 =	sld [smem:$0x3FAF]  }
0x2a: {  	p0 =	seq.s32 s5, $0x0;
	s5 =	sld [smem:$0x3FB0]  }
0x2b: {  	s6 =	sld [smem:$0x3FB1]  }
0x2c: {  	s7 =	sld [smem:$0x3FB2]  }
0x2d: {  	s3 =	simm.s32 $0x108;
	s8 =	sld [smem:$0x3FB3]  }
0x2e: {  	s3 =	simm.s32 @!p0 $0x1082;
	s9 =	sld [smem:$0x3FB4]  }
0x2f: {  	lr =	sadd.s32 s0, s3;
	s0 =	sld [smem:$0x3FAB]  }
0x30: {  	s3 =	sld [smem:$0x3FAE]  }
0x31: {  	[smem:$0x3FB7] =	sst s10  }
0x32: {  	s10 =	sld [smem:$0x3FB5];
	_ =	sdelay $0x3  }
0x33: {  	p0 =	seq.s32 s10, $0x1;
	s10 =	sld [smem:$0x3FB7];
	_ =	sdelay $0x3  }
0x34: {  	[smem:$0x3FB7] =	sst s10  }
0x35: {  	s10 =	sld [smem:$0x3FB6];
	_ =	sdelay $0x3  }
0x36: {  	p1 =	seq.s32 s10, $0x1;
	s10 =	sld [smem:$0x3FB7];
	_ =	sdelay $0x3  }
0x37: {  	[smem:$0x3FB7] =	sst s10  }
0x38: {  	s10 =	sld [smem:$0x3FB8]  }
0x39: {  	_ = 	snop;
	(pc) =	sbr.ind lr, $3  }
0x3a: {  	_ = 	snop  }
0x3b: {  	_ = 	snop  }
0x3c: {  	p2 =	seq.s32 s10, $0x1;
	s10 =	sld [smem:$0x3FB7]  }
0x3d: {  	_ =	shalt  }
0x3e: {  	_ =	shalt  }
0x3f: {  	_ =	shalt  }
0x40: {  	_ =	shalt  }
0x41: {  	_ =	shalt  }
0x42: {  	_ =	shalt  }
0x43: {  	_ =	shalt  }
0x44: {  	_ =	shalt  }
0x45: {  	_ =	shalt  }
0x46: {  	_ =	shalt  }
0x47: {  	_ =	shalt  }
0x48: {  	_ =	shalt  }
0x49: {  	_ =	shalt  }
0x4a: {  	_ =	shalt  }
0x4b: {  	_ =	shalt  }
0x4c: {  	_ =	shalt  }
0x4d: {  	_ =	shalt  }
0x4e: {  	_ =	shalt  }
0x4f: {  	_ =	shalt  }
0x50: {  	_ =	shalt  }
0x51: {  	_ =	shalt  }
0x52: {  	_ =	shalt  }
0x53: {  	_ =	shalt  }
0x54: {  	_ =	shalt  }
0x55: {  	_ =	shalt  }
0x56: {  	_ =	shalt  }
0x57: {  	_ =	shalt  }
0x58: {  	_ =	shalt  }
0x59: {  	_ =	shalt  }
0x5a: {  	_ =	shalt  }
0x5b: {  	_ =	shalt  }
0x5c: {  	_ =	shalt  }
0x5d: {  	_ =	shalt  }
0x5e: {  	_ =	shalt  }
0x5f: {  	_ =	shalt  }
0x60: {  	_ =	shalt  }
0x61: {  	_ =	shalt  }
0x62: {  	_ =	shalt  }
0x63: {  	_ =	shalt  }
0x64: {  	_ =	shalt  }
0x65: {  	_ =	shalt  }
0x66: {  	_ =	shalt  }
0x67: {  	_ =	shalt  }
0x68: {  	_ =	shalt  }
0x69: {  	_ =	shalt  }
0x6a: {  	_ =	shalt  }
0x6b: {  	_ =	shalt  }
0x6c: {  	_ =	shalt  }
0x6d: {  	_ =	shalt  }
0x6e: {  	_ =	shalt  }
0x6f: {  	_ =	shalt  }
0x70: {  	_ =	shalt  }
0x71: {  	_ =	shalt  }
0x72: {  	_ =	shalt  }
0x73: {  	_ =	shalt  }
0x74: {  	_ =	shalt  }
0x75: {  	_ =	shalt  }
0x76: {  	_ =	shalt  }
0x77: {  	_ =	shalt  }
0x78: {  	_ =	shalt  }
0x79: {  	_ =	shalt  }
0x7a: {  	_ =	shalt  }
0x7b: {  	_ =	shalt  }
0x7c: {  	_ =	shalt  }
0x7d: {  	_ =	shalt  }
0x7e: {  	_ =	shalt  }
0x7f: {  	_ =	shalt  }
0x80: {  	_ =	shalt  }
0x81: {  	_ =	shalt  }
0x82: {  	_ =	shalt  }
0x83: {  	_ =	shalt  }
0x84: {  	_ =	shalt  }
0x85: {  	_ =	shalt  }
0x86: {  	_ =	shalt  }
0x87: {  	_ =	shalt  }
.Lfunc_end0:
.L_simem_size_0:
called_computation_lowered:
.L_overlay_start_0:
0x88: {  	s2 =	sld [smem:$0x3FD9]  }
0x89: {  	s3 =	sld [smem:$0x3FFE];
	_ =	sdelay $0x1  }
0x8a: {  	s1 =	srdreg.scid  }
0x8b: {  	s0 =	sand.u32 $0x1, s1  }
0x8c: {  	s17 =	sshll.u32 s0, $0xA;
	s2 =	sadd.s32 s3, s2  }
0x8d: {  	s2 =	sadd.s32 s2, s17  }
0x8e: {  	[smem:$0x3FC3] =	sst s2  }
0x8f: {  	_ = 	snop  }
0x90: {  	s2 =	sld [smem:$0x3FD0];
	(tm) =	ssettm $0x1  }
0x91: {  	s18 =	sld [smem:$0x3FFB];
	_ =	sdelay $0x3  }
0x92: {  	_ =	strace s18  }
0x93: {  	s3 =	sld [smem:$0x3FFC];
	_ =	sdelay $0x3  }
0x94: {  	_ =	strace s3  }
0x95: {  	s3 =	sld [smem:$0x3FFD];
	_ =	sdelay $0x3  }
0x96: {  	_ =	strace s3  }
0x97: {  	_ =	strace $0x8FFFFFFF  }
0x98: {  	s19 =	sld [smem:$0x3FDB];
	_ =	sdelay $0x1  }
0x99: {  	s4 =	simm.s32 $_scs_section_size  }
0x9a: {  	s5 =	simm.s32 $_size__tile_overlayer_lowered;
	s6 =	simm.s32 $_tile_overlayer_lowered  }
0x9b: {  	s22 =	simm.s32 $0x1BFF;
	s21 =	sshll.u32 s6, $0x1;
	s3 =	sadd.s32 s4, s19  }
0x9c: {  	s7 =	simm.s32 $0x0;
	s20 =	sshll.u32 s5, $0x1;
	s5 =	sadd.s32 s21, s3  }
0x9d: {  	[timem:s7], [sflag:s22] =	dma.local [hbm:s5], s20  }
0x9e: {  	_ =	swait.ge [sflag:s22], s20  }
0x9f: {  	s4 =	ssub.s32 $0x0, s20;
	[sflag:s22] =	ssyncset.done $0x0  }
0xa0: {  	[sflag:s22] =	ssyncadd.s32 s4;
	_ =	sdelay $0x1  }
0xa1: {  	s23 =	simm.s32 $0x1B8B  }
0xa2: {  	_ =	swait.ge [sflag:s23], $0x1  }
0xa3: {  	[sflag:s23] =	ssyncset.done $0x0  }
0xa4: {  	s25 =	simm.s32 $0x1B8E;
	s24 =	sld [smem:$0x3FFE];
	[sflag:s23] =	ssyncadd.s32 $0xFFFFFFFF  }
0xa5: {  	s26 =	simm.s32 $execute0_lowered;
	[smem:$0x3FD2] =	sst s25  }
0xa6: {  	s5 =	sshll.u32 s26, $0x1;
	_ =	strace $0x80000046;
	[dreg:$0x1] =	wrdreg $0xFFFFFFFF  }
0xa7: {  	s28 =	simm.s32 $_size_execute0_lowered;
	s3 =	sadd.s32 s3, s5;
	[dreg:$0x0] =	wrdreg $0x0  }
0xa8: {  	s5 =	sshll.u32 s28, $0x1;
	[dreg:$0x2] =	wrdreg s3  }
0xa9: {  	[dreg:$0x3] =	wrdreg s5  }
0xaa: {  	[dreg:$0x4] =	wrdreg $0xC0  }
0xab: {  	_ =	task [dreg:s7], $0x5FFFF  }
0xac: {  	[dreg:$0x1] =	wrdreg $0xFFFFFFFF  }
0xad: {  	[dreg:$0x0] =	wrdreg $0x60  }
0xae: {  	[dreg:$0x2] =	wrdreg s2  }
0xaf: {  	[dreg:$0x3] =	wrdreg s24  }
0xb0: {  	[dreg:$0x4] =	wrdreg $0xB9500  }
0xb1: {  	[dreg:$0x5] =	wrdreg $0x1F9500  }
0xb2: {  	[dreg:$0x6] =	wrdreg $0x9  }
0xb3: {  	_ =	task.clear_ibuf [dreg:s7], $0x7FFFF;
	_ =	strace $0x90000046  }
0xb4: {  	s29 =	simm.s32 $0x9;
	_ =	strace $0x80000048  }
0xb5: {  	_ =	swait.ge [sflag:s29], $0x1  }
0xb6: {  	[sflag:s29] =	ssyncadd.s32 $0xFFFFFFFF  }
0xb7: {  	_ =	strace $0x90000048  }
0xb8: {  	_ =	sfence  }
0xb9: {  	s30 =	sld [smem:$0x0];
	_ =	sdelay $0x2  }
0xba: {  	s31 =	sshll.u32 s1, $0xD;
	s1 =	sshrl.u32 s1, $0x2  }
0xbb: {  	s3 =	sand.u32 $0x4000, s31;
	s1 =	sadd.s32 s1, s30  }
0xbc: {  	s0 =	sor.u32 s3, s0;
	s1 =	sshll.u32 s1, $0x11  }
0xbd: {  	s0 =	sor.u32 s1, s0  }
0xbe: {  	s0 =	sadd.s32 $0x8F2B, s0  }
0xbf: {  	[sflag:s0] =	ssyncadd.remote.s32 $0x1  }
0xc0: {  	_ =	sfence.sel $0xFFFF  }
0xc1: {  	[dreg:$0x0] =	wrdreg $0xFFFFFFFF;
	(pc) =	sbr.abs _section_cstart, $3  }
0xc2: {  	[dreg:$0x1] =	wrdreg $0xFFFFFFFF  }
0xc3: {  	_ =	task.clear_ibuf [dreg:s7], $0x2FFFF;
	_ =	strace $0x9FFFFFFF  }
0xc4: {  	(tm) =	ssettm $0x7FFFFFFF  }
0xc5: {  	_ =	shalt  }
tec
execute0_lowered:
.L_overlay_start_1:
0x0: {  	(tag) =	ssettag $0x1  }
0x1: {  	s0 =	rddreg [dreg:$0x0]  }
0x2: {  	s7 =	rddreg [dreg:$0x1]  }
0x3: {  	s2 =	rddreg [dreg:$0x2]  }
0x4: {  	s3 =	rddreg [dreg:$0x3];
	s4 =	simm.s32 $0x0  }
0x5: {  	s8 =	stileid.u32;
	[smem:$0x7FF] =	sst s4;
	s1 =	sadd.s32 $0x1E000, s7  }
0x6: {  	s5 =	sadd.s32 $0x1DA00, s7;
	_ =	strace $0x80000047;
	[dreg:$0x5] =	wrdreg s1  }
0x7: {  	s19 =	sadd.s32 $0x1E600, s7;
	s16 =	smul.u32 $0x280, s8;
	[dreg:$0x6] =	wrdreg s5  }
0x8: {  	s9 =	sadd.s32 $0x5000, s7;
	s22 =	smul.u32 $0x50000, s8;
	[dreg:$0x7] =	wrdreg s19  }
0x9: {  	s24 =	sadd.s32 $0x23600, s7;
	s10 =	smul.u32 $0x2710, s8;
	[dreg:$0x9] =	wrdreg s9  }
0xa: {  	p1 =	seq.s32 s8, $0xF;
	s8 =	simm.s32 $0xA;
	[dreg:$0xa] =	wrdreg s24  }
0xb: {  	s18 =	srdreg.scid;
	s8 =	simm.s32 @!p1 $0x10;
	[dreg:$0xc] =	wrdreg s10  }
0xc: {  	s1 =	sand.u32 $0x1, s18;
	[dreg:$0xe] =	wrdreg s8  }
0xd: {  	s20 =	ssub.s32 $0x2, s1;
	s9 =	sadd.s32 s16, s3;
	[dreg:$0x8] =	wrdreg s16  }
0xe: {  	s15 =	sshll.u32 s1, $0x7;
	s23 =	sshrl.u32 s22, $0x2;
	[dreg:$0xb] =	wrdreg s9  }
0xf: {  	p0 =	seq.s32 s1, $0x0;
	s1 =	sadd.s32 s23, s2;
	[dreg:$0xd] =	wrdreg s15  }
0x10: {  	s22 =	sadd.s32 $0xA0, s9;
	[dreg:$0x10] =	wrdreg s1  }
0x11: {  	s23 =	sadd.s32 $0xF0, s9;
	[smem:$0x7F8] =	sst s22  }
0x12: {  	s25 =	sadd.s32 $0x1400, s1;
	[smem:$0x7F9] =	sst s23  }
0x13: {  	s26 =	sadd.s32 $0x2800, s1;
	[dreg:$0x11] =	wrdreg s25  }
0x14: {  	s29 =	sadd.s32 $0x3C00, s1;
	[dreg:$0x12] =	wrdreg s26  }
0x15: {  	s30 =	sadd.s32 $0x5000, s1;
	[dreg:$0x13] =	wrdreg s29  }
0x16: {  	s6 =	sadd.s32 $0xA000, s7;
	s7 =	sadd.s32 $0x6400, s1;
	[dreg:$0x14] =	wrdreg s30  }
0x17: {  	s8 =	sadd.s32 $0x7800, s1;
	[dreg:$0x15] =	wrdreg s7  }
0x18: {  	s10 =	sadd.s32 $0x8C00, s1;
	[dreg:$0x16] =	wrdreg s8  }
0x19: {  	s11 =	sadd.s32 $0xA000, s1;
	[dreg:$0x17] =	wrdreg s10  }
0x1a: {  	s28 =	simm.s32 $0xB630;
	s12 =	sadd.s32 $0xB400, s1;
	[dreg:$0x18] =	wrdreg s11  }
0x1b: {  	s31 =	simm.s32 $0xB6D0;
	s13 =	sadd.s32 $0xC800, s1;
	[dreg:$0x19] =	wrdreg s12  }
0x1c: {  	s21 =	sshrl.u32 s20, $0x1;
	s14 =	sadd.s32 $0xDC00, s1;
	[dreg:$0x1a] =	wrdreg s13  }
0x1d: {  	s6 =	smov.u32 @p0 s0;
	s17 =	sadd.s32 $0xF000, s1;
	[dreg:$0x1b] =	wrdreg s14  }
0x1e: {  	s0 =	simm.s32 $0x50;
	s18 =	sadd.s32 $0x10400, s1;
	[dreg:$0x1c] =	wrdreg s17  }
0x1f: {  	s5 =	ssub.s32 s20, s21;
	s19 =	sadd.s32 $0x11800, s1;
	[dreg:$0x1d] =	wrdreg s18  }
0x20: {  	s20 =	sadd.s32 $0x12C00, s1;
	s21 =	sadd.s32 $0x50, s9;
	[dreg:$0x1e] =	wrdreg s19  }
0x21: {  	s22 =	simm.s32 $0xB5E0;
	s23 =	simm.s32 $0xB680;
	[dreg:$0x1f] =	wrdreg s20  }
0x22: {  	s5 =	smax.u32 s5, $0x1;
	[smem:$0x7F7] =	sst s21;
	s25 =	sadd.s32 $0x140, s9  }
0x23: {  	v0 =	vlaneseq.u32;
	s26 =	sadd.s32 $0x190, s9;
	s29 =	sadd.s32 $0x1E0, s9;
	[dreg:$0xf] =	wrdreg s5  }
.Ltmp0:
0x24: {  	v1 =	vmul.u32 $0x2, v0;
	s30 =	sadd.s32 $0x230, s9;
	[smem:$0x7FA] =	sst s25;
	(pc) =	sbr.rel .LBB2_1-.Ltmp0, $4  }
0x25: {  	v2 =	vimm.f32 $0.0e+00;
	v3 =	vor.u32 $0x10, v0;
	v4 =	vor.u32 $0x20, v0;
	s7 =	simm.s32 $0x1;
	s17 =	simm.s32 $0xB590;
	[smem:$0x7FB] =	sst s26  }
0x26: {  	v5 =	vor.u32 $0x30, v0;
	v6 =	vor.u32 $0x40, v0;
	v7 =	vor.u32 $0x1, v1;
	s19 =	simm.s32 $0x28;
	s20 =	simm.s32 $0xA190;
	[smem:$0x7FC] =	sst s29  }
0x27: {  	v8 =	vor.u32 $0x20, v1;
	v9 =	vor.u32 $0x21, v1;
	v10 =	vor.u32 $0x40, v1;
	s21 =	simm.s32 $0xB5B8;
	s18 =	simm.s32 $0x2;
	[smem:$0x7FD] =	sst s30  }
0x28: {  	v11 =	vor.u32 $0x41, v1;
	v12 =	vor.u32 $0x60, v1;
	v13 =	vor.u32 $0x61, v1;
	s25 =	simm.s32 $0x2710;
	s26 =	simm.s32 $0x8D90;
	s5 =	simm.s32 $0x0  }
.LBB2_31:
0x29: {  	_ =	swait.ge [sflag:s18], $0x1400  }
0x2a: {  	[sflag:s18] =	ssyncset.done $0x0  }
0x2b: {  	[sflag:s18] =	ssyncadd.s32 $0xFFFFEC00  }
0x2c: {  	_ =	swait.ge [sflag:s18], $0x1400  }
0x2d: {  	s5 =	sld [smem:$0x7F6];
	_ =	sdelay $0x2  }
0x2e: {  	s1 =	rddreg [dreg:$0xf];
	s5 =	sadd.s32 $0x1, s5  }
0x2f: {  	p0 =	sne.s32 s5, s1  }
.Ltmp1:
0x30: {  	_ = 	snop;
	(pc) =	sbr.rel @!p0 .LBB2_32-.Ltmp1, $3  }
0x31: {  	_ =	sdelay $0x1  }
0x32: {  	[sflag:s18] =	ssyncset.done $0x0  }
0x33: {  	[sflag:s18] =	ssyncadd.s32 $0xFFFFEC00  }
.LBB2_1:
0x34: {  	[smem:$0x7F6] =	sst s5  }
0x35: {  	s1 =	rddreg [dreg:$0x5];
	s29 =	simm.s32 $0x4  }
0x36: {  	[tilespmem:s4], [sflag:$0x4] =	stream.linear.gather [hbm4b:s1+s4], $0x2710, $0x38;
	[tilespmem:$0x1FBD0] =	vst v63  }
0x37: {  	_ =	swait.ge [sflag:s29], $0x2710  }
0x38: {  	[sflag:s29] =	ssyncset.done $0x0  }
0x39: {  	s30 =	rddreg [dreg:$0x6];
	[sflag:s29] =	ssyncadd.s32 $0xFFFFD8F0  }
0x3a: {  	[tilespmem:s25], [sflag:$0x4] =	stream.linear.gather [hbm4b:s30+s4], $0x2710, $0x38;
	[tilespmem:$0x1FBD0] =	vst v63  }
0x3b: {  	_ =	swait.ge [sflag:s29], $0x2710  }
0x3c: {  	[sflag:s29] =	ssyncset.done $0x0  }
0x3d: {  	s8 =	simm.s32 $0x200;
	s1 =	simm.s32 $0x0;
	[sflag:s29] =	ssyncadd.s32 $0xFFFFD8F0  }
.LBB2_2:
0x3e: {  	p0 =	sne.s32 s8, $0x4E00;
	[tilespmem:s1+$0x8E00] =	vst v2  }
0x3f: {  	[tilespmem:s1+$0x8D90] =	vst v2  }
0x40: {  	[tilespmem:s1+$0x8DA0] =	vst v2  }
.Ltmp2:
0x41: {  	[tilespmem:s1+$0x8DB0] =	vst v2;
	(pc) =	sbr.rel @p0 .LBB2_2-.Ltmp2, $4  }
0x42: {  	[tilespmem:s1+$0x8DC0] =	vst v2  }
0x43: {  	[tilespmem:s1+$0x8DD0] =	vst v2  }
0x44: {  	[tilespmem:s1+$0x8DE0] =	vst v2  }
0x45: {  	[tilespmem:s1+$0x8DF0] =	vst v2;
	s1 =	sshra.s32 s8, $0x2;
	s8 =	sadd.s32 $0x200, s8  }
0x46: {  	[tilespmem:s1+$0x8E00] =	vst v2  }
0x47: {  	[tilespmem:s1+$0x8D90] =	vst v2  }
0x48: {  	[tilespmem:s1+$0x8DA0] =	vst v2  }
0x49: {  	[tilespmem:s1+$0x8DB0] =	vst v2  }
0x4a: {  	[tilespmem:s1+$0x8DC0] =	vst v2  }
0x4b: {  	[tilespmem:s1+$0x8DD0] =	vst v2  }
0x4c: {  	[tilespmem:s1+$0x8DE0] =	vst v2  }
0x4d: {  	[tilespmem:s1+$0x8DF0] =	vst v2  }
0x4e: {  	[tilespmem:$0xB630] =	vst v2  }
0x4f: {  	[tilespmem:$0xB640] =	vst v2  }
0x50: {  	[tilespmem:$0xB650] =	vst v2  }
0x51: {  	[tilespmem:$0xB660] =	vst v2  }
0x52: {  	s8 =	rddreg [dreg:$0x10];
	s5 =	simm.s32 $0x4;
	[tilespmem:$0xB670] =	vst v2  }
0x53: {  	[spmem:s8] =	stream.linear.scatter [tilespmem:s26], [sflag:$0x4], $0x1400, $0x38;
	[tilespmem:$0x1FBD0] =	vst v63  }
0x54: {  	_ =	swait.ge [sflag:s5], $0x1400  }
0x55: {  	[sflag:s5] =	ssyncset.done $0x0  }
0x56: {  	s9 =	rddreg [dreg:$0x11];
	[sflag:s5] =	ssyncadd.s32 $0xFFFFEC00  }
0x57: {  	[spmem:s9] =	stream.linear.scatter [tilespmem:s26], [sflag:$0x4], $0x1400, $0x38;
	[tilespmem:$0x1FBD0] =	vst v63  }
0x58: {  	_ =	swait.ge [sflag:s5], $0x1400  }
0x59: {  	[sflag:s5] =	ssyncset.done $0x0  }
0x5a: {  	s10 =	rddreg [dreg:$0x12];
	[sflag:s5] =	ssyncadd.s32 $0xFFFFEC00  }
0x5b: {  	[spmem:s10] =	stream.linear.scatter [tilespmem:s26], [sflag:$0x4], $0x1400, $0x38;
	[tilespmem:$0x1FBD0] =	vst v63  }
0x5c: {  	_ =	swait.ge [sflag:s5], $0x1400  }
0x5d: {  	[sflag:s5] =	ssyncset.done $0x0  }
0x5e: {  	s11 =	rddreg [dreg:$0x13];
	[sflag:s5] =	ssyncadd.s32 $0xFFFFEC00  }
0x5f: {  	[spmem:s11] =	stream.linear.scatter [tilespmem:s26], [sflag:$0x4], $0x1400, $0x38;
	[tilespmem:$0x1FBD0] =	vst v63  }
0x60: {  	_ =	swait.ge [sflag:s5], $0x1400  }
0x61: {  	[sflag:s5] =	ssyncset.done $0x0  }
0x62: {  	s12 =	rddreg [dreg:$0x14];
	[sflag:s5] =	ssyncadd.s32 $0xFFFFEC00  }
0x63: {  	[spmem:s12] =	stream.linear.scatter [tilespmem:s26], [sflag:$0x4], $0x1400, $0x38;
	[tilespmem:$0x1FBD0] =	vst v63  }
0x64: {  	_ =	swait.ge [sflag:s5], $0x1400  }
0x65: {  	[sflag:s5] =	ssyncset.done $0x0  }
0x66: {  	s13 =	rddreg [dreg:$0x15];
	[sflag:s5] =	ssyncadd.s32 $0xFFFFEC00  }
0x67: {  	[spmem:s13] =	stream.linear.scatter [tilespmem:s26], [sflag:$0x4], $0x1400, $0x38;
	[tilespmem:$0x1FBD0] =	vst v63  }
0x68: {  	_ =	swait.ge [sflag:s5], $0x1400  }
0x69: {  	[sflag:s5] =	ssyncset.done $0x0  }
0x6a: {  	s14 =	rddreg [dreg:$0x16];
	[sflag:s5] =	ssyncadd.s32 $0xFFFFEC00  }
0x6b: {  	[spmem:s14] =	stream.linear.scatter [tilespmem:s26], [sflag:$0x4], $0x1400, $0x38;
	[tilespmem:$0x1FBD0] =	vst v63  }
0x6c: {  	_ =	swait.ge [sflag:s5], $0x1400  }
0x6d: {  	[sflag:s5] =	ssyncset.done $0x0  }
0x6e: {  	s15 =	rddreg [dreg:$0x17];
	[sflag:s5] =	ssyncadd.s32 $0xFFFFEC00  }
0x6f: {  	[spmem:s15] =	stream.linear.scatter [tilespmem:s26], [sflag:$0x4], $0x1400, $0x38;
	[tilespmem:$0x1FBD0] =	vst v63  }
0x70: {  	_ =	swait.ge [sflag:s5], $0x1400  }
0x71: {  	[sflag:s5] =	ssyncset.done $0x0  }
0x72: {  	s16 =	rddreg [dreg:$0x18];
	[sflag:s5] =	ssyncadd.s32 $0xFFFFEC00  }
0x73: {  	[spmem:s16] =	stream.linear.scatter [tilespmem:s26], [sflag:$0x4], $0x1400, $0x38;
	[tilespmem:$0x1FBD0] =	vst v63  }
0x74: {  	_ =	swait.ge [sflag:s5], $0x1400  }
0x75: {  	[sflag:s5] =	ssyncset.done $0x0  }
0x76: {  	s24 =	rddreg [dreg:$0x19];
	[sflag:s5] =	ssyncadd.s32 $0xFFFFEC00  }
0x77: {  	[spmem:s24] =	stream.linear.scatter [tilespmem:s26], [sflag:$0x4], $0x1400, $0x38;
	[tilespmem:$0x1FBD0] =	vst v63  }
0x78: {  	_ =	swait.ge [sflag:s5], $0x1400  }
0x79: {  	[sflag:s5] =	ssyncset.done $0x0  }
0x7a: {  	s29 =	rddreg [dreg:$0x1a];
	[sflag:s5] =	ssyncadd.s32 $0xFFFFEC00  }
0x7b: {  	[spmem:s29] =	stream.linear.scatter [tilespmem:s26], [sflag:$0x4], $0x1400, $0x38;
	[tilespmem:$0x1FBD0] =	vst v63  }
0x7c: {  	_ =	swait.ge [sflag:s5], $0x1400  }
0x7d: {  	[sflag:s5] =	ssyncset.done $0x0  }
0x7e: {  	s30 =	rddreg [dreg:$0x1b];
	[sflag:s5] =	ssyncadd.s32 $0xFFFFEC00  }
0x7f: {  	[spmem:s30] =	stream.linear.scatter [tilespmem:s26], [sflag:$0x4], $0x1400, $0x38;
	[tilespmem:$0x1FBD0] =	vst v63  }
0x80: {  	_ =	swait.ge [sflag:s5], $0x1400  }
0x81: {  	[sflag:s5] =	ssyncset.done $0x0  }
0x82: {  	s8 =	rddreg [dreg:$0x1c];
	[sflag:s5] =	ssyncadd.s32 $0xFFFFEC00  }
0x83: {  	[spmem:s8] =	stream.linear.scatter [tilespmem:s26], [sflag:$0x4], $0x1400, $0x38;
	[tilespmem:$0x1FBD0] =	vst v63  }
0x84: {  	_ =	swait.ge [sflag:s5], $0x1400  }
0x85: {  	[sflag:s5] =	ssyncset.done $0x0  }
0x86: {  	s9 =	rddreg [dreg:$0x1d];
	[sflag:s5] =	ssyncadd.s32 $0xFFFFEC00  }
0x87: {  	[spmem:s9] =	stream.linear.scatter [tilespmem:s26], [sflag:$0x4], $0x1400, $0x38;
	[tilespmem:$0x1FBD0] =	vst v63  }
0x88: {  	_ =	swait.ge [sflag:s5], $0x1400  }
0x89: {  	[sflag:s5] =	ssyncset.done $0x0  }
0x8a: {  	s10 =	rddreg [dreg:$0x1e];
	[sflag:s5] =	ssyncadd.s32 $0xFFFFEC00  }
0x8b: {  	[spmem:s10] =	stream.linear.scatter [tilespmem:s26], [sflag:$0x4], $0x1400, $0x38;
	[tilespmem:$0x1FBD0] =	vst v63  }
0x8c: {  	_ =	swait.ge [sflag:s5], $0x1400  }
0x8d: {  	[sflag:s5] =	ssyncset.done $0x0  }
0x8e: {  	s11 =	rddreg [dreg:$0x1f];
	[sflag:s5] =	ssyncadd.s32 $0xFFFFEC00  }
0x8f: {  	[spmem:s11] =	stream.linear.scatter [tilespmem:s26], [sflag:$0x4], $0x1400, $0x38;
	[tilespmem:$0x1FBD0] =	vst v63  }
0x90: {  	_ =	swait.ge [sflag:s5], $0x1400  }
0x91: {  	[sflag:s5] =	ssyncset.done $0x0  }
0x92: {  	s12 =	rddreg [dreg:$0xb];
	[sflag:s5] =	ssyncadd.s32 $0xFFFFEC00  }
0x93: {  	[spmem:s12] =	stream.linear.scatter [tilespmem:s28], [sflag:$0x4], $0x50, $0x38;
	[tilespmem:$0x1FBD0] =	vst v63  }
0x94: {  	_ =	swait.ge [sflag:s5], $0x50  }
0x95: {  	s13 =	sld [smem:$0x7F7]  }
0x96: {  	[sflag:s5] =	ssyncset.done $0x0  }
0x97: {  	[sflag:s5] =	ssyncadd.s32 $0xFFFFFFB0  }
0x98: {  	[spmem:s13] =	stream.linear.scatter [tilespmem:s28], [sflag:$0x4], $0x50, $0x38;
	[tilespmem:$0x1FBD0] =	vst v63  }
0x99: {  	_ =	swait.ge [sflag:s5], $0x50  }
0x9a: {  	s14 =	sld [smem:$0x7F8]  }
0x9b: {  	[sflag:s5] =	ssyncset.done $0x0  }
0x9c: {  	[sflag:s5] =	ssyncadd.s32 $0xFFFFFFB0  }
0x9d: {  	[spmem:s14] =	stream.linear.scatter [tilespmem:s28], [sflag:$0x4], $0x50, $0x38;
	[tilespmem:$0x1FBD0] =	vst v63  }
0x9e: {  	_ =	swait.ge [sflag:s5], $0x50  }
0x9f: {  	s15 =	sld [smem:$0x7F9]  }
0xa0: {  	[sflag:s5] =	ssyncset.done $0x0  }
0xa1: {  	[sflag:s5] =	ssyncadd.s32 $0xFFFFFFB0  }
0xa2: {  	[spmem:s15] =	stream.linear.scatter [tilespmem:s28], [sflag:$0x4], $0x50, $0x38;
	[tilespmem:$0x1FBD0] =	vst v63  }
0xa3: {  	_ =	swait.ge [sflag:s5], $0x50  }
0xa4: {  	s16 =	sld [smem:$0x7FA]  }
0xa5: {  	[sflag:s5] =	ssyncset.done $0x0  }
0xa6: {  	[sflag:s5] =	ssyncadd.s32 $0xFFFFFFB0  }
0xa7: {  	[spmem:s16] =	stream.linear.scatter [tilespmem:s28], [sflag:$0x4], $0x50, $0x38;
	[tilespmem:$0x1FBD0] =	vst v63  }
0xa8: {  	_ =	swait.ge [sflag:s5], $0x50  }
0xa9: {  	s24 =	sld [smem:$0x7FB]  }
0xaa: {  	[sflag:s5] =	ssyncset.done $0x0  }
0xab: {  	[sflag:s5] =	ssyncadd.s32 $0xFFFFFFB0  }
0xac: {  	[spmem:s24] =	stream.linear.scatter [tilespmem:s28], [sflag:$0x4], $0x50, $0x38;
	[tilespmem:$0x1FBD0] =	vst v63  }
0xad: {  	_ =	swait.ge [sflag:s5], $0x50  }
0xae: {  	s29 =	sld [smem:$0x7FC]  }
0xaf: {  	[sflag:s5] =	ssyncset.done $0x0  }
0xb0: {  	[sflag:s5] =	ssyncadd.s32 $0xFFFFFFB0  }
0xb1: {  	[spmem:s29] =	stream.linear.scatter [tilespmem:s28], [sflag:$0x4], $0x50, $0x38;
	[tilespmem:$0x1FBD0] =	vst v63  }
0xb2: {  	_ =	swait.ge [sflag:s5], $0x50  }
0xb3: {  	s30 =	sld [smem:$0x7FD]  }
0xb4: {  	[sflag:s5] =	ssyncset.done $0x0  }
0xb5: {  	[sflag:s5] =	ssyncadd.s32 $0xFFFFFFB0  }
0xb6: {  	[spmem:s30] =	stream.linear.scatter [tilespmem:s28], [sflag:$0x4], $0x50, $0x38;
	[tilespmem:$0x1FBD0] =	vst v63  }
0xb7: {  	_ =	swait.ge [sflag:s5], $0x50  }
0xb8: {  	[sflag:s5] =	ssyncset.done $0x0  }
0xb9: {  	[sflag:s5] =	ssyncadd.s32 $0xFFFFFFB0  }
0xba: {  	s1 =	simm.s32 $0x0;
	[bflag:$0x0] =	sbarrier.arrive $0xFFFF  }
.LBB2_4:
0xbb: {  	s12 =	smul.u32 $0x7D0, s1  }
0xbc: {  	s5 =	rddreg [dreg:$0xc]  }
0xbd: {  	[smem:$0x7F5] =	sst s1;
	s1 =	sadd.s32 s5, s12  }
0xbe: {  	s13 =	rddreg [dreg:$0x9];
	s10 =	simm.s32 $0x4E20;
	s1 =	sshrl.u32 s1, $0x3  }
0xbf: {  	s11 =	simm.s32 $0x0;
	s9 =	simm.s32 $0x4;
	s8 =	sadd.s32 s13, s1  }
0xc0: {  	[tilespmem:s10], [sflag:$0x4] =	stream.linear.gather [hbm4b:s8+s11], $0x7D0, $0x38;
	[tilespmem:$0x1FBD0] =	vst v63  }
0xc1: {  	_ =	swait.ge [sflag:s9], $0x7D0  }
0xc2: {  	[sflag:s9] =	ssyncset.done $0x0  }
0xc3: {  	[sflag:s9] =	ssyncadd.s32 $0xFFFFF830  }
0xc4: {  	s14 =	rddreg [dreg:$0x1]  }
0xc5: {  	s16 =	simm.s32 $0x55F0;
	s15 =	sadd.s32 s14, s1  }
0xc6: {  	[tilespmem:s16], [sflag:$0x4] =	stream.linear.gather [hbm4b:s15+s11], $0x7D0, $0x38;
	[tilespmem:$0x1FBD0] =	vst v63  }
0xc7: {  	_ =	swait.ge [sflag:s9], $0x7D0  }
0xc8: {  	[sflag:s9] =	ssyncset.done $0x0;
	s24 =	rddreg [dreg:$0x7]  }
0xc9: {  	s29 =	simm.s32 $0x5DC0;
	[sflag:s9] =	ssyncadd.s32 $0xFFFFF830;
	s1 =	sadd.s32 s24, s1  }
0xca: {  	[tilespmem:s29], [sflag:$0x4] =	stream.linear.gather [hbm4b:s1+s11], $0x7D0, $0x38;
	[tilespmem:$0x1FBD0] =	vst v63  }
0xcb: {  	_ =	swait.ge [sflag:s9], $0x7D0  }
0xcc: {  	[sflag:s9] =	ssyncset.done $0x0  }
0xcd: {  	s30 =	simm.s32 $0x6590;
	[sflag:s9] =	ssyncadd.s32 $0xFFFFF830  }
0xce: {  	[tilespmem:s30], [sflag:$0x1] =	stream.indirect.gather [hbm4b:s6+s0], $0x40, s10, s0, $0xb8;
	[tilespmem:$0x1FBD0] =	vst v63  }
0xcf: {  	s10 =	simm.s32 $0x0  }
.LBB2_5:
0xd0: {  	s15 =	sshllo.u32 s10, $0x1  }
0xd1: {  	s1 =	smul.u32 $0x140, s15  }
0xd2: {  	_ =	swait.ge [sflag:s7], $0x1400;
	s5 =	simm.s32 $0x7990  }
0xd3: {  	p0 =	seq.s32 s10, $0x0;
	[sflag:s7] =	ssyncset.done $0x0;
	s1 =	sshra.s32 s1, $0x2  }
0xd4: {  	s8 =	simm.s32 @!p0 $0x3;
	[sflag:s7] =	ssyncadd.s32 $0xFFFFEC00;
	s1 =	sadd.s32 $0x4E20, s1  }
0xd5: {  	[tilespmem:s5], [sflag:$0x1] =	stream.indirect.gather [hbm4b:s6+s0], $0x40, s1, s0, $0xb8;
	[tilespmem:$0x1FBD0] =	vst v63  }
0xd6: {  	_ =	swait.ge @!p0 [sflag:s8], $0x50  }
0xd7: {  	s9 =	smul.u32 $0xA0, s10;
	[sflag:s8] =	ssyncset.done @!p0 $0x0  }
0xd8: {  	[sflag:s8] =	ssyncadd.s32 @!p0 $0xFFFFFFB0  }
0xd9: {  	v14 =	vld [tilespmem:s9+$0x4E20]  }
0xda: {  	v15 =	vld [tilespmem:s9+$0x55F0];
	_ =	sdelay $0x6  }
0xdb: {  	v14 =	vld.idx.msk [tilespmem:v14+s4+$0x0], $0xffff  }
0xdc: {  	v16 =	vld.idx.msk [tilespmem:v15+s25+$0x0], $0xffff;
	_ =	sdelay $0x1  }
0xdd: {  	v17 =	vld [tilespmem:s9+$0x5DC0];
	_ =	sdelay $0x2  }
0xde: {  	v14 =	vadd.f32 v16, v14;
	_ =	sdelay $0x1  }
0xdf: {  	v14 =	vadd.f32 v17, v14;
	_ =	sdelay $0x1  }
0xe0: {  	v16 =	vmul.f32 $2.000000030e-01, v14  }
0xe1: {  	vm0 =	vge.f32 v14, $0.0e+00  }
0xe2: {  	v14 =	vsel vm0, v14, v16  }
0xe3: {  	v14 =	vmul.f32 $1.442695020e+00, v14;
	_ =	sdelay $0x1  }
0xe4: {  	(erf) = vpow2.f32 v14;
	_ =	sdelay $0x8  }
0xe5: {  	v14 =	vpop (erf)  }
0xe6: {  	[tilespmem:$0xB630] =	vst v14  }
0xe7: {  	[tilespmem:v0+s17+$0x0] =	vst.idx.msk $0xffff, v15  }
0xe8: {  	v14 =	vld [tilespmem:s9+$0x4E30]  }
0xe9: {  	v15 =	vld [tilespmem:s9+$0x5600];
	_ =	sdelay $0x6  }
0xea: {  	v14 =	vld.idx.msk [tilespmem:v14+s4+$0x0], $0xffff  }
0xeb: {  	v16 =	vld.idx.msk [tilespmem:v15+s25+$0x0], $0xffff;
	_ =	sdelay $0x1  }
0xec: {  	v17 =	vld [tilespmem:s9+$0x5DD0];
	_ =	sdelay $0x2  }
0xed: {  	v14 =	vadd.f32 v16, v14;
	_ =	sdelay $0x1  }
0xee: {  	v14 =	vadd.f32 v17, v14;
	_ =	sdelay $0x1  }
0xef: {  	v16 =	vmul.f32 $2.000000030e-01, v14  }
0xf0: {  	vm12 =	vge.f32 v14, $0.0e+00  }
0xf1: {  	v14 =	vsel vm12, v14, v16  }
0xf2: {  	v14 =	vmul.f32 $1.442695020e+00, v14;
	_ =	sdelay $0x1  }
0xf3: {  	(erf) = vpow2.f32 v14;
	_ =	sdelay $0x8  }
0xf4: {  	v14 =	vpop (erf)  }
0xf5: {  	[tilespmem:$0xB640] =	vst v14  }
0xf6: {  	[tilespmem:v3+s17+$0x0] =	vst.idx.msk $0xffff, v15  }
0xf7: {  	v14 =	vld [tilespmem:s9+$0x4E40]  }
0xf8: {  	v15 =	vld [tilespmem:s9+$0x5610];
	_ =	sdelay $0x6  }
0xf9: {  	v14 =	vld.idx.msk [tilespmem:v14+s4+$0x0], $0xffff  }
0xfa: {  	v16 =	vld.idx.msk [tilespmem:v15+s25+$0x0], $0xffff;
	_ =	sdelay $0x1  }
0xfb: {  	v17 =	vld [tilespmem:s9+$0x5DE0];
	_ =	sdelay $0x2  }
0xfc: {  	v14 =	vadd.f32 v16, v14;
	_ =	sdelay $0x1  }
0xfd: {  	v14 =	vadd.f32 v17, v14;
	_ =	sdelay $0x1  }
0xfe: {  	v16 =	vmul.f32 $2.000000030e-01, v14  }
0xff: {  	vm13 =	vge.f32 v14, $0.0e+00  }
0x100: {  	v14 =	vsel vm13, v14, v16  }
0x101: {  	v14 =	vmul.f32 $1.442695020e+00, v14;
	_ =	sdelay $0x1  }
0x102: {  	(erf) = vpow2.f32 v14;
	_ =	sdelay $0x8  }
0x103: {  	v14 =	vpop (erf)  }
0x104: {  	[tilespmem:$0xB650] =	vst v14  }
0x105: {  	[tilespmem:v4+s17+$0x0] =	vst.idx.msk $0xffff, v15  }
0x106: {  	v14 =	vld [tilespmem:s9+$0x4E50]  }
0x107: {  	v15 =	vld [tilespmem:s9+$0x5620];
	_ =	sdelay $0x6  }
0x108: {  	v14 =	vld.idx.msk [tilespmem:v14+s4+$0x0], $0xffff  }
0x109: {  	v16 =	vld.idx.msk [tilespmem:v15+s25+$0x0], $0xffff;
	_ =	sdelay $0x1  }
0x10a: {  	v17 =	vld [tilespmem:s9+$0x5DF0];
	_ =	sdelay $0x2  }
0x10b: {  	v14 =	vadd.f32 v16, v14;
	_ =	sdelay $0x1  }
0x10c: {  	v14 =	vadd.f32 v17, v14;
	_ =	sdelay $0x1  }
0x10d: {  	v16 =	vmul.f32 $2.000000030e-01, v14  }
0x10e: {  	vm14 =	vge.f32 v14, $0.0e+00  }
0x10f: {  	v14 =	vsel vm14, v14, v16  }
0x110: {  	v14 =	vmul.f32 $1.442695020e+00, v14;
	_ =	sdelay $0x1  }
0x111: {  	(erf) = vpow2.f32 v14;
	_ =	sdelay $0x8  }
0x112: {  	v14 =	vpop (erf)  }
0x113: {  	[tilespmem:$0xB660] =	vst v14  }
0x114: {  	[tilespmem:v5+s17+$0x0] =	vst.idx.msk $0xffff, v15  }
0x115: {  	v14 =	vld [tilespmem:s9+$0x4E60]  }
0x116: {  	v15 =	vld [tilespmem:s9+$0x5630];
	_ =	sdelay $0x6  }
0x117: {  	v14 =	vld.idx.msk [tilespmem:v14+s4+$0x0], $0xffff  }
0x118: {  	v16 =	vld.idx.msk [tilespmem:v15+s25+$0x0], $0xffff;
	_ =	sdelay $0x1  }
0x119: {  	v17 =	vld [tilespmem:s9+$0x5E00];
	_ =	sdelay $0x2  }
0x11a: {  	v14 =	vadd.f32 v16, v14;
	_ =	sdelay $0x1  }
0x11b: {  	v14 =	vadd.f32 v17, v14;
	_ =	sdelay $0x1  }
0x11c: {  	v16 =	vmul.f32 $2.000000030e-01, v14  }
0x11d: {  	vm15 =	vge.f32 v14, $0.0e+00  }
0x11e: {  	v14 =	vsel vm15, v14, v16  }
0x11f: {  	v14 =	vmul.f32 $1.442695020e+00, v14;
	_ =	sdelay $0x1  }
0x120: {  	(erf) = vpow2.f32 v14;
	_ =	sdelay $0x8  }
0x121: {  	v14 =	vpop (erf)  }
0x122: {  	[tilespmem:$0xB670] =	vst v14  }
0x123: {  	s11 =	simm.s32 $0x3;
	s1 =	sadd.s32 $0x55F0, s9;
	s8 =	simm.s32 @!p0 $0x2;
	[tilespmem:v6+s17+$0x0] =	vst.idx.msk $0xffff, v15  }
0x124: {  	v14 =	vmov s11;
	[spmem:s3] =	stream.indirect.scatter.add.f32 [tilespmem:s28], [sflag:$0x3], $0x1, s1, s0, $0xb8;
	[tilespmem:$0x1FBD0] =	vst v63  }
0x125: {  	_ =	swait.ge @!p0 [sflag:s8], $0x1400  }
0x126: {  	s12 =	simm.s32 $0x1;
	[sflag:s8] =	ssyncset.done @!p0 $0x0  }
0x127: {  	s9 =	simm.s32 $0x6610;
	v15 =	vmov s12;
	[sflag:s8] =	ssyncadd.s32 @!p0 $0xFFFFEC00  }
0x128: {  	s13 =	simm.s32 $0x2;
	v17 =	vld [tilespmem:s9+$0x40]  }
0x129: {  	v18 =	vmov s13;
	v21 =	vld.idx.msk [tilespmem:v14+s28+$0x0], $0xffff  }
0x12a: {  	s14 =	simm.s32 $0x0;
	v23 =	vshll.u32 v14, $0x7  }
0x12b: {  	v24 =	vor.u32 v1, v23;
	v14 =	vmov s14;
	v22 =	vld [tilespmem:s9+$0xFFFFFFC0]  }
0x12c: {  	v25 =	vor.u32 v7, v23;
	v19 =	vld.idx.msk [tilespmem:v15+s28+$0x0], $0xffff  }
0x12d: {  	v20 =	vshll.u32 v15, $0x7;
	v26 =	vld [tilespmem:s9+$0x0];
	v15 =	vunpack.i.l.bf16.f32 v17  }
0x12e: {  	v27 =	vor.u32 v1, v20;
	v16 =	vld.idx.msk [tilespmem:v18+s28+$0x0], $0xffff;
	v17 =	vunpack.i.u.bf16.f32 v17;
	v28 =	vmul.f32 v15, v21  }
0x12f: {  	v30 =	vor.u32 v7, v20;
	v29 =	vld [tilespmem:s9+$0xFFFFFF80];
	v18 =	vshll.u32 v18, $0x7;
	v17 =	vmul.f32 v17, v21  }
0x130: {  	v31 =	vor.u32 v1, v18;
	v32 =	vunpack.i.l.bf16.f32 v22;
	v15 =	vshll.u32 v14, $0x7;
	v14 =	vld.idx.msk [tilespmem:v14+s28+$0x0], $0xffff;
	[tilespmem:v24+s26+$0x0] =	vst.idx.msk $0xffff, v28  }
0x131: {  	v22 =	vunpack.i.u.bf16.f32 v22;
	v24 =	vor.u32 v7, v18;
	v28 =	vmul.f32 v32, v19;
	[tilespmem:v25+s26+$0x0] =	vst.idx.msk $0xffff, v17  }
0x132: {  	v22 =	vmul.f32 v22, v19;
	v17 =	vor.u32 v1, v15;
	v25 =	vunpack.i.l.bf16.f32 v26;
	v59 =	vld [tilespmem:s9+$0x50]  }
0x133: {  	v33 =	vor.u32 v7, v15;
	v26 =	vunpack.i.u.bf16.f32 v26;
	v25 =	vmul.f32 v25, v16;
	[tilespmem:v27+s26+$0x0] =	vst.idx.msk $0xffff, v28  }
0x134: {  	v27 =	vunpack.i.l.bf16.f32 v29;
	v26 =	vmul.f32 v26, v16;
	[tilespmem:v30+s26+$0x0] =	vst.idx.msk $0xffff, v22  }
0x135: {  	v22 =	vunpack.i.u.bf16.f32 v29;
	v27 =	vmul.f32 v27, v14;
	v28 =	vld [tilespmem:s9+$0xFFFFFFD0];
	[tilespmem:v31+s26+$0x0] =	vst.idx.msk $0xffff, v25;
	v25 =	vor.u32 v8, v23  }
0x136: {  	v22 =	vmul.f32 v22, v14;
	[tilespmem:v24+s26+$0x0] =	vst.idx.msk $0xffff, v26;
	v24 =	vor.u32 v9, v23  }
0x137: {  	[tilespmem:v17+s26+$0x0] =	vst.idx.msk $0xffff, v27;
	v26 =	vunpack.i.l.bf16.f32 v59  }
0x138: {  	v17 =	vld [tilespmem:s9+$0x10];
	[tilespmem:v33+s26+$0x0] =	vst.idx.msk $0xffff, v22;
	v22 =	vor.u32 v8, v20;
	v27 =	vunpack.i.u.bf16.f32 v59;
	v26 =	vmul.f32 v26, v21  }
0x139: {  	v30 =	vor.u32 v9, v20;
	v27 =	vmul.f32 v27, v21  }
0x13a: {  	v29 =	vld [tilespmem:s9+$0xFFFFFF90];
	v31 =	vunpack.i.l.bf16.f32 v28;
	[tilespmem:v25+s26+$0x0] =	vst.idx.msk $0xffff, v26  }
0x13b: {  	v25 =	vunpack.i.u.bf16.f32 v28;
	v26 =	vor.u32 v8, v18;
	v28 =	vmul.f32 v31, v19;
	[tilespmem:v24+s26+$0x0] =	vst.idx.msk $0xffff, v27  }
0x13c: {  	s24 =	simm.s32 $0x5;
	v24 =	vmul.f32 v25, v19;
	v27 =	vor.u32 v9, v18;
	v31 =	vld [tilespmem:s9+$0x60]  }
0x13d: {  	v41 =	vmov s24;
	v60 =	vor.u32 v8, v15;
	v25 =	vunpack.i.l.bf16.f32 v17;
	[tilespmem:v22+s26+$0x0] =	vst.idx.msk $0xffff, v28  }
0x13e: {  	v17 =	vunpack.i.u.bf16.f32 v17;
	v22 =	vmul.f32 v25, v16;
	v28 =	vor.u32 v9, v15;
	[tilespmem:v30+s26+$0x0] =	vst.idx.msk $0xffff, v24  }
0x13f: {  	v34 =	vor.u32 v10, v23;
	v17 =	vmul.f32 v17, v16;
	v25 =	vunpack.i.l.bf16.f32 v29;
	v61 =	vld [tilespmem:s9+$0xFFFFFFE0]  }
0x140: {  	v24 =	vunpack.i.u.bf16.f32 v29;
	v25 =	vmul.f32 v25, v14;
	[tilespmem:v26+s26+$0x0] =	vst.idx.msk $0xffff, v22;
	v22 =	vor.u32 v11, v23  }
0x141: {  	v37 =	vor.u32 v12, v23;
	v24 =	vmul.f32 v24, v14;
	[tilespmem:v27+s26+$0x0] =	vst.idx.msk $0xffff, v17;
	v17 =	vunpack.i.l.bf16.f32 v31  }
0x142: {  	s16 =	simm.s32 $0x4;
	[tilespmem:v60+s26+$0x0] =	vst.idx.msk $0xffff, v25;
	v27 =	vor.u32 v10, v20;
	v35 =	vld [tilespmem:s9+$0x20];
	v25 =	vunpack.i.u.bf16.f32 v31;
	v31 =	vmul.f32 v17, v21  }
0x143: {  	v26 =	vmov s16;
	[tilespmem:v28+s26+$0x0] =	vst.idx.msk $0xffff, v24;
	v24 =	vor.u32 v11, v20;
	v25 =	vmul.f32 v25, v21  }
0x144: {  	s29 =	simm.s32 $0x6;
	v36 =	vor.u32 v13, v23;
	v42 =	vor.u32 v10, v18;
	v28 =	vld [tilespmem:s9+$0xFFFFFFA0];
	v33 =	vunpack.i.l.bf16.f32 v61;
	[tilespmem:v34+s26+$0x0] =	vst.idx.msk $0xffff, v31  }
0x145: {  	v32 =	vmov s29;
	v62 =	vunpack.i.u.bf16.f32 v61;
	v31 =	vmul.f32 v33, v19;
	[tilespmem:v22+s26+$0x0] =	vst.idx.msk $0xffff, v25  }
0x146: {  	v38 =	vor.u32 v11, v18;
	v30 =	vor.u32 v10, v15;
	v63 =	vmul.f32 v62, v19;
	v34 =	vld [tilespmem:s9+$0x70]  }
0x147: {  	s30 =	simm.s32 $0x7;
	v29 =	vor.u32 v11, v15;
	[tilespmem:v27+s26+$0x0] =	vst.idx.msk $0xffff, v31;
	v27 =	vunpack.i.u.bf16.f32 v35;
	v35 =	vunpack.i.l.bf16.f32 v35  }
0x148: {  	v17 =	vshll.u32 v26, $0x7;
	v22 =	vld.idx.msk [tilespmem:v26+s28+$0x0], $0xffff;
	v31 =	vmov s30;
	[tilespmem:v24+s26+$0x0] =	vst.idx.msk $0xffff, v63;
	v43 =	vmul.f32 v35, v16  }
0x149: {  	v39 =	vmul.f32 v27, v16;
	v26 =	vunpack.i.u.bf16.f32 v28;
	v27 =	vunpack.i.l.bf16.f32 v28;
	v33 =	vld [tilespmem:s9+$0xFFFFFFF0]  }
0x14a: {  	v23 =	vld.idx.msk [tilespmem:v32+s28+$0x0], $0xffff;
	v25 =	vor.u32 v1, v17;
	v40 =	vmul.f32 v27, v14;
	v35 =	vmul.f32 v26, v14  }
0x14b: {  	s11 =	simm.s32 $0x6710;
	s1 =	simm.s32 $0x8;
	v24 =	vld.idx.msk [tilespmem:v41+s28+$0x0], $0xffff;
	v27 =	vor.u32 v7, v17;
	v26 =	vshll.u32 v41, $0x7;
	[tilespmem:v42+s26+$0x0] =	vst.idx.msk $0xffff, v43;
	v41 =	vunpack.i.l.bf16.f32 v34  }
.LBB2_6:
0x14c: {  	p1 =	slt.u32 s1, $0x24;
	v28 =	vld [tilespmem:s11+$0x40];
	v42 =	vor.u32 v12, v20;
	[tilespmem:v38+s26+$0x0] =	vst.idx.msk $0xffff, v39;
	v34 =	vunpack.i.u.bf16.f32 v34;
	v38 =	vmul.f32 v41, v21  }
0x14d: {  	[tilespmem:v30+s26+$0x0] =	vst.idx.msk $0xffff, v40;
	v30 =	vor.u32 v13, v20;
	v34 =	vmul.f32 v34, v21;
	v21 =	vld.idx.msk [tilespmem:v31+s28+$0x0], $0xffff  }
0x14e: {  	v41 =	vor.u32 v12, v18;
	v20 =	vmovc v26;
	v39 =	vld [tilespmem:s11+$0xFFFFFF80];
	v40 =	vunpack.i.u.bf16.f32 v33;
	v33 =	vunpack.i.l.bf16.f32 v33;
	[tilespmem:v37+s26+$0x0] =	vst.idx.msk $0xffff, v38  }
0x14f: {  	v26 =	vshll.u32 v31, $0x7;
	v37 =	vld [tilespmem:s11+$0xFFFFFFC0];
	v31 =	vmul.f32 v33, v19;
	v33 =	vmul.f32 v40, v19;
	[tilespmem:v36+s26+$0x0] =	vst.idx.msk $0xffff, v34  }
0x150: {  	v38 =	vor.u32 v1, v26;
	v34 =	vor.u32 v1, v20;
	v19 =	vmov v24;
	v36 =	vld [tilespmem:s11+$0x0];
	[tilespmem:v29+s26+$0x0] =	vst.idx.msk $0xffff, v35  }
0x151: {  	v24 =	vor.u32 v7, v20;
	v29 =	vshll.u32 v32, $0x7;
	v32 =	vor.u32 v7, v26;
	[tilespmem:v42+s26+$0x0] =	vst.idx.msk $0xffff, v31;
	v31 =	vld [tilespmem:s9+$0x30]  }
0x152: {  	v35 =	vor.u32 v1, v29;
	v40 =	vor.u32 v7, v29;
	v42 =	vunpack.i.l.bf16.f32 v28;
	v43 =	vld [tilespmem:s9+$0xFFFFFFB0];
	[tilespmem:v30+s26+$0x0] =	vst.idx.msk $0xffff, v33;
	s9 =	smov.u32 s11  }
0x153: {  	v28 =	vunpack.i.u.bf16.f32 v28;
	v33 =	vmul.f32 v42, v21;
	v30 =	vunpack.i.u.bf16.f32 v39  }
0x154: {  	v28 =	vmul.f32 v28, v21;
	v39 =	vunpack.i.l.bf16.f32 v39;
	v42 =	vunpack.i.u.bf16.f32 v37  }
0x155: {  	v37 =	vunpack.i.l.bf16.f32 v37;
	v44 =	vunpack.i.u.bf16.f32 v36;
	v36 =	vunpack.i.l.bf16.f32 v36;
	[tilespmem:v38+s26+$0x0] =	vst.idx.msk $0xffff, v33  }
0x156: {  	v33 =	vmul.f32 v37, v19;
	v37 =	vmul.f32 v42, v19;
	[tilespmem:v32+s26+$0x0] =	vst.idx.msk $0xffff, v28;
	v28 =	vunpack.i.u.bf16.f32 v31  }
0x157: {  	v32 =	vmul.f32 v36, v23;
	v36 =	vmul.f32 v44, v23;
	v31 =	vunpack.i.l.bf16.f32 v31;
	v38 =	vld [tilespmem:s11+$0x50]  }
0x158: {  	v39 =	vmul.f32 v39, v22;
	v30 =	vmul.f32 v30, v22;
	[tilespmem:v34+s26+$0x0] =	vst.idx.msk $0xffff, v33;
	v33 =	vunpack.i.u.bf16.f32 v43  }
0x159: {  	v31 =	vmul.f32 v31, v16;
	v28 =	vmul.f32 v28, v16;
	[tilespmem:v24+s26+$0x0] =	vst.idx.msk $0xffff, v37;
	v24 =	vunpack.i.l.bf16.f32 v43  }
0x15a: {  	v16 =	vmov v23;
	v34 =	vld [tilespmem:s11+$0xFFFFFFD0];
	[tilespmem:v35+s26+$0x0] =	vst.idx.msk $0xffff, v32;
	v32 =	vor.u32 v8, v26;
	v24 =	vmul.f32 v24, v14  }
0x15b: {  	v23 =	vor.u32 v9, v26;
	v35 =	vmul.f32 v33, v14;
	v14 =	vmov v22;
	[tilespmem:v40+s26+$0x0] =	vst.idx.msk $0xffff, v36  }
0x15c: {  	v22 =	vor.u32 v8, v17;
	v36 =	vor.u32 v13, v18;
	[tilespmem:v25+s26+$0x0] =	vst.idx.msk $0xffff, v39;
	v25 =	vld [tilespmem:s11+$0x10];
	v33 =	vunpack.i.l.bf16.f32 v38  }
0x15d: {  	v39 =	vunpack.i.u.bf16.f32 v38;
	[tilespmem:v27+s26+$0x0] =	vst.idx.msk $0xffff, v30;
	v27 =	vor.u32 v8, v20;
	v30 =	vmul.f32 v33, v21  }
0x15e: {  	v37 =	vor.u32 v9, v20;
	v18 =	vmov v29;
	v38 =	vmul.f32 v39, v21;
	v33 =	vld [tilespmem:s11+$0xFFFFFF90];
	[tilespmem:v41+s26+$0x0] =	vst.idx.msk $0xffff, v31  }
0x15f: {  	v29 =	vunpack.i.u.bf16.f32 v34;
	v31 =	vunpack.i.l.bf16.f32 v34;
	v34 =	vor.u32 v8, v18;
	[tilespmem:v32+s26+$0x0] =	vst.idx.msk $0xffff, v30  }
0x160: {  	v30 =	vmul.f32 v31, v19;
	v29 =	vmul.f32 v29, v19;
	[tilespmem:v23+s26+$0x0] =	vst.idx.msk $0xffff, v38  }
0x161: {  	v31 =	vor.u32 v9, v18;
	v23 =	vunpack.i.u.bf16.f32 v25;
	v25 =	vunpack.i.l.bf16.f32 v25;
	v32 =	vld [tilespmem:s11+$0x60];
	[tilespmem:v36+s26+$0x0] =	vst.idx.msk $0xffff, v28  }
0x162: {  	[tilespmem:v27+s26+$0x0] =	vst.idx.msk $0xffff, v30;
	v25 =	vmul.f32 v25, v16;
	v23 =	vmul.f32 v23, v16  }
0x163: {  	v27 =	vunpack.i.u.bf16.f32 v33;
	v28 =	vunpack.i.l.bf16.f32 v33;
	v33 =	vor.u32 v9, v17;
	[tilespmem:v37+s26+$0x0] =	vst.idx.msk $0xffff, v29  }
0x164: {  	v37 =	vor.u32 v10, v26;
	v28 =	vmul.f32 v28, v14;
	v27 =	vmul.f32 v27, v14;
	v36 =	vld [tilespmem:s11+$0xFFFFFFE0]  }
0x165: {  	v39 =	vmov s1;
	v38 =	vor.u32 v12, v15;
	[tilespmem:v34+s26+$0x0] =	vst.idx.msk $0xffff, v25;
	v25 =	vor.u32 v11, v26  }
0x166: {  	v40 =	vor.u32 v13, v15;
	v30 =	vor.u32 v10, v17;
	[tilespmem:v31+s26+$0x0] =	vst.idx.msk $0xffff, v23;
	v23 =	vunpack.i.l.bf16.f32 v32  }
0x167: {  	v41 =	vunpack.i.u.bf16.f32 v32;
	[tilespmem:v22+s26+$0x0] =	vst.idx.msk $0xffff, v28;
	v22 =	vor.u32 v10, v20;
	v28 =	vld [tilespmem:s11+$0x20];
	v23 =	vmul.f32 v23, v21  }
0x168: {  	v31 =	vshll.u32 v39, $0x7;
	v32 =	vmul.f32 v41, v21;
	[tilespmem:v33+s26+$0x0] =	vst.idx.msk $0xffff, v27;
	v27 =	vor.u32 v11, v20  }
0x169: {  	s8 =	sadd.s32 $0x1, s1;
	v15 =	vmovc v17;
	v29 =	vor.u32 v11, v17;
	v33 =	vld [tilespmem:s11+$0xFFFFFFA0];
	v34 =	vunpack.i.u.bf16.f32 v36;
	v36 =	vunpack.i.l.bf16.f32 v36;
	[tilespmem:v37+s26+$0x0] =	vst.idx.msk $0xffff, v23  }
0x16a: {  	v17 =	vmovc v31;
	v23 =	vmov s8;
	s8 =	sadd.s32 $0x2, s1;
	v36 =	vmul.f32 v36, v19;
	v37 =	vmul.f32 v34, v19;
	[tilespmem:v25+s26+$0x0] =	vst.idx.msk $0xffff, v32  }
0x16b: {  	v41 =	vor.u32 v10, v18;
	v25 =	vor.u32 v1, v17;
	v32 =	vmov s8;
	v34 =	vld [tilespmem:s11+$0x70];
	[tilespmem:v38+s26+$0x0] =	vst.idx.msk $0xffff, v24  }
.Ltmp3:
0x16c: {  	s8 =	sadd.s32 $0x3, s1;
	v38 =	vor.u32 v11, v18;
	[tilespmem:v22+s26+$0x0] =	vst.idx.msk $0xffff, v36;
	v24 =	vunpack.i.u.bf16.f32 v28;
	v28 =	vunpack.i.l.bf16.f32 v28;
	(pc) =	sbr.rel @p1 .LBB2_6-.Ltmp3, $4  }
0x16d: {  	v31 =	vmov s8;
	v22 =	vld.idx.msk [tilespmem:v39+s28+$0x0], $0xffff;
	[tilespmem:v27+s26+$0x0] =	vst.idx.msk $0xffff, v37;
	v28 =	vmul.f32 v28, v16;
	v39 =	vmul.f32 v24, v16  }
0x16e: {  	v37 =	vor.u32 v12, v26;
	v27 =	vunpack.i.u.bf16.f32 v33;
	v36 =	vunpack.i.l.bf16.f32 v33;
	v33 =	vld [tilespmem:s11+$0xFFFFFFF0];
	[tilespmem:v40+s26+$0x0] =	vst.idx.msk $0xffff, v35  }
0x16f: {  	v24 =	vld.idx.msk [tilespmem:v23+s28+$0x0], $0xffff;
	v40 =	vmul.f32 v36, v14;
	v35 =	vmul.f32 v27, v14;
	v36 =	vor.u32 v13, v26  }
0x170: {  	s1 =	sadd.s32 $0x4, s1;
	s11 =	sadd.s32 $0x100, s11;
	v27 =	vor.u32 v7, v17;
	v26 =	vshll.u32 v23, $0x7;
	v23 =	vld.idx.msk [tilespmem:v32+s28+$0x0], $0xffff;
	[tilespmem:v41+s26+$0x0] =	vst.idx.msk $0xffff, v28;
	v41 =	vunpack.i.l.bf16.f32 v34  }
0x171: {  	_ =	sdelay $0x2  }
0x172: {  	v42 =	vld [tilespmem:s11+$0x40]  }
0x173: {  	v28 =	vld.idx.msk [tilespmem:v31+s28+$0x0], $0xffff  }
0x174: {  	v43 =	vld [tilespmem:s11+$0xFFFFFFC0];
	v31 =	vshll.u32 v31, $0x7  }
0x175: {  	[tilespmem:v38+s26+$0x0] =	vst.idx.msk $0xffff, v39;
	v34 =	vunpack.i.u.bf16.f32 v34;
	v47 =	vmul.f32 v41, v21;
	v48 =	vor.u32 v1, v31  }
0x176: {  	[tilespmem:v30+s26+$0x0] =	vst.idx.msk $0xffff, v40;
	v30 =	vld [tilespmem:s11+$0x0];
	v21 =	vmul.f32 v34, v21;
	v49 =	vor.u32 v7, v31  }
0x177: {  	v50 =	vor.u32 v1, v26;
	v51 =	vor.u32 v7, v26;
	[tilespmem:v37+s26+$0x0] =	vst.idx.msk $0xffff, v47;
	v52 =	vunpack.i.l.bf16.f32 v42  }
0x178: {  	v53 =	vld [tilespmem:s11+$0xFFFFFF80];
	[tilespmem:v36+s26+$0x0] =	vst.idx.msk $0xffff, v21;
	v21 =	vshll.u32 v32, $0x7;
	v54 =	vunpack.i.u.bf16.f32 v42;
	v55 =	vmul.f32 v52, v28  }
0x179: {  	[tilespmem:v29+s26+$0x0] =	vst.idx.msk $0xffff, v35;
	v29 =	vor.u32 v1, v21;
	v56 =	vunpack.i.l.bf16.f32 v43;
	v32 =	vmul.f32 v54, v28  }
0x17a: {  	v57 =	vor.u32 v7, v21;
	v58 =	vunpack.i.u.bf16.f32 v43;
	v35 =	vmul.f32 v56, v24;
	[tilespmem:v48+s26+$0x0] =	vst.idx.msk $0xffff, v55  }
0x17b: {  	v59 =	vunpack.i.l.bf16.f32 v30;
	v60 =	vmul.f32 v58, v24;
	[tilespmem:v49+s26+$0x0] =	vst.idx.msk $0xffff, v32  }
0x17c: {  	v30 =	vunpack.i.u.bf16.f32 v30;
	v61 =	vmul.f32 v59, v23;
	[tilespmem:v50+s26+$0x0] =	vst.idx.msk $0xffff, v35;
	v34 =	vld [tilespmem:s11+$0x50]  }
0x17d: {  	v62 =	vor.u32 v12, v20;
	v63 =	vunpack.i.l.bf16.f32 v53;
	v30 =	vmul.f32 v30, v23;
	[tilespmem:v51+s26+$0x0] =	vst.idx.msk $0xffff, v60  }
0x17e: {  	v20 =	vor.u32 v13, v20;
	v42 =	vunpack.i.u.bf16.f32 v53;
	v36 =	vmul.f32 v63, v22;
	[tilespmem:v29+s26+$0x0] =	vst.idx.msk $0xffff, v61;
	v38 =	vld [tilespmem:s11+$0xFFFFFFD0]  }
0x17f: {  	v44 =	vor.u32 v8, v31;
	v43 =	vmul.f32 v42, v22;
	v29 =	vunpack.i.l.bf16.f32 v33;
	[tilespmem:v57+s26+$0x0] =	vst.idx.msk $0xffff, v30  }
0x180: {  	v45 =	vor.u32 v9, v31;
	[tilespmem:v25+s26+$0x0] =	vst.idx.msk $0xffff, v36;
	v30 =	vunpack.i.u.bf16.f32 v33;
	v29 =	vmul.f32 v29, v19;
	v25 =	vld [tilespmem:s11+$0x10]  }
0x181: {  	[tilespmem:v27+s26+$0x0] =	vst.idx.msk $0xffff, v43;
	v27 =	vor.u32 v8, v26;
	v19 =	vmul.f32 v30, v19;
	v30 =	vunpack.i.l.bf16.f32 v34  }
0x182: {  	v46 =	vor.u32 v9, v26;
	v32 =	vld [tilespmem:s11+$0xFFFFFF90];
	[tilespmem:v62+s26+$0x0] =	vst.idx.msk $0xffff, v29;
	v29 =	vunpack.i.u.bf16.f32 v34;
	v30 =	vmul.f32 v30, v28  }
0x183: {  	[tilespmem:v20+s26+$0x0] =	vst.idx.msk $0xffff, v19;
	v20 =	vunpack.i.l.bf16.f32 v38;
	v19 =	vmul.f32 v29, v28;
	v29 =	vor.u32 v8, v21  }
0x184: {  	v47 =	vld [tilespmem:s9+$0x30];
	v48 =	vunpack.i.u.bf16.f32 v38;
	v20 =	vmul.f32 v20, v24;
	[tilespmem:v44+s26+$0x0] =	vst.idx.msk $0xffff, v30;
	v30 =	vor.u32 v9, v21  }
0x185: {  	v49 =	vor.u32 v8, v17;
	v36 =	vmul.f32 v48, v24;
	[tilespmem:v45+s26+$0x0] =	vst.idx.msk $0xffff, v19;
	v19 =	vunpack.i.l.bf16.f32 v25  }
0x186: {  	[tilespmem:v27+s26+$0x0] =	vst.idx.msk $0xffff, v20;
	v20 =	vor.u32 v9, v17;
	v25 =	vunpack.i.u.bf16.f32 v25;
	v33 =	vld [tilespmem:s11+$0x60];
	v19 =	vmul.f32 v19, v23  }
0x187: {  	v50 =	vunpack.i.l.bf16.f32 v32;
	v27 =	vor.u32 v12, v18;
	[tilespmem:v46+s26+$0x0] =	vst.idx.msk $0xffff, v36;
	v25 =	vmul.f32 v25, v23  }
0x188: {  	v32 =	vunpack.i.u.bf16.f32 v32;
	v51 =	vmul.f32 v50, v22;
	v18 =	vor.u32 v13, v18;
	v36 =	vld [tilespmem:s11+$0xFFFFFFE0];
	[tilespmem:v29+s26+$0x0] =	vst.idx.msk $0xffff, v19  }
0x189: {  	v52 =	vor.u32 v10, v31;
	v19 =	vunpack.i.l.bf16.f32 v47;
	v29 =	vmul.f32 v32, v22;
	[tilespmem:v30+s26+$0x0] =	vst.idx.msk $0xffff, v25  }
0x18a: {  	[tilespmem:v49+s26+$0x0] =	vst.idx.msk $0xffff, v51;
	v25 =	vunpack.i.u.bf16.f32 v47;
	v19 =	vmul.f32 v19, v16;
	v30 =	vor.u32 v11, v31;
	v53 =	vld [tilespmem:s11+$0x20]  }
0x18b: {  	v54 =	vor.u32 v10, v26;
	v16 =	vmul.f32 v25, v16;
	[tilespmem:v20+s26+$0x0] =	vst.idx.msk $0xffff, v29;
	v25 =	vunpack.i.l.bf16.f32 v33  }
0x18c: {  	[tilespmem:v27+s26+$0x0] =	vst.idx.msk $0xffff, v19;
	v19 =	vunpack.i.u.bf16.f32 v33;
	v27 =	vld [tilespmem:s11+$0xFFFFFFA0];
	v20 =	vmul.f32 v25, v28;
	v25 =	vor.u32 v11, v26  }
0x18d: {  	[tilespmem:v18+s26+$0x0] =	vst.idx.msk $0xffff, v16;
	v16 =	vmul.f32 v19, v28;
	v18 =	vunpack.i.l.bf16.f32 v36;
	v19 =	vor.u32 v10, v21  }
0x18e: {  	v29 =	vld [tilespmem:s9+$0xFFFFFFB0];
	v55 =	vunpack.i.u.bf16.f32 v36;
	v18 =	vmul.f32 v18, v24;
	[tilespmem:v52+s26+$0x0] =	vst.idx.msk $0xffff, v20;
	v20 =	vor.u32 v11, v21  }
0x18f: {  	v56 =	vor.u32 v10, v17;
	v33 =	vmul.f32 v55, v24;
	[tilespmem:v30+s26+$0x0] =	vst.idx.msk $0xffff, v16;
	v16 =	vunpack.i.l.bf16.f32 v53  }
0x190: {  	v30 =	vor.u32 v11, v17;
	[tilespmem:v54+s26+$0x0] =	vst.idx.msk $0xffff, v18;
	v18 =	vunpack.i.u.bf16.f32 v53;
	v57 =	vld [tilespmem:s11+$0x70];
	v16 =	vmul.f32 v16, v23  }
0x191: {  	v58 =	vor.u32 v12, v15;
	v18 =	vmul.f32 v18, v23;
	[tilespmem:v25+s26+$0x0] =	vst.idx.msk $0xffff, v33;
	v25 =	vunpack.i.l.bf16.f32 v27  }
0x192: {  	v15 =	vor.u32 v13, v15;
	v27 =	vunpack.i.u.bf16.f32 v27;
	v33 =	vld [tilespmem:s11+$0xFFFFFFF0];
	v25 =	vmul.f32 v25, v22;
	[tilespmem:v19+s26+$0x0] =	vst.idx.msk $0xffff, v16  }
0x193: {  	v16 =	vunpack.i.l.bf16.f32 v29;
	v19 =	vor.u32 v12, v31;
	v27 =	vmul.f32 v27, v22;
	[tilespmem:v20+s26+$0x0] =	vst.idx.msk $0xffff, v18  }
0x194: {  	v18 =	vunpack.i.u.bf16.f32 v29;
	v16 =	vmul.f32 v16, v14;
	v20 =	vor.u32 v13, v31;
	[tilespmem:v56+s26+$0x0] =	vst.idx.msk $0xffff, v25  }
0x195: {  	v29 =	vor.u32 v12, v26;
	v25 =	vld [tilespmem:s11+$0x30];
	v14 =	vmul.f32 v18, v14;
	v18 =	vunpack.i.l.bf16.f32 v57;
	[tilespmem:v30+s26+$0x0] =	vst.idx.msk $0xffff, v27  }
0x196: {  	v26 =	vor.u32 v13, v26;
	[tilespmem:v58+s26+$0x0] =	vst.idx.msk $0xffff, v16;
	v16 =	vunpack.i.u.bf16.f32 v57;
	v18 =	vmul.f32 v18, v28;
	v27 =	vld [tilespmem:s11+$0xFFFFFFB0]  }
0x197: {  	[tilespmem:v15+s26+$0x0] =	vst.idx.msk $0xffff, v14;
	v14 =	vmul.f32 v16, v28;
	v15 =	vunpack.i.l.bf16.f32 v33  }
0x198: {  	v16 =	vor.u32 v12, v21;
	v28 =	vunpack.i.u.bf16.f32 v33;
	[tilespmem:v19+s26+$0x0] =	vst.idx.msk $0xffff, v18;
	v15 =	vmul.f32 v15, v24  }
0x199: {  	v19 =	vmul.f32 v28, v24;
	[tilespmem:v20+s26+$0x0] =	vst.idx.msk $0xffff, v14;
	v20 =	vor.u32 v12, v17  }
0x19a: {  	v14 =	vunpack.i.l.bf16.f32 v25;
	v17 =	vor.u32 v13, v17;
	[tilespmem:v29+s26+$0x0] =	vst.idx.msk $0xffff, v15  }
0x19b: {  	v14 =	vmul.f32 v14, v23;
	[tilespmem:v26+s26+$0x0] =	vst.idx.msk $0xffff, v19;
	v19 =	vunpack.i.l.bf16.f32 v27  }
0x19c: {  	v18 =	vor.u32 v13, v21;
	v21 =	vunpack.i.u.bf16.f32 v27;
	v19 =	vmul.f32 v19, v22  }
0x19d: {  	[tilespmem:v16+s26+$0x0] =	vst.idx.msk $0xffff, v14;
	v14 =	vmul.f32 v21, v22  }
0x19e: {  	s1 =	simm.s32 $0x28;
	v15 =	vunpack.i.u.bf16.f32 v25;
	[tilespmem:v20+s26+$0x0] =	vst.idx.msk $0xffff, v19  }
0x19f: {  	v15 =	vmul.f32 v15, v23;
	[tilespmem:v17+s26+$0x0] =	vst.idx.msk $0xffff, v14;
	v14 =	vmov s1  }
0x1a0: {  	v14 =	vand.u32 $0xFFFFFFFC, v14  }
0x1a1: {  	s14 =	simm.s32 $0x2A;
	s8 =	simm.s32 @!p0 $0x2;
	[tilespmem:v18+s26+$0x0] =	vst.idx.msk $0xffff, v15;
	v14 =	vbroadcast v14, $0x0  }
0x1a2: {  	v15 =	vmov s14;
	[spmem:s2] =	stream.indirect.scatter.add.f32 [tilespmem:s26], [sflag:$0x2], $0x80, s17, s19, $0xb8;
	[tilespmem:$0x1FBD0] =	vst v63  }
0x1a3: {  	s16 =	simm.s32 $0x29;
	v15 =	vand.u32 $0xFFFFFFFE, v15;
	_ =	swait.ge @!p0 [sflag:s8], $0x1400  }
0x1a4: {  	v16 =	vmov s16;
	v15 =	vbroadcast v15, $0x0;
	[sflag:s8] =	ssyncset.done @!p0 $0x0  }
0x1a5: {  	v16 =	vand.u32 $0xFFFFFFFD, v16;
	s1 =	simm.s32 $0x7080;
	[sflag:s8] =	ssyncadd.s32 @!p0 $0xFFFFEC00  }
0x1a6: {  	s30 =	simm.s32 $0x0;
	v16 =	vbroadcast v16, $0x0;
	v17 =	vld [tilespmem:s1+$0xFFFFFF10]  }
0x1a7: {  	s24 =	simm.s32 $0x2B;
	s5 =	simm.s32 $0x100;
	s29 =	simm.s32 $0x300;
	v59 =	vor.u32 s30, v11;
	v43 =	vor.u32 s30, v13;
	v24 =	vld.idx.msk [tilespmem:v14+s28+$0x0], $0xffff  }
0x1a8: {  	s12 =	simm.s32 $0x180;
	v48 =	vor.u32 s29, v1;
	v46 =	vor.u32 s5, v10;
	v18 =	vld [tilespmem:s1+$0xFFFFFFD0];
	v14 =	vmov s24  }
0x1a9: {  	v31 =	vor.u32 s12, v8;
	v30 =	vor.u32 s12, v7;
	s11 =	simm.s32 $0x200;
	v19 =	vor.u32 s30, v1;
	v20 =	vld [tilespmem:s1+$0xFFFFFF90]  }
0x1aa: {  	v39 =	vor.u32 s11, v1;
	v38 =	vor.u32 s11, v7;
	v21 =	vor.u32 s30, v7;
	s16 =	simm.s32 $0x2F;
	v23 =	vld.idx.msk [tilespmem:v15+s28+$0x0], $0xffff  }
0x1ab: {  	v25 =	vor.u32 s5, v1;
	s14 =	simm.s32 $0x2D;
	v63 =	vmov s16;
	v22 =	vld [tilespmem:s1+$0xFFFFFF50];
	v15 =	vunpack.i.l.bf16.f32 v17  }
0x1ac: {  	s16 =	simm.s32 $0x380;
	v60 =	vmov s14;
	v17 =	vunpack.i.u.bf16.f32 v17;
	v26 =	vmul.f32 v15, v24;
	v15 =	vld.idx.msk [tilespmem:v16+s28+$0x0], $0xffff  }
0x1ad: {  	v58 =	vor.u32 s16, v1;
	s24 =	simm.s32 $0x80;
	v16 =	vor.u32 s5, v7;
	v17 =	vmul.f32 v17, v24;
	v14 =	vld.idx.msk [tilespmem:v14+s28+$0x0], $0xffff  }
0x1ae: {  	s9 =	simm.s32 $0x7180;
	v28 =	vunpack.i.l.bf16.f32 v20;
	[tilespmem:v19+s20+$0x0] =	vst.idx.msk $0xffff, v26;
	v19 =	vunpack.i.u.bf16.f32 v20;
	v20 =	vor.u32 s24, v1  }
0x1af: {  	v33 =	vand.u32 $0xFFFFFFFD, v60;
	v52 =	vld [tilespmem:s9+$0xFFFFFF90];
	v26 =	vor.u32 s12, v1;
	[tilespmem:v21+s20+$0x0] =	vst.idx.msk $0xffff, v17;
	v17 =	vmul.f32 v28, v23  }
0x1b0: {  	v29 =	vor.u32 s24, v7;
	v21 =	vunpack.i.l.bf16.f32 v22;
	v19 =	vmul.f32 v19, v23;
	v28 =	vld [tilespmem:s1+$0xFFFFFF20]  }
0x1b1: {  	v53 =	vld [tilespmem:s9+$0xFFFFFF10];
	v27 =	vunpack.i.u.bf16.f32 v18;
	v18 =	vunpack.i.l.bf16.f32 v18;
	[tilespmem:v25+s20+$0x0] =	vst.idx.msk $0xffff, v17;
	v17 =	vmul.f32 v21, v15  }
0x1b2: {  	v33 =	vbroadcast v33, $0x0;
	v44 =	vld [tilespmem:s9+$0xFFFFFF50];
	v22 =	vunpack.i.u.bf16.f32 v22;
	[tilespmem:v16+s20+$0x0] =	vst.idx.msk $0xffff, v19;
	v16 =	vmul.f32 v18, v14  }
0x1b3: {  	v21 =	vmul.f32 v22, v15;
	v18 =	vmul.f32 v27, v14;
	v19 =	vor.u32 s30, v8;
	v22 =	vld [tilespmem:s1+$0xFFFFFFA0];
	[tilespmem:v20+s20+$0x0] =	vst.idx.msk $0xffff, v17  }
0x1b4: {  	v36 =	vor.u32 s24, v11;
	v42 =	vor.u32 s24, v12;
	v20 =	vor.u32 s30, v9;
	[tilespmem:v26+s20+$0x0] =	vst.idx.msk $0xffff, v16  }
0x1b5: {  	v47 =	vunpack.i.u.bf16.f32 v52;
	v16 =	vunpack.i.l.bf16.f32 v28;
	[tilespmem:v30+s20+$0x0] =	vst.idx.msk $0xffff, v18;
	v28 =	vunpack.i.u.bf16.f32 v28  }
0x1b6: {  	v17 =	vor.u32 s5, v8;
	[tilespmem:v29+s20+$0x0] =	vst.idx.msk $0xffff, v21;
	v18 =	vmul.f32 v16, v24;
	v21 =	vmul.f32 v28, v24;
	v28 =	vld [tilespmem:s1+$0xFFFFFFE0]  }
0x1b7: {  	v49 =	vunpack.i.l.bf16.f32 v53;
	v50 =	vunpack.i.l.bf16.f32 v44;
	v25 =	vor.u32 s5, v9  }
0x1b8: {  	s13 =	simm.s32 $0x2C;
	v60 =	vunpack.i.u.bf16.f32 v44;
	v44 =	vor.u32 s30, v12;
	[tilespmem:v19+s20+$0x0] =	vst.idx.msk $0xffff, v18;
	v19 =	vunpack.i.l.bf16.f32 v22  }
0x1b9: {  	v29 =	vld [tilespmem:s1+$0xFFFFFF60];
	v18 =	vunpack.i.u.bf16.f32 v22;
	[tilespmem:v20+s20+$0x0] =	vst.idx.msk $0xffff, v21;
	v19 =	vmul.f32 v19, v23;
	v20 =	vmov s13  }
0x1ba: {  	v30 =	vor.u32 s12, v9;
	v18 =	vmul.f32 v18, v23;
	v61 =	vld [tilespmem:s1+$0xFFFFFF30];
	v20 =	vand.u32 $0xFFFFFFFC, v20  }
0x1bb: {  	v27 =	vor.u32 s24, v9;
	v62 =	vbroadcast v20, $0x0;
	v20 =	vunpack.i.l.bf16.f32 v28;
	[tilespmem:v17+s20+$0x0] =	vst.idx.msk $0xffff, v19  }
0x1bc: {  	s14 =	simm.s32 $0x2E;
	v26 =	vor.u32 s24, v8;
	v28 =	vunpack.i.u.bf16.f32 v28;
	v20 =	vmul.f32 v20, v14;
	[tilespmem:v25+s20+$0x0] =	vst.idx.msk $0xffff, v18  }
0x1bd: {  	v22 =	vor.u32 s30, v10;
	v17 =	vmov s14;
	v28 =	vmul.f32 v28, v14;
	v25 =	vld [tilespmem:s1+$0xFFFFFFB0]  }
0x1be: {  	v16 =	vor.u32 s5, v13;
	v51 =	vunpack.i.l.bf16.f32 v29;
	v19 =	vld [tilespmem:s9+$0xFFFFFFD0];
	v17 =	vand.u32 $0xFFFFFFFE, v17;
	[tilespmem:v31+s20+$0x0] =	vst.idx.msk $0xffff, v20  }
0x1bf: {  	v55 =	vbroadcast v17, $0x0;
	v17 =	vmul.f32 v51, v15;
	v20 =	vld.idx.msk [tilespmem:v33+s28+$0x0], $0xffff;
	v18 =	vunpack.i.l.bf16.f32 v61;
	[tilespmem:v30+s20+$0x0] =	vst.idx.msk $0xffff, v28  }
0x1c0: {  	v29 =	vunpack.i.u.bf16.f32 v29;
	s14 =	simm.s32 $0x280;
	v34 =	vunpack.i.u.bf16.f32 v61;
	v54 =	vmul.f32 v18, v24;
	v45 =	vld [tilespmem:s1+$0xFFFFFFF0]  }
0x1c1: {  	v57 =	vor.u32 s14, v1;
	v31 =	vor.u32 s5, v11;
	[tilespmem:v26+s20+$0x0] =	vst.idx.msk $0xffff, v17;
	v28 =	vmul.f32 v34, v24;
	v17 =	vld.idx.msk [tilespmem:v62+s28+$0x0], $0xffff  }
0x1c2: {  	v18 =	vunpack.i.l.bf16.f32 v25;
	[tilespmem:v22+s20+$0x0] =	vst.idx.msk $0xffff, v54;
	v22 =	vunpack.i.u.bf16.f32 v25;
	v25 =	vmul.f32 v29, v15  }
0x1c3: {  	v21 =	vor.u32 s24, v10;
	v37 =	vor.u32 s14, v7;
	v26 =	vmul.f32 v18, v23;
	v18 =	vld.idx.msk [tilespmem:v63+s28+$0x0], $0xffff;
	[tilespmem:v59+s20+$0x0] =	vst.idx.msk $0xffff, v28  }
0x1c4: {  	v33 =	vunpack.i.l.bf16.f32 v52;
	v30 =	vor.u32 s12, v10;
	v22 =	vmul.f32 v22, v23;
	[tilespmem:v27+s20+$0x0] =	vst.idx.msk $0xffff, v25  }
0x1c5: {  	v56 =	vunpack.i.u.bf16.f32 v19;
	v34 =	vor.u32 s29, v8;
	v27 =	vmul.f32 v50, v20;
	[tilespmem:v46+s20+$0x0] =	vst.idx.msk $0xffff, v26;
	v61 =	vld [tilespmem:s1+$0xFFFFFF70]  }
0x1c6: {  	v29 =	vunpack.i.u.bf16.f32 v53;
	v26 =	vunpack.i.l.bf16.f32 v45;
	[tilespmem:v31+s20+$0x0] =	vst.idx.msk $0xffff, v22;
	v52 =	vmul.f32 v49, v17  }
0x1c7: {  	v53 =	vor.u32 s16, v7;
	v22 =	vunpack.i.l.bf16.f32 v19;
	v26 =	vmul.f32 v26, v14;
	v19 =	vld.idx.msk [tilespmem:v55+s28+$0x0], $0xffff;
	[tilespmem:v57+s20+$0x0] =	vst.idx.msk $0xffff, v27  }
0x1c8: {  	v28 =	vor.u32 s29, v7;
	v41 =	vmul.f32 v60, v20;
	v59 =	vld [tilespmem:s1+$0xFFFFFF40];
	v22 =	vmul.f32 v22, v18;
	[tilespmem:v39+s20+$0x0] =	vst.idx.msk $0xffff, v52  }
0x1c9: {  	v63 =	vor.u32 s12, v11;
	v25 =	vunpack.i.u.bf16.f32 v45;
	v27 =	vmul.f32 v29, v17;
	[tilespmem:v30+s20+$0x0] =	vst.idx.msk $0xffff, v26  }
0x1ca: {  	v62 =	vmul.f32 v25, v14;
	v25 =	vmul.f32 v56, v18;
	[tilespmem:v58+s20+$0x0] =	vst.idx.msk $0xffff, v22;
	v22 =	vunpack.i.l.bf16.f32 v61  }
0x1cb: {  	v31 =	vor.u32 s5, v12;
	v57 =	vor.u32 s11, v9;
	v54 =	vld [tilespmem:s1+$0xFFFFFFC0];
	[tilespmem:v38+s20+$0x0] =	vst.idx.msk $0xffff, v27;
	v27 =	vmul.f32 v22, v15  }
0x1cc: {  	v56 =	vor.u32 s11, v8;
	v30 =	vor.u32 s16, v8;
	v33 =	vmul.f32 v33, v19;
	[tilespmem:v53+s20+$0x0] =	vst.idx.msk $0xffff, v25  }
0x1cd: {  	v29 =	vunpack.i.l.bf16.f32 v59;
	v38 =	vld [tilespmem:s9+$0xFFFFFF20];
	v26 =	vunpack.i.u.bf16.f32 v61;
	v58 =	vmul.f32 v47, v19;
	[tilespmem:v21+s20+$0x0] =	vst.idx.msk $0xffff, v27  }
0x1ce: {  	v55 =	vunpack.i.u.bf16.f32 v59;
	v35 =	vmul.f32 v29, v24;
	v26 =	vmul.f32 v26, v15;
	[tilespmem:v48+s20+$0x0] =	vst.idx.msk $0xffff, v33  }
0x1cf: {  	v29 =	vor.u32 s29, v9;
	v39 =	vmul.f32 v55, v24;
	v24 =	vor.u32 s12, v13;
	[tilespmem:v28+s20+$0x0] =	vst.idx.msk $0xffff, v58  }
0x1d0: {  	v22 =	vor.u32 s14, v8;
	v25 =	vor.u32 s12, v12;
	v59 =	vunpack.i.l.bf16.f32 v54;
	[tilespmem:v36+s20+$0x0] =	vst.idx.msk $0xffff, v26;
	v60 =	vld [tilespmem:s9+$0xFFFFFFA0]  }
0x1d1: {  	v21 =	vor.u32 s14, v9;
	v27 =	vunpack.i.u.bf16.f32 v54;
	v33 =	vmul.f32 v59, v23;
	v40 =	vld [tilespmem:s1+$0xFFFFFF80]  }
0x1d2: {  	[tilespmem:v37+s20+$0x0] =	vst.idx.msk $0xffff, v41;
	v28 =	vor.u32 s16, v9;
	v27 =	vmul.f32 v27, v23;
	v26 =	vunpack.i.l.bf16.f32 v38  }
0x1d3: {  	[tilespmem:v63+s20+$0x0] =	vst.idx.msk $0xffff, v62;
	v23 =	vor.u32 s29, v13;
	v61 =	vmul.f32 v26, v17;
	v26 =	vunpack.i.u.bf16.f32 v38  }
0x1d4: {  	v37 =	vld [tilespmem:s1+$0x0];
	[tilespmem:v31+s20+$0x0] =	vst.idx.msk $0xffff, v33;
	v33 =	vor.u32 s11, v10;
	v38 =	vor.u32 s24, v13;
	v62 =	vmul.f32 v26, v17  }
0x1d5: {  	v41 =	vld [tilespmem:s9+$0xFFFFFFE0];
	v26 =	vor.u32 s11, v11;
	[tilespmem:v56+s20+$0x0] =	vst.idx.msk $0xffff, v61;
	v31 =	vunpack.i.u.bf16.f32 v60;
	v63 =	vunpack.i.l.bf16.f32 v60  }
0x1d6: {  	s30 =	simm.s32 $0x4;
	v36 =	vld [tilespmem:s9+$0xFFFFFF60];
	s1 =	simm.s32 $0x7180;
	[tilespmem:v57+s20+$0x0] =	vst.idx.msk $0xffff, v62;
	v47 =	vunpack.i.l.bf16.f32 v40;
	v46 =	vmul.f32 v63, v19;
	v45 =	vmul.f32 v31, v19  }
.LBB2_8:
0x1d7: {  	s8 =	sadd.s32 $0x2C, s30;
	s12 =	sadd.s32 $0x2D, s30;
	s24 =	sadd.s32 $0x2E, s30;
	v32 =	vor.u32 s14, v10;
	v31 =	vor.u32 s14, v11;
	[tilespmem:v44+s20+$0x0] =	vst.idx.msk $0xffff, v35;
	v35 =	vmul.f32 v47, v15  }
0x1d8: {  	s13 =	smov.u32 s30;
	v44 =	vmov s8;
	v47 =	vmov s12;
	s8 =	sadd.s32 $0x2F, s30;
	[tilespmem:v43+s20+$0x0] =	vst.idx.msk $0xffff, v39;
	v39 =	vunpack.i.u.bf16.f32 v40;
	s30 =	sadd.s32 $0x4, s30  }
0x1d9: {  	s1 =	sadd.s32 $0x100, s1;
	v40 =	vand.u32 $0xFFFFFFFC, v44;
	v43 =	vand.u32 $0xFFFFFFFD, v47;
	p1 =	slt.u32 s30, $0x24;
	v44 =	vld [tilespmem:s9+$0xFFFFFF30];
	[tilespmem:v34+s20+$0x0] =	vst.idx.msk $0xffff, v46;
	v34 =	vmul.f32 v39, v15;
	v15 =	vmovc v20  }
0x1da: {  	v20 =	vunpack.i.l.bf16.f32 v41;
	v39 =	vbroadcast v40, $0x0;
	v40 =	vmov s8;
	v46 =	vld [tilespmem:s1+$0xFFFFFFD0];
	[tilespmem:v42+s20+$0x0] =	vst.idx.msk $0xffff, v35  }
0x1db: {  	v42 =	vmov s24;
	v20 =	vmul.f32 v20, v18;
	v35 =	vld [tilespmem:s1+$0xFFFFFF50];
	[tilespmem:v38+s20+$0x0] =	vst.idx.msk $0xffff, v34;
	v34 =	vunpack.i.l.bf16.f32 v37  }
0x1dc: {  	s12 =	sshll.u32 s30, $0x7;
	v41 =	vunpack.i.u.bf16.f32 v41;
	v38 =	vunpack.i.l.bf16.f32 v36;
	[tilespmem:v16+s20+$0x0] =	vst.idx.msk $0xffff, v27;
	v27 =	vunpack.i.u.bf16.f32 v37;
	v16 =	vmovc v23  }
0x1dd: {  	v23 =	vor.u32 s12, v1;
	v37 =	vbroadcast v43, $0x0;
	v43 =	vld [tilespmem:s1+$0xFFFFFF90];
	[tilespmem:v29+s20+$0x0] =	vst.idx.msk $0xffff, v45;
	v27 =	vmul.f32 v27, v14  }
0x1de: {  	v29 =	vunpack.i.u.bf16.f32 v44;
	v44 =	vunpack.i.l.bf16.f32 v44;
	v45 =	vld [tilespmem:s9+$0xFFFFFFB0];
	[tilespmem:v30+s20+$0x0] =	vst.idx.msk $0xffff, v20;
	v20 =	vmul.f32 v41, v18  }
0x1df: {  	v34 =	vmul.f32 v34, v14;
	v14 =	vmovc v18;
	v41 =	vand.u32 $0xFFFFFFFE, v42;
	v30 =	vld [tilespmem:s1+$0xFFFFFF10];
	v42 =	vmul.f32 v44, v17  }
0x1e0: {  	v18 =	vmul.f32 v38, v15;
	v38 =	vor.u32 s29, v11;
	v41 =	vbroadcast v41, $0x0;
	[tilespmem:v28+s20+$0x0] =	vst.idx.msk $0xffff, v20  }
0x1e1: {  	v47 =	vor.u32 s16, v10;
	v29 =	vmul.f32 v29, v17;
	v28 =	vor.u32 s12, v7;
	v44 =	vld [tilespmem:s9+$0xFFFFFFF0];
	[tilespmem:v25+s20+$0x0] =	vst.idx.msk $0xffff, v34  }
0x1e2: {  	s13 =	sshll.u32 s13, $0x7;
	v25 =	vunpack.i.u.bf16.f32 v46;
	v34 =	vunpack.i.u.bf16.f32 v36;
	v36 =	vor.u32 s29, v10;
	[tilespmem:v24+s20+$0x0] =	vst.idx.msk $0xffff, v27  }
0x1e3: {  	s5 =	sadd.s32 $0x300, s13;
	s8 =	sadd.s32 $0x280, s13;
	s24 =	sadd.s32 $0x380, s13;
	v24 =	vunpack.i.u.bf16.f32 v43;
	v27 =	vunpack.i.l.bf16.f32 v43;
	v20 =	vld.idx.msk [tilespmem:v37+s28+$0x0], $0xffff;
	v37 =	vunpack.i.l.bf16.f32 v45  }
0x1e4: {  	v48 =	vor.u32 s5, v1;
	v43 =	vor.u32 s8, v1;
	[tilespmem:v22+s20+$0x0] =	vst.idx.msk $0xffff, v18;
	v22 =	vmul.f32 v37, v19  }
0x1e5: {  	v49 =	vunpack.i.l.bf16.f32 v35;
	v37 =	vunpack.i.l.bf16.f32 v30;
	v18 =	vld.idx.msk [tilespmem:v40+s28+$0x0], $0xffff;
	[tilespmem:v33+s20+$0x0] =	vst.idx.msk $0xffff, v42;
	v33 =	vunpack.i.u.bf16.f32 v45  }
0x1e6: {  	v30 =	vunpack.i.u.bf16.f32 v30;
	v42 =	vor.u32 s8, v7;
	v40 =	vld.idx.msk [tilespmem:v39+s28+$0x0], $0xffff;
	[tilespmem:v26+s20+$0x0] =	vst.idx.msk $0xffff, v29;
	v26 =	vmul.f32 v34, v15  }
0x1e7: {  	v39 =	vor.u32 s5, v7;
	v29 =	vor.u32 s24, v1;
	v34 =	vld [tilespmem:s9+$0xFFFFFF40];
	[tilespmem:v36+s20+$0x0] =	vst.idx.msk $0xffff, v22;
	v22 =	vmul.f32 v33, v19  }
0x1e8: {  	v33 =	vunpack.i.u.bf16.f32 v35;
	[tilespmem:v21+s20+$0x0] =	vst.idx.msk $0xffff, v26;
	v21 =	vunpack.i.u.bf16.f32 v44;
	v26 =	vunpack.i.l.bf16.f32 v44  }
0x1e9: {  	v45 =	vor.u32 s29, v12;
	s29 =	smov.u32 s5;
	v35 =	vmul.f32 v49, v20;
	v33 =	vmul.f32 v33, v20;
	v36 =	vld [tilespmem:s9+$0xFFFFFF70];
	[tilespmem:v38+s20+$0x0] =	vst.idx.msk $0xffff, v22  }
0x1ea: {  	v22 =	vunpack.i.l.bf16.f32 v46;
	v26 =	vmul.f32 v26, v14;
	v38 =	vld.idx.msk [tilespmem:v41+s28+$0x0], $0xffff;
	v41 =	vmul.f32 v21, v14  }
0x1eb: {  	v46 =	vor.u32 s16, v11;
	v21 =	vmul.f32 v22, v18;
	v25 =	vmul.f32 v25, v18;
	v44 =	vld [tilespmem:s9+$0xFFFFFFC0]  }
0x1ec: {  	v22 =	vmul.f32 v37, v40;
	v30 =	vmul.f32 v30, v40;
	[tilespmem:v43+s20+$0x0] =	vst.idx.msk $0xffff, v35;
	v35 =	vunpack.i.l.bf16.f32 v34  }
0x1ed: {  	v37 =	vor.u32 s24, v7;
	v43 =	vunpack.i.u.bf16.f32 v34;
	[tilespmem:v29+s20+$0x0] =	vst.idx.msk $0xffff, v21;
	v35 =	vmul.f32 v35, v17  }
0x1ee: {  	v49 =	vor.u32 s12, v8;
	v34 =	vor.u32 s29, v8;
	[tilespmem:v23+s20+$0x0] =	vst.idx.msk $0xffff, v22;
	v21 =	vunpack.i.l.bf16.f32 v36  }
0x1ef: {  	v50 =	vor.u32 s12, v9;
	v29 =	vor.u32 s29, v9;
	[tilespmem:v28+s20+$0x0] =	vst.idx.msk $0xffff, v30;
	v23 =	vmul.f32 v21, v15  }
0x1f0: {  	v22 =	vor.u32 s8, v8;
	v27 =	vmul.f32 v27, v38;
	v28 =	vunpack.i.u.bf16.f32 v36;
	v51 =	vld [tilespmem:s1+$0xFFFFFF20];
	[tilespmem:v47+s20+$0x0] =	vst.idx.msk $0xffff, v26  }
0x1f1: {  	v21 =	vor.u32 s8, v9;
	v24 =	vmul.f32 v24, v38;
	v26 =	vmul.f32 v28, v15;
	[tilespmem:v32+s20+$0x0] =	vst.idx.msk $0xffff, v23  }
0x1f2: {  	v30 =	vor.u32 s24, v8;
	v23 =	vunpack.i.u.bf16.f32 v44;
	[tilespmem:v48+s20+$0x0] =	vst.idx.msk $0xffff, v27;
	v27 =	vunpack.i.l.bf16.f32 v44  }
0x1f3: {  	v28 =	vor.u32 s24, v9;
	[tilespmem:v39+s20+$0x0] =	vst.idx.msk $0xffff, v24;
	v32 =	vmul.f32 v27, v19;
	v27 =	vmul.f32 v23, v19  }
0x1f4: {  	v23 =	vor.u32 s29, v13;
	v39 =	vmul.f32 v43, v17;
	v17 =	vmovc v40;
	v19 =	vmov v38;
	v47 =	vld [tilespmem:s1+$0xFFFFFFA0];
	[tilespmem:v31+s20+$0x0] =	vst.idx.msk $0xffff, v26  }
0x1f5: {  	v24 =	vor.u32 s16, v13;
	v26 =	vunpack.i.l.bf16.f32 v51;
	[tilespmem:v37+s20+$0x0] =	vst.idx.msk $0xffff, v25;
	v40 =	vld [tilespmem:s9+$0xFFFFFF80]  }
.Ltmp4:
0x1f6: {  	v44 =	vor.u32 s11, v12;
	v25 =	vor.u32 s16, v12;
	s16 =	smov.u32 s24;
	v31 =	vmul.f32 v26, v17;
	[tilespmem:v42+s20+$0x0] =	vst.idx.msk $0xffff, v33;
	(pc) =	sbr.rel @p1 .LBB2_8-.Ltmp4, $4  }
0x1f7: {  	v43 =	vor.u32 s11, v13;
	v38 =	vor.u32 s14, v13;
	s11 =	smov.u32 s12;
	v26 =	vunpack.i.u.bf16.f32 v51;
	v36 =	vld [tilespmem:s1+$0xFFFFFF60];
	[tilespmem:v46+s20+$0x0] =	vst.idx.msk $0xffff, v41  }
0x1f8: {  	v42 =	vor.u32 s14, v12;
	s14 =	smov.u32 s8;
	v46 =	vmul.f32 v26, v17;
	v26 =	vor.u32 s11, v11;
	v41 =	vld [tilespmem:s1+$0xFFFFFFE0];
	[tilespmem:v45+s20+$0x0] =	vst.idx.msk $0xffff, v32  }
0x1f9: {  	v33 =	vor.u32 s11, v10;
	[tilespmem:v49+s20+$0x0] =	vst.idx.msk $0xffff, v31;
	v31 =	vunpack.i.u.bf16.f32 v47;
	v32 =	vunpack.i.l.bf16.f32 v47;
	v37 =	vld [tilespmem:s9+$0x0];
	s9 =	smov.u32 s1  }
0x1fa: {  	[tilespmem:v50+s20+$0x0] =	vst.idx.msk $0xffff, v46;
	v46 =	vmul.f32 v32, v19;
	v45 =	vmul.f32 v31, v19;
	v47 =	vunpack.i.l.bf16.f32 v40  }
0x1fb: {  	_ =	sdelay $0x3  }
0x1fc: {  	[tilespmem:v44+s20+$0x0] =	vst.idx.msk $0xffff, v35  }
0x1fd: {  	[tilespmem:v34+s20+$0x0] =	vst.idx.msk $0xffff, v46;
	v31 =	vunpack.i.l.bf16.f32 v36  }
0x1fe: {  	v32 =	vld [tilespmem:s9+$0xFFFFFF30];
	[tilespmem:v29+s20+$0x0] =	vst.idx.msk $0xffff, v45;
	v29 =	vmul.f32 v31, v20;
	v31 =	vunpack.i.u.bf16.f32 v36  }
0x1ff: {  	[tilespmem:v16+s20+$0x0] =	vst.idx.msk $0xffff, v27;
	v34 =	vld [tilespmem:s9+$0xFFFFFFB0];
	v31 =	vmul.f32 v31, v20  }
0x200: {  	v47 =	vmul.f32 v47, v15;
	v48 =	vunpack.i.l.bf16.f32 v41;
	[tilespmem:v22+s20+$0x0] =	vst.idx.msk $0xffff, v29  }
0x201: {  	v22 =	vmul.f32 v48, v18;
	v29 =	vunpack.i.u.bf16.f32 v41;
	[tilespmem:v21+s20+$0x0] =	vst.idx.msk $0xffff, v31  }
0x202: {  	[tilespmem:v42+s20+$0x0] =	vst.idx.msk $0xffff, v47;
	v21 =	vunpack.i.u.bf16.f32 v40;
	v29 =	vmul.f32 v29, v18;
	v31 =	vor.u32 s29, v10;
	v49 =	vld [tilespmem:s9+$0xFFFFFF70]  }
0x203: {  	v15 =	vmul.f32 v21, v15;
	v21 =	vunpack.i.l.bf16.f32 v32;
	[tilespmem:v30+s20+$0x0] =	vst.idx.msk $0xffff, v22;
	v22 =	vor.u32 s29, v11  }
0x204: {  	v21 =	vmul.f32 v21, v17;
	[tilespmem:v28+s20+$0x0] =	vst.idx.msk $0xffff, v29;
	v28 =	vunpack.i.l.bf16.f32 v34  }
0x205: {  	v29 =	vor.u32 s14, v10;
	[tilespmem:v38+s20+$0x0] =	vst.idx.msk $0xffff, v15;
	v15 =	vld [tilespmem:s9+$0xFFFFFFF0];
	v30 =	vunpack.i.u.bf16.f32 v34;
	v28 =	vmul.f32 v28, v19  }
0x206: {  	v50 =	vor.u32 s14, v11;
	v32 =	vunpack.i.u.bf16.f32 v32;
	[tilespmem:v33+s20+$0x0] =	vst.idx.msk $0xffff, v21;
	v21 =	vmul.f32 v30, v19  }
0x207: {  	v30 =	vmul.f32 v32, v17;
	[tilespmem:v31+s20+$0x0] =	vst.idx.msk $0xffff, v28;
	v28 =	vunpack.i.l.bf16.f32 v49  }
0x208: {  	v31 =	vor.u32 s16, v10;
	[tilespmem:v22+s20+$0x0] =	vst.idx.msk $0xffff, v21;
	v21 =	vmul.f32 v28, v20;
	v22 =	vunpack.i.u.bf16.f32 v49  }
0x209: {  	[tilespmem:v26+s20+$0x0] =	vst.idx.msk $0xffff, v30;
	v28 =	vor.u32 s16, v11;
	v26 =	vld [tilespmem:s9+$0xFFFFFFC0];
	v22 =	vmul.f32 v22, v20  }
0x20a: {  	v30 =	vld [tilespmem:s9+$0xFFFFFF40];
	v51 =	vunpack.i.l.bf16.f32 v15;
	[tilespmem:v29+s20+$0x0] =	vst.idx.msk $0xffff, v21  }
0x20b: {  	v15 =	vunpack.i.u.bf16.f32 v15;
	v21 =	vmul.f32 v51, v18;
	[tilespmem:v50+s20+$0x0] =	vst.idx.msk $0xffff, v22  }
0x20c: {  	v16 =	vor.u32 s29, v12;
	[tilespmem:v43+s20+$0x0] =	vst.idx.msk $0xffff, v39;
	v15 =	vmul.f32 v15, v18;
	v22 =	vunpack.i.l.bf16.f32 v37;
	v27 =	vld [tilespmem:s9+$0xFFFFFF80]  }
0x20d: {  	v29 =	vunpack.i.u.bf16.f32 v37;
	v22 =	vmul.f32 v22, v14;
	[tilespmem:v31+s20+$0x0] =	vst.idx.msk $0xffff, v21;
	v21 =	vor.u32 s11, v12  }
0x20e: {  	v14 =	vmul.f32 v29, v14;
	v31 =	vor.u32 s11, v13;
	[tilespmem:v28+s20+$0x0] =	vst.idx.msk $0xffff, v15;
	v29 =	vunpack.i.l.bf16.f32 v26  }
0x20f: {  	v15 =	vunpack.i.l.bf16.f32 v30;
	[tilespmem:v25+s20+$0x0] =	vst.idx.msk $0xffff, v22;
	v25 =	vor.u32 s14, v12;
	v28 =	vld [tilespmem:s9+$0x0];
	v22 =	vmul.f32 v29, v19  }
0x210: {  	v15 =	vmul.f32 v15, v17;
	[tilespmem:v24+s20+$0x0] =	vst.idx.msk $0xffff, v14;
	v14 =	vunpack.i.u.bf16.f32 v30;
	v24 =	vor.u32 s14, v13  }
0x211: {  	v14 =	vmul.f32 v14, v17;
	[tilespmem:v16+s20+$0x0] =	vst.idx.msk $0xffff, v22;
	v16 =	vunpack.i.l.bf16.f32 v27  }
0x212: {  	v17 =	vor.u32 s16, v12;
	[tilespmem:v21+s20+$0x0] =	vst.idx.msk $0xffff, v15;
	v15 =	vmul.f32 v16, v20;
	v16 =	vunpack.i.u.bf16.f32 v27  }
0x213: {  	v21 =	vunpack.i.u.bf16.f32 v26;
	v22 =	vor.u32 s16, v13;
	[tilespmem:v31+s20+$0x0] =	vst.idx.msk $0xffff, v14;
	v14 =	vmul.f32 v16, v20  }
0x214: {  	v16 =	vmul.f32 v21, v19;
	[tilespmem:v25+s20+$0x0] =	vst.idx.msk $0xffff, v15;
	v15 =	vunpack.i.l.bf16.f32 v28  }
0x215: {  	[tilespmem:v24+s20+$0x0] =	vst.idx.msk $0xffff, v14;
	v14 =	vunpack.i.u.bf16.f32 v28;
	v15 =	vmul.f32 v15, v18  }
0x216: {  	[tilespmem:v23+s20+$0x0] =	vst.idx.msk $0xffff, v16;
	v14 =	vmul.f32 v14, v18  }
0x217: {  	[tilespmem:v17+s20+$0x0] =	vst.idx.msk $0xffff, v15  }
0x218: {  	s1 =	smul.u32 $0x280, s10;
	[tilespmem:v22+s20+$0x0] =	vst.idx.msk $0xffff, v14  }
0x219: {  	[spmem:s2] =	stream.indirect.scatter.add.f32 [tilespmem:s20], [sflag:$0x2], $0x80, s21, s19, $0xb8;
	[tilespmem:$0x1FBD0] =	vst v63  }
0x21a: {  	_ =	swait.ge [sflag:s7], $0x1400  }
0x21b: {  	s1 =	sshra.s32 s1, $0x2;
	[sflag:s7] =	ssyncset.done $0x0  }
0x21c: {  	s5 =	simm.s32 $0x6590;
	s1 =	sadd.s32 $0x4EC0, s1;
	[sflag:s7] =	ssyncadd.s32 $0xFFFFEC00  }
0x21d: {  	[tilespmem:s5], [sflag:$0x1] =	stream.indirect.gather [hbm4b:s6+s0], $0x40, s1, s0, $0xb8;
	[tilespmem:$0x1FBD0] =	vst v63  }
0x21e: {  	s1 =	simm.s32 @!p0 $0x3  }
0x21f: {  	_ =	swait.ge @!p0 [sflag:s1], $0x50  }
0x220: {  	s8 =	smul.u32 $0x50, s15;
	[sflag:s1] =	ssyncset.done @!p0 $0x0  }
0x221: {  	[sflag:s1] =	ssyncadd.s32 @!p0 $0xFFFFFFB0  }
0x222: {  	v14 =	vld [tilespmem:s8+$0x4E20]  }
0x223: {  	v15 =	vld [tilespmem:s8+$0x55F0];
	_ =	sdelay $0x5  }
0x224: {  	s11 =	simm.s32 $0x0  }
0x225: {  	v14 =	vld.idx.msk [tilespmem:v14+s11+$0x0], $0xffff  }
0x226: {  	v16 =	vld.idx.msk [tilespmem:v15+s25+$0x0], $0xffff;
	_ =	sdelay $0x1  }
0x227: {  	v17 =	vld [tilespmem:s8+$0x5DC0];
	_ =	sdelay $0x2  }
0x228: {  	v14 =	vadd.f32 v16, v14;
	_ =	sdelay $0x1  }
0x229: {  	v14 =	vadd.f32 v17, v14;
	_ =	sdelay $0x1  }
0x22a: {  	v16 =	vmul.f32 $2.000000030e-01, v14  }
0x22b: {  	vm0 =	vge.f32 v14, $0.0e+00  }
0x22c: {  	v14 =	vsel vm0, v14, v16  }
0x22d: {  	v14 =	vmul.f32 $1.442695020e+00, v14;
	_ =	sdelay $0x1  }
0x22e: {  	(erf) = vpow2.f32 v14;
	_ =	sdelay $0x8  }
0x22f: {  	v14 =	vpop (erf)  }
0x230: {  	[tilespmem:$0xB680] =	vst v14  }
0x231: {  	[tilespmem:v0+s22+$0x0] =	vst.idx.msk $0xffff, v15  }
0x232: {  	v14 =	vld [tilespmem:s8+$0x4E30]  }
0x233: {  	v15 =	vld [tilespmem:s8+$0x5600];
	_ =	sdelay $0x6  }
0x234: {  	v14 =	vld.idx.msk [tilespmem:v14+s11+$0x0], $0xffff  }
0x235: {  	v16 =	vld.idx.msk [tilespmem:v15+s25+$0x0], $0xffff;
	_ =	sdelay $0x1  }
0x236: {  	v17 =	vld [tilespmem:s8+$0x5DD0];
	_ =	sdelay $0x2  }
0x237: {  	v14 =	vadd.f32 v16, v14;
	_ =	sdelay $0x1  }
0x238: {  	v14 =	vadd.f32 v17, v14;
	_ =	sdelay $0x1  }
0x239: {  	v16 =	vmul.f32 $2.000000030e-01, v14  }
0x23a: {  	vm12 =	vge.f32 v14, $0.0e+00  }
0x23b: {  	v14 =	vsel vm12, v14, v16  }
0x23c: {  	v14 =	vmul.f32 $1.442695020e+00, v14;
	_ =	sdelay $0x1  }
0x23d: {  	(erf) = vpow2.f32 v14;
	_ =	sdelay $0x8  }
0x23e: {  	v14 =	vpop (erf)  }
0x23f: {  	[tilespmem:$0xB690] =	vst v14  }
0x240: {  	[tilespmem:v3+s22+$0x0] =	vst.idx.msk $0xffff, v15  }
0x241: {  	v14 =	vld [tilespmem:s8+$0x4E40]  }
0x242: {  	v15 =	vld [tilespmem:s8+$0x5610];
	_ =	sdelay $0x6  }
0x243: {  	v14 =	vld.idx.msk [tilespmem:v14+s11+$0x0], $0xffff  }
0x244: {  	v16 =	vld.idx.msk [tilespmem:v15+s25+$0x0], $0xffff;
	_ =	sdelay $0x1  }
0x245: {  	v17 =	vld [tilespmem:s8+$0x5DE0];
	_ =	sdelay $0x2  }
0x246: {  	v14 =	vadd.f32 v16, v14;
	_ =	sdelay $0x1  }
0x247: {  	v14 =	vadd.f32 v17, v14;
	_ =	sdelay $0x1  }
0x248: {  	v16 =	vmul.f32 $2.000000030e-01, v14  }
0x249: {  	vm13 =	vge.f32 v14, $0.0e+00  }
0x24a: {  	v14 =	vsel vm13, v14, v16  }
0x24b: {  	v14 =	vmul.f32 $1.442695020e+00, v14;
	_ =	sdelay $0x1  }
0x24c: {  	(erf) = vpow2.f32 v14;
	_ =	sdelay $0x8  }
0x24d: {  	v14 =	vpop (erf)  }
0x24e: {  	[tilespmem:$0xB6A0] =	vst v14  }
0x24f: {  	[tilespmem:v4+s22+$0x0] =	vst.idx.msk $0xffff, v15  }
0x250: {  	v14 =	vld [tilespmem:s8+$0x4E50]  }
0x251: {  	v15 =	vld [tilespmem:s8+$0x5620];
	_ =	sdelay $0x6  }
0x252: {  	v14 =	vld.idx.msk [tilespmem:v14+s11+$0x0], $0xffff  }
0x253: {  	v16 =	vld.idx.msk [tilespmem:v15+s25+$0x0], $0xffff;
	_ =	sdelay $0x1  }
0x254: {  	v17 =	vld [tilespmem:s8+$0x5DF0];
	_ =	sdelay $0x2  }
0x255: {  	v14 =	vadd.f32 v16, v14;
	_ =	sdelay $0x1  }
0x256: {  	v14 =	vadd.f32 v17, v14;
	_ =	sdelay $0x1  }
0x257: {  	v16 =	vmul.f32 $2.000000030e-01, v14  }
0x258: {  	vm14 =	vge.f32 v14, $0.0e+00  }
0x259: {  	v14 =	vsel vm14, v14, v16  }
0x25a: {  	v14 =	vmul.f32 $1.442695020e+00, v14;
	_ =	sdelay $0x1  }
0x25b: {  	(erf) = vpow2.f32 v14;
	_ =	sdelay $0x8  }
0x25c: {  	v14 =	vpop (erf)  }
0x25d: {  	[tilespmem:$0xB6B0] =	vst v14  }
0x25e: {  	[tilespmem:v5+s22+$0x0] =	vst.idx.msk $0xffff, v15  }
0x25f: {  	v14 =	vld [tilespmem:s8+$0x4E60]  }
0x260: {  	v15 =	vld [tilespmem:s8+$0x5630];
	_ =	sdelay $0x6  }
0x261: {  	v14 =	vld.idx.msk [tilespmem:v14+s11+$0x0], $0xffff  }
0x262: {  	v16 =	vld.idx.msk [tilespmem:v15+s25+$0x0], $0xffff;
	_ =	sdelay $0x1  }
0x263: {  	v17 =	vld [tilespmem:s8+$0x5E00];
	_ =	sdelay $0x2  }
0x264: {  	v14 =	vadd.f32 v16, v14;
	_ =	sdelay $0x1  }
0x265: {  	v14 =	vadd.f32 v17, v14;
	_ =	sdelay $0x1  }
0x266: {  	v16 =	vmul.f32 $2.000000030e-01, v14  }
0x267: {  	vm15 =	vge.f32 v14, $0.0e+00  }
0x268: {  	v14 =	vsel vm15, v14, v16  }
0x269: {  	v14 =	vmul.f32 $1.442695020e+00, v14;
	_ =	sdelay $0x1  }
0x26a: {  	(erf) = vpow2.f32 v14;
	_ =	sdelay $0x8  }
0x26b: {  	v14 =	vpop (erf)  }
0x26c: {  	[tilespmem:$0xB6C0] =	vst v14  }
0x26d: {  	s13 =	simm.s32 $0x3;
	s12 =	sadd.s32 $0x55F0, s8;
	[tilespmem:v6+s22+$0x0] =	vst.idx.msk $0xffff, v15  }
0x26e: {  	v14 =	vmov s13;
	[spmem:s3] =	stream.indirect.scatter.add.f32 [tilespmem:s23], [sflag:$0x3], $0x1, s12, s0, $0xb8;
	[tilespmem:$0x1FBD0] =	vst v63  }
0x26f: {  	_ =	swait.ge [sflag:s18], $0x1400  }
0x270: {  	s14 =	simm.s32 $0x1;
	[sflag:s18] =	ssyncset.done $0x0  }
0x271: {  	s9 =	simm.s32 $0x7A10;
	v15 =	vmov s14;
	[sflag:s18] =	ssyncadd.s32 $0xFFFFEC00  }
0x272: {  	s15 =	simm.s32 $0x2;
	v17 =	vld [tilespmem:s9+$0x40]  }
0x273: {  	v18 =	vmov s15;
	v21 =	vld.idx.msk [tilespmem:v14+s23+$0x0], $0xffff  }
0x274: {  	v23 =	vshll.u32 v14, $0x7  }
0x275: {  	v24 =	vor.u32 v1, v23;
	v14 =	vmov s11;
	v22 =	vld [tilespmem:s9+$0xFFFFFFC0]  }
0x276: {  	v25 =	vor.u32 v7, v23;
	v19 =	vld.idx.msk [tilespmem:v15+s23+$0x0], $0xffff  }
0x277: {  	v20 =	vshll.u32 v15, $0x7;
	v26 =	vld [tilespmem:s9+$0x0];
	v15 =	vunpack.i.l.bf16.f32 v17  }
0x278: {  	v27 =	vor.u32 v1, v20;
	v16 =	vld.idx.msk [tilespmem:v18+s23+$0x0], $0xffff;
	v17 =	vunpack.i.u.bf16.f32 v17;
	v28 =	vmul.f32 v15, v21  }
0x279: {  	v30 =	vor.u32 v7, v20;
	v29 =	vld [tilespmem:s9+$0xFFFFFF80];
	v18 =	vshll.u32 v18, $0x7;
	v17 =	vmul.f32 v17, v21  }
0x27a: {  	v31 =	vor.u32 v1, v18;
	v52 =	vunpack.i.l.bf16.f32 v22;
	v15 =	vshll.u32 v14, $0x7;
	v14 =	vld.idx.msk [tilespmem:v14+s23+$0x0], $0xffff;
	[tilespmem:v24+s26+$0x0] =	vst.idx.msk $0xffff, v28  }
0x27b: {  	v22 =	vunpack.i.u.bf16.f32 v22;
	v24 =	vor.u32 v7, v18;
	v28 =	vmul.f32 v52, v19;
	[tilespmem:v25+s26+$0x0] =	vst.idx.msk $0xffff, v17  }
0x27c: {  	v22 =	vmul.f32 v22, v19;
	v17 =	vor.u32 v1, v15;
	v25 =	vunpack.i.l.bf16.f32 v26;
	v53 =	vld [tilespmem:s9+$0x50]  }
0x27d: {  	v54 =	vor.u32 v7, v15;
	v26 =	vunpack.i.u.bf16.f32 v26;
	v25 =	vmul.f32 v25, v16;
	[tilespmem:v27+s26+$0x0] =	vst.idx.msk $0xffff, v28  }
0x27e: {  	v27 =	vunpack.i.l.bf16.f32 v29;
	v26 =	vmul.f32 v26, v16;
	[tilespmem:v30+s26+$0x0] =	vst.idx.msk $0xffff, v22  }
0x27f: {  	v22 =	vunpack.i.u.bf16.f32 v29;
	v27 =	vmul.f32 v27, v14;
	v28 =	vld [tilespmem:s9+$0xFFFFFFD0];
	[tilespmem:v31+s26+$0x0] =	vst.idx.msk $0xffff, v25;
	v25 =	vor.u32 v8, v23  }
0x280: {  	v22 =	vmul.f32 v22, v14;
	[tilespmem:v24+s26+$0x0] =	vst.idx.msk $0xffff, v26;
	v24 =	vor.u32 v9, v23  }
0x281: {  	[tilespmem:v17+s26+$0x0] =	vst.idx.msk $0xffff, v27;
	v26 =	vunpack.i.l.bf16.f32 v53  }
0x282: {  	v17 =	vld [tilespmem:s9+$0x10];
	[tilespmem:v54+s26+$0x0] =	vst.idx.msk $0xffff, v22;
	v22 =	vor.u32 v8, v20;
	v27 =	vunpack.i.u.bf16.f32 v53;
	v26 =	vmul.f32 v26, v21  }
0x283: {  	v30 =	vor.u32 v9, v20;
	v27 =	vmul.f32 v27, v21  }
0x284: {  	v29 =	vld [tilespmem:s9+$0xFFFFFF90];
	v31 =	vunpack.i.l.bf16.f32 v28;
	[tilespmem:v25+s26+$0x0] =	vst.idx.msk $0xffff, v26  }
0x285: {  	v25 =	vunpack.i.u.bf16.f32 v28;
	v26 =	vor.u32 v8, v18;
	v28 =	vmul.f32 v31, v19;
	[tilespmem:v24+s26+$0x0] =	vst.idx.msk $0xffff, v27  }
0x286: {  	s24 =	simm.s32 $0x5;
	v24 =	vmul.f32 v25, v19;
	v27 =	vor.u32 v9, v18;
	v31 =	vld [tilespmem:s9+$0x60]  }
0x287: {  	v60 =	vmov s24;
	v55 =	vor.u32 v8, v15;
	v25 =	vunpack.i.l.bf16.f32 v17;
	[tilespmem:v22+s26+$0x0] =	vst.idx.msk $0xffff, v28  }
0x288: {  	v17 =	vunpack.i.u.bf16.f32 v17;
	v22 =	vmul.f32 v25, v16;
	v28 =	vor.u32 v9, v15;
	[tilespmem:v30+s26+$0x0] =	vst.idx.msk $0xffff, v24  }
0x289: {  	v57 =	vor.u32 v10, v23;
	v17 =	vmul.f32 v17, v16;
	v25 =	vunpack.i.l.bf16.f32 v29;
	v56 =	vld [tilespmem:s9+$0xFFFFFFE0]  }
0x28a: {  	s29 =	simm.s32 $0x6;
	v24 =	vunpack.i.u.bf16.f32 v29;
	v25 =	vmul.f32 v25, v14;
	[tilespmem:v26+s26+$0x0] =	vst.idx.msk $0xffff, v22;
	v22 =	vor.u32 v11, v23  }
0x28b: {  	v32 =	vmov s29;
	v24 =	vmul.f32 v24, v14;
	[tilespmem:v27+s26+$0x0] =	vst.idx.msk $0xffff, v17;
	v17 =	vunpack.i.l.bf16.f32 v31  }
0x28c: {  	s16 =	simm.s32 $0x4;
	[tilespmem:v55+s26+$0x0] =	vst.idx.msk $0xffff, v25;
	v27 =	vor.u32 v10, v20;
	v58 =	vld [tilespmem:s9+$0x20];
	v25 =	vunpack.i.u.bf16.f32 v31;
	v31 =	vmul.f32 v17, v21  }
0x28d: {  	v26 =	vmov s16;
	[tilespmem:v28+s26+$0x0] =	vst.idx.msk $0xffff, v24;
	v24 =	vor.u32 v11, v20;
	v25 =	vmul.f32 v25, v21  }
0x28e: {  	v37 =	vor.u32 v12, v23;
	v36 =	vor.u32 v13, v23;
	v28 =	vld [tilespmem:s9+$0xFFFFFFA0];
	v33 =	vunpack.i.l.bf16.f32 v56;
	[tilespmem:v57+s26+$0x0] =	vst.idx.msk $0xffff, v31  }
0x28f: {  	v62 =	vor.u32 v10, v18;
	v59 =	vunpack.i.u.bf16.f32 v56;
	v31 =	vmul.f32 v33, v19;
	[tilespmem:v22+s26+$0x0] =	vst.idx.msk $0xffff, v25  }
0x290: {  	v38 =	vor.u32 v11, v18;
	v30 =	vor.u32 v10, v15;
	v61 =	vmul.f32 v59, v19;
	v34 =	vld [tilespmem:s9+$0x70]  }
0x291: {  	s30 =	simm.s32 $0x7;
	v29 =	vor.u32 v11, v15;
	v17 =	vshll.u32 v26, $0x7;
	[tilespmem:v27+s26+$0x0] =	vst.idx.msk $0xffff, v31;
	v35 =	vunpack.i.l.bf16.f32 v58  }
0x292: {  	v22 =	vld.idx.msk [tilespmem:v26+s23+$0x0], $0xffff;
	v27 =	vunpack.i.u.bf16.f32 v58;
	v31 =	vmov s30;
	[tilespmem:v24+s26+$0x0] =	vst.idx.msk $0xffff, v61;
	v63 =	vmul.f32 v35, v16  }
0x293: {  	v39 =	vmul.f32 v27, v16;
	v26 =	vunpack.i.u.bf16.f32 v28;
	v27 =	vunpack.i.l.bf16.f32 v28;
	v33 =	vld [tilespmem:s9+$0xFFFFFFF0]  }
0x294: {  	v23 =	vld.idx.msk [tilespmem:v32+s23+$0x0], $0xffff;
	v25 =	vor.u32 v1, v17;
	v40 =	vmul.f32 v27, v14;
	v35 =	vmul.f32 v26, v14  }
0x295: {  	s1 =	simm.s32 $0x8;
	s11 =	simm.s32 $0x7B10;
	v24 =	vld.idx.msk [tilespmem:v60+s23+$0x0], $0xffff;
	v27 =	vor.u32 v7, v17;
	v26 =	vshll.u32 v60, $0x7;
	[tilespmem:v62+s26+$0x0] =	vst.idx.msk $0xffff, v63;
	v41 =	vunpack.i.l.bf16.f32 v34  }
.LBB2_10:
0x296: {  	p0 =	slt.u32 s1, $0x24;
	v28 =	vld [tilespmem:s11+$0x40];
	v42 =	vor.u32 v12, v20;
	[tilespmem:v38+s26+$0x0] =	vst.idx.msk $0xffff, v39;
	v34 =	vunpack.i.u.bf16.f32 v34;
	v38 =	vmul.f32 v41, v21  }
0x297: {  	[tilespmem:v30+s26+$0x0] =	vst.idx.msk $0xffff, v40;
	v30 =	vor.u32 v13, v20;
	v34 =	vmul.f32 v34, v21;
	v21 =	vld.idx.msk [tilespmem:v31+s23+$0x0], $0xffff  }
0x298: {  	v41 =	vor.u32 v12, v18;
	v20 =	vmovc v26;
	v39 =	vld [tilespmem:s11+$0xFFFFFF80];
	v40 =	vunpack.i.u.bf16.f32 v33;
	v33 =	vunpack.i.l.bf16.f32 v33;
	[tilespmem:v37+s26+$0x0] =	vst.idx.msk $0xffff, v38  }
0x299: {  	v26 =	vshll.u32 v31, $0x7;
	v37 =	vld [tilespmem:s11+$0xFFFFFFC0];
	v31 =	vmul.f32 v33, v19;
	v33 =	vmul.f32 v40, v19;
	[tilespmem:v36+s26+$0x0] =	vst.idx.msk $0xffff, v34  }
0x29a: {  	v38 =	vor.u32 v1, v26;
	v34 =	vor.u32 v1, v20;
	v19 =	vmov v24;
	v36 =	vld [tilespmem:s11+$0x0];
	[tilespmem:v29+s26+$0x0] =	vst.idx.msk $0xffff, v35  }
0x29b: {  	v24 =	vor.u32 v7, v20;
	v29 =	vshll.u32 v32, $0x7;
	v32 =	vor.u32 v7, v26;
	[tilespmem:v42+s26+$0x0] =	vst.idx.msk $0xffff, v31;
	v31 =	vld [tilespmem:s9+$0x30]  }
0x29c: {  	v35 =	vor.u32 v1, v29;
	v40 =	vor.u32 v7, v29;
	v42 =	vunpack.i.l.bf16.f32 v28;
	v43 =	vld [tilespmem:s9+$0xFFFFFFB0];
	[tilespmem:v30+s26+$0x0] =	vst.idx.msk $0xffff, v33;
	s9 =	smov.u32 s11  }
0x29d: {  	v28 =	vunpack.i.u.bf16.f32 v28;
	v33 =	vmul.f32 v42, v21;
	v30 =	vunpack.i.u.bf16.f32 v39  }
0x29e: {  	v28 =	vmul.f32 v28, v21;
	v39 =	vunpack.i.l.bf16.f32 v39;
	v42 =	vunpack.i.u.bf16.f32 v37  }
0x29f: {  	v37 =	vunpack.i.l.bf16.f32 v37;
	v44 =	vunpack.i.u.bf16.f32 v36;
	v36 =	vunpack.i.l.bf16.f32 v36;
	[tilespmem:v38+s26+$0x0] =	vst.idx.msk $0xffff, v33  }
0x2a0: {  	v33 =	vmul.f32 v37, v19;
	v37 =	vmul.f32 v42, v19;
	[tilespmem:v32+s26+$0x0] =	vst.idx.msk $0xffff, v28;
	v28 =	vunpack.i.u.bf16.f32 v31  }
0x2a1: {  	v32 =	vmul.f32 v36, v23;
	v36 =	vmul.f32 v44, v23;
	v31 =	vunpack.i.l.bf16.f32 v31;
	v38 =	vld [tilespmem:s11+$0x50]  }
0x2a2: {  	v39 =	vmul.f32 v39, v22;
	v30 =	vmul.f32 v30, v22;
	[tilespmem:v34+s26+$0x0] =	vst.idx.msk $0xffff, v33;
	v33 =	vunpack.i.u.bf16.f32 v43  }
0x2a3: {  	v31 =	vmul.f32 v31, v16;
	v28 =	vmul.f32 v28, v16;
	[tilespmem:v24+s26+$0x0] =	vst.idx.msk $0xffff, v37;
	v24 =	vunpack.i.l.bf16.f32 v43  }
0x2a4: {  	v16 =	vmov v23;
	v34 =	vld [tilespmem:s11+$0xFFFFFFD0];
	[tilespmem:v35+s26+$0x0] =	vst.idx.msk $0xffff, v32;
	v32 =	vor.u32 v8, v26;
	v24 =	vmul.f32 v24, v14  }
0x2a5: {  	v23 =	vor.u32 v9, v26;
	v35 =	vmul.f32 v33, v14;
	v14 =	vmov v22;
	[tilespmem:v40+s26+$0x0] =	vst.idx.msk $0xffff, v36  }
0x2a6: {  	v22 =	vor.u32 v8, v17;
	v36 =	vor.u32 v13, v18;
	[tilespmem:v25+s26+$0x0] =	vst.idx.msk $0xffff, v39;
	v25 =	vld [tilespmem:s11+$0x10];
	v33 =	vunpack.i.l.bf16.f32 v38  }
0x2a7: {  	v39 =	vunpack.i.u.bf16.f32 v38;
	[tilespmem:v27+s26+$0x0] =	vst.idx.msk $0xffff, v30;
	v27 =	vor.u32 v8, v20;
	v30 =	vmul.f32 v33, v21  }
0x2a8: {  	v37 =	vor.u32 v9, v20;
	v18 =	vmov v29;
	v38 =	vmul.f32 v39, v21;
	v33 =	vld [tilespmem:s11+$0xFFFFFF90];
	[tilespmem:v41+s26+$0x0] =	vst.idx.msk $0xffff, v31  }
0x2a9: {  	v29 =	vunpack.i.u.bf16.f32 v34;
	v31 =	vunpack.i.l.bf16.f32 v34;
	v34 =	vor.u32 v8, v18;
	[tilespmem:v32+s26+$0x0] =	vst.idx.msk $0xffff, v30  }
0x2aa: {  	v30 =	vmul.f32 v31, v19;
	v29 =	vmul.f32 v29, v19;
	[tilespmem:v23+s26+$0x0] =	vst.idx.msk $0xffff, v38  }
0x2ab: {  	v31 =	vor.u32 v9, v18;
	v23 =	vunpack.i.u.bf16.f32 v25;
	v25 =	vunpack.i.l.bf16.f32 v25;
	v32 =	vld [tilespmem:s11+$0x60];
	[tilespmem:v36+s26+$0x0] =	vst.idx.msk $0xffff, v28  }
0x2ac: {  	[tilespmem:v27+s26+$0x0] =	vst.idx.msk $0xffff, v30;
	v25 =	vmul.f32 v25, v16;
	v23 =	vmul.f32 v23, v16  }
0x2ad: {  	v27 =	vunpack.i.u.bf16.f32 v33;
	v28 =	vunpack.i.l.bf16.f32 v33;
	v33 =	vor.u32 v9, v17;
	[tilespmem:v37+s26+$0x0] =	vst.idx.msk $0xffff, v29  }
0x2ae: {  	v37 =	vor.u32 v10, v26;
	v28 =	vmul.f32 v28, v14;
	v27 =	vmul.f32 v27, v14;
	v36 =	vld [tilespmem:s11+$0xFFFFFFE0]  }
0x2af: {  	v39 =	vmov s1;
	v38 =	vor.u32 v12, v15;
	[tilespmem:v34+s26+$0x0] =	vst.idx.msk $0xffff, v25;
	v25 =	vor.u32 v11, v26  }
0x2b0: {  	v40 =	vor.u32 v13, v15;
	v30 =	vor.u32 v10, v17;
	[tilespmem:v31+s26+$0x0] =	vst.idx.msk $0xffff, v23;
	v23 =	vunpack.i.l.bf16.f32 v32  }
0x2b1: {  	v41 =	vunpack.i.u.bf16.f32 v32;
	[tilespmem:v22+s26+$0x0] =	vst.idx.msk $0xffff, v28;
	v22 =	vor.u32 v10, v20;
	v28 =	vld [tilespmem:s11+$0x20];
	v23 =	vmul.f32 v23, v21  }
0x2b2: {  	v31 =	vshll.u32 v39, $0x7;
	v32 =	vmul.f32 v41, v21;
	[tilespmem:v33+s26+$0x0] =	vst.idx.msk $0xffff, v27;
	v27 =	vor.u32 v11, v20  }
0x2b3: {  	s5 =	sadd.s32 $0x1, s1;
	v15 =	vmovc v17;
	v29 =	vor.u32 v11, v17;
	v33 =	vld [tilespmem:s11+$0xFFFFFFA0];
	v34 =	vunpack.i.u.bf16.f32 v36;
	v36 =	vunpack.i.l.bf16.f32 v36;
	[tilespmem:v37+s26+$0x0] =	vst.idx.msk $0xffff, v23  }
0x2b4: {  	v17 =	vmovc v31;
	v23 =	vmov s5;
	s5 =	sadd.s32 $0x2, s1;
	v36 =	vmul.f32 v36, v19;
	v37 =	vmul.f32 v34, v19;
	[tilespmem:v25+s26+$0x0] =	vst.idx.msk $0xffff, v32  }
0x2b5: {  	v41 =	vor.u32 v10, v18;
	v25 =	vor.u32 v1, v17;
	v32 =	vmov s5;
	v34 =	vld [tilespmem:s11+$0x70];
	[tilespmem:v38+s26+$0x0] =	vst.idx.msk $0xffff, v24  }
.Ltmp5:
0x2b6: {  	s5 =	sadd.s32 $0x3, s1;
	v38 =	vor.u32 v11, v18;
	[tilespmem:v22+s26+$0x0] =	vst.idx.msk $0xffff, v36;
	v24 =	vunpack.i.u.bf16.f32 v28;
	v28 =	vunpack.i.l.bf16.f32 v28;
	(pc) =	sbr.rel @p0 .LBB2_10-.Ltmp5, $4  }
0x2b7: {  	v31 =	vmov s5;
	v22 =	vld.idx.msk [tilespmem:v39+s23+$0x0], $0xffff;
	[tilespmem:v27+s26+$0x0] =	vst.idx.msk $0xffff, v37;
	v28 =	vmul.f32 v28, v16;
	v39 =	vmul.f32 v24, v16  }
0x2b8: {  	v37 =	vor.u32 v12, v26;
	v27 =	vunpack.i.u.bf16.f32 v33;
	v36 =	vunpack.i.l.bf16.f32 v33;
	v33 =	vld [tilespmem:s11+$0xFFFFFFF0];
	[tilespmem:v40+s26+$0x0] =	vst.idx.msk $0xffff, v35  }
0x2b9: {  	v24 =	vld.idx.msk [tilespmem:v23+s23+$0x0], $0xffff;
	v40 =	vmul.f32 v36, v14;
	v35 =	vmul.f32 v27, v14;
	v36 =	vor.u32 v13, v26  }
0x2ba: {  	s1 =	sadd.s32 $0x4, s1;
	s11 =	sadd.s32 $0x100, s11;
	v27 =	vor.u32 v7, v17;
	v26 =	vshll.u32 v23, $0x7;
	v23 =	vld.idx.msk [tilespmem:v32+s23+$0x0], $0xffff;
	[tilespmem:v41+s26+$0x0] =	vst.idx.msk $0xffff, v28;
	v41 =	vunpack.i.l.bf16.f32 v34  }
0x2bb: {  	_ =	sdelay $0x2  }
0x2bc: {  	v42 =	vld [tilespmem:s11+$0x40]  }
0x2bd: {  	v28 =	vld.idx.msk [tilespmem:v31+s23+$0x0], $0xffff  }
0x2be: {  	v43 =	vld [tilespmem:s11+$0xFFFFFFC0];
	v31 =	vshll.u32 v31, $0x7  }
0x2bf: {  	[tilespmem:v38+s26+$0x0] =	vst.idx.msk $0xffff, v39;
	v34 =	vunpack.i.u.bf16.f32 v34;
	v47 =	vmul.f32 v41, v21;
	v48 =	vor.u32 v1, v31  }
0x2c0: {  	[tilespmem:v30+s26+$0x0] =	vst.idx.msk $0xffff, v40;
	v30 =	vld [tilespmem:s11+$0x0];
	v21 =	vmul.f32 v34, v21;
	v49 =	vor.u32 v7, v31  }
0x2c1: {  	v50 =	vor.u32 v1, v26;
	v51 =	vor.u32 v7, v26;
	[tilespmem:v37+s26+$0x0] =	vst.idx.msk $0xffff, v47;
	v52 =	vunpack.i.l.bf16.f32 v42  }
0x2c2: {  	v53 =	vld [tilespmem:s11+$0xFFFFFF80];
	[tilespmem:v36+s26+$0x0] =	vst.idx.msk $0xffff, v21;
	v21 =	vshll.u32 v32, $0x7;
	v54 =	vunpack.i.u.bf16.f32 v42;
	v55 =	vmul.f32 v52, v28  }
0x2c3: {  	[tilespmem:v29+s26+$0x0] =	vst.idx.msk $0xffff, v35;
	v29 =	vor.u32 v1, v21;
	v56 =	vunpack.i.l.bf16.f32 v43;
	v32 =	vmul.f32 v54, v28  }
0x2c4: {  	v57 =	vor.u32 v7, v21;
	v58 =	vunpack.i.u.bf16.f32 v43;
	v35 =	vmul.f32 v56, v24;
	[tilespmem:v48+s26+$0x0] =	vst.idx.msk $0xffff, v55  }
0x2c5: {  	v59 =	vunpack.i.l.bf16.f32 v30;
	v60 =	vmul.f32 v58, v24;
	[tilespmem:v49+s26+$0x0] =	vst.idx.msk $0xffff, v32  }
0x2c6: {  	v30 =	vunpack.i.u.bf16.f32 v30;
	v61 =	vmul.f32 v59, v23;
	[tilespmem:v50+s26+$0x0] =	vst.idx.msk $0xffff, v35;
	v34 =	vld [tilespmem:s11+$0x50]  }
0x2c7: {  	v62 =	vor.u32 v12, v20;
	v63 =	vunpack.i.l.bf16.f32 v53;
	v30 =	vmul.f32 v30, v23;
	[tilespmem:v51+s26+$0x0] =	vst.idx.msk $0xffff, v60  }
0x2c8: {  	v20 =	vor.u32 v13, v20;
	v42 =	vunpack.i.u.bf16.f32 v53;
	v36 =	vmul.f32 v63, v22;
	[tilespmem:v29+s26+$0x0] =	vst.idx.msk $0xffff, v61;
	v38 =	vld [tilespmem:s11+$0xFFFFFFD0]  }
0x2c9: {  	v44 =	vor.u32 v8, v31;
	v43 =	vmul.f32 v42, v22;
	v29 =	vunpack.i.l.bf16.f32 v33;
	[tilespmem:v57+s26+$0x0] =	vst.idx.msk $0xffff, v30  }
0x2ca: {  	v45 =	vor.u32 v9, v31;
	[tilespmem:v25+s26+$0x0] =	vst.idx.msk $0xffff, v36;
	v30 =	vunpack.i.u.bf16.f32 v33;
	v29 =	vmul.f32 v29, v19;
	v25 =	vld [tilespmem:s11+$0x10]  }
0x2cb: {  	[tilespmem:v27+s26+$0x0] =	vst.idx.msk $0xffff, v43;
	v27 =	vor.u32 v8, v26;
	v19 =	vmul.f32 v30, v19;
	v30 =	vunpack.i.l.bf16.f32 v34  }
0x2cc: {  	v46 =	vor.u32 v9, v26;
	v32 =	vld [tilespmem:s11+$0xFFFFFF90];
	[tilespmem:v62+s26+$0x0] =	vst.idx.msk $0xffff, v29;
	v29 =	vunpack.i.u.bf16.f32 v34;
	v30 =	vmul.f32 v30, v28  }
0x2cd: {  	[tilespmem:v20+s26+$0x0] =	vst.idx.msk $0xffff, v19;
	v20 =	vunpack.i.l.bf16.f32 v38;
	v19 =	vmul.f32 v29, v28;
	v29 =	vor.u32 v8, v21  }
0x2ce: {  	v47 =	vld [tilespmem:s9+$0x30];
	v48 =	vunpack.i.u.bf16.f32 v38;
	v20 =	vmul.f32 v20, v24;
	[tilespmem:v44+s26+$0x0] =	vst.idx.msk $0xffff, v30;
	v30 =	vor.u32 v9, v21  }
0x2cf: {  	v49 =	vor.u32 v8, v17;
	v36 =	vmul.f32 v48, v24;
	[tilespmem:v45+s26+$0x0] =	vst.idx.msk $0xffff, v19;
	v19 =	vunpack.i.l.bf16.f32 v25  }
0x2d0: {  	[tilespmem:v27+s26+$0x0] =	vst.idx.msk $0xffff, v20;
	v20 =	vor.u32 v9, v17;
	v25 =	vunpack.i.u.bf16.f32 v25;
	v33 =	vld [tilespmem:s11+$0x60];
	v19 =	vmul.f32 v19, v23  }
0x2d1: {  	v50 =	vunpack.i.l.bf16.f32 v32;
	v27 =	vor.u32 v12, v18;
	[tilespmem:v46+s26+$0x0] =	vst.idx.msk $0xffff, v36;
	v25 =	vmul.f32 v25, v23  }
0x2d2: {  	v32 =	vunpack.i.u.bf16.f32 v32;
	v51 =	vmul.f32 v50, v22;
	v18 =	vor.u32 v13, v18;
	v36 =	vld [tilespmem:s11+$0xFFFFFFE0];
	[tilespmem:v29+s26+$0x0] =	vst.idx.msk $0xffff, v19  }
0x2d3: {  	v52 =	vor.u32 v10, v31;
	v19 =	vunpack.i.l.bf16.f32 v47;
	v29 =	vmul.f32 v32, v22;
	[tilespmem:v30+s26+$0x0] =	vst.idx.msk $0xffff, v25  }
0x2d4: {  	[tilespmem:v49+s26+$0x0] =	vst.idx.msk $0xffff, v51;
	v25 =	vunpack.i.u.bf16.f32 v47;
	v19 =	vmul.f32 v19, v16;
	v30 =	vor.u32 v11, v31;
	v53 =	vld [tilespmem:s11+$0x20]  }
0x2d5: {  	v54 =	vor.u32 v10, v26;
	v16 =	vmul.f32 v25, v16;
	[tilespmem:v20+s26+$0x0] =	vst.idx.msk $0xffff, v29;
	v25 =	vunpack.i.l.bf16.f32 v33  }
0x2d6: {  	[tilespmem:v27+s26+$0x0] =	vst.idx.msk $0xffff, v19;
	v19 =	vunpack.i.u.bf16.f32 v33;
	v27 =	vld [tilespmem:s11+$0xFFFFFFA0];
	v20 =	vmul.f32 v25, v28;
	v25 =	vor.u32 v11, v26  }
0x2d7: {  	[tilespmem:v18+s26+$0x0] =	vst.idx.msk $0xffff, v16;
	v16 =	vmul.f32 v19, v28;
	v18 =	vunpack.i.l.bf16.f32 v36;
	v19 =	vor.u32 v10, v21  }
0x2d8: {  	v29 =	vld [tilespmem:s9+$0xFFFFFFB0];
	v55 =	vunpack.i.u.bf16.f32 v36;
	v18 =	vmul.f32 v18, v24;
	[tilespmem:v52+s26+$0x0] =	vst.idx.msk $0xffff, v20;
	v20 =	vor.u32 v11, v21  }
0x2d9: {  	v56 =	vor.u32 v10, v17;
	v33 =	vmul.f32 v55, v24;
	[tilespmem:v30+s26+$0x0] =	vst.idx.msk $0xffff, v16;
	v16 =	vunpack.i.l.bf16.f32 v53  }
0x2da: {  	v30 =	vor.u32 v11, v17;
	[tilespmem:v54+s26+$0x0] =	vst.idx.msk $0xffff, v18;
	v18 =	vunpack.i.u.bf16.f32 v53;
	v57 =	vld [tilespmem:s11+$0x70];
	v16 =	vmul.f32 v16, v23  }
0x2db: {  	v58 =	vor.u32 v12, v15;
	v18 =	vmul.f32 v18, v23;
	[tilespmem:v25+s26+$0x0] =	vst.idx.msk $0xffff, v33;
	v25 =	vunpack.i.l.bf16.f32 v27  }
0x2dc: {  	v15 =	vor.u32 v13, v15;
	v27 =	vunpack.i.u.bf16.f32 v27;
	v33 =	vld [tilespmem:s11+$0xFFFFFFF0];
	v25 =	vmul.f32 v25, v22;
	[tilespmem:v19+s26+$0x0] =	vst.idx.msk $0xffff, v16  }
0x2dd: {  	v16 =	vunpack.i.l.bf16.f32 v29;
	v19 =	vor.u32 v12, v31;
	v27 =	vmul.f32 v27, v22;
	[tilespmem:v20+s26+$0x0] =	vst.idx.msk $0xffff, v18  }
0x2de: {  	v18 =	vunpack.i.u.bf16.f32 v29;
	v16 =	vmul.f32 v16, v14;
	v20 =	vor.u32 v13, v31;
	[tilespmem:v56+s26+$0x0] =	vst.idx.msk $0xffff, v25;
	v25 =	vld [tilespmem:s11+$0x30]  }
0x2df: {  	v29 =	vor.u32 v12, v26;
	v14 =	vmul.f32 v18, v14;
	v18 =	vunpack.i.l.bf16.f32 v57;
	[tilespmem:v30+s26+$0x0] =	vst.idx.msk $0xffff, v27  }
0x2e0: {  	v26 =	vor.u32 v13, v26;
	[tilespmem:v58+s26+$0x0] =	vst.idx.msk $0xffff, v16;
	v16 =	vunpack.i.u.bf16.f32 v57;
	v18 =	vmul.f32 v18, v28;
	v27 =	vld [tilespmem:s11+$0xFFFFFFB0]  }
0x2e1: {  	[tilespmem:v15+s26+$0x0] =	vst.idx.msk $0xffff, v14;
	v14 =	vmul.f32 v16, v28;
	v16 =	vor.u32 v12, v21;
	v15 =	vunpack.i.l.bf16.f32 v33  }
0x2e2: {  	v28 =	vunpack.i.u.bf16.f32 v33;
	[tilespmem:v19+s26+$0x0] =	vst.idx.msk $0xffff, v18;
	v15 =	vmul.f32 v15, v24;
	v18 =	vor.u32 v13, v21  }
0x2e3: {  	v19 =	vmul.f32 v28, v24;
	[tilespmem:v20+s26+$0x0] =	vst.idx.msk $0xffff, v14;
	v14 =	vunpack.i.l.bf16.f32 v25;
	v20 =	vor.u32 v12, v17  }
0x2e4: {  	v17 =	vor.u32 v13, v17;
	[tilespmem:v29+s26+$0x0] =	vst.idx.msk $0xffff, v15;
	v15 =	vunpack.i.u.bf16.f32 v25;
	v14 =	vmul.f32 v14, v23  }
0x2e5: {  	[tilespmem:v26+s26+$0x0] =	vst.idx.msk $0xffff, v19;
	v19 =	vunpack.i.l.bf16.f32 v27;
	v15 =	vmul.f32 v15, v23  }
0x2e6: {  	s1 =	simm.s32 $0x28;
	v21 =	vunpack.i.u.bf16.f32 v27;
	v19 =	vmul.f32 v19, v22;
	[tilespmem:v16+s26+$0x0] =	vst.idx.msk $0xffff, v14  }
0x2e7: {  	v14 =	vmul.f32 v21, v22;
	[tilespmem:v18+s26+$0x0] =	vst.idx.msk $0xffff, v15;
	v15 =	vmov s1  }
0x2e8: {  	[tilespmem:v20+s26+$0x0] =	vst.idx.msk $0xffff, v19;
	v15 =	vand.u32 $0xFFFFFFFC, v15  }
0x2e9: {  	s12 =	simm.s32 $0x2A;
	[tilespmem:v17+s26+$0x0] =	vst.idx.msk $0xffff, v14;
	v14 =	vbroadcast v15, $0x0  }
0x2ea: {  	v15 =	vmov s12;
	[spmem:s2] =	stream.indirect.scatter.add.f32 [tilespmem:s26], [sflag:$0x2], $0x80, s22, s19, $0xb8;
	[tilespmem:$0x1FBD0] =	vst v63  }
0x2eb: {  	s5 =	simm.s32 $0x29;
	v15 =	vand.u32 $0xFFFFFFFE, v15;
	_ =	swait.ge [sflag:s18], $0x1400  }
0x2ec: {  	v16 =	vmov s5;
	v15 =	vbroadcast v15, $0x0;
	[sflag:s18] =	ssyncset.done $0x0  }
0x2ed: {  	s1 =	simm.s32 $0x8480;
	v16 =	vand.u32 $0xFFFFFFFD, v16;
	[sflag:s18] =	ssyncadd.s32 $0xFFFFEC00  }
0x2ee: {  	s29 =	simm.s32 $0x0;
	s16 =	simm.s32 $0x2F;
	v16 =	vbroadcast v16, $0x0;
	v17 =	vld [tilespmem:s1+$0xFFFFFF10]  }
0x2ef: {  	s13 =	simm.s32 $0x2B;
	s24 =	simm.s32 $0x80;
	s15 =	simm.s32 $0x2D;
	v59 =	vor.u32 s29, v11;
	v63 =	vmov s16;
	v24 =	vld.idx.msk [tilespmem:v14+s23+$0x0], $0xffff  }
0x2f0: {  	s16 =	simm.s32 $0x300;
	v42 =	vor.u32 s24, v12;
	v60 =	vmov s15;
	v18 =	vld [tilespmem:s1+$0xFFFFFFD0];
	v14 =	vmov s13  }
0x2f1: {  	s8 =	simm.s32 $0x100;
	v43 =	vor.u32 s29, v13;
	v48 =	vor.u32 s16, v1;
	v19 =	vor.u32 s29, v1;
	v20 =	vld [tilespmem:s1+$0xFFFFFF90]  }
0x2f2: {  	s15 =	simm.s32 $0x380;
	v46 =	vor.u32 s8, v10;
	v36 =	vor.u32 s24, v11;
	v21 =	vor.u32 s29, v7;
	v23 =	vld.idx.msk [tilespmem:v15+s23+$0x0], $0xffff  }
0x2f3: {  	v58 =	vor.u32 s15, v1;
	v33 =	vand.u32 $0xFFFFFFFD, v60;
	v22 =	vld [tilespmem:s1+$0xFFFFFF50];
	v15 =	vunpack.i.l.bf16.f32 v17  }
0x2f4: {  	s11 =	simm.s32 $0x200;
	v25 =	vor.u32 s8, v1;
	v17 =	vunpack.i.u.bf16.f32 v17;
	v26 =	vmul.f32 v15, v24;
	v15 =	vld.idx.msk [tilespmem:v16+s23+$0x0], $0xffff  }
0x2f5: {  	v39 =	vor.u32 s11, v1;
	v16 =	vor.u32 s8, v7;
	v17 =	vmul.f32 v17, v24;
	v14 =	vld.idx.msk [tilespmem:v14+s23+$0x0], $0xffff  }
0x2f6: {  	s9 =	simm.s32 $0x8580;
	s12 =	simm.s32 $0x180;
	v28 =	vunpack.i.l.bf16.f32 v20;
	[tilespmem:v19+s20+$0x0] =	vst.idx.msk $0xffff, v26;
	v19 =	vunpack.i.u.bf16.f32 v20;
	v20 =	vor.u32 s24, v1  }
0x2f7: {  	v29 =	vor.u32 s24, v7;
	v52 =	vld [tilespmem:s9+$0xFFFFFF90];
	v26 =	vor.u32 s12, v1;
	[tilespmem:v21+s20+$0x0] =	vst.idx.msk $0xffff, v17;
	v17 =	vmul.f32 v28, v23  }
0x2f8: {  	v30 =	vor.u32 s12, v7;
	v21 =	vunpack.i.l.bf16.f32 v22;
	v19 =	vmul.f32 v19, v23;
	v28 =	vld [tilespmem:s1+$0xFFFFFF20]  }
0x2f9: {  	v53 =	vld [tilespmem:s9+$0xFFFFFF10];
	v27 =	vunpack.i.u.bf16.f32 v18;
	v18 =	vunpack.i.l.bf16.f32 v18;
	[tilespmem:v25+s20+$0x0] =	vst.idx.msk $0xffff, v17;
	v17 =	vmul.f32 v21, v15  }
0x2fa: {  	v38 =	vor.u32 s11, v7;
	v44 =	vld [tilespmem:s9+$0xFFFFFF50];
	v22 =	vunpack.i.u.bf16.f32 v22;
	[tilespmem:v16+s20+$0x0] =	vst.idx.msk $0xffff, v19;
	v16 =	vmul.f32 v18, v14  }
0x2fb: {  	v21 =	vmul.f32 v22, v15;
	v18 =	vmul.f32 v27, v14;
	v19 =	vor.u32 s29, v8;
	v22 =	vld [tilespmem:s1+$0xFFFFFFA0];
	[tilespmem:v20+s20+$0x0] =	vst.idx.msk $0xffff, v17  }
0x2fc: {  	v33 =	vbroadcast v33, $0x0;
	v31 =	vor.u32 s12, v8;
	v20 =	vor.u32 s29, v9;
	[tilespmem:v26+s20+$0x0] =	vst.idx.msk $0xffff, v16  }
0x2fd: {  	v47 =	vunpack.i.u.bf16.f32 v52;
	v16 =	vunpack.i.l.bf16.f32 v28;
	[tilespmem:v30+s20+$0x0] =	vst.idx.msk $0xffff, v18;
	v28 =	vunpack.i.u.bf16.f32 v28  }
0x2fe: {  	v17 =	vor.u32 s8, v8;
	[tilespmem:v29+s20+$0x0] =	vst.idx.msk $0xffff, v21;
	v18 =	vmul.f32 v16, v24;
	v21 =	vmul.f32 v28, v24;
	v28 =	vld [tilespmem:s1+$0xFFFFFFE0]  }
0x2ff: {  	v49 =	vunpack.i.l.bf16.f32 v53;
	v50 =	vunpack.i.l.bf16.f32 v44;
	v25 =	vor.u32 s8, v9  }
0x300: {  	s14 =	simm.s32 $0x2C;
	v60 =	vunpack.i.u.bf16.f32 v44;
	v44 =	vor.u32 s29, v12;
	[tilespmem:v19+s20+$0x0] =	vst.idx.msk $0xffff, v18;
	v19 =	vunpack.i.l.bf16.f32 v22  }
0x301: {  	v29 =	vld [tilespmem:s1+$0xFFFFFF60];
	v18 =	vunpack.i.u.bf16.f32 v22;
	[tilespmem:v20+s20+$0x0] =	vst.idx.msk $0xffff, v21;
	v19 =	vmul.f32 v19, v23;
	v20 =	vmov s14  }
0x302: {  	v30 =	vor.u32 s12, v9;
	v18 =	vmul.f32 v18, v23;
	v61 =	vld [tilespmem:s1+$0xFFFFFF30];
	v20 =	vand.u32 $0xFFFFFFFC, v20  }
0x303: {  	v27 =	vor.u32 s24, v9;
	v62 =	vbroadcast v20, $0x0;
	v20 =	vunpack.i.l.bf16.f32 v28;
	[tilespmem:v17+s20+$0x0] =	vst.idx.msk $0xffff, v19  }
0x304: {  	s30 =	simm.s32 $0x2E;
	v26 =	vor.u32 s24, v8;
	v28 =	vunpack.i.u.bf16.f32 v28;
	v20 =	vmul.f32 v20, v14;
	[tilespmem:v25+s20+$0x0] =	vst.idx.msk $0xffff, v18  }
0x305: {  	v22 =	vor.u32 s29, v10;
	v17 =	vmov s30;
	v28 =	vmul.f32 v28, v14;
	v25 =	vld [tilespmem:s1+$0xFFFFFFB0]  }
0x306: {  	v16 =	vor.u32 s8, v13;
	v51 =	vunpack.i.l.bf16.f32 v29;
	v19 =	vld [tilespmem:s9+$0xFFFFFFD0];
	v17 =	vand.u32 $0xFFFFFFFE, v17;
	[tilespmem:v31+s20+$0x0] =	vst.idx.msk $0xffff, v20  }
0x307: {  	v55 =	vbroadcast v17, $0x0;
	v17 =	vmul.f32 v51, v15;
	v20 =	vld.idx.msk [tilespmem:v33+s23+$0x0], $0xffff;
	v18 =	vunpack.i.l.bf16.f32 v61;
	[tilespmem:v30+s20+$0x0] =	vst.idx.msk $0xffff, v28  }
0x308: {  	s14 =	simm.s32 $0x280;
	v29 =	vunpack.i.u.bf16.f32 v29;
	v34 =	vunpack.i.u.bf16.f32 v61;
	v54 =	vmul.f32 v18, v24;
	v45 =	vld [tilespmem:s1+$0xFFFFFFF0]  }
0x309: {  	v57 =	vor.u32 s14, v1;
	v31 =	vor.u32 s8, v11;
	[tilespmem:v26+s20+$0x0] =	vst.idx.msk $0xffff, v17;
	v28 =	vmul.f32 v34, v24;
	v17 =	vld.idx.msk [tilespmem:v62+s23+$0x0], $0xffff  }
0x30a: {  	v18 =	vunpack.i.l.bf16.f32 v25;
	[tilespmem:v22+s20+$0x0] =	vst.idx.msk $0xffff, v54;
	v22 =	vunpack.i.u.bf16.f32 v25;
	v25 =	vmul.f32 v29, v15  }
0x30b: {  	v21 =	vor.u32 s24, v10;
	v37 =	vor.u32 s14, v7;
	v26 =	vmul.f32 v18, v23;
	v18 =	vld.idx.msk [tilespmem:v63+s23+$0x0], $0xffff;
	[tilespmem:v59+s20+$0x0] =	vst.idx.msk $0xffff, v28  }
0x30c: {  	v33 =	vunpack.i.l.bf16.f32 v52;
	v30 =	vor.u32 s12, v10;
	v22 =	vmul.f32 v22, v23;
	[tilespmem:v27+s20+$0x0] =	vst.idx.msk $0xffff, v25  }
0x30d: {  	v56 =	vunpack.i.u.bf16.f32 v19;
	v34 =	vor.u32 s16, v8;
	v27 =	vmul.f32 v50, v20;
	[tilespmem:v46+s20+$0x0] =	vst.idx.msk $0xffff, v26;
	v61 =	vld [tilespmem:s1+$0xFFFFFF70]  }
0x30e: {  	v29 =	vunpack.i.u.bf16.f32 v53;
	v26 =	vunpack.i.l.bf16.f32 v45;
	[tilespmem:v31+s20+$0x0] =	vst.idx.msk $0xffff, v22;
	v52 =	vmul.f32 v49, v17  }
0x30f: {  	v53 =	vor.u32 s15, v7;
	v22 =	vunpack.i.l.bf16.f32 v19;
	v26 =	vmul.f32 v26, v14;
	v19 =	vld.idx.msk [tilespmem:v55+s23+$0x0], $0xffff;
	[tilespmem:v57+s20+$0x0] =	vst.idx.msk $0xffff, v27  }
0x310: {  	v28 =	vor.u32 s16, v7;
	v41 =	vmul.f32 v60, v20;
	v59 =	vld [tilespmem:s1+$0xFFFFFF40];
	v22 =	vmul.f32 v22, v18;
	[tilespmem:v39+s20+$0x0] =	vst.idx.msk $0xffff, v52  }
0x311: {  	v63 =	vor.u32 s12, v11;
	v25 =	vunpack.i.u.bf16.f32 v45;
	v27 =	vmul.f32 v29, v17;
	[tilespmem:v30+s20+$0x0] =	vst.idx.msk $0xffff, v26  }
0x312: {  	v62 =	vmul.f32 v25, v14;
	v25 =	vmul.f32 v56, v18;
	[tilespmem:v58+s20+$0x0] =	vst.idx.msk $0xffff, v22;
	v22 =	vunpack.i.l.bf16.f32 v61  }
0x313: {  	v31 =	vor.u32 s8, v12;
	v57 =	vor.u32 s11, v9;
	v54 =	vld [tilespmem:s1+$0xFFFFFFC0];
	[tilespmem:v38+s20+$0x0] =	vst.idx.msk $0xffff, v27;
	v27 =	vmul.f32 v22, v15  }
0x314: {  	v56 =	vor.u32 s11, v8;
	v30 =	vor.u32 s15, v8;
	v33 =	vmul.f32 v33, v19;
	[tilespmem:v53+s20+$0x0] =	vst.idx.msk $0xffff, v25  }
0x315: {  	v29 =	vunpack.i.l.bf16.f32 v59;
	v38 =	vld [tilespmem:s9+$0xFFFFFF20];
	v26 =	vunpack.i.u.bf16.f32 v61;
	v58 =	vmul.f32 v47, v19;
	[tilespmem:v21+s20+$0x0] =	vst.idx.msk $0xffff, v27  }
0x316: {  	v55 =	vunpack.i.u.bf16.f32 v59;
	v35 =	vmul.f32 v29, v24;
	v26 =	vmul.f32 v26, v15;
	[tilespmem:v48+s20+$0x0] =	vst.idx.msk $0xffff, v33  }
0x317: {  	v29 =	vor.u32 s16, v9;
	v39 =	vmul.f32 v55, v24;
	v24 =	vor.u32 s12, v13;
	[tilespmem:v28+s20+$0x0] =	vst.idx.msk $0xffff, v58  }
0x318: {  	v22 =	vor.u32 s14, v8;
	v25 =	vor.u32 s12, v12;
	v59 =	vunpack.i.l.bf16.f32 v54;
	[tilespmem:v36+s20+$0x0] =	vst.idx.msk $0xffff, v26;
	v60 =	vld [tilespmem:s9+$0xFFFFFFA0]  }
0x319: {  	v21 =	vor.u32 s14, v9;
	v27 =	vunpack.i.u.bf16.f32 v54;
	v33 =	vmul.f32 v59, v23;
	v40 =	vld [tilespmem:s1+$0xFFFFFF80]  }
0x31a: {  	[tilespmem:v37+s20+$0x0] =	vst.idx.msk $0xffff, v41;
	v28 =	vor.u32 s15, v9;
	v27 =	vmul.f32 v27, v23;
	v26 =	vunpack.i.l.bf16.f32 v38  }
0x31b: {  	[tilespmem:v63+s20+$0x0] =	vst.idx.msk $0xffff, v62;
	v23 =	vor.u32 s16, v13;
	v61 =	vmul.f32 v26, v17;
	v26 =	vunpack.i.u.bf16.f32 v38  }
0x31c: {  	v37 =	vld [tilespmem:s1+$0x0];
	[tilespmem:v31+s20+$0x0] =	vst.idx.msk $0xffff, v33;
	v33 =	vor.u32 s11, v10;
	v38 =	vor.u32 s24, v13;
	v62 =	vmul.f32 v26, v17  }
0x31d: {  	v41 =	vld [tilespmem:s9+$0xFFFFFFE0];
	v26 =	vor.u32 s11, v11;
	[tilespmem:v56+s20+$0x0] =	vst.idx.msk $0xffff, v61;
	v31 =	vunpack.i.u.bf16.f32 v60;
	v63 =	vunpack.i.l.bf16.f32 v60  }
0x31e: {  	s29 =	simm.s32 $0x4;
	v36 =	vld [tilespmem:s9+$0xFFFFFF60];
	s1 =	simm.s32 $0x8580;
	[tilespmem:v57+s20+$0x0] =	vst.idx.msk $0xffff, v62;
	v47 =	vunpack.i.l.bf16.f32 v40;
	v46 =	vmul.f32 v63, v19;
	v45 =	vmul.f32 v31, v19  }
.LBB2_12:
0x31f: {  	s5 =	sadd.s32 $0x2C, s29;
	s8 =	sadd.s32 $0x2D, s29;
	s12 =	sadd.s32 $0x2E, s29;
	v32 =	vor.u32 s14, v10;
	v31 =	vor.u32 s14, v11;
	[tilespmem:v44+s20+$0x0] =	vst.idx.msk $0xffff, v35;
	v35 =	vmul.f32 v47, v15  }
0x320: {  	v44 =	vmov s5;
	v47 =	vmov s8;
	s5 =	sadd.s32 $0x2F, s29;
	[tilespmem:v43+s20+$0x0] =	vst.idx.msk $0xffff, v39;
	v39 =	vunpack.i.u.bf16.f32 v40;
	s8 =	smov.u32 s29;
	s29 =	sadd.s32 $0x4, s29  }
0x321: {  	s1 =	sadd.s32 $0x100, s1;
	v40 =	vand.u32 $0xFFFFFFFC, v44;
	v43 =	vand.u32 $0xFFFFFFFD, v47;
	p0 =	slt.u32 s29, $0x24;
	v44 =	vld [tilespmem:s9+$0xFFFFFF30];
	[tilespmem:v34+s20+$0x0] =	vst.idx.msk $0xffff, v46;
	v34 =	vmul.f32 v39, v15;
	v15 =	vmovc v20  }
0x322: {  	v20 =	vunpack.i.l.bf16.f32 v41;
	v39 =	vbroadcast v40, $0x0;
	v40 =	vmov s5;
	v46 =	vld [tilespmem:s1+$0xFFFFFFD0];
	[tilespmem:v42+s20+$0x0] =	vst.idx.msk $0xffff, v35  }
0x323: {  	v42 =	vmov s12;
	v20 =	vmul.f32 v20, v18;
	v35 =	vld [tilespmem:s1+$0xFFFFFF50];
	[tilespmem:v38+s20+$0x0] =	vst.idx.msk $0xffff, v34;
	v34 =	vunpack.i.l.bf16.f32 v37  }
0x324: {  	v41 =	vunpack.i.u.bf16.f32 v41;
	s12 =	sshll.u32 s29, $0x7;
	v38 =	vunpack.i.l.bf16.f32 v36;
	[tilespmem:v16+s20+$0x0] =	vst.idx.msk $0xffff, v27;
	v27 =	vunpack.i.u.bf16.f32 v37;
	v16 =	vmovc v23  }
0x325: {  	v23 =	vor.u32 s12, v1;
	v37 =	vbroadcast v43, $0x0;
	v43 =	vld [tilespmem:s1+$0xFFFFFF90];
	[tilespmem:v29+s20+$0x0] =	vst.idx.msk $0xffff, v45;
	v27 =	vmul.f32 v27, v14  }
0x326: {  	v29 =	vunpack.i.u.bf16.f32 v44;
	v44 =	vunpack.i.l.bf16.f32 v44;
	v45 =	vld [tilespmem:s9+$0xFFFFFFB0];
	[tilespmem:v30+s20+$0x0] =	vst.idx.msk $0xffff, v20;
	v20 =	vmul.f32 v41, v18  }
0x327: {  	v34 =	vmul.f32 v34, v14;
	v14 =	vmovc v18;
	v41 =	vand.u32 $0xFFFFFFFE, v42;
	v30 =	vld [tilespmem:s1+$0xFFFFFF10];
	v42 =	vmul.f32 v44, v17  }
0x328: {  	v18 =	vmul.f32 v38, v15;
	v38 =	vor.u32 s16, v11;
	v41 =	vbroadcast v41, $0x0;
	[tilespmem:v28+s20+$0x0] =	vst.idx.msk $0xffff, v20  }
0x329: {  	v47 =	vor.u32 s15, v10;
	v29 =	vmul.f32 v29, v17;
	v28 =	vor.u32 s12, v7;
	v44 =	vld [tilespmem:s9+$0xFFFFFFF0];
	[tilespmem:v25+s20+$0x0] =	vst.idx.msk $0xffff, v34  }
0x32a: {  	s5 =	sshll.u32 s8, $0x7;
	v25 =	vunpack.i.u.bf16.f32 v46;
	v34 =	vunpack.i.u.bf16.f32 v36;
	v36 =	vor.u32 s16, v10;
	[tilespmem:v24+s20+$0x0] =	vst.idx.msk $0xffff, v27  }
0x32b: {  	s8 =	sadd.s32 $0x280, s5;
	s13 =	sadd.s32 $0x300, s5;
	s24 =	sadd.s32 $0x380, s5;
	v24 =	vunpack.i.u.bf16.f32 v43;
	v27 =	vunpack.i.l.bf16.f32 v43;
	v20 =	vld.idx.msk [tilespmem:v37+s23+$0x0], $0xffff;
	v37 =	vunpack.i.l.bf16.f32 v45  }
0x32c: {  	v48 =	vor.u32 s13, v1;
	v43 =	vor.u32 s8, v1;
	[tilespmem:v22+s20+$0x0] =	vst.idx.msk $0xffff, v18;
	v22 =	vmul.f32 v37, v19  }
0x32d: {  	v49 =	vunpack.i.l.bf16.f32 v35;
	v37 =	vunpack.i.l.bf16.f32 v30;
	v18 =	vld.idx.msk [tilespmem:v40+s23+$0x0], $0xffff;
	[tilespmem:v33+s20+$0x0] =	vst.idx.msk $0xffff, v42;
	v33 =	vunpack.i.u.bf16.f32 v45  }
0x32e: {  	v30 =	vunpack.i.u.bf16.f32 v30;
	v42 =	vor.u32 s8, v7;
	v40 =	vld.idx.msk [tilespmem:v39+s23+$0x0], $0xffff;
	[tilespmem:v26+s20+$0x0] =	vst.idx.msk $0xffff, v29;
	v26 =	vmul.f32 v34, v15  }
0x32f: {  	v39 =	vor.u32 s13, v7;
	v29 =	vor.u32 s24, v1;
	v34 =	vld [tilespmem:s9+$0xFFFFFF40];
	[tilespmem:v36+s20+$0x0] =	vst.idx.msk $0xffff, v22;
	v22 =	vmul.f32 v33, v19  }
0x330: {  	v33 =	vunpack.i.u.bf16.f32 v35;
	[tilespmem:v21+s20+$0x0] =	vst.idx.msk $0xffff, v26;
	v21 =	vunpack.i.u.bf16.f32 v44;
	v26 =	vunpack.i.l.bf16.f32 v44  }
0x331: {  	v45 =	vor.u32 s16, v12;
	s16 =	smov.u32 s13;
	v35 =	vmul.f32 v49, v20;
	v33 =	vmul.f32 v33, v20;
	v36 =	vld [tilespmem:s9+$0xFFFFFF70];
	[tilespmem:v38+s20+$0x0] =	vst.idx.msk $0xffff, v22  }
0x332: {  	v22 =	vunpack.i.l.bf16.f32 v46;
	v26 =	vmul.f32 v26, v14;
	v38 =	vld.idx.msk [tilespmem:v41+s23+$0x0], $0xffff;
	v41 =	vmul.f32 v21, v14  }
0x333: {  	v46 =	vor.u32 s15, v11;
	v21 =	vmul.f32 v22, v18;
	v25 =	vmul.f32 v25, v18;
	v44 =	vld [tilespmem:s9+$0xFFFFFFC0]  }
0x334: {  	v22 =	vmul.f32 v37, v40;
	v30 =	vmul.f32 v30, v40;
	[tilespmem:v43+s20+$0x0] =	vst.idx.msk $0xffff, v35;
	v35 =	vunpack.i.l.bf16.f32 v34  }
0x335: {  	v37 =	vor.u32 s24, v7;
	v43 =	vunpack.i.u.bf16.f32 v34;
	[tilespmem:v29+s20+$0x0] =	vst.idx.msk $0xffff, v21;
	v35 =	vmul.f32 v35, v17  }
0x336: {  	v49 =	vor.u32 s12, v8;
	v34 =	vor.u32 s16, v8;
	[tilespmem:v23+s20+$0x0] =	vst.idx.msk $0xffff, v22;
	v21 =	vunpack.i.l.bf16.f32 v36  }
0x337: {  	v50 =	vor.u32 s12, v9;
	v29 =	vor.u32 s16, v9;
	[tilespmem:v28+s20+$0x0] =	vst.idx.msk $0xffff, v30;
	v23 =	vmul.f32 v21, v15  }
0x338: {  	v22 =	vor.u32 s8, v8;
	v27 =	vmul.f32 v27, v38;
	v28 =	vunpack.i.u.bf16.f32 v36;
	v51 =	vld [tilespmem:s1+$0xFFFFFF20];
	[tilespmem:v47+s20+$0x0] =	vst.idx.msk $0xffff, v26  }
0x339: {  	v21 =	vor.u32 s8, v9;
	v24 =	vmul.f32 v24, v38;
	v26 =	vmul.f32 v28, v15;
	[tilespmem:v32+s20+$0x0] =	vst.idx.msk $0xffff, v23  }
0x33a: {  	v30 =	vor.u32 s24, v8;
	v23 =	vunpack.i.u.bf16.f32 v44;
	[tilespmem:v48+s20+$0x0] =	vst.idx.msk $0xffff, v27;
	v27 =	vunpack.i.l.bf16.f32 v44  }
0x33b: {  	v28 =	vor.u32 s24, v9;
	[tilespmem:v39+s20+$0x0] =	vst.idx.msk $0xffff, v24;
	v32 =	vmul.f32 v27, v19;
	v27 =	vmul.f32 v23, v19  }
0x33c: {  	v23 =	vor.u32 s16, v13;
	v39 =	vmul.f32 v43, v17;
	v17 =	vmovc v40;
	v19 =	vmov v38;
	v47 =	vld [tilespmem:s1+$0xFFFFFFA0];
	[tilespmem:v31+s20+$0x0] =	vst.idx.msk $0xffff, v26  }
0x33d: {  	v24 =	vor.u32 s15, v13;
	v26 =	vunpack.i.l.bf16.f32 v51;
	[tilespmem:v37+s20+$0x0] =	vst.idx.msk $0xffff, v25;
	v40 =	vld [tilespmem:s9+$0xFFFFFF80]  }
.Ltmp6:
0x33e: {  	v44 =	vor.u32 s11, v12;
	v25 =	vor.u32 s15, v12;
	s15 =	smov.u32 s24;
	v31 =	vmul.f32 v26, v17;
	[tilespmem:v42+s20+$0x0] =	vst.idx.msk $0xffff, v33;
	(pc) =	sbr.rel @p0 .LBB2_12-.Ltmp6, $4  }
0x33f: {  	v43 =	vor.u32 s11, v13;
	v38 =	vor.u32 s14, v13;
	s11 =	smov.u32 s12;
	v26 =	vunpack.i.u.bf16.f32 v51;
	v36 =	vld [tilespmem:s1+$0xFFFFFF60];
	[tilespmem:v46+s20+$0x0] =	vst.idx.msk $0xffff, v41  }
0x340: {  	v42 =	vor.u32 s14, v12;
	s14 =	smov.u32 s8;
	v46 =	vmul.f32 v26, v17;
	v26 =	vor.u32 s11, v11;
	v41 =	vld [tilespmem:s1+$0xFFFFFFE0];
	[tilespmem:v45+s20+$0x0] =	vst.idx.msk $0xffff, v32  }
0x341: {  	v33 =	vor.u32 s11, v10;
	[tilespmem:v49+s20+$0x0] =	vst.idx.msk $0xffff, v31;
	v31 =	vunpack.i.u.bf16.f32 v47;
	v32 =	vunpack.i.l.bf16.f32 v47;
	v37 =	vld [tilespmem:s9+$0x0];
	s9 =	smov.u32 s1  }
0x342: {  	[tilespmem:v50+s20+$0x0] =	vst.idx.msk $0xffff, v46;
	v46 =	vmul.f32 v32, v19;
	v45 =	vmul.f32 v31, v19;
	v47 =	vunpack.i.l.bf16.f32 v40  }
0x343: {  	_ =	sdelay $0x3  }
0x344: {  	[tilespmem:v44+s20+$0x0] =	vst.idx.msk $0xffff, v35  }
0x345: {  	[tilespmem:v34+s20+$0x0] =	vst.idx.msk $0xffff, v46;
	v31 =	vunpack.i.l.bf16.f32 v36  }
0x346: {  	v32 =	vld [tilespmem:s9+$0xFFFFFF30];
	v51 =	vunpack.i.u.bf16.f32 v36;
	[tilespmem:v43+s20+$0x0] =	vst.idx.msk $0xffff, v39;
	v50 =	vmul.f32 v31, v20  }
0x347: {  	[tilespmem:v29+s20+$0x0] =	vst.idx.msk $0xffff, v45;
	v31 =	vmul.f32 v51, v20  }
0x348: {  	v52 =	vmul.f32 v47, v15;
	v53 =	vunpack.i.l.bf16.f32 v41;
	v34 =	vld [tilespmem:s9+$0xFFFFFFB0];
	[tilespmem:v22+s20+$0x0] =	vst.idx.msk $0xffff, v50  }
0x349: {  	v55 =	vunpack.i.u.bf16.f32 v41;
	v54 =	vmul.f32 v53, v18;
	[tilespmem:v21+s20+$0x0] =	vst.idx.msk $0xffff, v31  }
0x34a: {  	v56 =	vunpack.i.u.bf16.f32 v40;
	[tilespmem:v42+s20+$0x0] =	vst.idx.msk $0xffff, v52;
	v29 =	vmul.f32 v55, v18;
	v58 =	vld [tilespmem:s9+$0xFFFFFF70]  }
0x34b: {  	v57 =	vor.u32 s16, v10;
	v15 =	vmul.f32 v56, v15;
	v59 =	vunpack.i.l.bf16.f32 v32;
	[tilespmem:v30+s20+$0x0] =	vst.idx.msk $0xffff, v54  }
0x34c: {  	v60 =	vor.u32 s16, v11;
	v32 =	vunpack.i.u.bf16.f32 v32;
	v21 =	vmul.f32 v59, v17;
	[tilespmem:v28+s20+$0x0] =	vst.idx.msk $0xffff, v29  }
0x34d: {  	v62 =	vor.u32 s14, v10;
	[tilespmem:v38+s20+$0x0] =	vst.idx.msk $0xffff, v15;
	v39 =	vmul.f32 v32, v17;
	v15 =	vld [tilespmem:s9+$0xFFFFFFF0];
	v61 =	vunpack.i.l.bf16.f32 v34  }
0x34e: {  	v36 =	vor.u32 s14, v11;
	v63 =	vunpack.i.u.bf16.f32 v34;
	[tilespmem:v33+s20+$0x0] =	vst.idx.msk $0xffff, v21;
	v28 =	vmul.f32 v61, v19  }
0x34f: {  	v38 =	vmul.f32 v63, v19;
	[tilespmem:v26+s20+$0x0] =	vst.idx.msk $0xffff, v39;
	v40 =	vunpack.i.l.bf16.f32 v58  }
0x350: {  	v41 =	vor.u32 s15, v10;
	[tilespmem:v57+s20+$0x0] =	vst.idx.msk $0xffff, v28;
	v43 =	vunpack.i.u.bf16.f32 v58;
	v42 =	vmul.f32 v40, v20  }
0x351: {  	v45 =	vor.u32 s15, v11;
	v30 =	vld [tilespmem:s9+$0xFFFFFF40];
	[tilespmem:v60+s20+$0x0] =	vst.idx.msk $0xffff, v38;
	v22 =	vmul.f32 v43, v20  }
0x352: {  	v46 =	vunpack.i.l.bf16.f32 v15;
	v44 =	vld [tilespmem:s9+$0xFFFFFFC0];
	[tilespmem:v62+s20+$0x0] =	vst.idx.msk $0xffff, v42  }
0x353: {  	v15 =	vunpack.i.u.bf16.f32 v15;
	v47 =	vmul.f32 v46, v18;
	[tilespmem:v36+s20+$0x0] =	vst.idx.msk $0xffff, v22  }
0x354: {  	[tilespmem:v16+s20+$0x0] =	vst.idx.msk $0xffff, v27;
	v52 =	vor.u32 s11, v12;
	v48 =	vunpack.i.l.bf16.f32 v37;
	v15 =	vmul.f32 v15, v18;
	v50 =	vld [tilespmem:s9+$0xFFFFFF80]  }
0x355: {  	v49 =	vor.u32 s16, v12;
	v51 =	vunpack.i.u.bf16.f32 v37;
	v22 =	vmul.f32 v48, v14;
	[tilespmem:v41+s20+$0x0] =	vst.idx.msk $0xffff, v47  }
0x356: {  	v54 =	vor.u32 s11, v13;
	v14 =	vmul.f32 v51, v14;
	[tilespmem:v45+s20+$0x0] =	vst.idx.msk $0xffff, v15;
	v15 =	vunpack.i.l.bf16.f32 v30  }
0x357: {  	v56 =	vor.u32 s14, v12;
	[tilespmem:v25+s20+$0x0] =	vst.idx.msk $0xffff, v22;
	v28 =	vld [tilespmem:s9+$0x0];
	v15 =	vmul.f32 v15, v17;
	v53 =	vunpack.i.l.bf16.f32 v44  }
0x358: {  	v57 =	vor.u32 s14, v13;
	[tilespmem:v24+s20+$0x0] =	vst.idx.msk $0xffff, v14;
	v14 =	vunpack.i.u.bf16.f32 v30;
	v55 =	vmul.f32 v53, v19  }
0x359: {  	v14 =	vmul.f32 v14, v17;
	[tilespmem:v52+s20+$0x0] =	vst.idx.msk $0xffff, v15;
	v58 =	vunpack.i.l.bf16.f32 v50  }
0x35a: {  	v59 =	vor.u32 s15, v12;
	[tilespmem:v49+s20+$0x0] =	vst.idx.msk $0xffff, v55;
	v60 =	vunpack.i.u.bf16.f32 v50;
	v15 =	vmul.f32 v58, v20  }
0x35b: {  	s10 =	sadd.s32 $0x1, s10;
	v62 =	vor.u32 s15, v13;
	v61 =	vunpack.i.u.bf16.f32 v44;
	[tilespmem:v54+s20+$0x0] =	vst.idx.msk $0xffff, v14;
	v14 =	vmul.f32 v60, v20  }
0x35c: {  	p0 =	sne.s32 s10, $0xC;
	v63 =	vmul.f32 v61, v19;
	[tilespmem:v56+s20+$0x0] =	vst.idx.msk $0xffff, v15;
	v15 =	vunpack.i.l.bf16.f32 v28  }
.Ltmp7:
0x35d: {  	[tilespmem:v57+s20+$0x0] =	vst.idx.msk $0xffff, v14;
	v14 =	vunpack.i.u.bf16.f32 v28;
	v15 =	vmul.f32 v15, v18;
	(pc) =	sbr.rel @p0 .LBB2_5-.Ltmp7, $4  }
0x35e: {  	[tilespmem:v23+s20+$0x0] =	vst.idx.msk $0xffff, v63;
	v14 =	vmul.f32 v14, v18  }
0x35f: {  	[tilespmem:v59+s20+$0x0] =	vst.idx.msk $0xffff, v15  }
0x360: {  	s1 =	simm.s32 $0xB608;
	[tilespmem:v62+s20+$0x0] =	vst.idx.msk $0xffff, v14  }
0x361: {  	[spmem:s2] =	stream.indirect.scatter.add.f32 [tilespmem:s20], [sflag:$0x2], $0x80, s1, s19, $0xb8;
	[tilespmem:$0x1FBD0] =	vst v63  }
0x362: {  	_ =	swait.ge [sflag:s7], $0x1400  }
0x363: {  	[sflag:s7] =	ssyncset.done $0x0  }
0x364: {  	s29 =	simm.s32 $0x3;
	[sflag:s7] =	ssyncadd.s32 $0xFFFFEC00  }
0x365: {  	_ =	swait.ge [sflag:s29], $0x50  }
0x366: {  	[sflag:s29] =	ssyncset.done $0x0  }
0x367: {  	[sflag:s29] =	ssyncadd.s32 $0xFFFFFFB0  }
0x368: {  	v14 =	vld [tilespmem:$0x55A0]  }
0x369: {  	v15 =	vld [tilespmem:$0x5D70];
	_ =	sdelay $0x5  }
0x36a: {  	s1 =	simm.s32 $0x0  }
0x36b: {  	v14 =	vld.idx.msk [tilespmem:v14+s1+$0x0], $0xffff  }
0x36c: {  	v16 =	vld.idx.msk [tilespmem:v15+s25+$0x0], $0xffff;
	_ =	sdelay $0x1  }
0x36d: {  	v17 =	vld [tilespmem:$0x6540];
	_ =	sdelay $0x2  }
0x36e: {  	v14 =	vadd.f32 v16, v14;
	_ =	sdelay $0x1  }
0x36f: {  	v14 =	vadd.f32 v17, v14;
	_ =	sdelay $0x1  }
0x370: {  	v16 =	vmul.f32 $2.000000030e-01, v14  }
0x371: {  	vm0 =	vge.f32 v14, $0.0e+00  }
0x372: {  	v14 =	vsel vm0, v14, v16  }
0x373: {  	v14 =	vmul.f32 $1.442695020e+00, v14;
	_ =	sdelay $0x1  }
0x374: {  	(erf) = vpow2.f32 v14;
	_ =	sdelay $0x8  }
0x375: {  	v14 =	vpop (erf)  }
0x376: {  	[tilespmem:$0xB630] =	vst v14  }
0x377: {  	[tilespmem:v0+s17+$0x0] =	vst.idx.msk $0xffff, v15  }
0x378: {  	v14 =	vld [tilespmem:$0x55B0]  }
0x379: {  	v15 =	vld [tilespmem:$0x5D80];
	_ =	sdelay $0x6  }
0x37a: {  	v14 =	vld.idx.msk [tilespmem:v14+s1+$0x0], $0xffff  }
0x37b: {  	v16 =	vld.idx.msk [tilespmem:v15+s25+$0x0], $0xffff;
	_ =	sdelay $0x1  }
0x37c: {  	v17 =	vld [tilespmem:$0x6550];
	_ =	sdelay $0x2  }
0x37d: {  	v14 =	vadd.f32 v16, v14;
	_ =	sdelay $0x1  }
0x37e: {  	v14 =	vadd.f32 v17, v14;
	_ =	sdelay $0x1  }
0x37f: {  	v16 =	vmul.f32 $2.000000030e-01, v14  }
0x380: {  	vm12 =	vge.f32 v14, $0.0e+00  }
0x381: {  	v14 =	vsel vm12, v14, v16  }
0x382: {  	v14 =	vmul.f32 $1.442695020e+00, v14;
	_ =	sdelay $0x1  }
0x383: {  	(erf) = vpow2.f32 v14;
	_ =	sdelay $0x8  }
0x384: {  	v14 =	vpop (erf)  }
0x385: {  	[tilespmem:$0xB640] =	vst v14  }
0x386: {  	[tilespmem:v3+s17+$0x0] =	vst.idx.msk $0xffff, v15  }
0x387: {  	v14 =	vld [tilespmem:$0x55C0]  }
0x388: {  	v15 =	vld [tilespmem:$0x5D90];
	_ =	sdelay $0x6  }
0x389: {  	v14 =	vld.idx.msk [tilespmem:v14+s1+$0x0], $0xffff  }
0x38a: {  	v16 =	vld.idx.msk [tilespmem:v15+s25+$0x0], $0xffff;
	_ =	sdelay $0x1  }
0x38b: {  	v17 =	vld [tilespmem:$0x6560];
	_ =	sdelay $0x2  }
0x38c: {  	v14 =	vadd.f32 v16, v14;
	_ =	sdelay $0x1  }
0x38d: {  	v14 =	vadd.f32 v17, v14;
	_ =	sdelay $0x1  }
0x38e: {  	v16 =	vmul.f32 $2.000000030e-01, v14  }
0x38f: {  	vm13 =	vge.f32 v14, $0.0e+00  }
0x390: {  	v14 =	vsel vm13, v14, v16  }
0x391: {  	v14 =	vmul.f32 $1.442695020e+00, v14;
	_ =	sdelay $0x1  }
0x392: {  	(erf) = vpow2.f32 v14;
	_ =	sdelay $0x8  }
0x393: {  	v14 =	vpop (erf)  }
0x394: {  	[tilespmem:$0xB650] =	vst v14  }
0x395: {  	[tilespmem:v4+s17+$0x0] =	vst.idx.msk $0xffff, v15  }
0x396: {  	v14 =	vld [tilespmem:$0x55D0]  }
0x397: {  	v15 =	vld [tilespmem:$0x5DA0];
	_ =	sdelay $0x6  }
0x398: {  	v14 =	vld.idx.msk [tilespmem:v14+s1+$0x0], $0xffff  }
0x399: {  	v16 =	vld.idx.msk [tilespmem:v15+s25+$0x0], $0xffff;
	_ =	sdelay $0x1  }
0x39a: {  	v17 =	vld [tilespmem:$0x6570];
	_ =	sdelay $0x2  }
0x39b: {  	v14 =	vadd.f32 v16, v14;
	_ =	sdelay $0x1  }
0x39c: {  	v14 =	vadd.f32 v17, v14;
	_ =	sdelay $0x1  }
0x39d: {  	v16 =	vmul.f32 $2.000000030e-01, v14  }
0x39e: {  	vm14 =	vge.f32 v14, $0.0e+00  }
0x39f: {  	v14 =	vsel vm14, v14, v16  }
0x3a0: {  	v14 =	vmul.f32 $1.442695020e+00, v14;
	_ =	sdelay $0x1  }
0x3a1: {  	(erf) = vpow2.f32 v14;
	_ =	sdelay $0x8  }
0x3a2: {  	v14 =	vpop (erf)  }
0x3a3: {  	[tilespmem:$0xB660] =	vst v14  }
0x3a4: {  	[tilespmem:v5+s17+$0x0] =	vst.idx.msk $0xffff, v15  }
0x3a5: {  	v14 =	vld [tilespmem:$0x55E0]  }
0x3a6: {  	v15 =	vld [tilespmem:$0x5DB0];
	_ =	sdelay $0x6  }
0x3a7: {  	v14 =	vld.idx.msk [tilespmem:v14+s1+$0x0], $0xffff  }
0x3a8: {  	v16 =	vld.idx.msk [tilespmem:v15+s25+$0x0], $0xffff;
	_ =	sdelay $0x1  }
0x3a9: {  	v17 =	vld [tilespmem:$0x6580];
	_ =	sdelay $0x2  }
0x3aa: {  	v14 =	vadd.f32 v16, v14;
	_ =	sdelay $0x1  }
0x3ab: {  	v14 =	vadd.f32 v17, v14;
	_ =	sdelay $0x1  }
0x3ac: {  	v16 =	vmul.f32 $2.000000030e-01, v14  }
0x3ad: {  	vm15 =	vge.f32 v14, $0.0e+00  }
0x3ae: {  	v14 =	vsel vm15, v14, v16  }
0x3af: {  	v14 =	vmul.f32 $1.442695020e+00, v14;
	_ =	sdelay $0x1  }
0x3b0: {  	(erf) = vpow2.f32 v14;
	_ =	sdelay $0x8  }
0x3b1: {  	v14 =	vpop (erf)  }
0x3b2: {  	[tilespmem:$0xB670] =	vst v14  }
0x3b3: {  	s5 =	simm.s32 $0x3;
	s8 =	simm.s32 $0x5D70;
	[tilespmem:v6+s17+$0x0] =	vst.idx.msk $0xffff, v15  }
0x3b4: {  	v14 =	vmov s5;
	[spmem:s3] =	stream.indirect.scatter.add.f32 [tilespmem:s28], [sflag:$0x3], $0x1, s8, s0, $0xb8;
	[tilespmem:$0x1FBD0] =	vst v63  }
0x3b5: {  	_ =	swait.ge [sflag:s18], $0x1400  }
0x3b6: {  	s13 =	simm.s32 $0x1;
	[sflag:s18] =	ssyncset.done $0x0  }
0x3b7: {  	s9 =	simm.s32 $0x6610;
	v15 =	vmov s13;
	[sflag:s18] =	ssyncadd.s32 $0xFFFFEC00  }
0x3b8: {  	s14 =	simm.s32 $0x2;
	v17 =	vld [tilespmem:s9+$0x40]  }
0x3b9: {  	v18 =	vmov s14;
	v21 =	vld.idx.msk [tilespmem:v14+s28+$0x0], $0xffff  }
0x3ba: {  	v23 =	vshll.u32 v14, $0x7  }
0x3bb: {  	v24 =	vor.u32 v1, v23;
	v14 =	vmov s1;
	v22 =	vld [tilespmem:s9+$0xFFFFFFC0]  }
0x3bc: {  	v25 =	vor.u32 v7, v23;
	v19 =	vld.idx.msk [tilespmem:v15+s28+$0x0], $0xffff  }
0x3bd: {  	v20 =	vshll.u32 v15, $0x7;
	v26 =	vld [tilespmem:s9+$0x0];
	v15 =	vunpack.i.l.bf16.f32 v17  }
0x3be: {  	v27 =	vor.u32 v1, v20;
	v16 =	vld.idx.msk [tilespmem:v18+s28+$0x0], $0xffff;
	v17 =	vunpack.i.u.bf16.f32 v17;
	v28 =	vmul.f32 v15, v21  }
0x3bf: {  	v30 =	vor.u32 v7, v20;
	v29 =	vld [tilespmem:s9+$0xFFFFFF80];
	v18 =	vshll.u32 v18, $0x7;
	v17 =	vmul.f32 v17, v21  }
0x3c0: {  	v31 =	vor.u32 v1, v18;
	v32 =	vunpack.i.l.bf16.f32 v22;
	v15 =	vshll.u32 v14, $0x7;
	v14 =	vld.idx.msk [tilespmem:v14+s28+$0x0], $0xffff;
	[tilespmem:v24+s26+$0x0] =	vst.idx.msk $0xffff, v28  }
0x3c1: {  	v22 =	vunpack.i.u.bf16.f32 v22;
	v24 =	vor.u32 v7, v18;
	v28 =	vmul.f32 v32, v19;
	[tilespmem:v25+s26+$0x0] =	vst.idx.msk $0xffff, v17  }
0x3c2: {  	v22 =	vmul.f32 v22, v19;
	v17 =	vor.u32 v1, v15;
	v25 =	vunpack.i.l.bf16.f32 v26;
	v59 =	vld [tilespmem:s9+$0x50]  }
0x3c3: {  	v33 =	vor.u32 v7, v15;
	v26 =	vunpack.i.u.bf16.f32 v26;
	v25 =	vmul.f32 v25, v16;
	[tilespmem:v27+s26+$0x0] =	vst.idx.msk $0xffff, v28  }
0x3c4: {  	v27 =	vunpack.i.l.bf16.f32 v29;
	v26 =	vmul.f32 v26, v16;
	[tilespmem:v30+s26+$0x0] =	vst.idx.msk $0xffff, v22  }
0x3c5: {  	v22 =	vunpack.i.u.bf16.f32 v29;
	v27 =	vmul.f32 v27, v14;
	v28 =	vld [tilespmem:s9+$0xFFFFFFD0];
	[tilespmem:v31+s26+$0x0] =	vst.idx.msk $0xffff, v25;
	v25 =	vor.u32 v8, v23  }
0x3c6: {  	v22 =	vmul.f32 v22, v14;
	[tilespmem:v24+s26+$0x0] =	vst.idx.msk $0xffff, v26;
	v24 =	vor.u32 v9, v23  }
0x3c7: {  	[tilespmem:v17+s26+$0x0] =	vst.idx.msk $0xffff, v27;
	v26 =	vunpack.i.l.bf16.f32 v59  }
0x3c8: {  	v17 =	vld [tilespmem:s9+$0x10];
	[tilespmem:v33+s26+$0x0] =	vst.idx.msk $0xffff, v22;
	v22 =	vor.u32 v8, v20;
	v27 =	vunpack.i.u.bf16.f32 v59;
	v26 =	vmul.f32 v26, v21  }
0x3c9: {  	v30 =	vor.u32 v9, v20;
	v27 =	vmul.f32 v27, v21  }
0x3ca: {  	v29 =	vld [tilespmem:s9+$0xFFFFFF90];
	v31 =	vunpack.i.l.bf16.f32 v28;
	[tilespmem:v25+s26+$0x0] =	vst.idx.msk $0xffff, v26  }
0x3cb: {  	v25 =	vunpack.i.u.bf16.f32 v28;
	v26 =	vor.u32 v8, v18;
	v28 =	vmul.f32 v31, v19;
	[tilespmem:v24+s26+$0x0] =	vst.idx.msk $0xffff, v27  }
0x3cc: {  	s16 =	simm.s32 $0x5;
	v24 =	vmul.f32 v25, v19;
	v27 =	vor.u32 v9, v18;
	v31 =	vld [tilespmem:s9+$0x60]  }
0x3cd: {  	v41 =	vmov s16;
	v60 =	vor.u32 v8, v15;
	v25 =	vunpack.i.l.bf16.f32 v17;
	[tilespmem:v22+s26+$0x0] =	vst.idx.msk $0xffff, v28  }
0x3ce: {  	v17 =	vunpack.i.u.bf16.f32 v17;
	v22 =	vmul.f32 v25, v16;
	v28 =	vor.u32 v9, v15;
	[tilespmem:v30+s26+$0x0] =	vst.idx.msk $0xffff, v24  }
0x3cf: {  	v34 =	vor.u32 v10, v23;
	v17 =	vmul.f32 v17, v16;
	v25 =	vunpack.i.l.bf16.f32 v29;
	v61 =	vld [tilespmem:s9+$0xFFFFFFE0]  }
0x3d0: {  	v24 =	vunpack.i.u.bf16.f32 v29;
	v25 =	vmul.f32 v25, v14;
	[tilespmem:v26+s26+$0x0] =	vst.idx.msk $0xffff, v22;
	v22 =	vor.u32 v11, v23  }
0x3d1: {  	v37 =	vor.u32 v12, v23;
	v24 =	vmul.f32 v24, v14;
	[tilespmem:v27+s26+$0x0] =	vst.idx.msk $0xffff, v17;
	v17 =	vunpack.i.l.bf16.f32 v31  }
0x3d2: {  	s15 =	simm.s32 $0x4;
	[tilespmem:v60+s26+$0x0] =	vst.idx.msk $0xffff, v25;
	v27 =	vor.u32 v10, v20;
	v35 =	vld [tilespmem:s9+$0x20];
	v25 =	vunpack.i.u.bf16.f32 v31;
	v31 =	vmul.f32 v17, v21  }
0x3d3: {  	v26 =	vmov s15;
	[tilespmem:v28+s26+$0x0] =	vst.idx.msk $0xffff, v24;
	v24 =	vor.u32 v11, v20;
	v25 =	vmul.f32 v25, v21  }
0x3d4: {  	s24 =	simm.s32 $0x6;
	v36 =	vor.u32 v13, v23;
	v42 =	vor.u32 v10, v18;
	v28 =	vld [tilespmem:s9+$0xFFFFFFA0];
	v33 =	vunpack.i.l.bf16.f32 v61;
	[tilespmem:v34+s26+$0x0] =	vst.idx.msk $0xffff, v31  }
0x3d5: {  	v32 =	vmov s24;
	v62 =	vunpack.i.u.bf16.f32 v61;
	v31 =	vmul.f32 v33, v19;
	[tilespmem:v22+s26+$0x0] =	vst.idx.msk $0xffff, v25  }
0x3d6: {  	v38 =	vor.u32 v11, v18;
	v30 =	vor.u32 v10, v15;
	v63 =	vmul.f32 v62, v19;
	v34 =	vld [tilespmem:s9+$0x70]  }
0x3d7: {  	s30 =	simm.s32 $0x7;
	v29 =	vor.u32 v11, v15;
	[tilespmem:v27+s26+$0x0] =	vst.idx.msk $0xffff, v31;
	v27 =	vunpack.i.u.bf16.f32 v35;
	v35 =	vunpack.i.l.bf16.f32 v35  }
0x3d8: {  	v17 =	vshll.u32 v26, $0x7;
	v22 =	vld.idx.msk [tilespmem:v26+s28+$0x0], $0xffff;
	v31 =	vmov s30;
	[tilespmem:v24+s26+$0x0] =	vst.idx.msk $0xffff, v63;
	v43 =	vmul.f32 v35, v16  }
0x3d9: {  	v39 =	vmul.f32 v27, v16;
	v26 =	vunpack.i.u.bf16.f32 v28;
	v27 =	vunpack.i.l.bf16.f32 v28;
	v33 =	vld [tilespmem:s9+$0xFFFFFFF0]  }
0x3da: {  	v23 =	vld.idx.msk [tilespmem:v32+s28+$0x0], $0xffff;
	v25 =	vor.u32 v1, v17;
	v40 =	vmul.f32 v27, v14;
	v35 =	vmul.f32 v26, v14  }
0x3db: {  	s10 =	simm.s32 $0x6710;
	s1 =	simm.s32 $0x8;
	v24 =	vld.idx.msk [tilespmem:v41+s28+$0x0], $0xffff;
	v27 =	vor.u32 v7, v17;
	v26 =	vshll.u32 v41, $0x7;
	[tilespmem:v42+s26+$0x0] =	vst.idx.msk $0xffff, v43;
	v41 =	vunpack.i.l.bf16.f32 v34  }
.LBB2_15:
0x3dc: {  	p0 =	slt.u32 s1, $0x24;
	v28 =	vld [tilespmem:s10+$0x40];
	v42 =	vor.u32 v12, v20;
	[tilespmem:v38+s26+$0x0] =	vst.idx.msk $0xffff, v39;
	v34 =	vunpack.i.u.bf16.f32 v34;
	v38 =	vmul.f32 v41, v21  }
0x3dd: {  	[tilespmem:v30+s26+$0x0] =	vst.idx.msk $0xffff, v40;
	v30 =	vor.u32 v13, v20;
	v34 =	vmul.f32 v34, v21;
	v21 =	vld.idx.msk [tilespmem:v31+s28+$0x0], $0xffff  }
0x3de: {  	v41 =	vor.u32 v12, v18;
	v20 =	vmovc v26;
	v39 =	vld [tilespmem:s10+$0xFFFFFF80];
	v40 =	vunpack.i.u.bf16.f32 v33;
	v33 =	vunpack.i.l.bf16.f32 v33;
	[tilespmem:v37+s26+$0x0] =	vst.idx.msk $0xffff, v38  }
0x3df: {  	v26 =	vshll.u32 v31, $0x7;
	v37 =	vld [tilespmem:s10+$0xFFFFFFC0];
	v31 =	vmul.f32 v33, v19;
	v33 =	vmul.f32 v40, v19;
	[tilespmem:v36+s26+$0x0] =	vst.idx.msk $0xffff, v34  }
0x3e0: {  	v38 =	vor.u32 v1, v26;
	v34 =	vor.u32 v1, v20;
	v19 =	vmov v24;
	v36 =	vld [tilespmem:s10+$0x0];
	[tilespmem:v29+s26+$0x0] =	vst.idx.msk $0xffff, v35  }
0x3e1: {  	v24 =	vor.u32 v7, v20;
	v29 =	vshll.u32 v32, $0x7;
	v32 =	vor.u32 v7, v26;
	[tilespmem:v42+s26+$0x0] =	vst.idx.msk $0xffff, v31;
	v31 =	vld [tilespmem:s9+$0x30]  }
0x3e2: {  	v35 =	vor.u32 v1, v29;
	v40 =	vor.u32 v7, v29;
	v42 =	vunpack.i.l.bf16.f32 v28;
	v43 =	vld [tilespmem:s9+$0xFFFFFFB0];
	[tilespmem:v30+s26+$0x0] =	vst.idx.msk $0xffff, v33;
	s9 =	smov.u32 s10  }
0x3e3: {  	v28 =	vunpack.i.u.bf16.f32 v28;
	v33 =	vmul.f32 v42, v21;
	v30 =	vunpack.i.u.bf16.f32 v39  }
0x3e4: {  	v28 =	vmul.f32 v28, v21;
	v39 =	vunpack.i.l.bf16.f32 v39;
	v42 =	vunpack.i.u.bf16.f32 v37  }
0x3e5: {  	v37 =	vunpack.i.l.bf16.f32 v37;
	v44 =	vunpack.i.u.bf16.f32 v36;
	v36 =	vunpack.i.l.bf16.f32 v36;
	[tilespmem:v38+s26+$0x0] =	vst.idx.msk $0xffff, v33  }
0x3e6: {  	v33 =	vmul.f32 v37, v19;
	v37 =	vmul.f32 v42, v19;
	[tilespmem:v32+s26+$0x0] =	vst.idx.msk $0xffff, v28;
	v28 =	vunpack.i.u.bf16.f32 v31  }
0x3e7: {  	v32 =	vmul.f32 v36, v23;
	v36 =	vmul.f32 v44, v23;
	v31 =	vunpack.i.l.bf16.f32 v31;
	v38 =	vld [tilespmem:s10+$0x50]  }
0x3e8: {  	v39 =	vmul.f32 v39, v22;
	v30 =	vmul.f32 v30, v22;
	[tilespmem:v34+s26+$0x0] =	vst.idx.msk $0xffff, v33;
	v33 =	vunpack.i.u.bf16.f32 v43  }
0x3e9: {  	v31 =	vmul.f32 v31, v16;
	v28 =	vmul.f32 v28, v16;
	[tilespmem:v24+s26+$0x0] =	vst.idx.msk $0xffff, v37;
	v24 =	vunpack.i.l.bf16.f32 v43  }
0x3ea: {  	v16 =	vmov v23;
	v34 =	vld [tilespmem:s10+$0xFFFFFFD0];
	[tilespmem:v35+s26+$0x0] =	vst.idx.msk $0xffff, v32;
	v32 =	vor.u32 v8, v26;
	v24 =	vmul.f32 v24, v14  }
0x3eb: {  	v23 =	vor.u32 v9, v26;
	v35 =	vmul.f32 v33, v14;
	v14 =	vmov v22;
	[tilespmem:v40+s26+$0x0] =	vst.idx.msk $0xffff, v36  }
0x3ec: {  	v22 =	vor.u32 v8, v17;
	v36 =	vor.u32 v13, v18;
	[tilespmem:v25+s26+$0x0] =	vst.idx.msk $0xffff, v39;
	v25 =	vld [tilespmem:s10+$0x10];
	v33 =	vunpack.i.l.bf16.f32 v38  }
0x3ed: {  	v39 =	vunpack.i.u.bf16.f32 v38;
	[tilespmem:v27+s26+$0x0] =	vst.idx.msk $0xffff, v30;
	v27 =	vor.u32 v8, v20;
	v30 =	vmul.f32 v33, v21  }
0x3ee: {  	v37 =	vor.u32 v9, v20;
	v18 =	vmov v29;
	v38 =	vmul.f32 v39, v21;
	v33 =	vld [tilespmem:s10+$0xFFFFFF90];
	[tilespmem:v41+s26+$0x0] =	vst.idx.msk $0xffff, v31  }
0x3ef: {  	v29 =	vunpack.i.u.bf16.f32 v34;
	v31 =	vunpack.i.l.bf16.f32 v34;
	v34 =	vor.u32 v8, v18;
	[tilespmem:v32+s26+$0x0] =	vst.idx.msk $0xffff, v30  }
0x3f0: {  	v30 =	vmul.f32 v31, v19;
	v29 =	vmul.f32 v29, v19;
	[tilespmem:v23+s26+$0x0] =	vst.idx.msk $0xffff, v38  }
0x3f1: {  	v31 =	vor.u32 v9, v18;
	v23 =	vunpack.i.u.bf16.f32 v25;
	v25 =	vunpack.i.l.bf16.f32 v25;
	v32 =	vld [tilespmem:s10+$0x60];
	[tilespmem:v36+s26+$0x0] =	vst.idx.msk $0xffff, v28  }
0x3f2: {  	[tilespmem:v27+s26+$0x0] =	vst.idx.msk $0xffff, v30;
	v25 =	vmul.f32 v25, v16;
	v23 =	vmul.f32 v23, v16  }
0x3f3: {  	v27 =	vunpack.i.u.bf16.f32 v33;
	v28 =	vunpack.i.l.bf16.f32 v33;
	v33 =	vor.u32 v9, v17;
	[tilespmem:v37+s26+$0x0] =	vst.idx.msk $0xffff, v29  }
0x3f4: {  	v37 =	vor.u32 v10, v26;
	v28 =	vmul.f32 v28, v14;
	v27 =	vmul.f32 v27, v14;
	v36 =	vld [tilespmem:s10+$0xFFFFFFE0]  }
0x3f5: {  	v39 =	vmov s1;
	v38 =	vor.u32 v12, v15;
	[tilespmem:v34+s26+$0x0] =	vst.idx.msk $0xffff, v25;
	v25 =	vor.u32 v11, v26  }
0x3f6: {  	v40 =	vor.u32 v13, v15;
	v30 =	vor.u32 v10, v17;
	[tilespmem:v31+s26+$0x0] =	vst.idx.msk $0xffff, v23;
	v23 =	vunpack.i.l.bf16.f32 v32  }
0x3f7: {  	v41 =	vunpack.i.u.bf16.f32 v32;
	[tilespmem:v22+s26+$0x0] =	vst.idx.msk $0xffff, v28;
	v22 =	vor.u32 v10, v20;
	v28 =	vld [tilespmem:s10+$0x20];
	v23 =	vmul.f32 v23, v21  }
0x3f8: {  	v31 =	vshll.u32 v39, $0x7;
	v32 =	vmul.f32 v41, v21;
	[tilespmem:v33+s26+$0x0] =	vst.idx.msk $0xffff, v27;
	v27 =	vor.u32 v11, v20  }
0x3f9: {  	s5 =	sadd.s32 $0x1, s1;
	v15 =	vmovc v17;
	v29 =	vor.u32 v11, v17;
	v33 =	vld [tilespmem:s10+$0xFFFFFFA0];
	v34 =	vunpack.i.u.bf16.f32 v36;
	v36 =	vunpack.i.l.bf16.f32 v36;
	[tilespmem:v37+s26+$0x0] =	vst.idx.msk $0xffff, v23  }
0x3fa: {  	v17 =	vmovc v31;
	v23 =	vmov s5;
	s5 =	sadd.s32 $0x2, s1;
	v36 =	vmul.f32 v36, v19;
	v37 =	vmul.f32 v34, v19;
	[tilespmem:v25+s26+$0x0] =	vst.idx.msk $0xffff, v32  }
0x3fb: {  	v41 =	vor.u32 v10, v18;
	v25 =	vor.u32 v1, v17;
	v32 =	vmov s5;
	v34 =	vld [tilespmem:s10+$0x70];
	[tilespmem:v38+s26+$0x0] =	vst.idx.msk $0xffff, v24  }
.Ltmp8:
0x3fc: {  	s5 =	sadd.s32 $0x3, s1;
	v38 =	vor.u32 v11, v18;
	[tilespmem:v22+s26+$0x0] =	vst.idx.msk $0xffff, v36;
	v24 =	vunpack.i.u.bf16.f32 v28;
	v28 =	vunpack.i.l.bf16.f32 v28;
	(pc) =	sbr.rel @p0 .LBB2_15-.Ltmp8, $4  }
0x3fd: {  	v31 =	vmov s5;
	v22 =	vld.idx.msk [tilespmem:v39+s28+$0x0], $0xffff;
	[tilespmem:v27+s26+$0x0] =	vst.idx.msk $0xffff, v37;
	v28 =	vmul.f32 v28, v16;
	v39 =	vmul.f32 v24, v16  }
0x3fe: {  	v37 =	vor.u32 v12, v26;
	v27 =	vunpack.i.u.bf16.f32 v33;
	v36 =	vunpack.i.l.bf16.f32 v33;
	v33 =	vld [tilespmem:s10+$0xFFFFFFF0];
	[tilespmem:v40+s26+$0x0] =	vst.idx.msk $0xffff, v35  }
0x3ff: {  	v24 =	vld.idx.msk [tilespmem:v23+s28+$0x0], $0xffff;
	v40 =	vmul.f32 v36, v14;
	v35 =	vmul.f32 v27, v14;
	v36 =	vor.u32 v13, v26  }
0x400: {  	s1 =	sadd.s32 $0x4, s1;
	s10 =	sadd.s32 $0x100, s10;
	v27 =	vor.u32 v7, v17;
	v26 =	vshll.u32 v23, $0x7;
	v23 =	vld.idx.msk [tilespmem:v32+s28+$0x0], $0xffff;
	[tilespmem:v41+s26+$0x0] =	vst.idx.msk $0xffff, v28;
	v41 =	vunpack.i.l.bf16.f32 v34  }
0x401: {  	_ =	sdelay $0x2  }
0x402: {  	v42 =	vld [tilespmem:s10+$0x40]  }
0x403: {  	v28 =	vld.idx.msk [tilespmem:v31+s28+$0x0], $0xffff  }
0x404: {  	v43 =	vld [tilespmem:s10+$0xFFFFFFC0];
	v31 =	vshll.u32 v31, $0x7  }
0x405: {  	[tilespmem:v38+s26+$0x0] =	vst.idx.msk $0xffff, v39;
	v34 =	vunpack.i.u.bf16.f32 v34;
	v47 =	vmul.f32 v41, v21;
	v48 =	vor.u32 v1, v31  }
0x406: {  	[tilespmem:v30+s26+$0x0] =	vst.idx.msk $0xffff, v40;
	v30 =	vld [tilespmem:s10+$0x0];
	v21 =	vmul.f32 v34, v21;
	v49 =	vor.u32 v7, v31  }
0x407: {  	v50 =	vor.u32 v1, v26;
	v51 =	vor.u32 v7, v26;
	[tilespmem:v37+s26+$0x0] =	vst.idx.msk $0xffff, v47;
	v52 =	vunpack.i.l.bf16.f32 v42  }
0x408: {  	v53 =	vld [tilespmem:s10+$0xFFFFFF80];
	[tilespmem:v36+s26+$0x0] =	vst.idx.msk $0xffff, v21;
	v21 =	vshll.u32 v32, $0x7;
	v54 =	vunpack.i.u.bf16.f32 v42;
	v55 =	vmul.f32 v52, v28  }
0x409: {  	[tilespmem:v29+s26+$0x0] =	vst.idx.msk $0xffff, v35;
	v29 =	vor.u32 v1, v21;
	v56 =	vunpack.i.l.bf16.f32 v43;
	v32 =	vmul.f32 v54, v28  }
0x40a: {  	v57 =	vor.u32 v7, v21;
	v58 =	vunpack.i.u.bf16.f32 v43;
	v35 =	vmul.f32 v56, v24;
	[tilespmem:v48+s26+$0x0] =	vst.idx.msk $0xffff, v55  }
0x40b: {  	v59 =	vunpack.i.l.bf16.f32 v30;
	v60 =	vmul.f32 v58, v24;
	[tilespmem:v49+s26+$0x0] =	vst.idx.msk $0xffff, v32  }
0x40c: {  	v30 =	vunpack.i.u.bf16.f32 v30;
	v61 =	vmul.f32 v59, v23;
	[tilespmem:v50+s26+$0x0] =	vst.idx.msk $0xffff, v35;
	v34 =	vld [tilespmem:s10+$0x50]  }
0x40d: {  	v62 =	vor.u32 v12, v20;
	v63 =	vunpack.i.l.bf16.f32 v53;
	v30 =	vmul.f32 v30, v23;
	[tilespmem:v51+s26+$0x0] =	vst.idx.msk $0xffff, v60  }
0x40e: {  	v20 =	vor.u32 v13, v20;
	v42 =	vunpack.i.u.bf16.f32 v53;
	v36 =	vmul.f32 v63, v22;
	[tilespmem:v29+s26+$0x0] =	vst.idx.msk $0xffff, v61;
	v38 =	vld [tilespmem:s10+$0xFFFFFFD0]  }
0x40f: {  	v44 =	vor.u32 v8, v31;
	v43 =	vmul.f32 v42, v22;
	v29 =	vunpack.i.l.bf16.f32 v33;
	[tilespmem:v57+s26+$0x0] =	vst.idx.msk $0xffff, v30  }
0x410: {  	v45 =	vor.u32 v9, v31;
	[tilespmem:v25+s26+$0x0] =	vst.idx.msk $0xffff, v36;
	v30 =	vunpack.i.u.bf16.f32 v33;
	v29 =	vmul.f32 v29, v19;
	v25 =	vld [tilespmem:s10+$0x10]  }
0x411: {  	[tilespmem:v27+s26+$0x0] =	vst.idx.msk $0xffff, v43;
	v27 =	vor.u32 v8, v26;
	v19 =	vmul.f32 v30, v19;
	v30 =	vunpack.i.l.bf16.f32 v34  }
0x412: {  	v46 =	vor.u32 v9, v26;
	v32 =	vld [tilespmem:s10+$0xFFFFFF90];
	[tilespmem:v62+s26+$0x0] =	vst.idx.msk $0xffff, v29;
	v29 =	vunpack.i.u.bf16.f32 v34;
	v30 =	vmul.f32 v30, v28  }
0x413: {  	[tilespmem:v20+s26+$0x0] =	vst.idx.msk $0xffff, v19;
	v20 =	vunpack.i.l.bf16.f32 v38;
	v19 =	vmul.f32 v29, v28;
	v29 =	vor.u32 v8, v21  }
0x414: {  	v47 =	vld [tilespmem:s9+$0x30];
	v48 =	vunpack.i.u.bf16.f32 v38;
	v20 =	vmul.f32 v20, v24;
	[tilespmem:v44+s26+$0x0] =	vst.idx.msk $0xffff, v30;
	v30 =	vor.u32 v9, v21  }
0x415: {  	v49 =	vor.u32 v8, v17;
	v36 =	vmul.f32 v48, v24;
	[tilespmem:v45+s26+$0x0] =	vst.idx.msk $0xffff, v19;
	v19 =	vunpack.i.l.bf16.f32 v25  }
0x416: {  	[tilespmem:v27+s26+$0x0] =	vst.idx.msk $0xffff, v20;
	v20 =	vor.u32 v9, v17;
	v25 =	vunpack.i.u.bf16.f32 v25;
	v33 =	vld [tilespmem:s10+$0x60];
	v19 =	vmul.f32 v19, v23  }
0x417: {  	v50 =	vunpack.i.l.bf16.f32 v32;
	v27 =	vor.u32 v12, v18;
	[tilespmem:v46+s26+$0x0] =	vst.idx.msk $0xffff, v36;
	v25 =	vmul.f32 v25, v23  }
0x418: {  	v32 =	vunpack.i.u.bf16.f32 v32;
	v51 =	vmul.f32 v50, v22;
	v18 =	vor.u32 v13, v18;
	v36 =	vld [tilespmem:s10+$0xFFFFFFE0];
	[tilespmem:v29+s26+$0x0] =	vst.idx.msk $0xffff, v19  }
0x419: {  	v52 =	vor.u32 v10, v31;
	v19 =	vunpack.i.l.bf16.f32 v47;
	v29 =	vmul.f32 v32, v22;
	[tilespmem:v30+s26+$0x0] =	vst.idx.msk $0xffff, v25  }
0x41a: {  	[tilespmem:v49+s26+$0x0] =	vst.idx.msk $0xffff, v51;
	v25 =	vunpack.i.u.bf16.f32 v47;
	v19 =	vmul.f32 v19, v16;
	v30 =	vor.u32 v11, v31;
	v53 =	vld [tilespmem:s10+$0x20]  }
0x41b: {  	v54 =	vor.u32 v10, v26;
	v16 =	vmul.f32 v25, v16;
	[tilespmem:v20+s26+$0x0] =	vst.idx.msk $0xffff, v29;
	v25 =	vunpack.i.l.bf16.f32 v33  }
0x41c: {  	[tilespmem:v27+s26+$0x0] =	vst.idx.msk $0xffff, v19;
	v19 =	vunpack.i.u.bf16.f32 v33;
	v27 =	vld [tilespmem:s10+$0xFFFFFFA0];
	v20 =	vmul.f32 v25, v28;
	v25 =	vor.u32 v11, v26  }
0x41d: {  	[tilespmem:v18+s26+$0x0] =	vst.idx.msk $0xffff, v16;
	v16 =	vmul.f32 v19, v28;
	v18 =	vunpack.i.l.bf16.f32 v36;
	v19 =	vor.u32 v10, v21  }
0x41e: {  	v29 =	vld [tilespmem:s9+$0xFFFFFFB0];
	v55 =	vunpack.i.u.bf16.f32 v36;
	v18 =	vmul.f32 v18, v24;
	[tilespmem:v52+s26+$0x0] =	vst.idx.msk $0xffff, v20;
	v20 =	vor.u32 v11, v21  }
0x41f: {  	v56 =	vor.u32 v10, v17;
	v33 =	vmul.f32 v55, v24;
	[tilespmem:v30+s26+$0x0] =	vst.idx.msk $0xffff, v16;
	v16 =	vunpack.i.l.bf16.f32 v53  }
0x420: {  	v30 =	vor.u32 v11, v17;
	[tilespmem:v54+s26+$0x0] =	vst.idx.msk $0xffff, v18;
	v18 =	vunpack.i.u.bf16.f32 v53;
	v57 =	vld [tilespmem:s10+$0x70];
	v16 =	vmul.f32 v16, v23  }
0x421: {  	v58 =	vor.u32 v12, v15;
	v18 =	vmul.f32 v18, v23;
	[tilespmem:v25+s26+$0x0] =	vst.idx.msk $0xffff, v33;
	v25 =	vunpack.i.l.bf16.f32 v27  }
0x422: {  	v15 =	vor.u32 v13, v15;
	v27 =	vunpack.i.u.bf16.f32 v27;
	v33 =	vld [tilespmem:s10+$0xFFFFFFF0];
	v25 =	vmul.f32 v25, v22;
	[tilespmem:v19+s26+$0x0] =	vst.idx.msk $0xffff, v16  }
0x423: {  	v16 =	vunpack.i.l.bf16.f32 v29;
	v19 =	vor.u32 v12, v31;
	v27 =	vmul.f32 v27, v22;
	[tilespmem:v20+s26+$0x0] =	vst.idx.msk $0xffff, v18  }
0x424: {  	v18 =	vunpack.i.u.bf16.f32 v29;
	v16 =	vmul.f32 v16, v14;
	v20 =	vor.u32 v13, v31;
	[tilespmem:v56+s26+$0x0] =	vst.idx.msk $0xffff, v25;
	v25 =	vld [tilespmem:s10+$0x30]  }
0x425: {  	v29 =	vor.u32 v12, v26;
	v14 =	vmul.f32 v18, v14;
	v18 =	vunpack.i.l.bf16.f32 v57;
	[tilespmem:v30+s26+$0x0] =	vst.idx.msk $0xffff, v27  }
0x426: {  	v26 =	vor.u32 v13, v26;
	[tilespmem:v58+s26+$0x0] =	vst.idx.msk $0xffff, v16;
	v16 =	vunpack.i.u.bf16.f32 v57;
	v18 =	vmul.f32 v18, v28;
	v27 =	vld [tilespmem:s10+$0xFFFFFFB0]  }
0x427: {  	[tilespmem:v15+s26+$0x0] =	vst.idx.msk $0xffff, v14;
	v14 =	vmul.f32 v16, v28;
	v16 =	vor.u32 v12, v21;
	v15 =	vunpack.i.l.bf16.f32 v33  }
0x428: {  	v28 =	vunpack.i.u.bf16.f32 v33;
	[tilespmem:v19+s26+$0x0] =	vst.idx.msk $0xffff, v18;
	v15 =	vmul.f32 v15, v24;
	v18 =	vor.u32 v13, v21  }
0x429: {  	v19 =	vmul.f32 v28, v24;
	[tilespmem:v20+s26+$0x0] =	vst.idx.msk $0xffff, v14;
	v14 =	vunpack.i.l.bf16.f32 v25;
	v20 =	vor.u32 v12, v17  }
0x42a: {  	v17 =	vor.u32 v13, v17;
	[tilespmem:v29+s26+$0x0] =	vst.idx.msk $0xffff, v15;
	v15 =	vunpack.i.u.bf16.f32 v25;
	v14 =	vmul.f32 v14, v23  }
0x42b: {  	[tilespmem:v26+s26+$0x0] =	vst.idx.msk $0xffff, v19;
	v19 =	vunpack.i.l.bf16.f32 v27;
	v15 =	vmul.f32 v15, v23  }
0x42c: {  	s1 =	simm.s32 $0x28;
	v21 =	vunpack.i.u.bf16.f32 v27;
	v19 =	vmul.f32 v19, v22;
	[tilespmem:v16+s26+$0x0] =	vst.idx.msk $0xffff, v14  }
0x42d: {  	v14 =	vmul.f32 v21, v22;
	[tilespmem:v18+s26+$0x0] =	vst.idx.msk $0xffff, v15;
	v15 =	vmov s1  }
0x42e: {  	[tilespmem:v20+s26+$0x0] =	vst.idx.msk $0xffff, v19;
	v15 =	vand.u32 $0xFFFFFFFC, v15  }
0x42f: {  	s11 =	simm.s32 $0x2A;
	[tilespmem:v17+s26+$0x0] =	vst.idx.msk $0xffff, v14;
	v14 =	vbroadcast v15, $0x0  }
0x430: {  	v15 =	vmov s11;
	[spmem:s2] =	stream.indirect.scatter.add.f32 [tilespmem:s26], [sflag:$0x2], $0x80, s17, s19, $0xb8;
	[tilespmem:$0x1FBD0] =	vst v63  }
0x431: {  	s5 =	simm.s32 $0x29;
	v15 =	vand.u32 $0xFFFFFFFE, v15;
	_ =	swait.ge [sflag:s18], $0x1400  }
0x432: {  	v16 =	vmov s5;
	v15 =	vbroadcast v15, $0x0;
	[sflag:s18] =	ssyncset.done $0x0  }
0x433: {  	s1 =	simm.s32 $0x7080;
	v16 =	vand.u32 $0xFFFFFFFD, v16;
	[sflag:s18] =	ssyncadd.s32 $0xFFFFEC00  }
0x434: {  	s16 =	simm.s32 $0x0;
	s15 =	simm.s32 $0x2F;
	v16 =	vbroadcast v16, $0x0;
	v17 =	vld [tilespmem:s1+$0xFFFFFF10]  }
0x435: {  	s12 =	simm.s32 $0x2B;
	s24 =	simm.s32 $0x80;
	s14 =	simm.s32 $0x2D;
	v59 =	vor.u32 s16, v11;
	v63 =	vmov s15;
	v24 =	vld.idx.msk [tilespmem:v14+s28+$0x0], $0xffff  }
0x436: {  	s15 =	simm.s32 $0x300;
	v42 =	vor.u32 s24, v12;
	v60 =	vmov s14;
	v18 =	vld [tilespmem:s1+$0xFFFFFFD0];
	v14 =	vmov s12  }
0x437: {  	s8 =	simm.s32 $0x100;
	v43 =	vor.u32 s16, v13;
	v48 =	vor.u32 s15, v1;
	v19 =	vor.u32 s16, v1;
	v20 =	vld [tilespmem:s1+$0xFFFFFF90]  }
0x438: {  	s14 =	simm.s32 $0x380;
	v46 =	vor.u32 s8, v10;
	v36 =	vor.u32 s24, v11;
	v21 =	vor.u32 s16, v7;
	v23 =	vld.idx.msk [tilespmem:v15+s28+$0x0], $0xffff  }
0x439: {  	v58 =	vor.u32 s14, v1;
	v33 =	vand.u32 $0xFFFFFFFD, v60;
	v22 =	vld [tilespmem:s1+$0xFFFFFF50];
	v15 =	vunpack.i.l.bf16.f32 v17  }
0x43a: {  	s10 =	simm.s32 $0x200;
	v25 =	vor.u32 s8, v1;
	v17 =	vunpack.i.u.bf16.f32 v17;
	v26 =	vmul.f32 v15, v24;
	v15 =	vld.idx.msk [tilespmem:v16+s28+$0x0], $0xffff  }
0x43b: {  	v39 =	vor.u32 s10, v1;
	v16 =	vor.u32 s8, v7;
	v17 =	vmul.f32 v17, v24;
	v14 =	vld.idx.msk [tilespmem:v14+s28+$0x0], $0xffff  }
0x43c: {  	s9 =	simm.s32 $0x7180;
	s12 =	simm.s32 $0x180;
	v28 =	vunpack.i.l.bf16.f32 v20;
	[tilespmem:v19+s20+$0x0] =	vst.idx.msk $0xffff, v26;
	v19 =	vunpack.i.u.bf16.f32 v20;
	v20 =	vor.u32 s24, v1  }
0x43d: {  	v29 =	vor.u32 s24, v7;
	v52 =	vld [tilespmem:s9+$0xFFFFFF90];
	v26 =	vor.u32 s12, v1;
	[tilespmem:v21+s20+$0x0] =	vst.idx.msk $0xffff, v17;
	v17 =	vmul.f32 v28, v23  }
0x43e: {  	v30 =	vor.u32 s12, v7;
	v21 =	vunpack.i.l.bf16.f32 v22;
	v19 =	vmul.f32 v19, v23;
	v28 =	vld [tilespmem:s1+$0xFFFFFF20]  }
0x43f: {  	v53 =	vld [tilespmem:s9+$0xFFFFFF10];
	v27 =	vunpack.i.u.bf16.f32 v18;
	v18 =	vunpack.i.l.bf16.f32 v18;
	[tilespmem:v25+s20+$0x0] =	vst.idx.msk $0xffff, v17;
	v17 =	vmul.f32 v21, v15  }
0x440: {  	v38 =	vor.u32 s10, v7;
	v44 =	vld [tilespmem:s9+$0xFFFFFF50];
	v22 =	vunpack.i.u.bf16.f32 v22;
	[tilespmem:v16+s20+$0x0] =	vst.idx.msk $0xffff, v19;
	v16 =	vmul.f32 v18, v14  }
0x441: {  	s11 =	simm.s32 $0x280;
	v21 =	vmul.f32 v22, v15;
	v18 =	vmul.f32 v27, v14;
	v19 =	vor.u32 s16, v8;
	v22 =	vld [tilespmem:s1+$0xFFFFFFA0];
	[tilespmem:v20+s20+$0x0] =	vst.idx.msk $0xffff, v17  }
0x442: {  	v33 =	vbroadcast v33, $0x0;
	v57 =	vor.u32 s11, v1;
	v20 =	vor.u32 s16, v9;
	[tilespmem:v26+s20+$0x0] =	vst.idx.msk $0xffff, v16  }
0x443: {  	v37 =	vor.u32 s11, v7;
	v16 =	vunpack.i.l.bf16.f32 v28;
	[tilespmem:v30+s20+$0x0] =	vst.idx.msk $0xffff, v18;
	v28 =	vunpack.i.u.bf16.f32 v28  }
0x444: {  	v17 =	vor.u32 s8, v8;
	[tilespmem:v29+s20+$0x0] =	vst.idx.msk $0xffff, v21;
	v18 =	vmul.f32 v16, v24;
	v21 =	vmul.f32 v28, v24;
	v28 =	vld [tilespmem:s1+$0xFFFFFFE0]  }
0x445: {  	v31 =	vor.u32 s12, v8;
	v47 =	vunpack.i.u.bf16.f32 v52;
	v25 =	vor.u32 s8, v9  }
0x446: {  	s13 =	simm.s32 $0x2C;
	v49 =	vunpack.i.l.bf16.f32 v53;
	v50 =	vunpack.i.l.bf16.f32 v44;
	[tilespmem:v19+s20+$0x0] =	vst.idx.msk $0xffff, v18;
	v19 =	vunpack.i.l.bf16.f32 v22  }
0x447: {  	v29 =	vld [tilespmem:s1+$0xFFFFFF60];
	v18 =	vunpack.i.u.bf16.f32 v22;
	[tilespmem:v20+s20+$0x0] =	vst.idx.msk $0xffff, v21;
	v19 =	vmul.f32 v19, v23;
	v20 =	vmov s13  }
0x448: {  	v30 =	vor.u32 s12, v9;
	v18 =	vmul.f32 v18, v23;
	v61 =	vld [tilespmem:s1+$0xFFFFFF30];
	v20 =	vand.u32 $0xFFFFFFFC, v20  }
0x449: {  	v60 =	vunpack.i.u.bf16.f32 v44;
	v62 =	vbroadcast v20, $0x0;
	v20 =	vunpack.i.l.bf16.f32 v28;
	[tilespmem:v17+s20+$0x0] =	vst.idx.msk $0xffff, v19  }
0x44a: {  	s30 =	simm.s32 $0x2E;
	v26 =	vor.u32 s24, v8;
	v28 =	vunpack.i.u.bf16.f32 v28;
	v20 =	vmul.f32 v20, v14;
	[tilespmem:v25+s20+$0x0] =	vst.idx.msk $0xffff, v18  }
0x44b: {  	v22 =	vor.u32 s16, v10;
	v17 =	vmov s30;
	v28 =	vmul.f32 v28, v14;
	v25 =	vld [tilespmem:s1+$0xFFFFFFB0]  }
0x44c: {  	v27 =	vor.u32 s24, v9;
	v51 =	vunpack.i.l.bf16.f32 v29;
	v19 =	vld [tilespmem:s9+$0xFFFFFFD0];
	v17 =	vand.u32 $0xFFFFFFFE, v17;
	[tilespmem:v31+s20+$0x0] =	vst.idx.msk $0xffff, v20  }
0x44d: {  	v55 =	vbroadcast v17, $0x0;
	v17 =	vmul.f32 v51, v15;
	v20 =	vld.idx.msk [tilespmem:v33+s28+$0x0], $0xffff;
	v18 =	vunpack.i.l.bf16.f32 v61;
	[tilespmem:v30+s20+$0x0] =	vst.idx.msk $0xffff, v28  }
0x44e: {  	v44 =	vor.u32 s16, v12;
	v34 =	vunpack.i.u.bf16.f32 v61;
	v54 =	vmul.f32 v18, v24;
	v45 =	vld [tilespmem:s1+$0xFFFFFFF0]  }
0x44f: {  	v29 =	vunpack.i.u.bf16.f32 v29;
	v31 =	vor.u32 s8, v11;
	[tilespmem:v26+s20+$0x0] =	vst.idx.msk $0xffff, v17;
	v28 =	vmul.f32 v34, v24;
	v17 =	vld.idx.msk [tilespmem:v62+s28+$0x0], $0xffff  }
0x450: {  	v18 =	vunpack.i.l.bf16.f32 v25;
	[tilespmem:v22+s20+$0x0] =	vst.idx.msk $0xffff, v54;
	v22 =	vunpack.i.u.bf16.f32 v25;
	v25 =	vmul.f32 v29, v15  }
0x451: {  	v16 =	vor.u32 s8, v13;
	v21 =	vor.u32 s24, v10;
	v26 =	vmul.f32 v18, v23;
	v18 =	vld.idx.msk [tilespmem:v63+s28+$0x0], $0xffff;
	[tilespmem:v59+s20+$0x0] =	vst.idx.msk $0xffff, v28  }
0x452: {  	v33 =	vunpack.i.l.bf16.f32 v52;
	v30 =	vor.u32 s12, v10;
	v22 =	vmul.f32 v22, v23;
	[tilespmem:v27+s20+$0x0] =	vst.idx.msk $0xffff, v25  }
0x453: {  	v56 =	vunpack.i.u.bf16.f32 v19;
	v34 =	vor.u32 s15, v8;
	v27 =	vmul.f32 v50, v20;
	[tilespmem:v46+s20+$0x0] =	vst.idx.msk $0xffff, v26;
	v61 =	vld [tilespmem:s1+$0xFFFFFF70]  }
0x454: {  	v29 =	vunpack.i.u.bf16.f32 v53;
	v26 =	vunpack.i.l.bf16.f32 v45;
	[tilespmem:v31+s20+$0x0] =	vst.idx.msk $0xffff, v22;
	v52 =	vmul.f32 v49, v17  }
0x455: {  	v53 =	vor.u32 s14, v7;
	v22 =	vunpack.i.l.bf16.f32 v19;
	v26 =	vmul.f32 v26, v14;
	v19 =	vld.idx.msk [tilespmem:v55+s28+$0x0], $0xffff;
	[tilespmem:v57+s20+$0x0] =	vst.idx.msk $0xffff, v27  }
0x456: {  	v28 =	vor.u32 s15, v7;
	v41 =	vmul.f32 v60, v20;
	v59 =	vld [tilespmem:s1+$0xFFFFFF40];
	v22 =	vmul.f32 v22, v18;
	[tilespmem:v39+s20+$0x0] =	vst.idx.msk $0xffff, v52  }
0x457: {  	v63 =	vor.u32 s12, v11;
	v25 =	vunpack.i.u.bf16.f32 v45;
	v27 =	vmul.f32 v29, v17;
	[tilespmem:v30+s20+$0x0] =	vst.idx.msk $0xffff, v26  }
0x458: {  	v62 =	vmul.f32 v25, v14;
	v25 =	vmul.f32 v56, v18;
	[tilespmem:v58+s20+$0x0] =	vst.idx.msk $0xffff, v22;
	v22 =	vunpack.i.l.bf16.f32 v61  }
0x459: {  	v31 =	vor.u32 s8, v12;
	v57 =	vor.u32 s10, v9;
	v54 =	vld [tilespmem:s1+$0xFFFFFFC0];
	[tilespmem:v38+s20+$0x0] =	vst.idx.msk $0xffff, v27;
	v27 =	vmul.f32 v22, v15  }
0x45a: {  	v56 =	vor.u32 s10, v8;
	v30 =	vor.u32 s14, v8;
	v33 =	vmul.f32 v33, v19;
	[tilespmem:v53+s20+$0x0] =	vst.idx.msk $0xffff, v25  }
0x45b: {  	v29 =	vunpack.i.l.bf16.f32 v59;
	v38 =	vld [tilespmem:s9+$0xFFFFFF20];
	v26 =	vunpack.i.u.bf16.f32 v61;
	v58 =	vmul.f32 v47, v19;
	[tilespmem:v21+s20+$0x0] =	vst.idx.msk $0xffff, v27  }
0x45c: {  	v55 =	vunpack.i.u.bf16.f32 v59;
	v35 =	vmul.f32 v29, v24;
	v26 =	vmul.f32 v26, v15;
	[tilespmem:v48+s20+$0x0] =	vst.idx.msk $0xffff, v33  }
0x45d: {  	v29 =	vor.u32 s15, v9;
	v39 =	vmul.f32 v55, v24;
	v24 =	vor.u32 s12, v13;
	[tilespmem:v28+s20+$0x0] =	vst.idx.msk $0xffff, v58  }
0x45e: {  	v22 =	vor.u32 s11, v8;
	v25 =	vor.u32 s12, v12;
	v59 =	vunpack.i.l.bf16.f32 v54;
	[tilespmem:v36+s20+$0x0] =	vst.idx.msk $0xffff, v26;
	v60 =	vld [tilespmem:s9+$0xFFFFFFA0]  }
0x45f: {  	v21 =	vor.u32 s11, v9;
	v27 =	vunpack.i.u.bf16.f32 v54;
	v33 =	vmul.f32 v59, v23;
	v40 =	vld [tilespmem:s1+$0xFFFFFF80]  }
0x460: {  	[tilespmem:v37+s20+$0x0] =	vst.idx.msk $0xffff, v41;
	v28 =	vor.u32 s14, v9;
	v27 =	vmul.f32 v27, v23;
	v26 =	vunpack.i.l.bf16.f32 v38  }
0x461: {  	[tilespmem:v63+s20+$0x0] =	vst.idx.msk $0xffff, v62;
	v23 =	vor.u32 s15, v13;
	v61 =	vmul.f32 v26, v17;
	v26 =	vunpack.i.u.bf16.f32 v38  }
0x462: {  	v37 =	vld [tilespmem:s1+$0x0];
	[tilespmem:v31+s20+$0x0] =	vst.idx.msk $0xffff, v33;
	v33 =	vor.u32 s10, v10;
	v38 =	vor.u32 s24, v13;
	v62 =	vmul.f32 v26, v17  }
0x463: {  	v41 =	vld [tilespmem:s9+$0xFFFFFFE0];
	v26 =	vor.u32 s10, v11;
	[tilespmem:v56+s20+$0x0] =	vst.idx.msk $0xffff, v61;
	v31 =	vunpack.i.u.bf16.f32 v60;
	v63 =	vunpack.i.l.bf16.f32 v60  }
0x464: {  	s16 =	simm.s32 $0x4;
	v36 =	vld [tilespmem:s9+$0xFFFFFF60];
	s1 =	simm.s32 $0x7180;
	[tilespmem:v57+s20+$0x0] =	vst.idx.msk $0xffff, v62;
	v47 =	vunpack.i.l.bf16.f32 v40;
	v46 =	vmul.f32 v63, v19;
	v45 =	vmul.f32 v31, v19  }
.LBB2_17:
0x465: {  	s5 =	sadd.s32 $0x2C, s16;
	s8 =	sadd.s32 $0x2D, s16;
	s12 =	sadd.s32 $0x2E, s16;
	v32 =	vor.u32 s11, v10;
	v31 =	vor.u32 s11, v11;
	[tilespmem:v44+s20+$0x0] =	vst.idx.msk $0xffff, v35;
	v35 =	vmul.f32 v47, v15  }
0x466: {  	v44 =	vmov s5;
	v47 =	vmov s8;
	s5 =	sadd.s32 $0x2F, s16;
	[tilespmem:v43+s20+$0x0] =	vst.idx.msk $0xffff, v39;
	v39 =	vunpack.i.u.bf16.f32 v40;
	s8 =	smov.u32 s16;
	s16 =	sadd.s32 $0x4, s16  }
0x467: {  	s1 =	sadd.s32 $0x100, s1;
	v40 =	vand.u32 $0xFFFFFFFC, v44;
	v43 =	vand.u32 $0xFFFFFFFD, v47;
	p0 =	slt.u32 s16, $0x24;
	v44 =	vld [tilespmem:s9+$0xFFFFFF30];
	[tilespmem:v34+s20+$0x0] =	vst.idx.msk $0xffff, v46;
	v34 =	vmul.f32 v39, v15;
	v15 =	vmovc v20  }
0x468: {  	v20 =	vunpack.i.l.bf16.f32 v41;
	v39 =	vbroadcast v40, $0x0;
	v40 =	vmov s5;
	v46 =	vld [tilespmem:s1+$0xFFFFFFD0];
	[tilespmem:v42+s20+$0x0] =	vst.idx.msk $0xffff, v35  }
0x469: {  	v42 =	vmov s12;
	v20 =	vmul.f32 v20, v18;
	v35 =	vld [tilespmem:s1+$0xFFFFFF50];
	[tilespmem:v38+s20+$0x0] =	vst.idx.msk $0xffff, v34;
	v34 =	vunpack.i.l.bf16.f32 v37  }
0x46a: {  	v41 =	vunpack.i.u.bf16.f32 v41;
	s12 =	sshll.u32 s16, $0x7;
	v38 =	vunpack.i.l.bf16.f32 v36;
	[tilespmem:v16+s20+$0x0] =	vst.idx.msk $0xffff, v27;
	v27 =	vunpack.i.u.bf16.f32 v37;
	v16 =	vmovc v23  }
0x46b: {  	v23 =	vor.u32 s12, v1;
	v37 =	vbroadcast v43, $0x0;
	v43 =	vld [tilespmem:s1+$0xFFFFFF90];
	[tilespmem:v29+s20+$0x0] =	vst.idx.msk $0xffff, v45;
	v27 =	vmul.f32 v27, v14  }
0x46c: {  	v29 =	vunpack.i.u.bf16.f32 v44;
	v44 =	vunpack.i.l.bf16.f32 v44;
	v45 =	vld [tilespmem:s9+$0xFFFFFFB0];
	[tilespmem:v30+s20+$0x0] =	vst.idx.msk $0xffff, v20;
	v20 =	vmul.f32 v41, v18  }
0x46d: {  	v34 =	vmul.f32 v34, v14;
	v14 =	vmovc v18;
	v41 =	vand.u32 $0xFFFFFFFE, v42;
	v30 =	vld [tilespmem:s1+$0xFFFFFF10];
	v42 =	vmul.f32 v44, v17  }
0x46e: {  	v18 =	vmul.f32 v38, v15;
	v38 =	vor.u32 s15, v11;
	v41 =	vbroadcast v41, $0x0;
	[tilespmem:v28+s20+$0x0] =	vst.idx.msk $0xffff, v20  }
0x46f: {  	v47 =	vor.u32 s14, v10;
	v29 =	vmul.f32 v29, v17;
	v28 =	vor.u32 s12, v7;
	v44 =	vld [tilespmem:s9+$0xFFFFFFF0];
	[tilespmem:v25+s20+$0x0] =	vst.idx.msk $0xffff, v34  }
0x470: {  	s5 =	sshll.u32 s8, $0x7;
	v25 =	vunpack.i.u.bf16.f32 v46;
	v34 =	vunpack.i.u.bf16.f32 v36;
	v36 =	vor.u32 s15, v10;
	[tilespmem:v24+s20+$0x0] =	vst.idx.msk $0xffff, v27  }
0x471: {  	s8 =	sadd.s32 $0x280, s5;
	s13 =	sadd.s32 $0x300, s5;
	s24 =	sadd.s32 $0x380, s5;
	v24 =	vunpack.i.u.bf16.f32 v43;
	v27 =	vunpack.i.l.bf16.f32 v43;
	v20 =	vld.idx.msk [tilespmem:v37+s28+$0x0], $0xffff;
	v37 =	vunpack.i.l.bf16.f32 v45  }
0x472: {  	v48 =	vor.u32 s13, v1;
	v43 =	vor.u32 s8, v1;
	[tilespmem:v22+s20+$0x0] =	vst.idx.msk $0xffff, v18;
	v22 =	vmul.f32 v37, v19  }
0x473: {  	v49 =	vunpack.i.l.bf16.f32 v35;
	v37 =	vunpack.i.l.bf16.f32 v30;
	v18 =	vld.idx.msk [tilespmem:v40+s28+$0x0], $0xffff;
	[tilespmem:v33+s20+$0x0] =	vst.idx.msk $0xffff, v42;
	v33 =	vunpack.i.u.bf16.f32 v45  }
0x474: {  	v30 =	vunpack.i.u.bf16.f32 v30;
	v42 =	vor.u32 s8, v7;
	v40 =	vld.idx.msk [tilespmem:v39+s28+$0x0], $0xffff;
	[tilespmem:v26+s20+$0x0] =	vst.idx.msk $0xffff, v29;
	v26 =	vmul.f32 v34, v15  }
0x475: {  	v39 =	vor.u32 s13, v7;
	v29 =	vor.u32 s24, v1;
	v34 =	vld [tilespmem:s9+$0xFFFFFF40];
	[tilespmem:v36+s20+$0x0] =	vst.idx.msk $0xffff, v22;
	v22 =	vmul.f32 v33, v19  }
0x476: {  	v33 =	vunpack.i.u.bf16.f32 v35;
	[tilespmem:v21+s20+$0x0] =	vst.idx.msk $0xffff, v26;
	v21 =	vunpack.i.u.bf16.f32 v44;
	v26 =	vunpack.i.l.bf16.f32 v44  }
0x477: {  	v45 =	vor.u32 s15, v12;
	s15 =	smov.u32 s13;
	v35 =	vmul.f32 v49, v20;
	v33 =	vmul.f32 v33, v20;
	v36 =	vld [tilespmem:s9+$0xFFFFFF70];
	[tilespmem:v38+s20+$0x0] =	vst.idx.msk $0xffff, v22  }
0x478: {  	v22 =	vunpack.i.l.bf16.f32 v46;
	v26 =	vmul.f32 v26, v14;
	v38 =	vld.idx.msk [tilespmem:v41+s28+$0x0], $0xffff;
	v41 =	vmul.f32 v21, v14  }
0x479: {  	v46 =	vor.u32 s14, v11;
	v21 =	vmul.f32 v22, v18;
	v25 =	vmul.f32 v25, v18;
	v44 =	vld [tilespmem:s9+$0xFFFFFFC0]  }
0x47a: {  	v22 =	vmul.f32 v37, v40;
	v30 =	vmul.f32 v30, v40;
	[tilespmem:v43+s20+$0x0] =	vst.idx.msk $0xffff, v35;
	v35 =	vunpack.i.l.bf16.f32 v34  }
0x47b: {  	v37 =	vor.u32 s24, v7;
	v43 =	vunpack.i.u.bf16.f32 v34;
	[tilespmem:v29+s20+$0x0] =	vst.idx.msk $0xffff, v21;
	v35 =	vmul.f32 v35, v17  }
0x47c: {  	v49 =	vor.u32 s12, v8;
	v34 =	vor.u32 s15, v8;
	[tilespmem:v23+s20+$0x0] =	vst.idx.msk $0xffff, v22;
	v21 =	vunpack.i.l.bf16.f32 v36  }
0x47d: {  	v50 =	vor.u32 s12, v9;
	v29 =	vor.u32 s15, v9;
	[tilespmem:v28+s20+$0x0] =	vst.idx.msk $0xffff, v30;
	v23 =	vmul.f32 v21, v15  }
0x47e: {  	v22 =	vor.u32 s8, v8;
	v27 =	vmul.f32 v27, v38;
	v28 =	vunpack.i.u.bf16.f32 v36;
	v51 =	vld [tilespmem:s1+$0xFFFFFF20];
	[tilespmem:v47+s20+$0x0] =	vst.idx.msk $0xffff, v26  }
0x47f: {  	v21 =	vor.u32 s8, v9;
	v24 =	vmul.f32 v24, v38;
	v26 =	vmul.f32 v28, v15;
	[tilespmem:v32+s20+$0x0] =	vst.idx.msk $0xffff, v23  }
0x480: {  	v30 =	vor.u32 s24, v8;
	v23 =	vunpack.i.u.bf16.f32 v44;
	[tilespmem:v48+s20+$0x0] =	vst.idx.msk $0xffff, v27;
	v27 =	vunpack.i.l.bf16.f32 v44  }
0x481: {  	v28 =	vor.u32 s24, v9;
	[tilespmem:v39+s20+$0x0] =	vst.idx.msk $0xffff, v24;
	v32 =	vmul.f32 v27, v19;
	v27 =	vmul.f32 v23, v19  }
0x482: {  	v23 =	vor.u32 s15, v13;
	v39 =	vmul.f32 v43, v17;
	v17 =	vmovc v40;
	v19 =	vmov v38;
	v47 =	vld [tilespmem:s1+$0xFFFFFFA0];
	[tilespmem:v31+s20+$0x0] =	vst.idx.msk $0xffff, v26  }
0x483: {  	v24 =	vor.u32 s14, v13;
	v26 =	vunpack.i.l.bf16.f32 v51;
	[tilespmem:v37+s20+$0x0] =	vst.idx.msk $0xffff, v25;
	v40 =	vld [tilespmem:s9+$0xFFFFFF80]  }
.Ltmp9:
0x484: {  	v44 =	vor.u32 s10, v12;
	v25 =	vor.u32 s14, v12;
	s14 =	smov.u32 s24;
	v31 =	vmul.f32 v26, v17;
	[tilespmem:v42+s20+$0x0] =	vst.idx.msk $0xffff, v33;
	(pc) =	sbr.rel @p0 .LBB2_17-.Ltmp9, $4  }
0x485: {  	v43 =	vor.u32 s10, v13;
	v38 =	vor.u32 s11, v13;
	s10 =	smov.u32 s12;
	v26 =	vunpack.i.u.bf16.f32 v51;
	v36 =	vld [tilespmem:s1+$0xFFFFFF60];
	[tilespmem:v46+s20+$0x0] =	vst.idx.msk $0xffff, v41  }
0x486: {  	v42 =	vor.u32 s11, v12;
	s11 =	smov.u32 s8;
	v46 =	vmul.f32 v26, v17;
	v26 =	vor.u32 s10, v11;
	v41 =	vld [tilespmem:s1+$0xFFFFFFE0];
	[tilespmem:v45+s20+$0x0] =	vst.idx.msk $0xffff, v32  }
0x487: {  	v33 =	vor.u32 s10, v10;
	[tilespmem:v49+s20+$0x0] =	vst.idx.msk $0xffff, v31;
	v31 =	vunpack.i.u.bf16.f32 v47;
	v32 =	vunpack.i.l.bf16.f32 v47;
	v37 =	vld [tilespmem:s9+$0x0];
	s9 =	smov.u32 s1  }
0x488: {  	[tilespmem:v50+s20+$0x0] =	vst.idx.msk $0xffff, v46;
	v46 =	vmul.f32 v32, v19;
	v45 =	vmul.f32 v31, v19;
	v47 =	vunpack.i.l.bf16.f32 v40  }
0x489: {  	_ =	sdelay $0x3  }
0x48a: {  	[tilespmem:v44+s20+$0x0] =	vst.idx.msk $0xffff, v35  }
0x48b: {  	[tilespmem:v34+s20+$0x0] =	vst.idx.msk $0xffff, v46;
	v31 =	vunpack.i.l.bf16.f32 v36  }
0x48c: {  	v32 =	vld [tilespmem:s9+$0xFFFFFF30];
	v51 =	vunpack.i.u.bf16.f32 v36;
	[tilespmem:v43+s20+$0x0] =	vst.idx.msk $0xffff, v39;
	v50 =	vmul.f32 v31, v20  }
0x48d: {  	[tilespmem:v29+s20+$0x0] =	vst.idx.msk $0xffff, v45;
	v31 =	vmul.f32 v51, v20  }
0x48e: {  	v52 =	vmul.f32 v47, v15;
	v53 =	vunpack.i.l.bf16.f32 v41;
	v34 =	vld [tilespmem:s9+$0xFFFFFFB0];
	[tilespmem:v22+s20+$0x0] =	vst.idx.msk $0xffff, v50  }
0x48f: {  	v55 =	vunpack.i.u.bf16.f32 v41;
	v54 =	vmul.f32 v53, v18;
	[tilespmem:v21+s20+$0x0] =	vst.idx.msk $0xffff, v31  }
0x490: {  	v56 =	vunpack.i.u.bf16.f32 v40;
	[tilespmem:v42+s20+$0x0] =	vst.idx.msk $0xffff, v52;
	v29 =	vmul.f32 v55, v18;
	v58 =	vld [tilespmem:s9+$0xFFFFFF70]  }
0x491: {  	v57 =	vor.u32 s15, v10;
	v15 =	vmul.f32 v56, v15;
	v59 =	vunpack.i.l.bf16.f32 v32;
	[tilespmem:v30+s20+$0x0] =	vst.idx.msk $0xffff, v54  }
0x492: {  	v60 =	vor.u32 s15, v11;
	v32 =	vunpack.i.u.bf16.f32 v32;
	v21 =	vmul.f32 v59, v17;
	[tilespmem:v28+s20+$0x0] =	vst.idx.msk $0xffff, v29  }
0x493: {  	v62 =	vor.u32 s11, v10;
	[tilespmem:v38+s20+$0x0] =	vst.idx.msk $0xffff, v15;
	v39 =	vmul.f32 v32, v17;
	v15 =	vld [tilespmem:s9+$0xFFFFFFF0];
	v61 =	vunpack.i.l.bf16.f32 v34  }
0x494: {  	v36 =	vor.u32 s11, v11;
	v63 =	vunpack.i.u.bf16.f32 v34;
	[tilespmem:v33+s20+$0x0] =	vst.idx.msk $0xffff, v21;
	v28 =	vmul.f32 v61, v19  }
0x495: {  	v38 =	vmul.f32 v63, v19;
	[tilespmem:v26+s20+$0x0] =	vst.idx.msk $0xffff, v39;
	v40 =	vunpack.i.l.bf16.f32 v58  }
0x496: {  	v41 =	vor.u32 s14, v10;
	[tilespmem:v57+s20+$0x0] =	vst.idx.msk $0xffff, v28;
	v43 =	vunpack.i.u.bf16.f32 v58;
	v42 =	vmul.f32 v40, v20  }
0x497: {  	v45 =	vor.u32 s14, v11;
	v30 =	vld [tilespmem:s9+$0xFFFFFF40];
	[tilespmem:v60+s20+$0x0] =	vst.idx.msk $0xffff, v38;
	v22 =	vmul.f32 v43, v20  }
0x498: {  	v46 =	vunpack.i.l.bf16.f32 v15;
	v44 =	vld [tilespmem:s9+$0xFFFFFFC0];
	[tilespmem:v62+s20+$0x0] =	vst.idx.msk $0xffff, v42  }
0x499: {  	v15 =	vunpack.i.u.bf16.f32 v15;
	v47 =	vmul.f32 v46, v18;
	[tilespmem:v36+s20+$0x0] =	vst.idx.msk $0xffff, v22  }
0x49a: {  	[tilespmem:v16+s20+$0x0] =	vst.idx.msk $0xffff, v27;
	v52 =	vor.u32 s10, v12;
	v48 =	vunpack.i.l.bf16.f32 v37;
	v15 =	vmul.f32 v15, v18;
	v50 =	vld [tilespmem:s9+$0xFFFFFF80]  }
0x49b: {  	v49 =	vor.u32 s15, v12;
	v51 =	vunpack.i.u.bf16.f32 v37;
	v22 =	vmul.f32 v48, v14;
	[tilespmem:v41+s20+$0x0] =	vst.idx.msk $0xffff, v47  }
0x49c: {  	v54 =	vor.u32 s10, v13;
	v14 =	vmul.f32 v51, v14;
	[tilespmem:v45+s20+$0x0] =	vst.idx.msk $0xffff, v15;
	v15 =	vunpack.i.l.bf16.f32 v30  }
0x49d: {  	v56 =	vor.u32 s11, v12;
	[tilespmem:v25+s20+$0x0] =	vst.idx.msk $0xffff, v22;
	v28 =	vld [tilespmem:s9+$0x0];
	v15 =	vmul.f32 v15, v17;
	v53 =	vunpack.i.l.bf16.f32 v44  }
0x49e: {  	v57 =	vor.u32 s11, v13;
	[tilespmem:v24+s20+$0x0] =	vst.idx.msk $0xffff, v14;
	v14 =	vunpack.i.u.bf16.f32 v30;
	v55 =	vmul.f32 v53, v19  }
0x49f: {  	v14 =	vmul.f32 v14, v17;
	[tilespmem:v52+s20+$0x0] =	vst.idx.msk $0xffff, v15;
	v58 =	vunpack.i.l.bf16.f32 v50  }
0x4a0: {  	v59 =	vor.u32 s14, v12;
	[tilespmem:v49+s20+$0x0] =	vst.idx.msk $0xffff, v55;
	v60 =	vunpack.i.u.bf16.f32 v50;
	v15 =	vmul.f32 v58, v20  }
0x4a1: {  	v62 =	vor.u32 s14, v13;
	v61 =	vunpack.i.u.bf16.f32 v44;
	[tilespmem:v54+s20+$0x0] =	vst.idx.msk $0xffff, v14;
	v14 =	vmul.f32 v60, v20  }
0x4a2: {  	v63 =	vmul.f32 v61, v19;
	[tilespmem:v56+s20+$0x0] =	vst.idx.msk $0xffff, v15;
	v15 =	vunpack.i.l.bf16.f32 v28  }
0x4a3: {  	[tilespmem:v57+s20+$0x0] =	vst.idx.msk $0xffff, v14;
	v14 =	vunpack.i.u.bf16.f32 v28;
	v15 =	vmul.f32 v15, v18  }
0x4a4: {  	[tilespmem:v23+s20+$0x0] =	vst.idx.msk $0xffff, v63;
	v14 =	vmul.f32 v14, v18  }
0x4a5: {  	[tilespmem:v59+s20+$0x0] =	vst.idx.msk $0xffff, v15  }
0x4a6: {  	[tilespmem:v62+s20+$0x0] =	vst.idx.msk $0xffff, v14  }
0x4a7: {  	[spmem:s2] =	stream.indirect.scatter.add.f32 [tilespmem:s20], [sflag:$0x2], $0x80, s21, s19, $0xb8;
	[tilespmem:$0x1FBD0] =	vst v63  }
0x4a8: {  	_ =	swait.ge [sflag:s18], $0x1400  }
0x4a9: {  	[sflag:s18] =	ssyncset.done $0x0  }
0x4aa: {  	[sflag:s18] =	ssyncadd.s32 $0xFFFFEC00  }
0x4ab: {  	_ =	swait.ge [sflag:s18], $0x1400  }
0x4ac: {  	[sflag:s18] =	ssyncset.done $0x0  }
0x4ad: {  	[sflag:s18] =	ssyncadd.s32 $0xFFFFEC00  }
0x4ae: {  	_ =	swait.ge [sflag:s29], $0x50  }
0x4af: {  	[sflag:s29] =	ssyncset.done $0x0  }
0x4b0: {  	[sflag:s29] =	ssyncadd.s32 $0xFFFFFFB0  }
0x4b1: {  	_ =	swait.ge [sflag:s29], $0x50  }
0x4b2: {  	s1 =	sld [smem:$0x7F5];
	_ =	sdelay $0x2  }
0x4b3: {  	s1 =	sadd.s32 $0x1, s1  }
0x4b4: {  	p0 =	sne.s32 s1, $0x5  }
.Ltmp10:
0x4b5: {  	_ = 	snop;
	(pc) =	sbr.rel @p0 .LBB2_4-.Ltmp10, $3  }
0x4b6: {  	_ =	sdelay $0x1  }
0x4b7: {  	[sflag:s29] =	ssyncset.done $0x0  }
0x4b8: {  	[sflag:s29] =	ssyncadd.s32 $0xFFFFFFB0  }
0x4b9: {  	[bflag:$0x0] =	sbarrier.arrive $0xFFFF  }
0x4ba: {  	s30 =	simm.s32 $0x4;
	s1 =	rddreg [dreg:$0xb]  }
0x4bb: {  	[tilespmem:s31], [sflag:$0x4] =	stream.linear.gather [spmem:s1], $0x280, $0x38;
	[tilespmem:$0x1FBD0] =	vst v63  }
0x4bc: {  	_ =	swait.ge [sflag:s30], $0x280  }
0x4bd: {  	s10 =	simm.s32 $0x0;
	[sflag:s30] =	ssyncset.done $0x0  }
0x4be: {  	s8 =	simm.s32 $0x40;
	s1 =	simm.s32 $0x0;
	[sflag:s30] =	ssyncadd.s32 $0xFFFFFD80  }
.LBB2_20:
0x4bf: {  	p0 =	sne.s32 s8, $0x9C0;
	v14 =	vld [tilespmem:s1+$0xB6D0];
	_ =	sdelay $0x4  }
0x4c0: {  	vm0 =	veq.f32 v14, $0.0e+00  }
0x4c1: {  	v14 =	vsel vm0, $0x3F800000, v14  }
0x4c2: {  	v15 =	vsub.s32 $0x7EF311C3, v14  }
0x4c3: {  	v16 =	vmul.f32 v15, v14;
	_ =	sdelay $0x1  }
0x4c4: {  	v16 =	vsub.f32 $2.000000000e+00, v16;
	_ =	sdelay $0x1  }
0x4c5: {  	v15 =	vmul.f32 v15, v16;
	_ =	sdelay $0x1  }
0x4c6: {  	v16 =	vmul.f32 v15, v14;
	_ =	sdelay $0x1  }
0x4c7: {  	v16 =	vsub.f32 $2.000000000e+00, v16;
	_ =	sdelay $0x1  }
0x4c8: {  	v15 =	vmul.f32 v16, v15;
	_ =	sdelay $0x1  }
0x4c9: {  	v14 =	vmul.f32 v15, v14;
	_ =	sdelay $0x1  }
.Ltmp11:
0x4ca: {  	v14 =	vsub.f32 $2.000000000e+00, v14;
	(pc) =	sbr.rel @p0 .LBB2_20-.Ltmp11, $3  }
0x4cb: {  	_ = 	snop  }
0x4cc: {  	v14 =	vmul.f32 v14, v15;
	_ =	sdelay $0x1  }
0x4cd: {  	[tilespmem:s1+$0xB6D0] =	vst v14;
	s1 =	sshra.s32 s8, $0x2;
	s8 =	sadd.s32 $0x40, s8  }
0x4ce: {  	v14 =	vld [tilespmem:s1+$0xB6D0];
	_ =	sdelay $0x4  }
0x4cf: {  	vm0 =	veq.f32 v14, $0.0e+00  }
0x4d0: {  	v14 =	vsel vm0, $0x3F800000, v14  }
0x4d1: {  	v15 =	vsub.s32 $0x7EF311C3, v14  }
0x4d2: {  	v16 =	vmul.f32 v15, v14;
	_ =	sdelay $0x1  }
0x4d3: {  	v16 =	vsub.f32 $2.000000000e+00, v16;
	_ =	sdelay $0x1  }
0x4d4: {  	v15 =	vmul.f32 v15, v16;
	_ =	sdelay $0x1  }
0x4d5: {  	v16 =	vmul.f32 v15, v14;
	_ =	sdelay $0x1  }
0x4d6: {  	v16 =	vsub.f32 $2.000000000e+00, v16;
	_ =	sdelay $0x1  }
0x4d7: {  	v15 =	vmul.f32 v16, v15;
	_ =	sdelay $0x1  }
0x4d8: {  	v14 =	vmul.f32 v15, v14;
	_ =	sdelay $0x1  }
.Ltmp12:
0x4d9: {  	v14 =	vsub.f32 $2.000000000e+00, v14;
	(pc) =	sbr.rel .LBB2_22-.Ltmp12, $4  }
0x4da: {  	_ = 	snop  }
0x4db: {  	s16 =	rddreg [dreg:$0x8];
	v14 =	vmul.f32 v14, v15  }
0x4dc: {  	s24 =	rddreg [dreg:$0xa]  }
0x4dd: {  	s15 =	rddreg [dreg:$0xd];
	s29 =	simm.s32 $0x80;
	[tilespmem:s1+$0xB6D0] =	vst v14  }
.LBB2_30:
0x4de: {  	s10 =	sadd.s32 $0x1, s10  }
0x4df: {  	p0 =	sne.s32 s10, $0x10  }
.Ltmp13:
0x4e0: {  	_ = 	snop;
	(pc) =	sbr.rel @!p0 .LBB2_31-.Ltmp13, $1  }
0x4e1: {  	_ =	sdelay $0x3  }
.LBB2_22:
0x4e2: {  	s1 =	rddreg [dreg:$0xe]  }
0x4e3: {  	p0 =	sge.u32 s10, s1  }
.Ltmp14:
0x4e4: {  	_ = 	snop;
	(pc) =	sbr.rel @p0 .LBB2_30-.Ltmp14, $1  }
0x4e5: {  	_ =	sdelay $0x3  }
0x4e6: {  	s9 =	sand.u32 $0x1, s10  }
0x4e7: {  	p0 =	seq.s32 s9, $0x1  }
.Ltmp15:
0x4e8: {  	_ = 	snop;
	(pc) =	sbr.rel @p0 .LBB2_27-.Ltmp15, $1  }
0x4e9: {  	_ =	sdelay $0x3  }
0x4ea: {  	s14 =	smul.u32 $0x28, s10  }
0x4eb: {  	p0 =	slt.u32 s10, $0x2  }
0x4ec: {  	s5 =	simm.s32 @!p0 $0x2;
	s11 =	sadd.s32 s16, s14  }
0x4ed: {  	s15 =	simm.s32 $0x4;
	_ =	swait.ge @!p0 [sflag:s5], $0x1400;
	s12 =	sshll.u32 s11, $0x7  }
0x4ee: {  	s1 =	sadd.s32 $0x0, s14;
	[sflag:s5] =	ssyncset.done @!p0 $0x0;
	s12 =	sand.u32 $0x3FFFFF80, s12  }
0x4ef: {  	s8 =	sadd.s32 $0x2, s1;
	[sflag:s5] =	ssyncadd.s32 @!p0 $0xFFFFEC00;
	s13 =	sadd.s32 s12, s2  }
0x4f0: {  	v14 =	vmov s1;
	[tilespmem:s26], [sflag:$0x4] =	stream.linear.gather [spmem:s13], $0x1400, $0x38;
	[tilespmem:$0x1FBD0] =	vst v63  }
0x4f1: {  	v14 =	vand.u32 $0xFFFFFFFC, v14;
	v15 =	vmov s8;
	_ =	swait.ge [sflag:s15], $0x1400  }
0x4f2: {  	v14 =	vbroadcast v14, $0x0;
	v15 =	vand.u32 $0xFFFFFFFE, v15;
	[sflag:s15] =	ssyncset.done $0x0  }
0x4f3: {  	s12 =	simm.s32 $0x8E90;
	v15 =	vbroadcast v15, $0x0;
	[sflag:s15] =	ssyncadd.s32 $0xFFFFEC00  }
0x4f4: {  	v17 =	vld [tilespmem:s12+$0x70]  }
0x4f5: {  	s30 =	sadd.s32 $0x1, s1;
	v18 =	vld [tilespmem:s12+$0xFFFFFF00]  }
0x4f6: {  	v16 =	vmov s30;
	v19 =	vld [tilespmem:s12+$0xFFFFFF10]  }
0x4f7: {  	v16 =	vand.u32 $0xFFFFFFFD, v16;
	v20 =	vld [tilespmem:s12+$0xFFFFFF20]  }
0x4f8: {  	v16 =	vbroadcast v16, $0x0;
	v14 =	vld.idx.msk [tilespmem:v14+s31+$0x0], $0xffff  }
0x4f9: {  	v15 =	vld.idx.msk [tilespmem:v15+s31+$0x0], $0xffff  }
0x4fa: {  	v21 =	vld [tilespmem:s12+$0xFFFFFF30]  }
0x4fb: {  	v22 =	vld [tilespmem:s12+$0xFFFFFF40]  }
0x4fc: {  	v23 =	vld [tilespmem:s12+$0xFFFFFF50]  }
0x4fd: {  	v24 =	vld [tilespmem:s12+$0xFFFFFF60];
	v18 =	vmul.f32 v18, v14  }
0x4fe: {  	v25 =	vld.idx.msk [tilespmem:v16+s31+$0x0], $0xffff;
	v16 =	vmul.f32 v17, v15  }
0x4ff: {  	v63 =	vld [tilespmem:s12+$0xFFFFFFC0];
	v17 =	vmul.f32 v19, v14;
	[tilespmem:s12+$0xFFFFFF00] =	vst v18  }
0x500: {  	s1 =	sadd.s32 $0x3, s1;
	v19 =	vld [tilespmem:s12+$0xFFFFFF80];
	[tilespmem:s12+$0x70] =	vst v16;
	v16 =	vmul.f32 v20, v14  }
0x501: {  	v18 =	vld [tilespmem:s12+$0xFFFFFF70];
	[tilespmem:s12+$0xFFFFFF10] =	vst v17;
	v17 =	vmul.f32 v21, v14;
	v21 =	vmov s1  }
0x502: {  	v20 =	vld [tilespmem:s12+$0xFFFFFF90];
	[tilespmem:s12+$0xFFFFFF20] =	vst v16;
	v16 =	vmul.f32 v22, v14  }
0x503: {  	v22 =	vld [tilespmem:s12+$0xFFFFFFA0];
	[tilespmem:s12+$0xFFFFFF30] =	vst v17;
	v17 =	vmul.f32 v23, v14  }
0x504: {  	v23 =	vld [tilespmem:s12+$0xFFFFFFB0];
	[tilespmem:s12+$0xFFFFFF40] =	vst v16;
	v16 =	vmul.f32 v24, v14  }
0x505: {  	[tilespmem:s12+$0xFFFFFF50] =	vst v17;
	v17 =	vmul.f32 v19, v25;
	v19 =	vld [tilespmem:s12+$0xFFFFFFD0]  }
0x506: {  	v18 =	vmul.f32 v18, v14;
	v14 =	vld.idx.msk [tilespmem:v21+s31+$0x0], $0xffff;
	[tilespmem:s12+$0xFFFFFF60] =	vst v16  }
0x507: {  	v20 =	vmul.f32 v20, v25;
	v16 =	vld [tilespmem:s12+$0xFFFFFFE0];
	[tilespmem:s12+$0xFFFFFF80] =	vst v17  }
0x508: {  	[tilespmem:s12+$0xFFFFFF70] =	vst v18;
	v18 =	vld [tilespmem:s12+$0xFFFFFFF0];
	v17 =	vmul.f32 v22, v25  }
0x509: {  	v21 =	vld [tilespmem:s12+$0x0];
	[tilespmem:s12+$0xFFFFFF90] =	vst v20;
	v20 =	vmul.f32 v23, v25  }
0x50a: {  	v23 =	vld [tilespmem:s12+$0x10];
	[tilespmem:s12+$0xFFFFFFA0] =	vst v17;
	v17 =	vmul.f32 v63, v25  }
0x50b: {  	[tilespmem:s12+$0xFFFFFFB0] =	vst v20;
	v19 =	vmul.f32 v19, v25;
	v20 =	vld [tilespmem:s12+$0x20]  }
0x50c: {  	[tilespmem:s12+$0xFFFFFFC0] =	vst v17;
	v22 =	vmul.f32 v16, v25;
	v16 =	vld [tilespmem:s12+$0x30]  }
0x50d: {  	[tilespmem:s12+$0xFFFFFFD0] =	vst v19;
	v19 =	vmul.f32 v18, v25;
	v17 =	vld [tilespmem:s12+$0x40]  }
0x50e: {  	v18 =	vld [tilespmem:s12+$0x50];
	[tilespmem:s12+$0xFFFFFFE0] =	vst v22;
	v22 =	vmul.f32 v21, v15  }
0x50f: {  	s8 =	sadd.s32 $0x4, s14;
	s15 =	simm.s32 $0x8;
	s1 =	simm.s32 $0x8E90;
	[tilespmem:s12+$0xFFFFFFF0] =	vst v19;
	v21 =	vmul.f32 v23, v15;
	v19 =	vld [tilespmem:s12+$0x60]  }
.LBB2_25:
0x510: {  	p0 =	slt.u32 s15, $0x24;
	v23 =	vmov s8;
	s5 =	sadd.s32 $0x1, s8;
	s13 =	sadd.s32 $0x2, s8;
	[tilespmem:s12+$0x0] =	vst v22;
	v20 =	vmul.f32 v20, v15;
	v22 =	vld [tilespmem:s12+$0x80]  }
0x511: {  	v23 =	vand.u32 $0xFFFFFFFC, v23;
	v24 =	vmov s5;
	v25 =	vmov s13;
	s5 =	sadd.s32 $0x3, s8;
	[tilespmem:s12+$0x10] =	vst v21;
	v21 =	vld [tilespmem:s12+$0x90]  }
0x512: {  	v23 =	vbroadcast v23, $0x0;
	v24 =	vand.u32 $0xFFFFFFFD, v24;
	v25 =	vand.u32 $0xFFFFFFFE, v25;
	[tilespmem:s12+$0x20] =	vst v20;
	v20 =	vld [tilespmem:s12+$0xA0]  }
0x513: {  	v26 =	vmov s5;
	v24 =	vbroadcast v24, $0x0;
	v25 =	vbroadcast v25, $0x0;
	v27 =	vld [tilespmem:s12+$0xB0]  }
0x514: {  	v16 =	vmul.f32 v16, v15;
	v17 =	vmul.f32 v17, v15;
	v28 =	vld [tilespmem:s12+$0xC0]  }
0x515: {  	v18 =	vmul.f32 v18, v15;
	v19 =	vmul.f32 v19, v15;
	v29 =	vld [tilespmem:s12+$0xD0]  }
0x516: {  	[tilespmem:s12+$0x30] =	vst v16;
	v16 =	vmul.f32 v22, v14;
	v21 =	vmul.f32 v21, v14;
	v22 =	vld [tilespmem:s12+$0xE0]  }
0x517: {  	[tilespmem:s12+$0x40] =	vst v17;
	v17 =	vmul.f32 v20, v14;
	v20 =	vld [tilespmem:s12+$0xF0]  }
0x518: {  	v23 =	vld.idx.msk [tilespmem:v23+s31+$0x0], $0xffff;
	[tilespmem:s12+$0x50] =	vst v18;
	v18 =	vmul.f32 v27, v14  }
0x519: {  	s12 =	sadd.s32 $0x200, s12;
	v15 =	vld.idx.msk [tilespmem:v25+s31+$0x0], $0xffff;
	[tilespmem:s1+$0x60] =	vst v19;
	v19 =	vmul.f32 v28, v14  }
0x51a: {  	v25 =	vld [tilespmem:s12+$0x70];
	[tilespmem:s1+$0x80] =	vst v16;
	v16 =	vmul.f32 v29, v14  }
0x51b: {  	v24 =	vld.idx.msk [tilespmem:v24+s31+$0x0], $0xffff;
	[tilespmem:s1+$0x90] =	vst v21;
	v21 =	vmul.f32 v22, v14  }
0x51c: {  	[tilespmem:s1+$0xA0] =	vst v17;
	v17 =	vmul.f32 v20, v14;
	v14 =	vld.idx.msk [tilespmem:v26+s31+$0x0], $0xffff  }
0x51d: {  	v20 =	vld [tilespmem:s12+$0xFFFFFF00];
	[tilespmem:s1+$0xB0] =	vst v18  }
0x51e: {  	v18 =	vld [tilespmem:s12+$0xFFFFFF10];
	[tilespmem:s1+$0xC0] =	vst v19  }
0x51f: {  	v19 =	vld [tilespmem:s12+$0xFFFFFF20];
	v22 =	vmul.f32 v25, v15;
	[tilespmem:s1+$0xD0] =	vst v16  }
0x520: {  	v16 =	vld [tilespmem:s12+$0xFFFFFF30];
	[tilespmem:s1+$0xE0] =	vst v21  }
0x521: {  	v21 =	vld [tilespmem:s12+$0xFFFFFF40];
	[tilespmem:s12+$0x70] =	vst v22  }
0x522: {  	v20 =	vmul.f32 v20, v23;
	v22 =	vld [tilespmem:s12+$0xFFFFFF50];
	[tilespmem:s1+$0xF0] =	vst v17;
	s1 =	smov.u32 s12  }
0x523: {  	v17 =	vmul.f32 v18, v23;
	v18 =	vld [tilespmem:s12+$0xFFFFFF60]  }
0x524: {  	[tilespmem:s12+$0xFFFFFF00] =	vst v20;
	v19 =	vmul.f32 v19, v23;
	v20 =	vld [tilespmem:s12+$0xFFFFFF70]  }
0x525: {  	[tilespmem:s12+$0xFFFFFF10] =	vst v17;
	v16 =	vmul.f32 v16, v23;
	v17 =	vld [tilespmem:s12+$0xFFFFFF80]  }
0x526: {  	[tilespmem:s12+$0xFFFFFF20] =	vst v19;
	v19 =	vmul.f32 v21, v23;
	v21 =	vld [tilespmem:s12+$0xFFFFFF90]  }
0x527: {  	[tilespmem:s12+$0xFFFFFF30] =	vst v16;
	v16 =	vmul.f32 v22, v23;
	v22 =	vld [tilespmem:s12+$0xFFFFFFA0]  }
0x528: {  	[tilespmem:s12+$0xFFFFFF40] =	vst v19;
	v18 =	vmul.f32 v18, v23;
	v19 =	vld [tilespmem:s12+$0xFFFFFFB0]  }
0x529: {  	[tilespmem:s12+$0xFFFFFF50] =	vst v16;
	v16 =	vmul.f32 v20, v23;
	v20 =	vld [tilespmem:s12+$0xFFFFFFC0]  }
0x52a: {  	[tilespmem:s12+$0xFFFFFF60] =	vst v18;
	v17 =	vmul.f32 v17, v24;
	v18 =	vld [tilespmem:s12+$0xFFFFFFD0]  }
0x52b: {  	[tilespmem:s12+$0xFFFFFF70] =	vst v16;
	v16 =	vmul.f32 v21, v24;
	v21 =	vld [tilespmem:s12+$0xFFFFFFE0]  }
0x52c: {  	[tilespmem:s12+$0xFFFFFF80] =	vst v17;
	v17 =	vmul.f32 v22, v24;
	v22 =	vld [tilespmem:s12+$0xFFFFFFF0]  }
0x52d: {  	[tilespmem:s12+$0xFFFFFF90] =	vst v16;
	v16 =	vmul.f32 v19, v24;
	v19 =	vld [tilespmem:s12+$0x0]  }
0x52e: {  	[tilespmem:s12+$0xFFFFFFA0] =	vst v17;
	v17 =	vmul.f32 v20, v24;
	v23 =	vld [tilespmem:s12+$0x10]  }
.Ltmp16:
0x52f: {  	[tilespmem:s12+$0xFFFFFFB0] =	vst v16;
	v18 =	vmul.f32 v18, v24;
	v20 =	vld [tilespmem:s12+$0x20];
	(pc) =	sbr.rel @p0 .LBB2_25-.Ltmp16, $4  }
0x530: {  	[tilespmem:s12+$0xFFFFFFC0] =	vst v17;
	v21 =	vmul.f32 v21, v24;
	v16 =	vld [tilespmem:s12+$0x30]  }
0x531: {  	[tilespmem:s12+$0xFFFFFFD0] =	vst v18;
	v24 =	vmul.f32 v22, v24;
	v17 =	vld [tilespmem:s12+$0x40]  }
0x532: {  	[tilespmem:s12+$0xFFFFFFE0] =	vst v21;
	v22 =	vmul.f32 v19, v15;
	v18 =	vld [tilespmem:s12+$0x50]  }
0x533: {  	s8 =	sadd.s32 s14, s15;
	s15 =	sadd.s32 $0x4, s15;
	[tilespmem:s12+$0xFFFFFFF0] =	vst v24;
	v21 =	vmul.f32 v23, v15;
	v19 =	vld [tilespmem:s12+$0x60]  }
0x534: {  	v24 =	vld [tilespmem:s12+$0x80]  }
0x535: {  	v26 =	vld [tilespmem:s12+$0x90]  }
0x536: {  	v27 =	vld [tilespmem:s12+$0xA0]  }
0x537: {  	s5 =	sadd.s32 $0x2, s8;
	v29 =	vld [tilespmem:s12+$0xB0]  }
0x538: {  	[tilespmem:s12+$0x0] =	vst v22;
	v20 =	vmul.f32 v20, v15;
	v53 =	vld [tilespmem:s12+$0xC0];
	v25 =	vmov s5  }
0x539: {  	v55 =	vld [tilespmem:s12+$0xD0];
	[tilespmem:s12+$0x10] =	vst v21;
	v16 =	vmul.f32 v16, v15;
	v25 =	vand.u32 $0xFFFFFFFE, v25  }
0x53a: {  	v23 =	vmov s8;
	v56 =	vld [tilespmem:s12+$0xE0];
	[tilespmem:s12+$0x20] =	vst v20;
	v17 =	vmul.f32 v17, v15;
	v25 =	vbroadcast v25, $0x0  }
0x53b: {  	s30 =	sadd.s32 $0x1, s8;
	s8 =	sadd.s32 $0x3, s8;
	v57 =	vld [tilespmem:s12+$0xF0];
	s13 =	sadd.s32 $0x200, s12;
	v23 =	vand.u32 $0xFFFFFFFC, v23;
	v18 =	vmul.f32 v18, v15;
	[tilespmem:s12+$0x30] =	vst v16  }
0x53c: {  	v30 =	vmov s8;
	v32 =	vld [tilespmem:s13+$0xFFFFFF00];
	v23 =	vbroadcast v23, $0x0;
	v15 =	vmul.f32 v19, v15;
	[tilespmem:s12+$0x40] =	vst v17  }
0x53d: {  	v33 =	vld [tilespmem:s13+$0xFFFFFF10];
	v59 =	vmul.f32 v24, v14;
	[tilespmem:s12+$0x50] =	vst v18  }
0x53e: {  	v61 =	vmul.f32 v26, v14;
	v22 =	vmul.f32 v55, v14;
	v55 =	vld [tilespmem:s13+$0x80];
	[tilespmem:s1+$0x60] =	vst v15  }
0x53f: {  	v62 =	vmul.f32 v27, v14;
	v15 =	vld [tilespmem:s13+$0x70];
	[tilespmem:s1+$0x80] =	vst v59  }
0x540: {  	v29 =	vmul.f32 v29, v14;
	[tilespmem:s1+$0x90] =	vst v61;
	v60 =	vld.idx.msk [tilespmem:v25+s31+$0x0], $0xffff  }
0x541: {  	v31 =	vmul.f32 v53, v14;
	v30 =	vld.idx.msk [tilespmem:v30+s31+$0x0], $0xffff;
	[tilespmem:s1+$0xA0] =	vst v62  }
0x542: {  	v28 =	vmov s30;
	[tilespmem:s1+$0xB0] =	vst v29;
	v58 =	vld.idx.msk [tilespmem:v23+s31+$0x0], $0xffff  }
0x543: {  	v34 =	vld [tilespmem:s13+$0xFFFFFF20];
	v52 =	vand.u32 $0xFFFFFFFD, v28;
	v20 =	vmul.f32 v56, v14;
	[tilespmem:s1+$0xC0] =	vst v31  }
0x544: {  	v35 =	vld [tilespmem:s13+$0xFFFFFF30];
	v54 =	vbroadcast v52, $0x0;
	v14 =	vmul.f32 v57, v14;
	[tilespmem:s1+$0xD0] =	vst v22  }
0x545: {  	v36 =	vld [tilespmem:s13+$0xFFFFFF40];
	[tilespmem:s1+$0xE0] =	vst v20;
	v15 =	vmul.f32 v15, v60  }
0x546: {  	v37 =	vld [tilespmem:s13+$0xFFFFFF50];
	[tilespmem:s1+$0xF0] =	vst v14;
	v59 =	vmul.f32 v55, v30  }
0x547: {  	v38 =	vld [tilespmem:s13+$0xFFFFFF60];
	[tilespmem:s13+$0x70] =	vst v15;
	v15 =	vmul.f32 v32, v58  }
0x548: {  	v39 =	vld [tilespmem:s13+$0xFFFFFF70];
	v14 =	vmul.f32 v33, v58;
	[tilespmem:s13+$0x80] =	vst v59  }
0x549: {  	v40 =	vld [tilespmem:s13+$0xFFFFFF80];
	[tilespmem:s13+$0xFFFFFF00] =	vst v15;
	v15 =	vmul.f32 v34, v58  }
0x54a: {  	v63 =	vld.idx.msk [tilespmem:v54+s31+$0x0], $0xffff;
	[tilespmem:s13+$0xFFFFFF10] =	vst v14;
	v14 =	vmul.f32 v35, v58  }
0x54b: {  	v41 =	vld [tilespmem:s13+$0xFFFFFF90];
	[tilespmem:s13+$0xFFFFFF20] =	vst v15;
	v15 =	vmul.f32 v36, v58  }
0x54c: {  	v42 =	vld [tilespmem:s13+$0xFFFFFFA0];
	[tilespmem:s13+$0xFFFFFF30] =	vst v14;
	v14 =	vmul.f32 v37, v58  }
0x54d: {  	v43 =	vld [tilespmem:s13+$0xFFFFFFB0];
	[tilespmem:s13+$0xFFFFFF40] =	vst v15;
	v15 =	vmul.f32 v38, v58  }
0x54e: {  	v44 =	vld [tilespmem:s13+$0xFFFFFFC0];
	[tilespmem:s13+$0xFFFFFF50] =	vst v14;
	v14 =	vmul.f32 v39, v58  }
0x54f: {  	v45 =	vld [tilespmem:s13+$0xFFFFFFD0];
	[tilespmem:s13+$0xFFFFFF60] =	vst v15;
	v15 =	vmul.f32 v40, v63  }
0x550: {  	v46 =	vld [tilespmem:s13+$0xFFFFFFE0];
	[tilespmem:s13+$0xFFFFFF70] =	vst v14;
	v14 =	vmul.f32 v41, v63  }
0x551: {  	v47 =	vld [tilespmem:s13+$0xFFFFFFF0];
	[tilespmem:s13+$0xFFFFFF80] =	vst v15;
	v15 =	vmul.f32 v42, v63  }
0x552: {  	v48 =	vld [tilespmem:s13+$0x0];
	[tilespmem:s13+$0xFFFFFF90] =	vst v14;
	v14 =	vmul.f32 v43, v63  }
0x553: {  	v49 =	vld [tilespmem:s13+$0x10];
	[tilespmem:s13+$0xFFFFFFA0] =	vst v15;
	v15 =	vmul.f32 v44, v63  }
0x554: {  	v50 =	vld [tilespmem:s13+$0x20];
	[tilespmem:s13+$0xFFFFFFB0] =	vst v14;
	v14 =	vmul.f32 v45, v63  }
0x555: {  	v56 =	vld [tilespmem:s13+$0xB0];
	[tilespmem:s13+$0xFFFFFFC0] =	vst v15;
	v15 =	vmul.f32 v46, v63  }
0x556: {  	v51 =	vld [tilespmem:s13+$0x30];
	[tilespmem:s13+$0xFFFFFFD0] =	vst v14;
	v14 =	vmul.f32 v47, v63  }
0x557: {  	v52 =	vld [tilespmem:s13+$0x40];
	[tilespmem:s13+$0xFFFFFFE0] =	vst v15;
	v15 =	vmul.f32 v48, v60  }
0x558: {  	v53 =	vld [tilespmem:s13+$0x50];
	[tilespmem:s13+$0xFFFFFFF0] =	vst v14;
	v14 =	vmul.f32 v49, v60  }
0x559: {  	v54 =	vld [tilespmem:s13+$0x60];
	[tilespmem:s13+$0x0] =	vst v15;
	v15 =	vmul.f32 v50, v60  }
0x55a: {  	v62 =	vmul.f32 v56, v30;
	[tilespmem:s13+$0x10] =	vst v14;
	v14 =	vld [tilespmem:s13+$0x90]  }
0x55b: {  	v16 =	vmul.f32 v51, v60;
	[tilespmem:s13+$0x20] =	vst v15;
	v15 =	vld [tilespmem:s13+$0xA0]  }
0x55c: {  	v57 =	vld [tilespmem:s13+$0xC0];
	[tilespmem:s13+$0xB0] =	vst v62;
	v19 =	vmul.f32 v52, v60  }
0x55d: {  	v20 =	vmul.f32 v53, v60;
	[tilespmem:s13+$0x30] =	vst v16;
	v58 =	vld [tilespmem:s13+$0xD0]  }
0x55e: {  	v17 =	vmul.f32 v54, v60;
	[tilespmem:s13+$0x40] =	vst v19  }
0x55f: {  	[tilespmem:s13+$0x50] =	vst v20;
	v14 =	vmul.f32 v14, v30  }
0x560: {  	[tilespmem:s13+$0x60] =	vst v17;
	v60 =	vld [tilespmem:s13+$0xE0];
	v15 =	vmul.f32 v15, v30  }
0x561: {  	v61 =	vld [tilespmem:s13+$0xF0];
	[tilespmem:s13+$0x90] =	vst v14;
	v14 =	vmul.f32 v57, v30  }
0x562: {  	[tilespmem:s13+$0xA0] =	vst v15;
	v15 =	vmul.f32 v58, v30  }
0x563: {  	[tilespmem:s13+$0xC0] =	vst v14  }
0x564: {  	p0 =	seq.s32 s9, $0x0;
	[tilespmem:s13+$0xD0] =	vst v15  }
.Ltmp17:
0x565: {  	s14 =	sshll.u32 s11, $0x8;
	v63 =	vmul.f32 v60, v30;
	s15 =	rddreg [dreg:$0xd];
	(pc) =	sbr.rel @p0 .LBB2_30-.Ltmp17, $4  }
0x566: {  	v14 =	vmul.f32 v61, v30;
	s1 =	sor.u32 s15, s14  }
0x567: {  	[tilespmem:s13+$0xE0] =	vst v63;
	s1 =	sshrl.u32 s1, $0x3  }
0x568: {  	s30 =	simm.s32 $0x100;
	[tilespmem:s13+$0xF0] =	vst v14;
	s1 =	sadd.s32 s24, s1  }
0x569: {  	[hbm4b:s1+s29] =	stream.strided.scatter [tilespmem:s26], [sflag:$0x2], $0x1400, s30, s29, $0x38;
	[tilespmem:$0x1FBD0] =	vst v63  }
.LBB2_27:
0x56a: {  	s12 =	smul.u32 $0x28, s10  }
0x56b: {  	p0 =	slt.u32 s10, $0x2  }
0x56c: {  	s5 =	simm.s32 @!p0 $0x2;
	s9 =	sadd.s32 s16, s12  }
0x56d: {  	s14 =	simm.s32 $0x4;
	_ =	swait.ge @!p0 [sflag:s5], $0x1400;
	s11 =	sshll.u32 s9, $0x7  }
0x56e: {  	s1 =	sadd.s32 $0x0, s12;
	[sflag:s5] =	ssyncset.done @!p0 $0x0;
	s11 =	sand.u32 $0x3FFFFF80, s11  }
0x56f: {  	s8 =	sadd.s32 $0x2, s1;
	[sflag:s5] =	ssyncadd.s32 @!p0 $0xFFFFEC00;
	s13 =	sadd.s32 s11, s2  }
0x570: {  	v14 =	vmov s1;
	[tilespmem:s20], [sflag:$0x4] =	stream.linear.gather [spmem:s13], $0x1400, $0x38;
	[tilespmem:$0x1FBD0] =	vst v63  }
0x571: {  	v14 =	vand.u32 $0xFFFFFFFC, v14;
	v15 =	vmov s8;
	_ =	swait.ge [sflag:s14], $0x1400  }
0x572: {  	v14 =	vbroadcast v14, $0x0;
	v15 =	vand.u32 $0xFFFFFFFE, v15;
	[sflag:s14] =	ssyncset.done $0x0  }
0x573: {  	s11 =	simm.s32 $0xA290;
	v15 =	vbroadcast v15, $0x0;
	[sflag:s14] =	ssyncadd.s32 $0xFFFFEC00  }
0x574: {  	v17 =	vld [tilespmem:s11+$0x70]  }
0x575: {  	s30 =	sadd.s32 $0x1, s1;
	v18 =	vld [tilespmem:s11+$0xFFFFFF00]  }
0x576: {  	v16 =	vmov s30;
	v19 =	vld [tilespmem:s11+$0xFFFFFF10]  }
0x577: {  	v16 =	vand.u32 $0xFFFFFFFD, v16;
	v20 =	vld [tilespmem:s11+$0xFFFFFF20]  }
0x578: {  	v16 =	vbroadcast v16, $0x0;
	v14 =	vld.idx.msk [tilespmem:v14+s31+$0x0], $0xffff  }
0x579: {  	v15 =	vld.idx.msk [tilespmem:v15+s31+$0x0], $0xffff  }
0x57a: {  	v21 =	vld [tilespmem:s11+$0xFFFFFF30]  }
0x57b: {  	v22 =	vld [tilespmem:s11+$0xFFFFFF40]  }
0x57c: {  	v23 =	vld [tilespmem:s11+$0xFFFFFF50]  }
0x57d: {  	v24 =	vld [tilespmem:s11+$0xFFFFFF60];
	v18 =	vmul.f32 v18, v14  }
0x57e: {  	v25 =	vld.idx.msk [tilespmem:v16+s31+$0x0], $0xffff;
	v16 =	vmul.f32 v17, v15  }
0x57f: {  	v63 =	vld [tilespmem:s11+$0xFFFFFFC0];
	v17 =	vmul.f32 v19, v14;
	[tilespmem:s11+$0xFFFFFF00] =	vst v18  }
0x580: {  	s1 =	sadd.s32 $0x3, s1;
	v19 =	vld [tilespmem:s11+$0xFFFFFF80];
	[tilespmem:s11+$0x70] =	vst v16;
	v16 =	vmul.f32 v20, v14  }
0x581: {  	v18 =	vld [tilespmem:s11+$0xFFFFFF70];
	[tilespmem:s11+$0xFFFFFF10] =	vst v17;
	v17 =	vmul.f32 v21, v14;
	v21 =	vmov s1  }
0x582: {  	v20 =	vld [tilespmem:s11+$0xFFFFFF90];
	[tilespmem:s11+$0xFFFFFF20] =	vst v16;
	v16 =	vmul.f32 v22, v14  }
0x583: {  	v22 =	vld [tilespmem:s11+$0xFFFFFFA0];
	[tilespmem:s11+$0xFFFFFF30] =	vst v17;
	v17 =	vmul.f32 v23, v14  }
0x584: {  	v23 =	vld [tilespmem:s11+$0xFFFFFFB0];
	[tilespmem:s11+$0xFFFFFF40] =	vst v16;
	v16 =	vmul.f32 v24, v14  }
0x585: {  	[tilespmem:s11+$0xFFFFFF50] =	vst v17;
	v17 =	vmul.f32 v19, v25;
	v19 =	vld [tilespmem:s11+$0xFFFFFFD0]  }
0x586: {  	v18 =	vmul.f32 v18, v14;
	v14 =	vld.idx.msk [tilespmem:v21+s31+$0x0], $0xffff;
	[tilespmem:s11+$0xFFFFFF60] =	vst v16  }
0x587: {  	v20 =	vmul.f32 v20, v25;
	v16 =	vld [tilespmem:s11+$0xFFFFFFE0];
	[tilespmem:s11+$0xFFFFFF80] =	vst v17  }
0x588: {  	[tilespmem:s11+$0xFFFFFF70] =	vst v18;
	v18 =	vld [tilespmem:s11+$0xFFFFFFF0];
	v17 =	vmul.f32 v22, v25  }
0x589: {  	v21 =	vld [tilespmem:s11+$0x0];
	[tilespmem:s11+$0xFFFFFF90] =	vst v20;
	v20 =	vmul.f32 v23, v25  }
0x58a: {  	v23 =	vld [tilespmem:s11+$0x10];
	[tilespmem:s11+$0xFFFFFFA0] =	vst v17;
	v17 =	vmul.f32 v63, v25  }
0x58b: {  	[tilespmem:s11+$0xFFFFFFB0] =	vst v20;
	v19 =	vmul.f32 v19, v25;
	v20 =	vld [tilespmem:s11+$0x20]  }
0x58c: {  	[tilespmem:s11+$0xFFFFFFC0] =	vst v17;
	v22 =	vmul.f32 v16, v25;
	v16 =	vld [tilespmem:s11+$0x30]  }
0x58d: {  	[tilespmem:s11+$0xFFFFFFD0] =	vst v19;
	v19 =	vmul.f32 v18, v25;
	v17 =	vld [tilespmem:s11+$0x40]  }
0x58e: {  	v18 =	vld [tilespmem:s11+$0x50];
	[tilespmem:s11+$0xFFFFFFE0] =	vst v22;
	v22 =	vmul.f32 v21, v15  }
0x58f: {  	s8 =	sadd.s32 $0x4, s12;
	s14 =	simm.s32 $0x8;
	s1 =	simm.s32 $0xA290;
	[tilespmem:s11+$0xFFFFFFF0] =	vst v19;
	v21 =	vmul.f32 v23, v15;
	v19 =	vld [tilespmem:s11+$0x60]  }
.LBB2_28:
0x590: {  	p0 =	slt.u32 s14, $0x24;
	v23 =	vmov s8;
	s5 =	sadd.s32 $0x1, s8;
	s13 =	sadd.s32 $0x2, s8;
	[tilespmem:s11+$0x0] =	vst v22;
	v20 =	vmul.f32 v20, v15;
	v22 =	vld [tilespmem:s11+$0x80]  }
0x591: {  	v23 =	vand.u32 $0xFFFFFFFC, v23;
	v24 =	vmov s5;
	v25 =	vmov s13;
	s5 =	sadd.s32 $0x3, s8;
	[tilespmem:s11+$0x10] =	vst v21;
	v21 =	vld [tilespmem:s11+$0x90]  }
0x592: {  	v23 =	vbroadcast v23, $0x0;
	v24 =	vand.u32 $0xFFFFFFFD, v24;
	v25 =	vand.u32 $0xFFFFFFFE, v25;
	[tilespmem:s11+$0x20] =	vst v20;
	v20 =	vld [tilespmem:s11+$0xA0]  }
0x593: {  	v26 =	vmov s5;
	v24 =	vbroadcast v24, $0x0;
	v25 =	vbroadcast v25, $0x0;
	v27 =	vld [tilespmem:s11+$0xB0]  }
0x594: {  	v16 =	vmul.f32 v16, v15;
	v17 =	vmul.f32 v17, v15;
	v28 =	vld [tilespmem:s11+$0xC0]  }
0x595: {  	v18 =	vmul.f32 v18, v15;
	v19 =	vmul.f32 v19, v15;
	v29 =	vld [tilespmem:s11+$0xD0]  }
0x596: {  	[tilespmem:s11+$0x30] =	vst v16;
	v16 =	vmul.f32 v22, v14;
	v21 =	vmul.f32 v21, v14;
	v22 =	vld [tilespmem:s11+$0xE0]  }
0x597: {  	[tilespmem:s11+$0x40] =	vst v17;
	v17 =	vmul.f32 v20, v14;
	v20 =	vld [tilespmem:s11+$0xF0]  }
0x598: {  	v23 =	vld.idx.msk [tilespmem:v23+s31+$0x0], $0xffff;
	[tilespmem:s11+$0x50] =	vst v18;
	v18 =	vmul.f32 v27, v14  }
0x599: {  	s11 =	sadd.s32 $0x200, s11;
	v15 =	vld.idx.msk [tilespmem:v25+s31+$0x0], $0xffff;
	[tilespmem:s1+$0x60] =	vst v19;
	v19 =	vmul.f32 v28, v14  }
0x59a: {  	v25 =	vld [tilespmem:s11+$0x70];
	[tilespmem:s1+$0x80] =	vst v16;
	v16 =	vmul.f32 v29, v14  }
0x59b: {  	v24 =	vld.idx.msk [tilespmem:v24+s31+$0x0], $0xffff;
	[tilespmem:s1+$0x90] =	vst v21;
	v21 =	vmul.f32 v22, v14  }
0x59c: {  	[tilespmem:s1+$0xA0] =	vst v17;
	v17 =	vmul.f32 v20, v14;
	v14 =	vld.idx.msk [tilespmem:v26+s31+$0x0], $0xffff  }
0x59d: {  	v20 =	vld [tilespmem:s11+$0xFFFFFF00];
	[tilespmem:s1+$0xB0] =	vst v18  }
0x59e: {  	v18 =	vld [tilespmem:s11+$0xFFFFFF10];
	[tilespmem:s1+$0xC0] =	vst v19  }
0x59f: {  	v19 =	vld [tilespmem:s11+$0xFFFFFF20];
	v22 =	vmul.f32 v25, v15;
	[tilespmem:s1+$0xD0] =	vst v16  }
0x5a0: {  	v16 =	vld [tilespmem:s11+$0xFFFFFF30];
	[tilespmem:s1+$0xE0] =	vst v21  }
0x5a1: {  	v21 =	vld [tilespmem:s11+$0xFFFFFF40];
	[tilespmem:s11+$0x70] =	vst v22  }
0x5a2: {  	v20 =	vmul.f32 v20, v23;
	v22 =	vld [tilespmem:s11+$0xFFFFFF50];
	[tilespmem:s1+$0xF0] =	vst v17;
	s1 =	smov.u32 s11  }
0x5a3: {  	v17 =	vmul.f32 v18, v23;
	v18 =	vld [tilespmem:s11+$0xFFFFFF60]  }
0x5a4: {  	[tilespmem:s11+$0xFFFFFF00] =	vst v20;
	v19 =	vmul.f32 v19, v23;
	v20 =	vld [tilespmem:s11+$0xFFFFFF70]  }
0x5a5: {  	[tilespmem:s11+$0xFFFFFF10] =	vst v17;
	v16 =	vmul.f32 v16, v23;
	v17 =	vld [tilespmem:s11+$0xFFFFFF80]  }
0x5a6: {  	[tilespmem:s11+$0xFFFFFF20] =	vst v19;
	v19 =	vmul.f32 v21, v23;
	v21 =	vld [tilespmem:s11+$0xFFFFFF90]  }
0x5a7: {  	[tilespmem:s11+$0xFFFFFF30] =	vst v16;
	v16 =	vmul.f32 v22, v23;
	v22 =	vld [tilespmem:s11+$0xFFFFFFA0]  }
0x5a8: {  	[tilespmem:s11+$0xFFFFFF40] =	vst v19;
	v18 =	vmul.f32 v18, v23;
	v19 =	vld [tilespmem:s11+$0xFFFFFFB0]  }
0x5a9: {  	[tilespmem:s11+$0xFFFFFF50] =	vst v16;
	v16 =	vmul.f32 v20, v23;
	v20 =	vld [tilespmem:s11+$0xFFFFFFC0]  }
0x5aa: {  	[tilespmem:s11+$0xFFFFFF60] =	vst v18;
	v17 =	vmul.f32 v17, v24;
	v18 =	vld [tilespmem:s11+$0xFFFFFFD0]  }
0x5ab: {  	[tilespmem:s11+$0xFFFFFF70] =	vst v16;
	v16 =	vmul.f32 v21, v24;
	v21 =	vld [tilespmem:s11+$0xFFFFFFE0]  }
0x5ac: {  	[tilespmem:s11+$0xFFFFFF80] =	vst v17;
	v17 =	vmul.f32 v22, v24;
	v22 =	vld [tilespmem:s11+$0xFFFFFFF0]  }
0x5ad: {  	[tilespmem:s11+$0xFFFFFF90] =	vst v16;
	v16 =	vmul.f32 v19, v24;
	v19 =	vld [tilespmem:s11+$0x0]  }
0x5ae: {  	[tilespmem:s11+$0xFFFFFFA0] =	vst v17;
	v17 =	vmul.f32 v20, v24;
	v23 =	vld [tilespmem:s11+$0x10]  }
.Ltmp18:
0x5af: {  	[tilespmem:s11+$0xFFFFFFB0] =	vst v16;
	v18 =	vmul.f32 v18, v24;
	v20 =	vld [tilespmem:s11+$0x20];
	(pc) =	sbr.rel @p0 .LBB2_28-.Ltmp18, $4  }
0x5b0: {  	[tilespmem:s11+$0xFFFFFFC0] =	vst v17;
	v21 =	vmul.f32 v21, v24;
	v16 =	vld [tilespmem:s11+$0x30]  }
0x5b1: {  	[tilespmem:s11+$0xFFFFFFD0] =	vst v18;
	v24 =	vmul.f32 v22, v24;
	v17 =	vld [tilespmem:s11+$0x40]  }
0x5b2: {  	[tilespmem:s11+$0xFFFFFFE0] =	vst v21;
	v22 =	vmul.f32 v19, v15;
	v18 =	vld [tilespmem:s11+$0x50]  }
0x5b3: {  	s8 =	sadd.s32 s12, s14;
	s14 =	sadd.s32 $0x4, s14;
	[tilespmem:s11+$0xFFFFFFF0] =	vst v24;
	v21 =	vmul.f32 v23, v15;
	v19 =	vld [tilespmem:s11+$0x60]  }
0x5b4: {  	v24 =	vld [tilespmem:s11+$0x80]  }
0x5b5: {  	v26 =	vld [tilespmem:s11+$0x90]  }
0x5b6: {  	v27 =	vld [tilespmem:s11+$0xA0]  }
0x5b7: {  	v29 =	vld [tilespmem:s11+$0xB0]  }
0x5b8: {  	v53 =	vld [tilespmem:s11+$0xC0]  }
0x5b9: {  	v55 =	vld [tilespmem:s11+$0xD0]  }
0x5ba: {  	v23 =	vmov s8;
	[tilespmem:s11+$0x0] =	vst v22;
	v20 =	vmul.f32 v20, v15;
	v56 =	vld [tilespmem:s11+$0xE0]  }
0x5bb: {  	s5 =	sadd.s32 $0x2, s8;
	s12 =	sadd.s32 $0x3, s8;
	v57 =	vld [tilespmem:s11+$0xF0];
	s13 =	sadd.s32 $0x200, s11;
	v23 =	vand.u32 $0xFFFFFFFC, v23;
	[tilespmem:s11+$0x10] =	vst v21;
	v16 =	vmul.f32 v16, v15  }
0x5bc: {  	v25 =	vmov s5;
	v30 =	vmov s12;
	v32 =	vld [tilespmem:s13+$0xFFFFFF00];
	[tilespmem:s11+$0x20] =	vst v20;
	v17 =	vmul.f32 v17, v15  }
0x5bd: {  	v33 =	vld [tilespmem:s13+$0xFFFFFF10];
	v23 =	vbroadcast v23, $0x0;
	v25 =	vand.u32 $0xFFFFFFFE, v25;
	v18 =	vmul.f32 v18, v15;
	[tilespmem:s11+$0x30] =	vst v16  }
0x5be: {  	v34 =	vld [tilespmem:s13+$0xFFFFFF20];
	v25 =	vbroadcast v25, $0x0;
	v15 =	vmul.f32 v19, v15;
	[tilespmem:s11+$0x40] =	vst v17  }
0x5bf: {  	v35 =	vld [tilespmem:s13+$0xFFFFFF30];
	v59 =	vmul.f32 v24, v14;
	[tilespmem:s11+$0x50] =	vst v18  }
0x5c0: {  	v61 =	vmul.f32 v26, v14;
	v22 =	vmul.f32 v55, v14;
	v55 =	vld [tilespmem:s13+$0x80];
	[tilespmem:s1+$0x60] =	vst v15  }
0x5c1: {  	v62 =	vmul.f32 v27, v14;
	v15 =	vld [tilespmem:s13+$0x70];
	[tilespmem:s1+$0x80] =	vst v59  }
0x5c2: {  	s30 =	sadd.s32 $0x1, s8;
	v29 =	vmul.f32 v29, v14;
	v30 =	vld.idx.msk [tilespmem:v30+s31+$0x0], $0xffff;
	[tilespmem:s1+$0x90] =	vst v61  }
0x5c3: {  	v28 =	vmov s30;
	v31 =	vmul.f32 v53, v14;
	[tilespmem:s1+$0xA0] =	vst v62;
	v58 =	vld.idx.msk [tilespmem:v23+s31+$0x0], $0xffff  }
0x5c4: {  	v52 =	vand.u32 $0xFFFFFFFD, v28;
	[tilespmem:s1+$0xB0] =	vst v29;
	v60 =	vld.idx.msk [tilespmem:v25+s31+$0x0], $0xffff  }
0x5c5: {  	v36 =	vld [tilespmem:s13+$0xFFFFFF40];
	v54 =	vbroadcast v52, $0x0;
	v20 =	vmul.f32 v56, v14;
	[tilespmem:s1+$0xC0] =	vst v31  }
0x5c6: {  	v37 =	vld [tilespmem:s13+$0xFFFFFF50];
	v14 =	vmul.f32 v57, v14;
	[tilespmem:s1+$0xD0] =	vst v22  }
0x5c7: {  	v38 =	vld [tilespmem:s13+$0xFFFFFF60];
	[tilespmem:s1+$0xE0] =	vst v20;
	v59 =	vmul.f32 v55, v30  }
0x5c8: {  	v39 =	vld [tilespmem:s13+$0xFFFFFF70];
	[tilespmem:s1+$0xF0] =	vst v14;
	v14 =	vmul.f32 v33, v58  }
0x5c9: {  	v40 =	vld [tilespmem:s13+$0xFFFFFF80];
	[tilespmem:s13+$0x80] =	vst v59;
	v15 =	vmul.f32 v15, v60  }
0x5ca: {  	v41 =	vld [tilespmem:s13+$0xFFFFFF90];
	[tilespmem:s13+$0xFFFFFF10] =	vst v14;
	v14 =	vmul.f32 v35, v58  }
0x5cb: {  	v63 =	vld.idx.msk [tilespmem:v54+s31+$0x0], $0xffff;
	[tilespmem:s13+$0x70] =	vst v15;
	v15 =	vmul.f32 v32, v58  }
0x5cc: {  	v42 =	vld [tilespmem:s13+$0xFFFFFFA0];
	[tilespmem:s13+$0xFFFFFF30] =	vst v14;
	v14 =	vmul.f32 v37, v58  }
0x5cd: {  	v43 =	vld [tilespmem:s13+$0xFFFFFFB0];
	[tilespmem:s13+$0xFFFFFF00] =	vst v15;
	v15 =	vmul.f32 v34, v58  }
0x5ce: {  	v44 =	vld [tilespmem:s13+$0xFFFFFFC0];
	[tilespmem:s13+$0xFFFFFF50] =	vst v14;
	v14 =	vmul.f32 v39, v58  }
0x5cf: {  	v45 =	vld [tilespmem:s13+$0xFFFFFFD0];
	[tilespmem:s13+$0xFFFFFF20] =	vst v15;
	v15 =	vmul.f32 v36, v58  }
0x5d0: {  	v46 =	vld [tilespmem:s13+$0xFFFFFFE0];
	[tilespmem:s13+$0xFFFFFF70] =	vst v14;
	v14 =	vmul.f32 v41, v63  }
0x5d1: {  	v47 =	vld [tilespmem:s13+$0xFFFFFFF0];
	[tilespmem:s13+$0xFFFFFF40] =	vst v15;
	v15 =	vmul.f32 v38, v58  }
0x5d2: {  	v48 =	vld [tilespmem:s13+$0x0];
	[tilespmem:s13+$0xFFFFFF90] =	vst v14;
	v14 =	vmul.f32 v43, v63  }
0x5d3: {  	v49 =	vld [tilespmem:s13+$0x10];
	[tilespmem:s13+$0xFFFFFF60] =	vst v15;
	v15 =	vmul.f32 v40, v63  }
0x5d4: {  	v50 =	vld [tilespmem:s13+$0x20];
	[tilespmem:s13+$0xFFFFFFB0] =	vst v14;
	v14 =	vmul.f32 v45, v63  }
0x5d5: {  	v56 =	vld [tilespmem:s13+$0xB0];
	[tilespmem:s13+$0xFFFFFF80] =	vst v15;
	v15 =	vmul.f32 v42, v63  }
0x5d6: {  	v51 =	vld [tilespmem:s13+$0x30];
	[tilespmem:s13+$0xFFFFFFD0] =	vst v14;
	v14 =	vmul.f32 v47, v63  }
0x5d7: {  	v52 =	vld [tilespmem:s13+$0x40];
	[tilespmem:s13+$0xFFFFFFA0] =	vst v15;
	v15 =	vmul.f32 v44, v63  }
0x5d8: {  	v53 =	vld [tilespmem:s13+$0x50];
	[tilespmem:s13+$0xFFFFFFF0] =	vst v14;
	v14 =	vmul.f32 v49, v60  }
0x5d9: {  	v54 =	vld [tilespmem:s13+$0x60];
	[tilespmem:s13+$0xFFFFFFC0] =	vst v15;
	v15 =	vmul.f32 v46, v63  }
0x5da: {  	v62 =	vmul.f32 v56, v30;
	[tilespmem:s13+$0x10] =	vst v14  }
0x5db: {  	v14 =	vld [tilespmem:s13+$0x90];
	[tilespmem:s13+$0xFFFFFFE0] =	vst v15;
	v15 =	vmul.f32 v48, v60  }
0x5dc: {  	[tilespmem:s13+$0xB0] =	vst v62;
	v16 =	vmul.f32 v51, v60  }
0x5dd: {  	v57 =	vld [tilespmem:s13+$0xC0];
	v19 =	vmul.f32 v52, v60;
	[tilespmem:s13+$0x0] =	vst v15;
	v15 =	vmul.f32 v50, v60  }
0x5de: {  	v20 =	vmul.f32 v53, v60;
	v17 =	vmul.f32 v54, v60;
	[tilespmem:s13+$0x30] =	vst v16;
	v60 =	vld [tilespmem:s13+$0xE0]  }
0x5df: {  	[tilespmem:s13+$0x20] =	vst v15;
	v15 =	vld [tilespmem:s13+$0xA0]  }
0x5e0: {  	v61 =	vld [tilespmem:s13+$0xF0];
	[tilespmem:s13+$0x40] =	vst v19;
	v14 =	vmul.f32 v14, v30  }
0x5e1: {  	[tilespmem:s13+$0x50] =	vst v20;
	v58 =	vld [tilespmem:s13+$0xD0]  }
0x5e2: {  	[tilespmem:s13+$0x90] =	vst v14;
	v14 =	vmul.f32 v57, v30  }
0x5e3: {  	[tilespmem:s13+$0x60] =	vst v17;
	v63 =	vmul.f32 v60, v30  }
0x5e4: {  	[tilespmem:s13+$0xC0] =	vst v14;
	v15 =	vmul.f32 v15, v30  }
.Ltmp19:
0x5e5: {  	s14 =	sshll.u32 s9, $0x8;
	v14 =	vmul.f32 v61, v30;
	[tilespmem:s13+$0xE0] =	vst v63;
	(pc) =	sbr.rel .LBB2_30-.Ltmp19, $4  }
0x5e6: {  	s1 =	sor.u32 s15, s14;
	[tilespmem:s13+$0xA0] =	vst v15;
	v15 =	vmul.f32 v58, v30  }
0x5e7: {  	s1 =	sshrl.u32 s1, $0x3;
	[tilespmem:s13+$0xF0] =	vst v14  }
0x5e8: {  	s30 =	simm.s32 $0x100;
	s1 =	sadd.s32 s24, s1;
	[tilespmem:s13+$0xD0] =	vst v15  }
0x5e9: {  	[hbm4b:s1+s29] =	stream.strided.scatter [tilespmem:s20], [sflag:$0x2], $0x1400, s30, s29, $0x38;
	[tilespmem:$0x1FBD0] =	vst v63  }
.LBB2_32:
0x5ea: {  	_ =	sfence.sel $0x180000  }
0x5eb: {  	[bflag:$0x0] =	sbarrier.arrive $0xFFFF  }
0x5ec: {  	_ =	strace $0x90000047  }
0x5ed: {  	s0 =	stileid.u32;
	[bflag:$0x2] =	sbarrier.arrive $0xFFFF  }
0x5ee: {  	p0 =	sne.s32 s0, $0x0;
	s0 =	rddreg [dreg:$0x4]  }
0x5ef: {  	s0 =	sadd.s32 @!p0 $0x100000, s0  }
0x5f0: {  	[sflag:s0] =	ssyncadd.tile.s32 @!p0 $0x1;
	_ =	shalt  }
.Lfunc_end2:
_tile_overlayer_lowered:
.L_overlay_start_2:
0x5f1: {  	(tag) =	ssettag $0x2  }
0x5f2: {  	s0 =	rddreg [dreg:$0x0];
	s2 =	stileid.u32  }
0x5f3: {  	s1 =	rddreg [dreg:$0x1];
	p0 =	sne.s32 s2, $0x0  }
0x5f4: {  	s3 =	rddreg [dreg:$0x2];
	[bflag:$0x3] =	sbarrier.arrive $0xFFFF;
	s2 =	simm.s32 @!p0 $0x1C04  }
0x5f5: {  	[timem:s3], [sflag:s2] =	dma.local @!p0 [hbm:s0], s1  }
0x5f6: {  	s0 =	simm.s32 @!p0 $0x4  }
0x5f7: {  	_ =	swait.ge @!p0 [sflag:s0], s1  }
0x5f8: {  	s1 =	ssub.s32 @!p0 $0x0, s1;
	[sflag:s0] =	ssyncset.done @!p0 $0x0  }
0x5f9: {  	[sflag:s0] =	ssyncadd.s32 @!p0 s1  }
0x5fa: {  	[bflag:$0x3] =	sbarrier.arrive $0xFFFF  }
0x5fb: {  	_ =	shalt  }

</sc_bundles>
